<compile_context>
chip_gen: v7x
topology: tpu7x:2x2x1
jax: 0.10.2.dev20260603
libtpu: 0.0.44.dev20260713+nightly
codegen_flags: <defaults>
</compile_context>

<pallas_src>
import jax
import jax.numpy as jnp
from jax import lax
from jax.experimental import pallas as pl
from jax.experimental.pallas import tpu as pltpu
from jax.experimental.pallas import tpu_sc as plsc

NUM_SEG = 1024
ACC_W = 80
NC, NS = 2, 16
NW = NC * NS
CHUNK = 512
BK = 16000


def _gate_body(xt_ref, w1_ref, b1_ref, w2_ref, b2_ref, g_ref, gmax_ref):
    i = pl.program_id(0)
    ht = lax.dot_general(
        w1_ref[...], xt_ref[...], (((0,), (0,)), ((), ()))
    )
    h = jnp.maximum(ht + b1_ref[...], 0.0)
    g = jnp.sum(h * w2_ref[...], axis=0) + b2_ref[0, 0]
    g_ref[...] = g.reshape(1, 1, BK)
    bm = jnp.max(g)

    @pl.when(i == 0)
    def _():
        gmax_ref[...] = jnp.full((1, 1), bm)

    @pl.when(i > 0)
    def _():
        gmax_ref[...] = jnp.maximum(gmax_ref[...], bm)


def _gate(xt, gW1, gb1, gW2, gb2):
    n = xt.shape[1]
    nblk = n // BK
    return pl.pallas_call(
        _gate_body,
        grid=(nblk,),
        in_specs=[
            pl.BlockSpec((64, BK), lambda i: (0, i)),
            pl.BlockSpec((64, 32), lambda i: (0, 0)),
            pl.BlockSpec((32, 1), lambda i: (0, 0)),
            pl.BlockSpec((32, 1), lambda i: (0, 0)),
            pl.BlockSpec((1, 1), lambda i: (0, 0)),
        ],
        out_specs=[
            pl.BlockSpec((1, 1, BK), lambda i: (i, 0, 0)),
            pl.BlockSpec((1, 1), lambda i: (0, 0)),
        ],
        out_shape=[
            jax.ShapeDtypeStruct((nblk, 1, BK), jnp.float32),
            jax.ShapeDtypeStruct((1, 1), jnp.float32),
        ],
    )(xt, gW1, gb1, gW2, gb2)


def _sc_pool(xflat, gpad, spad, gmax16, n):
    rows_per_tile = n // NW
    nchunk = rows_per_tile // CHUNK
    tail = rows_per_tile - nchunk * CHUNK
    tailpad = -(-tail // 16) * 16 if tail else 0
    tail_groups = tail // 16
    tail_rem = tail - tail_groups * 16

    mesh = plsc.VectorSubcoreMesh(
        core_axis_name="c", subcore_axis_name="s", num_cores=NC, num_subcores=NS
    )

    def body(
        x_hbm, g_hbm, s_hbm, gmax_hbm, out_hbm,
        xbuf, gbuf, sbuf, ebuf, gmv, acc, semx, semg, sems,
    ):
        wid = lax.axis_index("c") * NS + lax.axis_index("s")
        base = wid * rows_per_tile
        iota = lax.iota(jnp.int32, 16)
        onehot0 = (iota == 0).astype(jnp.float32)
        zf = jnp.zeros((16,), jnp.float32)
        zi = jnp.zeros((16,), jnp.int32)

        pltpu.sync_copy(gmax_hbm, gmv)

        def zbody(i, _):
            for d in range(ACC_W // 16):
                acc[i, pl.ds(16 * d, 16)] = zf
            return 0

        lax.fori_loop(0, NUM_SEG, zbody, 0)

        def flush(a, cur):
            for d in range(4):
                plsc.addupdate_scatter(acc, [cur, iota + 16 * d], a[d])
            plsc.addupdate_scatter(acc, [cur, iota + 64], a[4] * onehot0)

        def direct_row(i):
            e_b = plsc.load_gather(ebuf, [jnp.full((16,), 1, jnp.int32) * i])
            s_b = plsc.load_gather(sbuf, [jnp.full((16,), 1, jnp.int32) * i])
            rb = pl.multiple_of(i * 64, 64)
            for d in range(4):
                xv = xbuf[pl.ds(rb + 16 * d, 16)]
                plsc.addupdate_scatter(acc, [s_b, iota + 16 * d], xv * e_b)
            plsc.addupdate_scatter(acc, [s_b, iota + 64], e_b * onehot0)

        def group_body(gi, carry):
            a0, a1, a2, a3, ad, cur = carry
            g0 = pl.multiple_of(gi * 16, 16)
            seg16 = sbuf[pl.ds(g0, 16)]
            allsame = jnp.min((seg16 == cur).astype(jnp.int32))

            def fast(_):
                r0, r1, r2, r3, rd = a0, a1, a2, a3, ad
                for r in range(16):
                    idxc = jnp.full((16,), 1, jnp.int32) * (g0 + r)
                    e_b = plsc.load_gather(ebuf, [idxc])
                    rbase = pl.multiple_of((g0 + r) * 64, 64)
                    r0 = r0 + xbuf[pl.ds(rbase, 16)] * e_b
                    r1 = r1 + xbuf[pl.ds(rbase + 16, 16)] * e_b
                    r2 = r2 + xbuf[pl.ds(rbase + 32, 16)] * e_b
                    r3 = r3 + xbuf[pl.ds(rbase + 48, 16)] * e_b
                    rd = rd + e_b
                return (r0, r1, r2, r3, rd, cur)

            def slow(_):
                flush((a0, a1, a2, a3, ad), cur)
                for r in range(16):
                    direct_row(g0 + r)
                lastc = jnp.full((16,), 1, jnp.int32) * (g0 + 15)
                newcur = plsc.load_gather(sbuf, [lastc])
                return (zf, zf, zf, zf, zf, newcur)

            return lax.cond(allsame == 1, fast, slow, 0)

        def load_chunk(row0, nrows, npad):
            cx = pltpu.async_copy(
                x_hbm.at[pl.ds(pl.multiple_of(row0 * 64, 64), nrows * 64)],
                xbuf.at[pl.ds(0, nrows * 64)],
                semx,
            )
            r8 = pl.multiple_of(row0, 8)
            cg = pltpu.async_copy(
                g_hbm.at[pl.ds(r8, npad)], gbuf.at[pl.ds(0, npad)], semg
            )
            cs = pltpu.async_copy(
                s_hbm.at[pl.ds(r8, npad)], sbuf.at[pl.ds(0, npad)], sems
            )
            cx.wait()
            cg.wait()
            cs.wait()

        def prepass(count):
            for k in range(0, count, 16):
                ebuf[pl.ds(k, 16)] = jnp.exp(gbuf[pl.ds(k, 16)] - gmv[...])

        def chunk_body(c, carry):
            load_chunk(base + c * CHUNK, CHUNK, CHUNK)
            prepass(CHUNK)
            return lax.fori_loop(0, CHUNK // 16, group_body, carry)

        carry = (zf, zf, zf, zf, zf, zi)
        carry = lax.fori_loop(0, nchunk, chunk_body, carry)

        if tail:
            load_chunk(base + nchunk * CHUNK, tail, tailpad)
            prepass(tailpad)
            carry = lax.fori_loop(0, tail_groups, group_body, carry)
            for r in range(tail_rem):
                direct_row(tail_groups * 16 + r)

        flush(carry[:5], carry[5])

        pltpu.sync_copy(acc, out_hbm.at[wid])

    run = pl.kernel(
        body,
        out_type=jax.ShapeDtypeStruct((NW, NUM_SEG, ACC_W), jnp.float32),
        mesh=mesh,
        compiler_params=pltpu.CompilerParams(
            use_tc_tiling_on_sc=False, needs_layout_passes=False
        ),
        scratch_types=[
            pltpu.VMEM((CHUNK * 64,), jnp.float32),
            pltpu.VMEM((CHUNK,), jnp.float32),
            pltpu.VMEM((CHUNK,), jnp.int32),
            pltpu.VMEM((CHUNK,), jnp.float32),
            pltpu.VMEM((16,), jnp.float32),
            pltpu.VMEM((NUM_SEG, ACC_W), jnp.float32),
            pltpu.SemaphoreType.DMA,
            pltpu.SemaphoreType.DMA,
            pltpu.SemaphoreType.DMA,
        ],
    )
    return run(xflat, gpad, spad, gmax16)


def _final_body(p_ref, w1_ref, b1_ref, w2_ref, b2_ref, out_ref):
    s = jnp.sum(p_ref[...], axis=0)
    num = s[:, :64]
    den = s[:, 64:65]
    hg = num / (den + 1e-16)
    h = jnp.maximum(hg @ w1_ref[...] + b1_ref[...], 0.0)
    out_ref[...] = h @ w2_ref[...] + b2_ref[...]


def _final(partials, mW1, mb1, mW2, mb2):
    return pl.pallas_call(
        _final_body,
        out_shape=jax.ShapeDtypeStruct((NUM_SEG, 1), jnp.float32),
    )(partials, mW1, mb1, mW2, mb2)


@jax.jit
def kernel(x, batch, gW1, gb1, gW2, gb2, mW1, mb1, mW2, mb2):
    n = x.shape[0]
    xt = x.T
    xflat = x.reshape(-1)
    g3, gmax = _gate(xt, gW1, gb1.reshape(-1, 1), gW2, gb2.reshape(1, 1))
    seg = batch.astype(jnp.int32)
    gpad = jnp.concatenate([g3.reshape(-1), jnp.zeros((16,), jnp.float32)])
    spad = jnp.concatenate([seg, jnp.zeros((16,), jnp.int32)])
    gmax16 = jnp.broadcast_to(gmax.reshape(1), (16,))
    partials = _sc_pool(xflat, gpad, spad, gmax16, n)
    return _final(partials, mW1, mb1.reshape(1, -1), mW2, mb2.reshape(1, -1))

# --- scband reference (transcript-rebuilt; emitter-appended) ---
"""Pipeline reference for scband-shot-head-20194936226245 (READ-ONLY COPY).

The authoritative reference and input builder live on the scoring server;
editing this copy changes nothing except your own understanding.
"""

import jax, jax.numpy as jnp
import numpy as np

NUM_SEGMENTS = 1024


def setup_inputs(seed: int = 0) -> dict:
    key = jax.random.key(seed)
    ks = jax.random.split(key, 10)
    N, D = 800000, 64
    x = jax.random.normal(ks[0], (N, D), dtype=jnp.float32)
    batch = jnp.sort(jax.random.randint(ks[1], (N,), 0, NUM_SEGMENTS, dtype=jnp.int64))
    def lin_init(k, fan_in, fan_out):
        bound = 1.0 / np.sqrt(fan_in)
        kw, kb = jax.random.split(k)
        W = jax.random.uniform(kw, (fan_in, fan_out), minval=-bound, maxval=bound, dtype=jnp.float32)
        b = jax.random.uniform(kb, (fan_out,), minval=-bound, maxval=bound, dtype=jnp.float32)
        return W, b
    gW1, gb1 = lin_init(ks[2], D, 32)
    gW2, gb2 = lin_init(ks[3], 32, 1)
    mW1, mb1 = lin_init(ks[4], D, 32)
    mW2, mb2 = lin_init(ks[5], 32, 1)
    return {"x": x, "batch": batch, "gW1": gW1, "gb1": gb1, "gW2": gW2, "gb2": gb2,
            "mW1": mW1, "mb1": mb1, "mW2": mW2, "mb2": mb2}


def reference(x, batch, gW1, gb1, gW2, gb2, mW1, mb1, mW2, mb2):
    # gate_nn: Linear(in_dim,32) -> ReLU -> Linear(32,1)
    gate = jnp.maximum(x @ gW1 + gb1, 0.0) @ gW2 + gb2  # [N, 1]
    g = gate[:, 0]
    # segment softmax (AttentionalAggregation)
    seg_max = jax.ops.segment_max(g, batch, num_segments=NUM_SEGMENTS)
    seg_max = jnp.where(jnp.isfinite(seg_max), seg_max, 0.0)
    ex = jnp.exp(g - seg_max[batch])
    denom = jax.ops.segment_sum(ex, batch, num_segments=NUM_SEGMENTS)
    alpha = ex / (denom[batch] + 1e-16)
    # weighted segment sum -> pooled graph embedding [num_segments, D]
    hg = jax.ops.segment_sum(alpha[:, None] * x, batch, num_segments=NUM_SEGMENTS)
    # mlp: Linear(in_dim,32) -> ReLU -> Dropout(eval: identity) -> Linear(32,1)
    logit = jnp.maximum(hg @ mW1 + mb1, 0.0) @ mW2 + mb2
    return logit.reshape(-1, 1)

if __name__ == "__main__":
    import jax
    _d = setup_inputs()
    print(jax.jit(kernel)(*tuple(_d.values())))

</pallas_src>

<mosaic_0001>
#map = affine_map<(d0, d1) -> (0)>
#map1 = affine_map<(d0, d1) -> (0, 0, 0)>
module attributes {stable_mosaic.version = 14 : i64} {
  func.func @body(%arg0: i32, %arg1: i32, %arg2: memref<51200000xf32, #tpu.memory_space<hbm>>, %arg3: memref<800016xf32, #tpu.memory_space<hbm>>, %arg4: memref<800016xi32, #tpu.memory_space<hbm>>, %arg5: memref<16xf32, #tpu.memory_space<hbm>>, %arg6: memref<32x1024x80xf32, #tpu.memory_space<hbm>>, %arg7: memref<32768xf32, #tpu.memory_space<vmem>>, %arg8: memref<512xf32, #tpu.memory_space<vmem>>, %arg9: memref<512xi32, #tpu.memory_space<vmem>>, %arg10: memref<512xf32, #tpu.memory_space<vmem>>, %arg11: memref<16xf32, #tpu.memory_space<vmem>>, %arg12: memref<1024x80xf32, #tpu.memory_space<vmem>>, %arg13: memref<!tpu.dma_semaphore, #tpu.memory_space<semaphore_mem>>, %arg14: memref<!tpu.dma_semaphore, #tpu.memory_space<semaphore_mem>>, %arg15: memref<!tpu.dma_semaphore, #tpu.memory_space<semaphore_mem>>) attributes {dimension_semantics = [#tpu.dimension_semantics<core_parallel>, #tpu.dimension_semantics<subcore_parallel>], iteration_bounds = array<i64: 2, 16>, scalar_prefetch = 0 : i64, scratch_operands = 9 : i64, tpu.core_type = #tpu.core_type<sc_vector_subcore>, window_params = [{transform_indices = #map}, {transform_indices = #map}, {transform_indices = #map}, {transform_indices = #map}, {transform_indices = #map1}]} {
    %mul3A = arith.constant 16 : i32
    %mul3A_0 = arith.muli %arg0, %mul3A : i32
    %add3A = arith.addi %mul3A_0, %arg1 : i32
    %mul3A_1 = arith.constant 25000 : i32
    %mul3A_2 = arith.muli %add3A, %mul3A_1 : i32
    %iota3A = tpu.iota {dimensions = array<i32: 0>} : vector<16xi32>
    %eq3A = arith.constant 0 : i32
    %eq3A_3 = vector.broadcast %eq3A : i32 to vector<16xi32>
    %eq3A_4 = arith.cmpi eq, %iota3A, %eq3A_3 : vector<16xi32>
    %convert_element_type3A = arith.extui %eq3A_4 : vector<16xi1> to vector<16xi32>
    %convert_element_type3A_5 = arith.sitofp %convert_element_type3A : vector<16xi32> to vector<16xf32>
    %broadcast_in_dim3A = arith.constant 0.000000e+00 : f32
    %broadcast_in_dim3A_6 = vector.broadcast %broadcast_in_dim3A : f32 to vector<16xf32>
    %broadcast_in_dim3A_7 = arith.constant 0 : i32
    %broadcast_in_dim3A_8 = vector.broadcast %broadcast_in_dim3A_7 : i32 to vector<16xi32>
    "tpu.region"() ({
      %run_scoped3A = tpu.sem_alloc : memref<!tpu.dma_semaphore, #tpu.memory_space<semaphore_mem>>
      tpu.enqueue_dma source(%arg5 : memref<16xf32, #tpu.memory_space<hbm>>) target(%arg11 : memref<16xf32, #tpu.memory_space<vmem>>) target_semaphore(%run_scoped3A : memref<!tpu.dma_semaphore, #tpu.memory_space<semaphore_mem>>)
      tpu.wait_dma2 semaphore(%run_scoped3A : memref<!tpu.dma_semaphore, #tpu.memory_space<semaphore_mem>>) src(%arg5 : memref<16xf32, #tpu.memory_space<hbm>>) dst(%arg11 : memref<16xf32, #tpu.memory_space<vmem>>)
      tpu.yield
    }) : () -> ()
    %scan3A = arith.constant 0 : i32
    %scan3A_9 = arith.constant 0 : i32
    %scan3A_10 = arith.constant 1024 : i32
    %scan3A_11 = arith.addi %scan3A_9, %scan3A_10 : i32
    %scan3A_12 = arith.constant 1 : i32
    %scan3A_13 = scf.for %scan3A_693 = %scan3A_9 to %scan3A_11 step %scan3A_12 iter_args(%scan3A_694 = %scan3A) -> (i32)  : i32 {
      %swap3A_695 = arith.index_cast %scan3A_693 : i32 to index
      %swap3A_696 = arith.constant 0 : index
      %swap3A_697 = tpu.vector_load %arg12[%swap3A_695, %swap3A_696] {strides = array<i32>} : memref<1024x80xf32, #tpu.memory_space<vmem>>, vector<16xf32>,
      tpu.vector_store %arg12[%swap3A_695, %swap3A_696], %broadcast_in_dim3A_6 {strides = array<i32>} : memref<1024x80xf32, #tpu.memory_space<vmem>>, vector<16xf32>,
      %swap3A_698 = arith.index_cast %scan3A_693 : i32 to index
      %swap3A_699 = arith.constant 16 : index
      %swap3A_700 = tpu.vector_load %arg12[%swap3A_698, %swap3A_699] {strides = array<i32>} : memref<1024x80xf32, #tpu.memory_space<vmem>>, vector<16xf32>,
      tpu.vector_store %arg12[%swap3A_698, %swap3A_699], %broadcast_in_dim3A_6 {strides = array<i32>} : memref<1024x80xf32, #tpu.memory_space<vmem>>, vector<16xf32>,
      %swap3A_701 = arith.index_cast %scan3A_693 : i32 to index
      %swap3A_702 = arith.constant 32 : index
      %swap3A_703 = tpu.vector_load %arg12[%swap3A_701, %swap3A_702] {strides = array<i32>} : memref<1024x80xf32, #tpu.memory_space<vmem>>, vector<16xf32>,
      tpu.vector_store %arg12[%swap3A_701, %swap3A_702], %broadcast_in_dim3A_6 {strides = array<i32>} : memref<1024x80xf32, #tpu.memory_space<vmem>>, vector<16xf32>,
      %swap3A_704 = arith.index_cast %scan3A_693 : i32 to index
      %swap3A_705 = arith.constant 48 : index
      %swap3A_706 = tpu.vector_load %arg12[%swap3A_704, %swap3A_705] {strides = array<i32>} : memref<1024x80xf32, #tpu.memory_space<vmem>>, vector<16xf32>,
      tpu.vector_store %arg12[%swap3A_704, %swap3A_705], %broadcast_in_dim3A_6 {strides = array<i32>} : memref<1024x80xf32, #tpu.memory_space<vmem>>, vector<16xf32>,
      %swap3A_707 = arith.index_cast %scan3A_693 : i32 to index
      %swap3A_708 = arith.constant 64 : index
      %swap3A_709 = tpu.vector_load %arg12[%swap3A_707, %swap3A_708] {strides = array<i32>} : memref<1024x80xf32, #tpu.memory_space<vmem>>, vector<16xf32>,
      tpu.vector_store %arg12[%swap3A_707, %swap3A_708], %broadcast_in_dim3A_6 {strides = array<i32>} : memref<1024x80xf32, #tpu.memory_space<vmem>>, vector<16xf32>,
      %scan3A_710 = arith.constant 0 : i32
      scf.yield %scan3A_710 : i32
    }
    %scan3A_14 = arith.constant 1024 : i32
    %scan3A_15 = arith.constant 0 : i32
    %scan3A_16 = arith.constant 48 : i32
    %scan3A_17 = arith.addi %scan3A_15, %scan3A_16 : i32
    %scan3A_18 = arith.constant 1 : i32
    %scan3A_19:6 = scf.for %scan3A_693 = %scan3A_15 to %scan3A_17 step %scan3A_18 iter_args(%scan3A_694 = %broadcast_in_dim3A_6, %scan3A_695 = %broadcast_in_dim3A_6, %scan3A_696 = %broadcast_in_dim3A_6, %scan3A_697 = %broadcast_in_dim3A_6, %scan3A_698 = %broadcast_in_dim3A_6, %scan3A_699 = %broadcast_in_dim3A_8) -> (vector<16xf32>, vector<16xf32>, vector<16xf32>, vector<16xf32>, vector<16xf32>, vector<16xi32>)  : i32 {
      %mul3A_700 = arith.constant 512 : i32
      %mul3A_701 = arith.muli %scan3A_693, %mul3A_700 : i32
      %add3A_702 = arith.addi %mul3A_2, %mul3A_701 : i32
      %mul3A_703 = arith.constant 64 : i32
      %mul3A_704 = arith.muli %add3A_702, %mul3A_703 : i32
      %multiple_of3A_705 = tpu.assume_multiple %mul3A_704, 64 : i32
      %dma_start3A_706 = arith.constant 0 : i32
      %dma_start3A_707 = tpu.memref_slice %arg7[%dma_start3A_706] : memref<32768xf32, #tpu.memory_space<vmem>> -> memref<32768xf32, #tpu.memory_space<vmem>>
      %dma_start3A_708 = tpu.memref_slice %arg2[%multiple_of3A_705] : memref<51200000xf32, #tpu.memory_space<hbm>> -> memref<32768xf32, #tpu.memory_space<hbm>>
      %dma_start3A_709 = arith.constant 0 : i32
      %dma_start3A_710 = tpu.memref_slice %arg7[%dma_start3A_709] : memref<32768xf32, #tpu.memory_space<vmem>> -> memref<32768xf32, #tpu.memory_space<vmem>>
      %dma_start3A_711 = tpu.memref_slice %arg2[%multiple_of3A_705] : memref<51200000xf32, #tpu.memory_space<hbm>> -> memref<32768xf32, #tpu.memory_space<hbm>>
      tpu.enqueue_dma source(%dma_start3A_711 : memref<32768xf32, #tpu.memory_space<hbm>>) target(%dma_start3A_710 : memref<32768xf32, #tpu.memory_space<vmem>>) target_semaphore(%arg13 : memref<!tpu.dma_semaphore, #tpu.memory_space<semaphore_mem>>)
      %multiple_of3A_712 = tpu.assume_multiple %add3A_702, 8 : i32
      %dma_start3A_713 = arith.constant 0 : i32
      %dma_start3A_714 = tpu.memref_slice %arg8[%dma_start3A_713] : memref<512xf32, #tpu.memory_space<vmem>> -> memref<512xf32, #tpu.memory_space<vmem>>
      %dma_start3A_715 = tpu.memref_slice %arg3[%multiple_of3A_712] : memref<800016xf32, #tpu.memory_space<hbm>> -> memref<512xf32, #tpu.memory_space<hbm>>
      %dma_start3A_716 = arith.constant 0 : i32
      %dma_start3A_717 = tpu.memref_slice %arg8[%dma_start3A_716] : memref<512xf32, #tpu.memory_space<vmem>> -> memref<512xf32, #tpu.memory_space<vmem>>
      %dma_start3A_718 = tpu.memref_slice %arg3[%multiple_of3A_712] : memref<800016xf32, #tpu.memory_space<hbm>> -> memref<512xf32, #tpu.memory_space<hbm>>
      tpu.enqueue_dma source(%dma_start3A_718 : memref<512xf32, #tpu.memory_space<hbm>>) target(%dma_start3A_717 : memref<512xf32, #tpu.memory_space<vmem>>) target_semaphore(%arg14 : memref<!tpu.dma_semaphore, #tpu.memory_space<semaphore_mem>>)
      %dma_start3A_719 = arith.constant 0 : i32
      %dma_start3A_720 = tpu.memref_slice %arg9[%dma_start3A_719] : memref<512xi32, #tpu.memory_space<vmem>> -> memref<512xi32, #tpu.memory_space<vmem>>
      %dma_start3A_721 = tpu.memref_slice %arg4[%multiple_of3A_712] : memref<800016xi32, #tpu.memory_space<hbm>> -> memref<512xi32, #tpu.memory_space<hbm>>
      %dma_start3A_722 = arith.constant 0 : i32
      %dma_start3A_723 = tpu.memref_slice %arg9[%dma_start3A_722] : memref<512xi32, #tpu.memory_space<vmem>> -> memref<512xi32, #tpu.memory_space<vmem>>
      %dma_start3A_724 = tpu.memref_slice %arg4[%multiple_of3A_712] : memref<800016xi32, #tpu.memory_space<hbm>> -> memref<512xi32, #tpu.memory_space<hbm>>
      tpu.enqueue_dma source(%dma_start3A_724 : memref<512xi32, #tpu.memory_space<hbm>>) target(%dma_start3A_723 : memref<512xi32, #tpu.memory_space<vmem>>) target_semaphore(%arg15 : memref<!tpu.dma_semaphore, #tpu.memory_space<semaphore_mem>>)
      %dma_wait3A_725 = arith.constant 0 : i32
      %dma_wait3A_726 = tpu.memref_slice %arg7[%dma_wait3A_725] : memref<32768xf32, #tpu.memory_space<vmem>> -> memref<32768xf32, #tpu.memory_space<vmem>>
      %dma_wait3A_727 = tpu.memref_slice %arg2[%multiple_of3A_705] : memref<51200000xf32, #tpu.memory_space<hbm>> -> memref<32768xf32, #tpu.memory_space<hbm>>
      %dma_wait3A_728 = arith.constant 0 : i32
      %dma_wait3A_729 = tpu.memref_slice %arg7[%dma_wait3A_728] : memref<32768xf32, #tpu.memory_space<vmem>> -> memref<32768xf32, #tpu.memory_space<vmem>>
      %dma_wait3A_730 = tpu.memref_slice %arg2[%multiple_of3A_705] : memref<51200000xf32, #tpu.memory_space<hbm>> -> memref<32768xf32, #tpu.memory_space<hbm>>
      tpu.wait_dma2 semaphore(%arg13 : memref<!tpu.dma_semaphore, #tpu.memory_space<semaphore_mem>>) src(%dma_wait3A_730 : memref<32768xf32, #tpu.memory_space<hbm>>) dst(%dma_wait3A_729 : memref<32768xf32, #tpu.memory_space<vmem>>)
      %dma_wait3A_731 = arith.constant 0 : i32
      %dma_wait3A_732 = tpu.memref_slice %arg8[%dma_wait3A_731] : memref<512xf32, #tpu.memory_space<vmem>> -> memref<512xf32, #tpu.memory_space<vmem>>
      %dma_wait3A_733 = tpu.memref_slice %arg3[%multiple_of3A_712] : memref<800016xf32, #tpu.memory_space<hbm>> -> memref<512xf32, #tpu.memory_space<hbm>>
      %dma_wait3A_734 = arith.constant 0 : i32
      %dma_wait3A_735 = tpu.memref_slice %arg8[%dma_wait3A_734] : memref<512xf32, #tpu.memory_space<vmem>> -> memref<512xf32, #tpu.memory_space<vmem>>
      %dma_wait3A_736 = tpu.memref_slice %arg3[%multiple_of3A_712] : memref<800016xf32, #tpu.memory_space<hbm>> -> memref<512xf32, #tpu.memory_space<hbm>>
      tpu.wait_dma2 semaphore(%arg14 : memref<!tpu.dma_semaphore, #tpu.memory_space<semaphore_mem>>) src(%dma_wait3A_736 : memref<512xf32, #tpu.memory_space<hbm>>) dst(%dma_wait3A_735 : memref<512xf32, #tpu.memory_space<vmem>>)
      %dma_wait3A_737 = arith.constant 0 : i32
      %dma_wait3A_738 = tpu.memref_slice %arg9[%dma_wait3A_737] : memref<512xi32, #tpu.memory_space<vmem>> -> memref<512xi32, #tpu.memory_space<vmem>>
      %dma_wait3A_739 = tpu.memref_slice %arg4[%multiple_of3A_712] : memref<800016xi32, #tpu.memory_space<hbm>> -> memref<512xi32, #tpu.memory_space<hbm>>
      %dma_wait3A_740 = arith.constant 0 : i32
      %dma_wait3A_741 = tpu.memref_slice %arg9[%dma_wait3A_740] : memref<512xi32, #tpu.memory_space<vmem>> -> memref<512xi32, #tpu.memory_space<vmem>>
      %dma_wait3A_742 = tpu.memref_slice %arg4[%multiple_of3A_712] : memref<800016xi32, #tpu.memory_space<hbm>> -> memref<512xi32, #tpu.memory_space<hbm>>
      tpu.wait_dma2 semaphore(%arg15 : memref<!tpu.dma_semaphore, #tpu.memory_space<semaphore_mem>>) src(%dma_wait3A_742 : memref<512xi32, #tpu.memory_space<hbm>>) dst(%dma_wait3A_741 : memref<512xi32, #tpu.memory_space<vmem>>)
      %get3A_743 = arith.constant 0 : index
      %get3A_744 = tpu.vector_load %arg8[%get3A_743] {strides = array<i32>} : memref<512xf32, #tpu.memory_space<vmem>>, vector<16xf32>,
      %get3A_745 = arith.constant 0 : index
      %get3A_746 = tpu.vector_load %arg11[%get3A_745] {strides = array<i32>} : memref<16xf32, #tpu.memory_space<vmem>>, vector<16xf32>,
      %sub3A_747 = arith.subf %get3A_744, %get3A_746 : vector<16xf32>
      %exp3A_748 = math.exp %sub3A_747 : vector<16xf32>
      %swap3A_749 = arith.constant 0 : index
      %swap3A_750 = tpu.vector_load %arg10[%swap3A_749] {strides = array<i32>} : memref<512xf32, #tpu.memory_space<vmem>>, vector<16xf32>,
      tpu.vector_store %arg10[%swap3A_749], %exp3A_748 {strides = array<i32>} : memref<512xf32, #tpu.memory_space<vmem>>, vector<16xf32>,
      %get3A_751 = arith.constant 16 : index
      %get3A_752 = tpu.vector_load %arg8[%get3A_751] {strides = array<i32>} : memref<512xf32, #tpu.memory_space<vmem>>, vector<16xf32>,
      %get3A_753 = arith.constant 0 : index
      %get3A_754 = tpu.vector_load %arg11[%get3A_753] {strides = array<i32>} : memref<16xf32, #tpu.memory_space<vmem>>, vector<16xf32>,
      %sub3A_755 = arith.subf %get3A_752, %get3A_754 : vector<16xf32>
      %exp3A_756 = math.exp %sub3A_755 : vector<16xf32>
      %swap3A_757 = arith.constant 16 : index
      %swap3A_758 = tpu.vector_load %arg10[%swap3A_757] {strides = array<i32>} : memref<512xf32, #tpu.memory_space<vmem>>, vector<16xf32>,
      tpu.vector_store %arg10[%swap3A_757], %exp3A_756 {strides = array<i32>} : memref<512xf32, #tpu.memory_space<vmem>>, vector<16xf32>,
      %get3A_759 = arith.constant 32 : index
      %get3A_760 = tpu.vector_load %arg8[%get3A_759] {strides = array<i32>} : memref<512xf32, #tpu.memory_space<vmem>>, vector<16xf32>,
      %get3A_761 = arith.constant 0 : index
      %get3A_762 = tpu.vector_load %arg11[%get3A_761] {strides = array<i32>} : memref<16xf32, #tpu.memory_space<vmem>>, vector<16xf32>,
      %sub3A_763 = arith.subf %get3A_760, %get3A_762 : vector<16xf32>
      %exp3A_764 = math.exp %sub3A_763 : vector<16xf32>
      %swap3A_765 = arith.constant 32 : index
      %swap3A_766 = tpu.vector_load %arg10[%swap3A_765] {strides = array<i32>} : memref<512xf32, #tpu.memory_space<vmem>>, vector<16xf32>,
      tpu.vector_store %arg10[%swap3A_765], %exp3A_764 {strides = array<i32>} : memref<512xf32, #tpu.memory_space<vmem>>, vector<16xf32>,
      %get3A_767 = arith.constant 48 : index
      %get3A_768 = tpu.vector_load %arg8[%get3A_767] {strides = array<i32>} : memref<512xf32, #tpu.memory_space<vmem>>, vector<16xf32>,
      %get3A_769 = arith.constant 0 : index
      %get3A_770 = tpu.vector_load %arg11[%get3A_769] {strides = array<i32>} : memref<16xf32, #tpu.memory_space<vmem>>, vector<16xf32>,
      %sub3A_771 = arith.subf %get3A_768, %get3A_770 : vector<16xf32>
      %exp3A_772 = math.exp %sub3A_771 : vector<16xf32>
      %swap3A_773 = arith.constant 48 : index
      %swap3A_774 = tpu.vector_load %arg10[%swap3A_773] {strides = array<i32>} : memref<512xf32, #tpu.memory_space<vmem>>, vector<16xf32>,
      tpu.vector_store %arg10[%swap3A_773], %exp3A_772 {strides = array<i32>} : memref<512xf32, #tpu.memory_space<vmem>>, vector<16xf32>,
      %get3A_775 = arith.constant 64 : index
      %get3A_776 = tpu.vector_load %arg8[%get3A_775] {strides = array<i32>} : memref<512xf32, #tpu.memory_space<vmem>>, vector<16xf32>,
      %get3A_777 = arith.constant 0 : index
      %get3A_778 = tpu.vector_load %arg11[%get3A_777] {strides = array<i32>} : memref<16xf32, #tpu.memory_space<vmem>>, vector<16xf32>,
      %sub3A_779 = arith.subf %get3A_776, %get3A_778 : vector<16xf32>
      %exp3A_780 = math.exp %sub3A_779 : vector<16xf32>
      %swap3A_781 = arith.constant 64 : index
      %swap3A_782 = tpu.vector_load %arg10[%swap3A_781] {strides = array<i32>} : memref<512xf32, #tpu.memory_space<vmem>>, vector<16xf32>,
      tpu.vector_store %arg10[%swap3A_781], %exp3A_780 {strides = array<i32>} : memref<512xf32, #tpu.memory_space<vmem>>, vector<16xf32>,
      %get3A_783 = arith.constant 80 : index
      %get3A_784 = tpu.vector_load %arg8[%get3A_783] {strides = array<i32>} : memref<512xf32, #tpu.memory_space<vmem>>, vector<16xf32>,
      %get3A_785 = arith.constant 0 : index
      %get3A_786 = tpu.vector_load %arg11[%get3A_785] {strides = array<i32>} : memref<16xf32, #tpu.memory_space<vmem>>, vector<16xf32>,
      %sub3A_787 = arith.subf %get3A_784, %get3A_786 : vector<16xf32>
      %exp3A_788 = math.exp %sub3A_787 : vector<16xf32>
      %swap3A_789 = arith.constant 80 : index
      %swap3A_790 = tpu.vector_load %arg10[%swap3A_789] {strides = array<i32>} : memref<512xf32, #tpu.memory_space<vmem>>, vector<16xf32>,
      tpu.vector_store %arg10[%swap3A_789], %exp3A_788 {strides = array<i32>} : memref<512xf32, #tpu.memory_space<vmem>>, vector<16xf32>,
      %get3A_791 = arith.constant 96 : index
      %get3A_792 = tpu.vector_load %arg8[%get3A_791] {strides = array<i32>} : memref<512xf32, #tpu.memory_space<vmem>>, vector<16xf32>,
      %get3A_793 = arith.constant 0 : index
      %get3A_794 = tpu.vector_load %arg11[%get3A_793] {strides = array<i32>} : memref<16xf32, #tpu.memory_space<vmem>>, vector<16xf32>,
      %sub3A_795 = arith.subf %get3A_792, %get3A_794 : vector<16xf32>
      %exp3A_796 = math.exp %sub3A_795 : vector<16xf32>
      %swap3A_797 = arith.constant 96 : index
      %swap3A_798 = tpu.vector_load %arg10[%swap3A_797] {strides = array<i32>} : memref<512xf32, #tpu.memory_space<vmem>>, vector<16xf32>,
      tpu.vector_store %arg10[%swap3A_797], %exp3A_796 {strides = array<i32>} : memref<512xf32, #tpu.memory_space<vmem>>, vector<16xf32>,
      %get3A_799 = arith.constant 112 : index
      %get3A_800 = tpu.vector_load %arg8[%get3A_799] {strides = array<i32>} : memref<512xf32, #tpu.memory_space<vmem>>, vector<16xf32>,
      %get3A_801 = arith.constant 0 : index
      %get3A_802 = tpu.vector_load %arg11[%get3A_801] {strides = array<i32>} : memref<16xf32, #tpu.memory_space<vmem>>, vector<16xf32>,
      %sub3A_803 = arith.subf %get3A_800, %get3A_802 : vector<16xf32>
      %exp3A_804 = math.exp %sub3A_803 : vector<16xf32>
      %swap3A_805 = arith.constant 112 : index
      %swap3A_806 = tpu.vector_load %arg10[%swap3A_805] {strides = array<i32>} : memref<512xf32, #tpu.memory_space<vmem>>, vector<16xf32>,
      tpu.vector_store %arg10[%swap3A_805], %exp3A_804 {strides = array<i32>} : memref<512xf32, #tpu.memory_space<vmem>>, vector<16xf32>,
      %get3A_807 = arith.constant 128 : index
      %get3A_808 = tpu.vector_load %arg8[%get3A_807] {strides = array<i32>} : memref<512xf32, #tpu.memory_space<vmem>>, vector<16xf32>,
      %get3A_809 = arith.constant 0 : index
      %get3A_810 = tpu.vector_load %arg11[%get3A_809] {strides = array<i32>} : memref<16xf32, #tpu.memory_space<vmem>>, vector<16xf32>,
      %sub3A_811 = arith.subf %get3A_808, %get3A_810 : vector<16xf32>
      %exp3A_812 = math.exp %sub3A_811 : vector<16xf32>
      %swap3A_813 = arith.constant 128 : index
      %swap3A_814 = tpu.vector_load %arg10[%swap3A_813] {strides = array<i32>} : memref<512xf32, #tpu.memory_space<vmem>>, vector<16xf32>,
      tpu.vector_store %arg10[%swap3A_813], %exp3A_812 {strides = array<i32>} : memref<512xf32, #tpu.memory_space<vmem>>, vector<16xf32>,
      %get3A_815 = arith.constant 144 : index
      %get3A_816 = tpu.vector_load %arg8[%get3A_815] {strides = array<i32>} : memref<512xf32, #tpu.memory_space<vmem>>, vector<16xf32>,
      %get3A_817 = arith.constant 0 : index
      %get3A_818 = tpu.vector_load %arg11[%get3A_817] {strides = array<i32>} : memref<16xf32, #tpu.memory_space<vmem>>, vector<16xf32>,
      %sub3A_819 = arith.subf %get3A_816, %get3A_818 : vector<16xf32>
      %exp3A_820 = math.exp %sub3A_819 : vector<16xf32>
      %swap3A_821 = arith.constant 144 : index
      %swap3A_822 = tpu.vector_load %arg10[%swap3A_821] {strides = array<i32>} : memref<512xf32, #tpu.memory_space<vmem>>, vector<16xf32>,
      tpu.vector_store %arg10[%swap3A_821], %exp3A_820 {strides = array<i32>} : memref<512xf32, #tpu.memory_space<vmem>>, vector<16xf32>,
      %get3A_823 = arith.constant 160 : index
      %get3A_824 = tpu.vector_load %arg8[%get3A_823] {strides = array<i32>} : memref<512xf32, #tpu.memory_space<vmem>>, vector<16xf32>,
      %get3A_825 = arith.constant 0 : index
      %get3A_826 = tpu.vector_load %arg11[%get3A_825] {strides = array<i32>} : memref<16xf32, #tpu.memory_space<vmem>>, vector<16xf32>,
      %sub3A_827 = arith.subf %get3A_824, %get3A_826 : vector<16xf32>
      %exp3A_828 = math.exp %sub3A_827 : vector<16xf32>
      %swap3A_829 = arith.constant 160 : index
      %swap3A_830 = tpu.vector_load %arg10[%swap3A_829] {strides = array<i32>} : memref<512xf32, #tpu.memory_space<vmem>>, vector<16xf32>,
      tpu.vector_store %arg10[%swap3A_829], %exp3A_828 {strides = array<i32>} : memref<512xf32, #tpu.memory_space<vmem>>, vector<16xf32>,
      %get3A_831 = arith.constant 176 : index
      %get3A_832 = tpu.vector_load %arg8[%get3A_831] {strides = array<i32>} : memref<512xf32, #tpu.memory_space<vmem>>, vector<16xf32>,
      %get3A_833 = arith.constant 0 : index
      %get3A_834 = tpu.vector_load %arg11[%get3A_833] {strides = array<i32>} : memref<16xf32, #tpu.memory_space<vmem>>, vector<16xf32>,
      %sub3A_835 = arith.subf %get3A_832, %get3A_834 : vector<16xf32>
      %exp3A_836 = math.exp %sub3A_835 : vector<16xf32>
      %swap3A_837 = arith.constant 176 : index
      %swap3A_838 = tpu.vector_load %arg10[%swap3A_837] {strides = array<i32>} : memref<512xf32, #tpu.memory_space<vmem>>, vector<16xf32>,
      tpu.vector_store %arg10[%swap3A_837], %exp3A_836 {strides = array<i32>} : memref<512xf32, #tpu.memory_space<vmem>>, vector<16xf32>,
      %get3A_839 = arith.constant 192 : index
      %get3A_840 = tpu.vector_load %arg8[%get3A_839] {strides = array<i32>} : memref<512xf32, #tpu.memory_space<vmem>>, vector<16xf32>,
      %get3A_841 = arith.constant 0 : index
      %get3A_842 = tpu.vector_load %arg11[%get3A_841] {strides = array<i32>} : memref<16xf32, #tpu.memory_space<vmem>>, vector<16xf32>,
      %sub3A_843 = arith.subf %get3A_840, %get3A_842 : vector<16xf32>
      %exp3A_844 = math.exp %sub3A_843 : vector<16xf32>
      %swap3A_845 = arith.constant 192 : index
      %swap3A_846 = tpu.vector_load %arg10[%swap3A_845] {strides = array<i32>} : memref<512xf32, #tpu.memory_space<vmem>>, vector<16xf32>,
      tpu.vector_store %arg10[%swap3A_845], %exp3A_844 {strides = array<i32>} : memref<512xf32, #tpu.memory_space<vmem>>, vector<16xf32>,
      %get3A_847 = arith.constant 208 : index
      %get3A_848 = tpu.vector_load %arg8[%get3A_847] {strides = array<i32>} : memref<512xf32, #tpu.memory_space<vmem>>, vector<16xf32>,
      %get3A_849 = arith.constant 0 : index
      %get3A_850 = tpu.vector_load %arg11[%get3A_849] {strides = array<i32>} : memref<16xf32, #tpu.memory_space<vmem>>, vector<16xf32>,
      %sub3A_851 = arith.subf %get3A_848, %get3A_850 : vector<16xf32>
      %exp3A_852 = math.exp %sub3A_851 : vector<16xf32>
      %swap3A_853 = arith.constant 208 : index
      %swap3A_854 = tpu.vector_load %arg10[%swap3A_853] {strides = array<i32>} : memref<512xf32, #tpu.memory_space<vmem>>, vector<16xf32>,
      tpu.vector_store %arg10[%swap3A_853], %exp3A_852 {strides = array<i32>} : memref<512xf32, #tpu.memory_space<vmem>>, vector<16xf32>,
      %get3A_855 = arith.constant 224 : index
      %get3A_856 = tpu.vector_load %arg8[%get3A_855] {strides = array<i32>} : memref<512xf32, #tpu.memory_space<vmem>>, vector<16xf32>,
      %get3A_857 = arith.constant 0 : index
      %get3A_858 = tpu.vector_load %arg11[%get3A_857] {strides = array<i32>} : memref<16xf32, #tpu.memory_space<vmem>>, vector<16xf32>,
      %sub3A_859 = arith.subf %get3A_856, %get3A_858 : vector<16xf32>
      %exp3A_860 = math.exp %sub3A_859 : vector<16xf32>
      %swap3A_861 = arith.constant 224 : index
      %swap3A_862 = tpu.vector_load %arg10[%swap3A_861] {strides = array<i32>} : memref<512xf32, #tpu.memory_space<vmem>>, vector<16xf32>,
      tpu.vector_store %arg10[%swap3A_861], %exp3A_860 {strides = array<i32>} : memref<512xf32, #tpu.memory_space<vmem>>, vector<16xf32>,
      %get3A_863 = arith.constant 240 : index
      %get3A_864 = tpu.vector_load %arg8[%get3A_863] {strides = array<i32>} : memref<512xf32, #tpu.memory_space<vmem>>, vector<16xf32>,
      %get3A_865 = arith.constant 0 : index
      %get3A_866 = tpu.vector_load %arg11[%get3A_865] {strides = array<i32>} : memref<16xf32, #tpu.memory_space<vmem>>, vector<16xf32>,
      %sub3A_867 = arith.subf %get3A_864, %get3A_866 : vector<16xf32>
      %exp3A_868 = math.exp %sub3A_867 : vector<16xf32>
      %swap3A_869 = arith.constant 240 : index
      %swap3A_870 = tpu.vector_load %arg10[%swap3A_869] {strides = array<i32>} : memref<512xf32, #tpu.memory_space<vmem>>, vector<16xf32>,
      tpu.vector_store %arg10[%swap3A_869], %exp3A_868 {strides = array<i32>} : memref<512xf32, #tpu.memory_space<vmem>>, vector<16xf32>,
      %get3A_871 = arith.constant 256 : index
      %get3A_872 = tpu.vector_load %arg8[%get3A_871] {strides = array<i32>} : memref<512xf32, #tpu.memory_space<vmem>>, vector<16xf32>,
      %get3A_873 = arith.constant 0 : index
      %get3A_874 = tpu.vector_load %arg11[%get3A_873] {strides = array<i32>} : memref<16xf32, #tpu.memory_space<vmem>>, vector<16xf32>,
      %sub3A_875 = arith.subf %get3A_872, %get3A_874 : vector<16xf32>
      %exp3A_876 = math.exp %sub3A_875 : vector<16xf32>
      %swap3A_877 = arith.constant 256 : index
      %swap3A_878 = tpu.vector_load %arg10[%swap3A_877] {strides = array<i32>} : memref<512xf32, #tpu.memory_space<vmem>>, vector<16xf32>,
      tpu.vector_store %arg10[%swap3A_877], %exp3A_876 {strides = array<i32>} : memref<512xf32, #tpu.memory_space<vmem>>, vector<16xf32>,
      %get3A_879 = arith.constant 272 : index
      %get3A_880 = tpu.vector_load %arg8[%get3A_879] {strides = array<i32>} : memref<512xf32, #tpu.memory_space<vmem>>, vector<16xf32>,
      %get3A_881 = arith.constant 0 : index
      %get3A_882 = tpu.vector_load %arg11[%get3A_881] {strides = array<i32>} : memref<16xf32, #tpu.memory_space<vmem>>, vector<16xf32>,
      %sub3A_883 = arith.subf %get3A_880, %get3A_882 : vector<16xf32>
      %exp3A_884 = math.exp %sub3A_883 : vector<16xf32>
      %swap3A_885 = arith.constant 272 : index
      %swap3A_886 = tpu.vector_load %arg10[%swap3A_885] {strides = array<i32>} : memref<512xf32, #tpu.memory_space<vmem>>, vector<16xf32>,
      tpu.vector_store %arg10[%swap3A_885], %exp3A_884 {strides = array<i32>} : memref<512xf32, #tpu.memory_space<vmem>>, vector<16xf32>,
      %get3A_887 = arith.constant 288 : index
      %get3A_888 = tpu.vector_load %arg8[%get3A_887] {strides = array<i32>} : memref<512xf32, #tpu.memory_space<vmem>>, vector<16xf32>,
      %get3A_889 = arith.constant 0 : index
      %get3A_890 = tpu.vector_load %arg11[%get3A_889] {strides = array<i32>} : memref<16xf32, #tpu.memory_space<vmem>>, vector<16xf32>,
      %sub3A_891 = arith.subf %get3A_888, %get3A_890 : vector<16xf32>
      %exp3A_892 = math.exp %sub3A_891 : vector<16xf32>
      %swap3A_893 = arith.constant 288 : index
      %swap3A_894 = tpu.vector_load %arg10[%swap3A_893] {strides = array<i32>} : memref<512xf32, #tpu.memory_space<vmem>>, vector<16xf32>,
      tpu.vector_store %arg10[%swap3A_893], %exp3A_892 {strides = array<i32>} : memref<512xf32, #tpu.memory_space<vmem>>, vector<16xf32>,
      %get3A_895 = arith.constant 304 : index
      %get3A_896 = tpu.vector_load %arg8[%get3A_895] {strides = array<i32>} : memref<512xf32, #tpu.memory_space<vmem>>, vector<16xf32>,
      %get3A_897 = arith.constant 0 : index
      %get3A_898 = tpu.vector_load %arg11[%get3A_897] {strides = array<i32>} : memref<16xf32, #tpu.memory_space<vmem>>, vector<16xf32>,
      %sub3A_899 = arith.subf %get3A_896, %get3A_898 : vector<16xf32>
      %exp3A_900 = math.exp %sub3A_899 : vector<16xf32>
      %swap3A_901 = arith.constant 304 : index
      %swap3A_902 = tpu.vector_load %arg10[%swap3A_901] {strides = array<i32>} : memref<512xf32, #tpu.memory_space<vmem>>, vector<16xf32>,
      tpu.vector_store %arg10[%swap3A_901], %exp3A_900 {strides = array<i32>} : memref<512xf32, #tpu.memory_space<vmem>>, vector<16xf32>,
      %get3A_903 = arith.constant 320 : index
      %get3A_904 = tpu.vector_load %arg8[%get3A_903] {strides = array<i32>} : memref<512xf32, #tpu.memory_space<vmem>>, vector<16xf32>,
      %get3A_905 = arith.constant 0 : index
      %get3A_906 = tpu.vector_load %arg11[%get3A_905] {strides = array<i32>} : memref<16xf32, #tpu.memory_space<vmem>>, vector<16xf32>,
      %sub3A_907 = arith.subf %get3A_904, %get3A_906 : vector<16xf32>
      %exp3A_908 = math.exp %sub3A_907 : vector<16xf32>
      %swap3A_909 = arith.constant 320 : index
      %swap3A_910 = tpu.vector_load %arg10[%swap3A_909] {strides = array<i32>} : memref<512xf32, #tpu.memory_space<vmem>>, vector<16xf32>,
      tpu.vector_store %arg10[%swap3A_909], %exp3A_908 {strides = array<i32>} : memref<512xf32, #tpu.memory_space<vmem>>, vector<16xf32>,
      %get3A_911 = arith.constant 336 : index
      %get3A_912 = tpu.vector_load %arg8[%get3A_911] {strides = array<i32>} : memref<512xf32, #tpu.memory_space<vmem>>, vector<16xf32>,
      %get3A_913 = arith.constant 0 : index
      %get3A_914 = tpu.vector_load %arg11[%get3A_913] {strides = array<i32>} : memref<16xf32, #tpu.memory_space<vmem>>, vector<16xf32>,
      %sub3A_915 = arith.subf %get3A_912, %get3A_914 : vector<16xf32>
      %exp3A_916 = math.exp %sub3A_915 : vector<16xf32>
      %swap3A_917 = arith.constant 336 : index
      %swap3A_918 = tpu.vector_load %arg10[%swap3A_917] {strides = array<i32>} : memref<512xf32, #tpu.memory_space<vmem>>, vector<16xf32>,
      tpu.vector_store %arg10[%swap3A_917], %exp3A_916 {strides = array<i32>} : memref<512xf32, #tpu.memory_space<vmem>>, vector<16xf32>,
      %get3A_919 = arith.constant 352 : index
      %get3A_920 = tpu.vector_load %arg8[%get3A_919] {strides = array<i32>} : memref<512xf32, #tpu.memory_space<vmem>>, vector<16xf32>,
      %get3A_921 = arith.constant 0 : index
      %get3A_922 = tpu.vector_load %arg11[%get3A_921] {strides = array<i32>} : memref<16xf32, #tpu.memory_space<vmem>>, vector<16xf32>,
      %sub3A_923 = arith.subf %get3A_920, %get3A_922 : vector<16xf32>
      %exp3A_924 = math.exp %sub3A_923 : vector<16xf32>
      %swap3A_925 = arith.constant 352 : index
      %swap3A_926 = tpu.vector_load %arg10[%swap3A_925] {strides = array<i32>} : memref<512xf32, #tpu.memory_space<vmem>>, vector<16xf32>,
      tpu.vector_store %arg10[%swap3A_925], %exp3A_924 {strides = array<i32>} : memref<512xf32, #tpu.memory_space<vmem>>, vector<16xf32>,
      %get3A_927 = arith.constant 368 : index
      %get3A_928 = tpu.vector_load %arg8[%get3A_927] {strides = array<i32>} : memref<512xf32, #tpu.memory_space<vmem>>, vector<16xf32>,
      %get3A_929 = arith.constant 0 : index
      %get3A_930 = tpu.vector_load %arg11[%get3A_929] {strides = array<i32>} : memref<16xf32, #tpu.memory_space<vmem>>, vector<16xf32>,
      %sub3A_931 = arith.subf %get3A_928, %get3A_930 : vector<16xf32>
      %exp3A_932 = math.exp %sub3A_931 : vector<16xf32>
      %swap3A_933 = arith.constant 368 : index
      %swap3A_934 = tpu.vector_load %arg10[%swap3A_933] {strides = array<i32>} : memref<512xf32, #tpu.memory_space<vmem>>, vector<16xf32>,
      tpu.vector_store %arg10[%swap3A_933], %exp3A_932 {strides = array<i32>} : memref<512xf32, #tpu.memory_space<vmem>>, vector<16xf32>,
      %get3A_935 = arith.constant 384 : index
      %get3A_936 = tpu.vector_load %arg8[%get3A_935] {strides = array<i32>} : memref<512xf32, #tpu.memory_space<vmem>>, vector<16xf32>,
      %get3A_937 = arith.constant 0 : index
      %get3A_938 = tpu.vector_load %arg11[%get3A_937] {strides = array<i32>} : memref<16xf32, #tpu.memory_space<vmem>>, vector<16xf32>,
      %sub3A_939 = arith.subf %get3A_936, %get3A_938 : vector<16xf32>
      %exp3A_940 = math.exp %sub3A_939 : vector<16xf32>
      %swap3A_941 = arith.constant 384 : index
      %swap3A_942 = tpu.vector_load %arg10[%swap3A_941] {strides = array<i32>} : memref<512xf32, #tpu.memory_space<vmem>>, vector<16xf32>,
      tpu.vector_store %arg10[%swap3A_941], %exp3A_940 {strides = array<i32>} : memref<512xf32, #tpu.memory_space<vmem>>, vector<16xf32>,
      %get3A_943 = arith.constant 400 : index
      %get3A_944 = tpu.vector_load %arg8[%get3A_943] {strides = array<i32>} : memref<512xf32, #tpu.memory_space<vmem>>, vector<16xf32>,
      %get3A_945 = arith.constant 0 : index
      %get3A_946 = tpu.vector_load %arg11[%get3A_945] {strides = array<i32>} : memref<16xf32, #tpu.memory_space<vmem>>, vector<16xf32>,
      %sub3A_947 = arith.subf %get3A_944, %get3A_946 : vector<16xf32>
      %exp3A_948 = math.exp %sub3A_947 : vector<16xf32>
      %swap3A_949 = arith.constant 400 : index
      %swap3A_950 = tpu.vector_load %arg10[%swap3A_949] {strides = array<i32>} : memref<512xf32, #tpu.memory_space<vmem>>, vector<16xf32>,
      tpu.vector_store %arg10[%swap3A_949], %exp3A_948 {strides = array<i32>} : memref<512xf32, #tpu.memory_space<vmem>>, vector<16xf32>,
      %get3A_951 = arith.constant 416 : index
      %get3A_952 = tpu.vector_load %arg8[%get3A_951] {strides = array<i32>} : memref<512xf32, #tpu.memory_space<vmem>>, vector<16xf32>,
      %get3A_953 = arith.constant 0 : index
      %get3A_954 = tpu.vector_load %arg11[%get3A_953] {strides = array<i32>} : memref<16xf32, #tpu.memory_space<vmem>>, vector<16xf32>,
      %sub3A_955 = arith.subf %get3A_952, %get3A_954 : vector<16xf32>
      %exp3A_956 = math.exp %sub3A_955 : vector<16xf32>
      %swap3A_957 = arith.constant 416 : index
      %swap3A_958 = tpu.vector_load %arg10[%swap3A_957] {strides = array<i32>} : memref<512xf32, #tpu.memory_space<vmem>>, vector<16xf32>,
      tpu.vector_store %arg10[%swap3A_957], %exp3A_956 {strides = array<i32>} : memref<512xf32, #tpu.memory_space<vmem>>, vector<16xf32>,
      %get3A_959 = arith.constant 432 : index
      %get3A_960 = tpu.vector_load %arg8[%get3A_959] {strides = array<i32>} : memref<512xf32, #tpu.memory_space<vmem>>, vector<16xf32>,
      %get3A_961 = arith.constant 0 : index
      %get3A_962 = tpu.vector_load %arg11[%get3A_961] {strides = array<i32>} : memref<16xf32, #tpu.memory_space<vmem>>, vector<16xf32>,
      %sub3A_963 = arith.subf %get3A_960, %get3A_962 : vector<16xf32>
      %exp3A_964 = math.exp %sub3A_963 : vector<16xf32>
      %swap3A_965 = arith.constant 432 : index
      %swap3A_966 = tpu.vector_load %arg10[%swap3A_965] {strides = array<i32>} : memref<512xf32, #tpu.memory_space<vmem>>, vector<16xf32>,
      tpu.vector_store %arg10[%swap3A_965], %exp3A_964 {strides = array<i32>} : memref<512xf32, #tpu.memory_space<vmem>>, vector<16xf32>,
      %get3A_967 = arith.constant 448 : index
      %get3A_968 = tpu.vector_load %arg8[%get3A_967] {strides = array<i32>} : memref<512xf32, #tpu.memory_space<vmem>>, vector<16xf32>,
      %get3A_969 = arith.constant 0 : index
      %get3A_970 = tpu.vector_load %arg11[%get3A_969] {strides = array<i32>} : memref<16xf32, #tpu.memory_space<vmem>>, vector<16xf32>,
      %sub3A_971 = arith.subf %get3A_968, %get3A_970 : vector<16xf32>
      %exp3A_972 = math.exp %sub3A_971 : vector<16xf32>
      %swap3A_973 = arith.constant 448 : index
      %swap3A_974 = tpu.vector_load %arg10[%swap3A_973] {strides = array<i32>} : memref<512xf32, #tpu.memory_space<vmem>>, vector<16xf32>,
      tpu.vector_store %arg10[%swap3A_973], %exp3A_972 {strides = array<i32>} : memref<512xf32, #tpu.memory_space<vmem>>, vector<16xf32>,
      %get3A_975 = arith.constant 464 : index
      %get3A_976 = tpu.vector_load %arg8[%get3A_975] {strides = array<i32>} : memref<512xf32, #tpu.memory_space<vmem>>, vector<16xf32>,
      %get3A_977 = arith.constant 0 : index
      %get3A_978 = tpu.vector_load %arg11[%get3A_977] {strides = array<i32>} : memref<16xf32, #tpu.memory_space<vmem>>, vector<16xf32>,
      %sub3A_979 = arith.subf %get3A_976, %get3A_978 : vector<16xf32>
      %exp3A_980 = math.exp %sub3A_979 : vector<16xf32>
      %swap3A_981 = arith.constant 464 : index
      %swap3A_982 = tpu.vector_load %arg10[%swap3A_981] {strides = array<i32>} : memref<512xf32, #tpu.memory_space<vmem>>, vector<16xf32>,
      tpu.vector_store %arg10[%swap3A_981], %exp3A_980 {strides = array<i32>} : memref<512xf32, #tpu.memory_space<vmem>>, vector<16xf32>,
      %get3A_983 = arith.constant 480 : index
      %get3A_984 = tpu.vector_load %arg8[%get3A_983] {strides = array<i32>} : memref<512xf32, #tpu.memory_space<vmem>>, vector<16xf32>,
      %get3A_985 = arith.constant 0 : index
      %get3A_986 = tpu.vector_load %arg11[%get3A_985] {strides = array<i32>} : memref<16xf32, #tpu.memory_space<vmem>>, vector<16xf32>,
      %sub3A_987 = arith.subf %get3A_984, %get3A_986 : vector<16xf32>
      %exp3A_988 = math.exp %sub3A_987 : vector<16xf32>
      %swap3A_989 = arith.constant 480 : index
      %swap3A_990 = tpu.vector_load %arg10[%swap3A_989] {strides = array<i32>} : memref<512xf32, #tpu.memory_space<vmem>>, vector<16xf32>,
      tpu.vector_store %arg10[%swap3A_989], %exp3A_988 {strides = array<i32>} : memref<512xf32, #tpu.memory_space<vmem>>, vector<16xf32>,
      %get3A_991 = arith.constant 496 : index
      %get3A_992 = tpu.vector_load %arg8[%get3A_991] {strides = array<i32>} : memref<512xf32, #tpu.memory_space<vmem>>, vector<16xf32>,
      %get3A_993 = arith.constant 0 : index
      %get3A_994 = tpu.vector_load %arg11[%get3A_993] {strides = array<i32>} : memref<16xf32, #tpu.memory_space<vmem>>, vector<16xf32>,
      %sub3A_995 = arith.subf %get3A_992, %get3A_994 : vector<16xf32>
      %exp3A_996 = math.exp %sub3A_995 : vector<16xf32>
      %swap3A_997 = arith.constant 496 : index
      %swap3A_998 = tpu.vector_load %arg10[%swap3A_997] {strides = array<i32>} : memref<512xf32, #tpu.memory_space<vmem>>, vector<16xf32>,
      tpu.vector_store %arg10[%swap3A_997], %exp3A_996 {strides = array<i32>} : memref<512xf32, #tpu.memory_space<vmem>>, vector<16xf32>,
      %scan3A_999 = arith.constant 0 : i32
      %scan3A_1000 = arith.constant 32 : i32
      %scan3A_1001 = arith.addi %scan3A_999, %scan3A_1000 : i32
      %scan3A_1002 = arith.constant 1 : i32
      %scan3A_1003:6 = scf.for %scan3A_1005 = %scan3A_999 to %scan3A_1001 step %scan3A_1002 iter_args(%scan3A_1006 = %scan3A_694, %scan3A_1007 = %scan3A_695, %scan3A_1008 = %scan3A_696, %scan3A_1009 = %scan3A_697, %scan3A_1010 = %scan3A_698, %scan3A_1011 = %scan3A_699) -> (vector<16xf32>, vector<16xf32>, vector<16xf32>, vector<16xf32>, vector<16xf32>, vector<16xi32>)  : i32 {
        %mul3A_1012 = arith.constant 16 : i32
        %mul3A_1013 = arith.muli %scan3A_1005, %mul3A_1012 : i32
        %multiple_of3A_1014 = tpu.assume_multiple %mul3A_1013, 16 : i32
        %get3A_1015 = arith.index_cast %multiple_of3A_1014 : i32 to index
        %get3A_1016 = tpu.vector_load %arg9[%get3A_1015] {strides = array<i32>} : memref<512xi32, #tpu.memory_space<vmem>>, vector<16xi32>,
        %eq3A_1017 = arith.cmpi eq, %get3A_1016, %scan3A_1011 : vector<16xi32>
        %convert_element_type3A_1018 = arith.extui %eq3A_1017 : vector<16xi1> to vector<16xi32>
        %reduce_min3A = arith.constant true
        %reduce_min3A_1019 = vector.broadcast %reduce_min3A : i1 to vector<16xi1>
        %reduce_min3A_1020 = arith.constant -2147483648 : i32
        %reduce_min3A_1021 = vector.broadcast %reduce_min3A_1020 : i32 to vector<16xi32>
        %reduce_min3A_1022 = arith.xori %convert_element_type3A_1018, %reduce_min3A_1021 : vector<16xi32>
        %reduce_min3A_1023 = tpu.scan <min>, %reduce_min3A_1022 masked %reduce_min3A_1019 : vector<16xi32>, vector<16xi1> -> vector<16xi32>
        %reduce_min3A_1024 = arith.xori %reduce_min3A_1023, %reduce_min3A_1021 : vector<16xi32>
        %reduce_min3A_1025 = vector.extract %reduce_min3A_1024[15] : i32 from vector<16xi32>
        %eq3A_1026 = arith.constant 1 : i32
        %eq3A_1027 = arith.cmpi eq, %reduce_min3A_1025, %eq3A_1026 : i32
        %convert_element_type3A_1028 = arith.extui %eq3A_1027 : i1 to i32
        %cond3A = arith.constant 0 : i32
        %cond3A_1029 = arith.constant 0 : i32
        %cond3A_1030 = arith.cmpi ne, %convert_element_type3A_1028, %cond3A_1029 : i32
        %cond3A_1031:6 = scf.if %cond3A_1030 -> (vector<16xf32>, vector<16xf32>, vector<16xf32>, vector<16xf32>, vector<16xf32>, vector<16xi32>) {
          %broadcast_in_dim3A_1032 = arith.constant 1 : i32
          %broadcast_in_dim3A_1033 = vector.broadcast %broadcast_in_dim3A_1032 : i32 to vector<16xi32>
          %add3A_1034 = arith.constant 0 : i32
          %add3A_1035 = arith.addi %multiple_of3A_1014, %add3A_1034 : i32
          %mul3A_1036 = vector.broadcast %add3A_1035 : i32 to vector<16xi32>
          %mul3A_1037 = arith.muli %broadcast_in_dim3A_1033, %mul3A_1036 : vector<16xi32>
          %gather3A_1038 = tpu.vector_load_idx %arg10[%mul3A_1037] : memref<512xf32, #tpu.memory_space<vmem>>[vector<16xi32>], vector<16xf32>,
          %add3A_1039 = arith.constant 0 : i32
          %add3A_1040 = arith.addi %multiple_of3A_1014, %add3A_1039 : i32
          %mul3A_1041 = arith.constant 64 : i32
          %mul3A_1042 = arith.muli %add3A_1040, %mul3A_1041 : i32
          %multiple_of3A_1043 = tpu.assume_multiple %mul3A_1042, 64 : i32
          %get3A_1044 = arith.index_cast %multiple_of3A_1043 : i32 to index
          %get3A_1045 = tpu.vector_load %arg7[%get3A_1044] {strides = array<i32>} : memref<32768xf32, #tpu.memory_space<vmem>>, vector<16xf32>,
          %mul3A_1046 = arith.mulf %get3A_1045, %gather3A_1038 : vector<16xf32>
          %add3A_1047 = arith.addf %scan3A_1006, %mul3A_1046 : vector<16xf32>
          %add3A_1048 = arith.constant 16 : i32
          %add3A_1049 = arith.addi %multiple_of3A_1043, %add3A_1048 : i32
          %get3A_1050 = arith.index_cast %add3A_1049 : i32 to index
          %get3A_1051 = tpu.vector_load %arg7[%get3A_1050] {strides = array<i32>} : memref<32768xf32, #tpu.memory_space<vmem>>, vector<16xf32>,
          %mul3A_1052 = arith.mulf %get3A_1051, %gather3A_1038 : vector<16xf32>
          %add3A_1053 = arith.addf %scan3A_1007, %mul3A_1052 : vector<16xf32>
          %add3A_1054 = arith.constant 32 : i32
          %add3A_1055 = arith.addi %multiple_of3A_1043, %add3A_1054 : i32
          %get3A_1056 = arith.index_cast %add3A_1055 : i32 to index
          %get3A_1057 = tpu.vector_load %arg7[%get3A_1056] {strides = array<i32>} : memref<32768xf32, #tpu.memory_space<vmem>>, vector<16xf32>,
          %mul3A_1058 = arith.mulf %get3A_1057, %gather3A_1038 : vector<16xf32>
          %add3A_1059 = arith.addf %scan3A_1008, %mul3A_1058 : vector<16xf32>
          %add3A_1060 = arith.constant 48 : i32
          %add3A_1061 = arith.addi %multiple_of3A_1043, %add3A_1060 : i32
          %get3A_1062 = arith.index_cast %add3A_1061 : i32 to index
          %get3A_1063 = tpu.vector_load %arg7[%get3A_1062] {strides = array<i32>} : memref<32768xf32, #tpu.memory_space<vmem>>, vector<16xf32>,
          %mul3A_1064 = arith.mulf %get3A_1063, %gather3A_1038 : vector<16xf32>
          %add3A_1065 = arith.addf %scan3A_1009, %mul3A_1064 : vector<16xf32>
          %add3A_1066 = arith.addf %scan3A_1010, %gather3A_1038 : vector<16xf32>
          %broadcast_in_dim3A_1067 = arith.constant 1 : i32
          %broadcast_in_dim3A_1068 = vector.broadcast %broadcast_in_dim3A_1067 : i32 to vector<16xi32>
          %add3A_1069 = arith.constant 1 : i32
          %add3A_1070 = arith.addi %multiple_of3A_1014, %add3A_1069 : i32
          %mul3A_1071 = vector.broadcast %add3A_1070 : i32 to vector<16xi32>
          %mul3A_1072 = arith.muli %broadcast_in_dim3A_1068, %mul3A_1071 : vector<16xi32>
          %gather3A_1073 = tpu.vector_load_idx %arg10[%mul3A_1072] : memref<512xf32, #tpu.memory_space<vmem>>[vector<16xi32>], vector<16xf32>,
          %add3A_1074 = arith.constant 1 : i32
          %add3A_1075 = arith.addi %multiple_of3A_1014, %add3A_1074 : i32
          %mul3A_1076 = arith.constant 64 : i32
          %mul3A_1077 = arith.muli %add3A_1075, %mul3A_1076 : i32
          %multiple_of3A_1078 = tpu.assume_multiple %mul3A_1077, 64 : i32
          %get3A_1079 = arith.index_cast %multiple_of3A_1078 : i32 to index
          %get3A_1080 = tpu.vector_load %arg7[%get3A_1079] {strides = array<i32>} : memref<32768xf32, #tpu.memory_space<vmem>>, vector<16xf32>,
          %mul3A_1081 = arith.mulf %get3A_1080, %gather3A_1073 : vector<16xf32>
          %add3A_1082 = arith.addf %add3A_1047, %mul3A_1081 : vector<16xf32>
          %add3A_1083 = arith.constant 16 : i32
          %add3A_1084 = arith.addi %multiple_of3A_1078, %add3A_1083 : i32
          %get3A_1085 = arith.index_cast %add3A_1084 : i32 to index
          %get3A_1086 = tpu.vector_load %arg7[%get3A_1085] {strides = array<i32>} : memref<32768xf32, #tpu.memory_space<vmem>>, vector<16xf32>,
          %mul3A_1087 = arith.mulf %get3A_1086, %gather3A_1073 : vector<16xf32>
          %add3A_1088 = arith.addf %add3A_1053, %mul3A_1087 : vector<16xf32>
          %add3A_1089 = arith.constant 32 : i32
          %add3A_1090 = arith.addi %multiple_of3A_1078, %add3A_1089 : i32
          %get3A_1091 = arith.index_cast %add3A_1090 : i32 to index
          %get3A_1092 = tpu.vector_load %arg7[%get3A_1091] {strides = array<i32>} : memref<32768xf32, #tpu.memory_space<vmem>>, vector<16xf32>,
          %mul3A_1093 = arith.mulf %get3A_1092, %gather3A_1073 : vector<16xf32>
          %add3A_1094 = arith.addf %add3A_1059, %mul3A_1093 : vector<16xf32>
          %add3A_1095 = arith.constant 48 : i32
          %add3A_1096 = arith.addi %multiple_of3A_1078, %add3A_1095 : i32
          %get3A_1097 = arith.index_cast %add3A_1096 : i32 to index
          %get3A_1098 = tpu.vector_load %arg7[%get3A_1097] {strides = array<i32>} : memref<32768xf32, #tpu.memory_space<vmem>>, vector<16xf32>,
          %mul3A_1099 = arith.mulf %get3A_1098, %gather3A_1073 : vector<16xf32>
          %add3A_1100 = arith.addf %add3A_1065, %mul3A_1099 : vector<16xf32>
          %add3A_1101 = arith.addf %add3A_1066, %gather3A_1073 : vector<16xf32>
          %broadcast_in_dim3A_1102 = arith.constant 1 : i32
          %broadcast_in_dim3A_1103 = vector.broadcast %broadcast_in_dim3A_1102 : i32 to vector<16xi32>
          %add3A_1104 = arith.constant 2 : i32
          %add3A_1105 = arith.addi %multiple_of3A_1014, %add3A_1104 : i32
          %mul3A_1106 = vector.broadcast %add3A_1105 : i32 to vector<16xi32>
          %mul3A_1107 = arith.muli %broadcast_in_dim3A_1103, %mul3A_1106 : vector<16xi32>
          %gather3A_1108 = tpu.vector_load_idx %arg10[%mul3A_1107] : memref<512xf32, #tpu.memory_space<vmem>>[vector<16xi32>], vector<16xf32>,
          %add3A_1109 = arith.constant 2 : i32
          %add3A_1110 = arith.addi %multiple_of3A_1014, %add3A_1109 : i32
          %mul3A_1111 = arith.constant 64 : i32
          %mul3A_1112 = arith.muli %add3A_1110, %mul3A_1111 : i32
          %multiple_of3A_1113 = tpu.assume_multiple %mul3A_1112, 64 : i32
          %get3A_1114 = arith.index_cast %multiple_of3A_1113 : i32 to index
          %get3A_1115 = tpu.vector_load %arg7[%get3A_1114] {strides = array<i32>} : memref<32768xf32, #tpu.memory_space<vmem>>, vector<16xf32>,
          %mul3A_1116 = arith.mulf %get3A_1115, %gather3A_1108 : vector<16xf32>
          %add3A_1117 = arith.addf %add3A_1082, %mul3A_1116 : vector<16xf32>
          %add3A_1118 = arith.constant 16 : i32
          %add3A_1119 = arith.addi %multiple_of3A_1113, %add3A_1118 : i32
          %get3A_1120 = arith.index_cast %add3A_1119 : i32 to index
          %get3A_1121 = tpu.vector_load %arg7[%get3A_1120] {strides = array<i32>} : memref<32768xf32, #tpu.memory_space<vmem>>, vector<16xf32>,
          %mul3A_1122 = arith.mulf %get3A_1121, %gather3A_1108 : vector<16xf32>
          %add3A_1123 = arith.addf %add3A_1088, %mul3A_1122 : vector<16xf32>
          %add3A_1124 = arith.constant 32 : i32
          %add3A_1125 = arith.addi %multiple_of3A_1113, %add3A_1124 : i32
          %get3A_1126 = arith.index_cast %add3A_1125 : i32 to index
          %get3A_1127 = tpu.vector_load %arg7[%get3A_1126] {strides = array<i32>} : memref<32768xf32, #tpu.memory_space<vmem>>, vector<16xf32>,
          %mul3A_1128 = arith.mulf %get3A_1127, %gather3A_1108 : vector<16xf32>
          %add3A_1129 = arith.addf %add3A_1094, %mul3A_1128 : vector<16xf32>
          %add3A_1130 = arith.constant 48 : i32
          %add3A_1131 = arith.addi %multiple_of3A_1113, %add3A_1130 : i32
          %get3A_1132 = arith.index_cast %add3A_1131 : i32 to index
          %get3A_1133 = tpu.vector_load %arg7[%get3A_1132] {strides = array<i32>} : memref<32768xf32, #tpu.memory_space<vmem>>, vector<16xf32>,
          %mul3A_1134 = arith.mulf %get3A_1133, %gather3A_1108 : vector<16xf32>
          %add3A_1135 = arith.addf %add3A_1100, %mul3A_1134 : vector<16xf32>
          %add3A_1136 = arith.addf %add3A_1101, %gather3A_1108 : vector<16xf32>
          %broadcast_in_dim3A_1137 = arith.constant 1 : i32
          %broadcast_in_dim3A_1138 = vector.broadcast %broadcast_in_dim3A_1137 : i32 to vector<16xi32>
          %add3A_1139 = arith.constant 3 : i32
          %add3A_1140 = arith.addi %multiple_of3A_1014, %add3A_1139 : i32
          %mul3A_1141 = vector.broadcast %add3A_1140 : i32 to vector<16xi32>
          %mul3A_1142 = arith.muli %broadcast_in_dim3A_1138, %mul3A_1141 : vector<16xi32>
          %gather3A_1143 = tpu.vector_load_idx %arg10[%mul3A_1142] : memref<512xf32, #tpu.memory_space<vmem>>[vector<16xi32>], vector<16xf32>,
          %add3A_1144 = arith.constant 3 : i32
          %add3A_1145 = arith.addi %multiple_of3A_1014, %add3A_1144 : i32
          %mul3A_1146 = arith.constant 64 : i32
          %mul3A_1147 = arith.muli %add3A_1145, %mul3A_1146 : i32
          %multiple_of3A_1148 = tpu.assume_multiple %mul3A_1147, 64 : i32
          %get3A_1149 = arith.index_cast %multiple_of3A_1148 : i32 to index
          %get3A_1150 = tpu.vector_load %arg7[%get3A_1149] {strides = array<i32>} : memref<32768xf32, #tpu.memory_space<vmem>>, vector<16xf32>,
          %mul3A_1151 = arith.mulf %get3A_1150, %gather3A_1143 : vector<16xf32>
          %add3A_1152 = arith.addf %add3A_1117, %mul3A_1151 : vector<16xf32>
          %add3A_1153 = arith.constant 16 : i32
          %add3A_1154 = arith.addi %multiple_of3A_1148, %add3A_1153 : i32
          %get3A_1155 = arith.index_cast %add3A_1154 : i32 to index
          %get3A_1156 = tpu.vector_load %arg7[%get3A_1155] {strides = array<i32>} : memref<32768xf32, #tpu.memory_space<vmem>>, vector<16xf32>,
          %mul3A_1157 = arith.mulf %get3A_1156, %gather3A_1143 : vector<16xf32>
          %add3A_1158 = arith.addf %add3A_1123, %mul3A_1157 : vector<16xf32>
          %add3A_1159 = arith.constant 32 : i32
          %add3A_1160 = arith.addi %multiple_of3A_1148, %add3A_1159 : i32
          %get3A_1161 = arith.index_cast %add3A_1160 : i32 to index
          %get3A_1162 = tpu.vector_load %arg7[%get3A_1161] {strides = array<i32>} : memref<32768xf32, #tpu.memory_space<vmem>>, vector<16xf32>,
          %mul3A_1163 = arith.mulf %get3A_1162, %gather3A_1143 : vector<16xf32>
          %add3A_1164 = arith.addf %add3A_1129, %mul3A_1163 : vector<16xf32>
          %add3A_1165 = arith.constant 48 : i32
          %add3A_1166 = arith.addi %multiple_of3A_1148, %add3A_1165 : i32
          %get3A_1167 = arith.index_cast %add3A_1166 : i32 to index
          %get3A_1168 = tpu.vector_load %arg7[%get3A_1167] {strides = array<i32>} : memref<32768xf32, #tpu.memory_space<vmem>>, vector<16xf32>,
          %mul3A_1169 = arith.mulf %get3A_1168, %gather3A_1143 : vector<16xf32>
          %add3A_1170 = arith.addf %add3A_1135, %mul3A_1169 : vector<16xf32>
          %add3A_1171 = arith.addf %add3A_1136, %gather3A_1143 : vector<16xf32>
          %broadcast_in_dim3A_1172 = arith.constant 1 : i32
          %broadcast_in_dim3A_1173 = vector.broadcast %broadcast_in_dim3A_1172 : i32 to vector<16xi32>
          %add3A_1174 = arith.constant 4 : i32
          %add3A_1175 = arith.addi %multiple_of3A_1014, %add3A_1174 : i32
          %mul3A_1176 = vector.broadcast %add3A_1175 : i32 to vector<16xi32>
          %mul3A_1177 = arith.muli %broadcast_in_dim3A_1173, %mul3A_1176 : vector<16xi32>
          %gather3A_1178 = tpu.vector_load_idx %arg10[%mul3A_1177] : memref<512xf32, #tpu.memory_space<vmem>>[vector<16xi32>], vector<16xf32>,
          %add3A_1179 = arith.constant 4 : i32
          %add3A_1180 = arith.addi %multiple_of3A_1014, %add3A_1179 : i32
          %mul3A_1181 = arith.constant 64 : i32
          %mul3A_1182 = arith.muli %add3A_1180, %mul3A_1181 : i32
          %multiple_of3A_1183 = tpu.assume_multiple %mul3A_1182, 64 : i32
          %get3A_1184 = arith.index_cast %multiple_of3A_1183 : i32 to index
          %get3A_1185 = tpu.vector_load %arg7[%get3A_1184] {strides = array<i32>} : memref<32768xf32, #tpu.memory_space<vmem>>, vector<16xf32>,
          %mul3A_1186 = arith.mulf %get3A_1185, %gather3A_1178 : vector<16xf32>
          %add3A_1187 = arith.addf %add3A_1152, %mul3A_1186 : vector<16xf32>
          %add3A_1188 = arith.constant 16 : i32
          %add3A_1189 = arith.addi %multiple_of3A_1183, %add3A_1188 : i32
          %get3A_1190 = arith.index_cast %add3A_1189 : i32 to index
          %get3A_1191 = tpu.vector_load %arg7[%get3A_1190] {strides = array<i32>} : memref<32768xf32, #tpu.memory_space<vmem>>, vector<16xf32>,
          %mul3A_1192 = arith.mulf %get3A_1191, %gather3A_1178 : vector<16xf32>
          %add3A_1193 = arith.addf %add3A_1158, %mul3A_1192 : vector<16xf32>
          %add3A_1194 = arith.constant 32 : i32
          %add3A_1195 = arith.addi %multiple_of3A_1183, %add3A_1194 : i32
          %get3A_1196 = arith.index_cast %add3A_1195 : i32 to index
          %get3A_1197 = tpu.vector_load %arg7[%get3A_1196] {strides = array<i32>} : memref<32768xf32, #tpu.memory_space<vmem>>, vector<16xf32>,
          %mul3A_1198 = arith.mulf %get3A_1197, %gather3A_1178 : vector<16xf32>
          %add3A_1199 = arith.addf %add3A_1164, %mul3A_1198 : vector<16xf32>
          %add3A_1200 = arith.constant 48 : i32
          %add3A_1201 = arith.addi %multiple_of3A_1183, %add3A_1200 : i32
          %get3A_1202 = arith.index_cast %add3A_1201 : i32 to index
          %get3A_1203 = tpu.vector_load %arg7[%get3A_1202] {strides = array<i32>} : memref<32768xf32, #tpu.memory_space<vmem>>, vector<16xf32>,
          %mul3A_1204 = arith.mulf %get3A_1203, %gather3A_1178 : vector<16xf32>
          %add3A_1205 = arith.addf %add3A_1170, %mul3A_1204 : vector<16xf32>
          %add3A_1206 = arith.addf %add3A_1171, %gather3A_1178 : vector<16xf32>
          %broadcast_in_dim3A_1207 = arith.constant 1 : i32
          %broadcast_in_dim3A_1208 = vector.broadcast %broadcast_in_dim3A_1207 : i32 to vector<16xi32>
          %add3A_1209 = arith.constant 5 : i32
          %add3A_1210 = arith.addi %multiple_of3A_1014, %add3A_1209 : i32
          %mul3A_1211 = vector.broadcast %add3A_1210 : i32 to vector<16xi32>
          %mul3A_1212 = arith.muli %broadcast_in_dim3A_1208, %mul3A_1211 : vector<16xi32>
          %gather3A_1213 = tpu.vector_load_idx %arg10[%mul3A_1212] : memref<512xf32, #tpu.memory_space<vmem>>[vector<16xi32>], vector<16xf32>,
          %add3A_1214 = arith.constant 5 : i32
          %add3A_1215 = arith.addi %multiple_of3A_1014, %add3A_1214 : i32
          %mul3A_1216 = arith.constant 64 : i32
          %mul3A_1217 = arith.muli %add3A_1215, %mul3A_1216 : i32
          %multiple_of3A_1218 = tpu.assume_multiple %mul3A_1217, 64 : i32
          %get3A_1219 = arith.index_cast %multiple_of3A_1218 : i32 to index
          %get3A_1220 = tpu.vector_load %arg7[%get3A_1219] {strides = array<i32>} : memref<32768xf32, #tpu.memory_space<vmem>>, vector<16xf32>,
          %mul3A_1221 = arith.mulf %get3A_1220, %gather3A_1213 : vector<16xf32>
          %add3A_1222 = arith.addf %add3A_1187, %mul3A_1221 : vector<16xf32>
          %add3A_1223 = arith.constant 16 : i32
          %add3A_1224 = arith.addi %multiple_of3A_1218, %add3A_1223 : i32
          %get3A_1225 = arith.index_cast %add3A_1224 : i32 to index
          %get3A_1226 = tpu.vector_load %arg7[%get3A_1225] {strides = array<i32>} : memref<32768xf32, #tpu.memory_space<vmem>>, vector<16xf32>,
          %mul3A_1227 = arith.mulf %get3A_1226, %gather3A_1213 : vector<16xf32>
          %add3A_1228 = arith.addf %add3A_1193, %mul3A_1227 : vector<16xf32>
          %add3A_1229 = arith.constant 32 : i32
          %add3A_1230 = arith.addi %multiple_of3A_1218, %add3A_1229 : i32
          %get3A_1231 = arith.index_cast %add3A_1230 : i32 to index
          %get3A_1232 = tpu.vector_load %arg7[%get3A_1231] {strides = array<i32>} : memref<32768xf32, #tpu.memory_space<vmem>>, vector<16xf32>,
          %mul3A_1233 = arith.mulf %get3A_1232, %gather3A_1213 : vector<16xf32>
          %add3A_1234 = arith.addf %add3A_1199, %mul3A_1233 : vector<16xf32>
          %add3A_1235 = arith.constant 48 : i32
          %add3A_1236 = arith.addi %multiple_of3A_1218, %add3A_1235 : i32
          %get3A_1237 = arith.index_cast %add3A_1236 : i32 to index
          %get3A_1238 = tpu.vector_load %arg7[%get3A_1237] {strides = array<i32>} : memref<32768xf32, #tpu.memory_space<vmem>>, vector<16xf32>,
          %mul3A_1239 = arith.mulf %get3A_1238, %gather3A_1213 : vector<16xf32>
          %add3A_1240 = arith.addf %add3A_1205, %mul3A_1239 : vector<16xf32>
          %add3A_1241 = arith.addf %add3A_1206, %gather3A_1213 : vector<16xf32>
          %broadcast_in_dim3A_1242 = arith.constant 1 : i32
          %broadcast_in_dim3A_1243 = vector.broadcast %broadcast_in_dim3A_1242 : i32 to vector<16xi32>
          %add3A_1244 = arith.constant 6 : i32
          %add3A_1245 = arith.addi %multiple_of3A_1014, %add3A_1244 : i32
          %mul3A_1246 = vector.broadcast %add3A_1245 : i32 to vector<16xi32>
          %mul3A_1247 = arith.muli %broadcast_in_dim3A_1243, %mul3A_1246 : vector<16xi32>
          %gather3A_1248 = tpu.vector_load_idx %arg10[%mul3A_1247] : memref<512xf32, #tpu.memory_space<vmem>>[vector<16xi32>], vector<16xf32>,
          %add3A_1249 = arith.constant 6 : i32
          %add3A_1250 = arith.addi %multiple_of3A_1014, %add3A_1249 : i32
          %mul3A_1251 = arith.constant 64 : i32
          %mul3A_1252 = arith.muli %add3A_1250, %mul3A_1251 : i32
          %multiple_of3A_1253 = tpu.assume_multiple %mul3A_1252, 64 : i32
          %get3A_1254 = arith.index_cast %multiple_of3A_1253 : i32 to index
          %get3A_1255 = tpu.vector_load %arg7[%get3A_1254] {strides = array<i32>} : memref<32768xf32, #tpu.memory_space<vmem>>, vector<16xf32>,
          %mul3A_1256 = arith.mulf %get3A_1255, %gather3A_1248 : vector<16xf32>
          %add3A_1257 = arith.addf %add3A_1222, %mul3A_1256 : vector<16xf32>
          %add3A_1258 = arith.constant 16 : i32
          %add3A_1259 = arith.addi %multiple_of3A_1253, %add3A_1258 : i32
          %get3A_1260 = arith.index_cast %add3A_1259 : i32 to index
          %get3A_1261 = tpu.vector_load %arg7[%get3A_1260] {strides = array<i32>} : memref<32768xf32, #tpu.memory_space<vmem>>, vector<16xf32>,
          %mul3A_1262 = arith.mulf %get3A_1261, %gather3A_1248 : vector<16xf32>
          %add3A_1263 = arith.addf %add3A_1228, %mul3A_1262 : vector<16xf32>
          %add3A_1264 = arith.constant 32 : i32
          %add3A_1265 = arith.addi %multiple_of3A_1253, %add3A_1264 : i32
          %get3A_1266 = arith.index_cast %add3A_1265 : i32 to index
          %get3A_1267 = tpu.vector_load %arg7[%get3A_1266] {strides = array<i32>} : memref<32768xf32, #tpu.memory_space<vmem>>, vector<16xf32>,
          %mul3A_1268 = arith.mulf %get3A_1267, %gather3A_1248 : vector<16xf32>
          %add3A_1269 = arith.addf %add3A_1234, %mul3A_1268 : vector<16xf32>
          %add3A_1270 = arith.constant 48 : i32
          %add3A_1271 = arith.addi %multiple_of3A_1253, %add3A_1270 : i32
          %get3A_1272 = arith.index_cast %add3A_1271 : i32 to index
          %get3A_1273 = tpu.vector_load %arg7[%get3A_1272] {strides = array<i32>} : memref<32768xf32, #tpu.memory_space<vmem>>, vector<16xf32>,
          %mul3A_1274 = arith.mulf %get3A_1273, %gather3A_1248 : vector<16xf32>
          %add3A_1275 = arith.addf %add3A_1240, %mul3A_1274 : vector<16xf32>
          %add3A_1276 = arith.addf %add3A_1241, %gather3A_1248 : vector<16xf32>
          %broadcast_in_dim3A_1277 = arith.constant 1 : i32
          %broadcast_in_dim3A_1278 = vector.broadcast %broadcast_in_dim3A_1277 : i32 to vector<16xi32>
          %add3A_1279 = arith.constant 7 : i32
          %add3A_1280 = arith.addi %multiple_of3A_1014, %add3A_1279 : i32
          %mul3A_1281 = vector.broadcast %add3A_1280 : i32 to vector<16xi32>
          %mul3A_1282 = arith.muli %broadcast_in_dim3A_1278, %mul3A_1281 : vector<16xi32>
          %gather3A_1283 = tpu.vector_load_idx %arg10[%mul3A_1282] : memref<512xf32, #tpu.memory_space<vmem>>[vector<16xi32>], vector<16xf32>,
          %add3A_1284 = arith.constant 7 : i32
          %add3A_1285 = arith.addi %multiple_of3A_1014, %add3A_1284 : i32
          %mul3A_1286 = arith.constant 64 : i32
          %mul3A_1287 = arith.muli %add3A_1285, %mul3A_1286 : i32
          %multiple_of3A_1288 = tpu.assume_multiple %mul3A_1287, 64 : i32
          %get3A_1289 = arith.index_cast %multiple_of3A_1288 : i32 to index
          %get3A_1290 = tpu.vector_load %arg7[%get3A_1289] {strides = array<i32>} : memref<32768xf32, #tpu.memory_space<vmem>>, vector<16xf32>,
          %mul3A_1291 = arith.mulf %get3A_1290, %gather3A_1283 : vector<16xf32>
          %add3A_1292 = arith.addf %add3A_1257, %mul3A_1291 : vector<16xf32>
          %add3A_1293 = arith.constant 16 : i32
          %add3A_1294 = arith.addi %multiple_of3A_1288, %add3A_1293 : i32
          %get3A_1295 = arith.index_cast %add3A_1294 : i32 to index
          %get3A_1296 = tpu.vector_load %arg7[%get3A_1295] {strides = array<i32>} : memref<32768xf32, #tpu.memory_space<vmem>>, vector<16xf32>,
          %mul3A_1297 = arith.mulf %get3A_1296, %gather3A_1283 : vector<16xf32>
          %add3A_1298 = arith.addf %add3A_1263, %mul3A_1297 : vector<16xf32>
          %add3A_1299 = arith.constant 32 : i32
          %add3A_1300 = arith.addi %multiple_of3A_1288, %add3A_1299 : i32
          %get3A_1301 = arith.index_cast %add3A_1300 : i32 to index
          %get3A_1302 = tpu.vector_load %arg7[%get3A_1301] {strides = array<i32>} : memref<32768xf32, #tpu.memory_space<vmem>>, vector<16xf32>,
          %mul3A_1303 = arith.mulf %get3A_1302, %gather3A_1283 : vector<16xf32>
          %add3A_1304 = arith.addf %add3A_1269, %mul3A_1303 : vector<16xf32>
          %add3A_1305 = arith.constant 48 : i32
          %add3A_1306 = arith.addi %multiple_of3A_1288, %add3A_1305 : i32
          %get3A_1307 = arith.index_cast %add3A_1306 : i32 to index
          %get3A_1308 = tpu.vector_load %arg7[%get3A_1307] {strides = array<i32>} : memref<32768xf32, #tpu.memory_space<vmem>>, vector<16xf32>,
          %mul3A_1309 = arith.mulf %get3A_1308, %gather3A_1283 : vector<16xf32>
          %add3A_1310 = arith.addf %add3A_1275, %mul3A_1309 : vector<16xf32>
          %add3A_1311 = arith.addf %add3A_1276, %gather3A_1283 : vector<16xf32>
          %broadcast_in_dim3A_1312 = arith.constant 1 : i32
          %broadcast_in_dim3A_1313 = vector.broadcast %broadcast_in_dim3A_1312 : i32 to vector<16xi32>
          %add3A_1314 = arith.constant 8 : i32
          %add3A_1315 = arith.addi %multiple_of3A_1014, %add3A_1314 : i32
          %mul3A_1316 = vector.broadcast %add3A_1315 : i32 to vector<16xi32>
          %mul3A_1317 = arith.muli %broadcast_in_dim3A_1313, %mul3A_1316 : vector<16xi32>
          %gather3A_1318 = tpu.vector_load_idx %arg10[%mul3A_1317] : memref<512xf32, #tpu.memory_space<vmem>>[vector<16xi32>], vector<16xf32>,
          %add3A_1319 = arith.constant 8 : i32
          %add3A_1320 = arith.addi %multiple_of3A_1014, %add3A_1319 : i32
          %mul3A_1321 = arith.constant 64 : i32
          %mul3A_1322 = arith.muli %add3A_1320, %mul3A_1321 : i32
          %multiple_of3A_1323 = tpu.assume_multiple %mul3A_1322, 64 : i32
          %get3A_1324 = arith.index_cast %multiple_of3A_1323 : i32 to index
          %get3A_1325 = tpu.vector_load %arg7[%get3A_1324] {strides = array<i32>} : memref<32768xf32, #tpu.memory_space<vmem>>, vector<16xf32>,
          %mul3A_1326 = arith.mulf %get3A_1325, %gather3A_1318 : vector<16xf32>
          %add3A_1327 = arith.addf %add3A_1292, %mul3A_1326 : vector<16xf32>
          %add3A_1328 = arith.constant 16 : i32
          %add3A_1329 = arith.addi %multiple_of3A_1323, %add3A_1328 : i32
          %get3A_1330 = arith.index_cast %add3A_1329 : i32 to index
          %get3A_1331 = tpu.vector_load %arg7[%get3A_1330] {strides = array<i32>} : memref<32768xf32, #tpu.memory_space<vmem>>, vector<16xf32>,
          %mul3A_1332 = arith.mulf %get3A_1331, %gather3A_1318 : vector<16xf32>
          %add3A_1333 = arith.addf %add3A_1298, %mul3A_1332 : vector<16xf32>
          %add3A_1334 = arith.constant 32 : i32
          %add3A_1335 = arith.addi %multiple_of3A_1323, %add3A_1334 : i32
          %get3A_1336 = arith.index_cast %add3A_1335 : i32 to index
          %get3A_1337 = tpu.vector_load %arg7[%get3A_1336] {strides = array<i32>} : memref<32768xf32, #tpu.memory_space<vmem>>, vector<16xf32>,
          %mul3A_1338 = arith.mulf %get3A_1337, %gather3A_1318 : vector<16xf32>
          %add3A_1339 = arith.addf %add3A_1304, %mul3A_1338 : vector<16xf32>
          %add3A_1340 = arith.constant 48 : i32
          %add3A_1341 = arith.addi %multiple_of3A_1323, %add3A_1340 : i32
          %get3A_1342 = arith.index_cast %add3A_1341 : i32 to index
          %get3A_1343 = tpu.vector_load %arg7[%get3A_1342] {strides = array<i32>} : memref<32768xf32, #tpu.memory_space<vmem>>, vector<16xf32>,
          %mul3A_1344 = arith.mulf %get3A_1343, %gather3A_1318 : vector<16xf32>
          %add3A_1345 = arith.addf %add3A_1310, %mul3A_1344 : vector<16xf32>
          %add3A_1346 = arith.addf %add3A_1311, %gather3A_1318 : vector<16xf32>
          %broadcast_in_dim3A_1347 = arith.constant 1 : i32
          %broadcast_in_dim3A_1348 = vector.broadcast %broadcast_in_dim3A_1347 : i32 to vector<16xi32>
          %add3A_1349 = arith.constant 9 : i32
          %add3A_1350 = arith.addi %multiple_of3A_1014, %add3A_1349 : i32
          %mul3A_1351 = vector.broadcast %add3A_1350 : i32 to vector<16xi32>
          %mul3A_1352 = arith.muli %broadcast_in_dim3A_1348, %mul3A_1351 : vector<16xi32>
          %gather3A_1353 = tpu.vector_load_idx %arg10[%mul3A_1352] : memref<512xf32, #tpu.memory_space<vmem>>[vector<16xi32>], vector<16xf32>,
          %add3A_1354 = arith.constant 9 : i32
          %add3A_1355 = arith.addi %multiple_of3A_1014, %add3A_1354 : i32
          %mul3A_1356 = arith.constant 64 : i32
          %mul3A_1357 = arith.muli %add3A_1355, %mul3A_1356 : i32
          %multiple_of3A_1358 = tpu.assume_multiple %mul3A_1357, 64 : i32
          %get3A_1359 = arith.index_cast %multiple_of3A_1358 : i32 to index
          %get3A_1360 = tpu.vector_load %arg7[%get3A_1359] {strides = array<i32>} : memref<32768xf32, #tpu.memory_space<vmem>>, vector<16xf32>,
          %mul3A_1361 = arith.mulf %get3A_1360, %gather3A_1353 : vector<16xf32>
          %add3A_1362 = arith.addf %add3A_1327, %mul3A_1361 : vector<16xf32>
          %add3A_1363 = arith.constant 16 : i32
          %add3A_1364 = arith.addi %multiple_of3A_1358, %add3A_1363 : i32
          %get3A_1365 = arith.index_cast %add3A_1364 : i32 to index
          %get3A_1366 = tpu.vector_load %arg7[%get3A_1365] {strides = array<i32>} : memref<32768xf32, #tpu.memory_space<vmem>>, vector<16xf32>,
          %mul3A_1367 = arith.mulf %get3A_1366, %gather3A_1353 : vector<16xf32>
          %add3A_1368 = arith.addf %add3A_1333, %mul3A_1367 : vector<16xf32>
          %add3A_1369 = arith.constant 32 : i32
          %add3A_1370 = arith.addi %multiple_of3A_1358, %add3A_1369 : i32
          %get3A_1371 = arith.index_cast %add3A_1370 : i32 to index
          %get3A_1372 = tpu.vector_load %arg7[%get3A_1371] {strides = array<i32>} : memref<32768xf32, #tpu.memory_space<vmem>>, vector<16xf32>,
          %mul3A_1373 = arith.mulf %get3A_1372, %gather3A_1353 : vector<16xf32>
          %add3A_1374 = arith.addf %add3A_1339, %mul3A_1373 : vector<16xf32>
          %add3A_1375 = arith.constant 48 : i32
          %add3A_1376 = arith.addi %multiple_of3A_1358, %add3A_1375 : i32
          %get3A_1377 = arith.index_cast %add3A_1376 : i32 to index
          %get3A_1378 = tpu.vector_load %arg7[%get3A_1377] {strides = array<i32>} : memref<32768xf32, #tpu.memory_space<vmem>>, vector<16xf32>,
          %mul3A_1379 = arith.mulf %get3A_1378, %gather3A_1353 : vector<16xf32>
          %add3A_1380 = arith.addf %add3A_1345, %mul3A_1379 : vector<16xf32>
          %add3A_1381 = arith.addf %add3A_1346, %gather3A_1353 : vector<16xf32>
          %broadcast_in_dim3A_1382 = arith.constant 1 : i32
          %broadcast_in_dim3A_1383 = vector.broadcast %broadcast_in_dim3A_1382 : i32 to vector<16xi32>
          %add3A_1384 = arith.constant 10 : i32
          %add3A_1385 = arith.addi %multiple_of3A_1014, %add3A_1384 : i32
          %mul3A_1386 = vector.broadcast %add3A_1385 : i32 to vector<16xi32>
          %mul3A_1387 = arith.muli %broadcast_in_dim3A_1383, %mul3A_1386 : vector<16xi32>
          %gather3A_1388 = tpu.vector_load_idx %arg10[%mul3A_1387] : memref<512xf32, #tpu.memory_space<vmem>>[vector<16xi32>], vector<16xf32>,
          %add3A_1389 = arith.constant 10 : i32
          %add3A_1390 = arith.addi %multiple_of3A_1014, %add3A_1389 : i32
          %mul3A_1391 = arith.constant 64 : i32
          %mul3A_1392 = arith.muli %add3A_1390, %mul3A_1391 : i32
          %multiple_of3A_1393 = tpu.assume_multiple %mul3A_1392, 64 : i32
          %get3A_1394 = arith.index_cast %multiple_of3A_1393 : i32 to index
          %get3A_1395 = tpu.vector_load %arg7[%get3A_1394] {strides = array<i32>} : memref<32768xf32, #tpu.memory_space<vmem>>, vector<16xf32>,
          %mul3A_1396 = arith.mulf %get3A_1395, %gather3A_1388 : vector<16xf32>
          %add3A_1397 = arith.addf %add3A_1362, %mul3A_1396 : vector<16xf32>
          %add3A_1398 = arith.constant 16 : i32
          %add3A_1399 = arith.addi %multiple_of3A_1393, %add3A_1398 : i32
          %get3A_1400 = arith.index_cast %add3A_1399 : i32 to index
          %get3A_1401 = tpu.vector_load %arg7[%get3A_1400] {strides = array<i32>} : memref<32768xf32, #tpu.memory_space<vmem>>, vector<16xf32>,
          %mul3A_1402 = arith.mulf %get3A_1401, %gather3A_1388 : vector<16xf32>
          %add3A_1403 = arith.addf %add3A_1368, %mul3A_1402 : vector<16xf32>
          %add3A_1404 = arith.constant 32 : i32
          %add3A_1405 = arith.addi %multiple_of3A_1393, %add3A_1404 : i32
          %get3A_1406 = arith.index_cast %add3A_1405 : i32 to index
          %get3A_1407 = tpu.vector_load %arg7[%get3A_1406] {strides = array<i32>} : memref<32768xf32, #tpu.memory_space<vmem>>, vector<16xf32>,
          %mul3A_1408 = arith.mulf %get3A_1407, %gather3A_1388 : vector<16xf32>
          %add3A_1409 = arith.addf %add3A_1374, %mul3A_1408 : vector<16xf32>
          %add3A_1410 = arith.constant 48 : i32
          %add3A_1411 = arith.addi %multiple_of3A_1393, %add3A_1410 : i32
          %get3A_1412 = arith.index_cast %add3A_1411 : i32 to index
          %get3A_1413 = tpu.vector_load %arg7[%get3A_1412] {strides = array<i32>} : memref<32768xf32, #tpu.memory_space<vmem>>, vector<16xf32>,
          %mul3A_1414 = arith.mulf %get3A_1413, %gather3A_1388 : vector<16xf32>
          %add3A_1415 = arith.addf %add3A_1380, %mul3A_1414 : vector<16xf32>
          %add3A_1416 = arith.addf %add3A_1381, %gather3A_1388 : vector<16xf32>
          %broadcast_in_dim3A_1417 = arith.constant 1 : i32
          %broadcast_in_dim3A_1418 = vector.broadcast %broadcast_in_dim3A_1417 : i32 to vector<16xi32>
          %add3A_1419 = arith.constant 11 : i32
          %add3A_1420 = arith.addi %multiple_of3A_1014, %add3A_1419 : i32
          %mul3A_1421 = vector.broadcast %add3A_1420 : i32 to vector<16xi32>
          %mul3A_1422 = arith.muli %broadcast_in_dim3A_1418, %mul3A_1421 : vector<16xi32>
          %gather3A_1423 = tpu.vector_load_idx %arg10[%mul3A_1422] : memref<512xf32, #tpu.memory_space<vmem>>[vector<16xi32>], vector<16xf32>,
          %add3A_1424 = arith.constant 11 : i32
          %add3A_1425 = arith.addi %multiple_of3A_1014, %add3A_1424 : i32
          %mul3A_1426 = arith.constant 64 : i32
          %mul3A_1427 = arith.muli %add3A_1425, %mul3A_1426 : i32
          %multiple_of3A_1428 = tpu.assume_multiple %mul3A_1427, 64 : i32
          %get3A_1429 = arith.index_cast %multiple_of3A_1428 : i32 to index
          %get3A_1430 = tpu.vector_load %arg7[%get3A_1429] {strides = array<i32>} : memref<32768xf32, #tpu.memory_space<vmem>>, vector<16xf32>,
          %mul3A_1431 = arith.mulf %get3A_1430, %gather3A_1423 : vector<16xf32>
          %add3A_1432 = arith.addf %add3A_1397, %mul3A_1431 : vector<16xf32>
          %add3A_1433 = arith.constant 16 : i32
          %add3A_1434 = arith.addi %multiple_of3A_1428, %add3A_1433 : i32
          %get3A_1435 = arith.index_cast %add3A_1434 : i32 to index
          %get3A_1436 = tpu.vector_load %arg7[%get3A_1435] {strides = array<i32>} : memref<32768xf32, #tpu.memory_space<vmem>>, vector<16xf32>,
          %mul3A_1437 = arith.mulf %get3A_1436, %gather3A_1423 : vector<16xf32>
          %add3A_1438 = arith.addf %add3A_1403, %mul3A_1437 : vector<16xf32>
          %add3A_1439 = arith.constant 32 : i32
          %add3A_1440 = arith.addi %multiple_of3A_1428, %add3A_1439 : i32
          %get3A_1441 = arith.index_cast %add3A_1440 : i32 to index
          %get3A_1442 = tpu.vector_load %arg7[%get3A_1441] {strides = array<i32>} : memref<32768xf32, #tpu.memory_space<vmem>>, vector<16xf32>,
          %mul3A_1443 = arith.mulf %get3A_1442, %gather3A_1423 : vector<16xf32>
          %add3A_1444 = arith.addf %add3A_1409, %mul3A_1443 : vector<16xf32>
          %add3A_1445 = arith.constant 48 : i32
          %add3A_1446 = arith.addi %multiple_of3A_1428, %add3A_1445 : i32
          %get3A_1447 = arith.index_cast %add3A_1446 : i32 to index
          %get3A_1448 = tpu.vector_load %arg7[%get3A_1447] {strides = array<i32>} : memref<32768xf32, #tpu.memory_space<vmem>>, vector<16xf32>,
          %mul3A_1449 = arith.mulf %get3A_1448, %gather3A_1423 : vector<16xf32>
          %add3A_1450 = arith.addf %add3A_1415, %mul3A_1449 : vector<16xf32>
          %add3A_1451 = arith.addf %add3A_1416, %gather3A_1423 : vector<16xf32>
          %broadcast_in_dim3A_1452 = arith.constant 1 : i32
          %broadcast_in_dim3A_1453 = vector.broadcast %broadcast_in_dim3A_1452 : i32 to vector<16xi32>
          %add3A_1454 = arith.constant 12 : i32
          %add3A_1455 = arith.addi %multiple_of3A_1014, %add3A_1454 : i32
          %mul3A_1456 = vector.broadcast %add3A_1455 : i32 to vector<16xi32>
          %mul3A_1457 = arith.muli %broadcast_in_dim3A_1453, %mul3A_1456 : vector<16xi32>
          %gather3A_1458 = tpu.vector_load_idx %arg10[%mul3A_1457] : memref<512xf32, #tpu.memory_space<vmem>>[vector<16xi32>], vector<16xf32>,
          %add3A_1459 = arith.constant 12 : i32
          %add3A_1460 = arith.addi %multiple_of3A_1014, %add3A_1459 : i32
          %mul3A_1461 = arith.constant 64 : i32
          %mul3A_1462 = arith.muli %add3A_1460, %mul3A_1461 : i32
          %multiple_of3A_1463 = tpu.assume_multiple %mul3A_1462, 64 : i32
          %get3A_1464 = arith.index_cast %multiple_of3A_1463 : i32 to index
          %get3A_1465 = tpu.vector_load %arg7[%get3A_1464] {strides = array<i32>} : memref<32768xf32, #tpu.memory_space<vmem>>, vector<16xf32>,
          %mul3A_1466 = arith.mulf %get3A_1465, %gather3A_1458 : vector<16xf32>
          %add3A_1467 = arith.addf %add3A_1432, %mul3A_1466 : vector<16xf32>
          %add3A_1468 = arith.constant 16 : i32
          %add3A_1469 = arith.addi %multiple_of3A_1463, %add3A_1468 : i32
          %get3A_1470 = arith.index_cast %add3A_1469 : i32 to index
          %get3A_1471 = tpu.vector_load %arg7[%get3A_1470] {strides = array<i32>} : memref<32768xf32, #tpu.memory_space<vmem>>, vector<16xf32>,
          %mul3A_1472 = arith.mulf %get3A_1471, %gather3A_1458 : vector<16xf32>
          %add3A_1473 = arith.addf %add3A_1438, %mul3A_1472 : vector<16xf32>
          %add3A_1474 = arith.constant 32 : i32
          %add3A_1475 = arith.addi %multiple_of3A_1463, %add3A_1474 : i32
          %get3A_1476 = arith.index_cast %add3A_1475 : i32 to index
          %get3A_1477 = tpu.vector_load %arg7[%get3A_1476] {strides = array<i32>} : memref<32768xf32, #tpu.memory_space<vmem>>, vector<16xf32>,
          %mul3A_1478 = arith.mulf %get3A_1477, %gather3A_1458 : vector<16xf32>
          %add3A_1479 = arith.addf %add3A_1444, %mul3A_1478 : vector<16xf32>
          %add3A_1480 = arith.constant 48 : i32
          %add3A_1481 = arith.addi %multiple_of3A_1463, %add3A_1480 : i32
          %get3A_1482 = arith.index_cast %add3A_1481 : i32 to index
          %get3A_1483 = tpu.vector_load %arg7[%get3A_1482] {strides = array<i32>} : memref<32768xf32, #tpu.memory_space<vmem>>, vector<16xf32>,
          %mul3A_1484 = arith.mulf %get3A_1483, %gather3A_1458 : vector<16xf32>
          %add3A_1485 = arith.addf %add3A_1450, %mul3A_1484 : vector<16xf32>
          %add3A_1486 = arith.addf %add3A_1451, %gather3A_1458 : vector<16xf32>
          %broadcast_in_dim3A_1487 = arith.constant 1 : i32
          %broadcast_in_dim3A_1488 = vector.broadcast %broadcast_in_dim3A_1487 : i32 to vector<16xi32>
          %add3A_1489 = arith.constant 13 : i32
          %add3A_1490 = arith.addi %multiple_of3A_1014, %add3A_1489 : i32
          %mul3A_1491 = vector.broadcast %add3A_1490 : i32 to vector<16xi32>
          %mul3A_1492 = arith.muli %broadcast_in_dim3A_1488, %mul3A_1491 : vector<16xi32>
          %gather3A_1493 = tpu.vector_load_idx %arg10[%mul3A_1492] : memref<512xf32, #tpu.memory_space<vmem>>[vector<16xi32>], vector<16xf32>,
          %add3A_1494 = arith.constant 13 : i32
          %add3A_1495 = arith.addi %multiple_of3A_1014, %add3A_1494 : i32
          %mul3A_1496 = arith.constant 64 : i32
          %mul3A_1497 = arith.muli %add3A_1495, %mul3A_1496 : i32
          %multiple_of3A_1498 = tpu.assume_multiple %mul3A_1497, 64 : i32
          %get3A_1499 = arith.index_cast %multiple_of3A_1498 : i32 to index
          %get3A_1500 = tpu.vector_load %arg7[%get3A_1499] {strides = array<i32>} : memref<32768xf32, #tpu.memory_space<vmem>>, vector<16xf32>,
          %mul3A_1501 = arith.mulf %get3A_1500, %gather3A_1493 : vector<16xf32>
          %add3A_1502 = arith.addf %add3A_1467, %mul3A_1501 : vector<16xf32>
          %add3A_1503 = arith.constant 16 : i32
          %add3A_1504 = arith.addi %multiple_of3A_1498, %add3A_1503 : i32
          %get3A_1505 = arith.index_cast %add3A_1504 : i32 to index
          %get3A_1506 = tpu.vector_load %arg7[%get3A_1505] {strides = array<i32>} : memref<32768xf32, #tpu.memory_space<vmem>>, vector<16xf32>,
          %mul3A_1507 = arith.mulf %get3A_1506, %gather3A_1493 : vector<16xf32>
          %add3A_1508 = arith.addf %add3A_1473, %mul3A_1507 : vector<16xf32>
          %add3A_1509 = arith.constant 32 : i32
          %add3A_1510 = arith.addi %multiple_of3A_1498, %add3A_1509 : i32
          %get3A_1511 = arith.index_cast %add3A_1510 : i32 to index
          %get3A_1512 = tpu.vector_load %arg7[%get3A_1511] {strides = array<i32>} : memref<32768xf32, #tpu.memory_space<vmem>>, vector<16xf32>,
          %mul3A_1513 = arith.mulf %get3A_1512, %gather3A_1493 : vector<16xf32>
          %add3A_1514 = arith.addf %add3A_1479, %mul3A_1513 : vector<16xf32>
          %add3A_1515 = arith.constant 48 : i32
          %add3A_1516 = arith.addi %multiple_of3A_1498, %add3A_1515 : i32
          %get3A_1517 = arith.index_cast %add3A_1516 : i32 to index
          %get3A_1518 = tpu.vector_load %arg7[%get3A_1517] {strides = array<i32>} : memref<32768xf32, #tpu.memory_space<vmem>>, vector<16xf32>,
          %mul3A_1519 = arith.mulf %get3A_1518, %gather3A_1493 : vector<16xf32>
          %add3A_1520 = arith.addf %add3A_1485, %mul3A_1519 : vector<16xf32>
          %add3A_1521 = arith.addf %add3A_1486, %gather3A_1493 : vector<16xf32>
          %broadcast_in_dim3A_1522 = arith.constant 1 : i32
          %broadcast_in_dim3A_1523 = vector.broadcast %broadcast_in_dim3A_1522 : i32 to vector<16xi32>
          %add3A_1524 = arith.constant 14 : i32
          %add3A_1525 = arith.addi %multiple_of3A_1014, %add3A_1524 : i32
          %mul3A_1526 = vector.broadcast %add3A_1525 : i32 to vector<16xi32>
          %mul3A_1527 = arith.muli %broadcast_in_dim3A_1523, %mul3A_1526 : vector<16xi32>
          %gather3A_1528 = tpu.vector_load_idx %arg10[%mul3A_1527] : memref<512xf32, #tpu.memory_space<vmem>>[vector<16xi32>], vector<16xf32>,
          %add3A_1529 = arith.constant 14 : i32
          %add3A_1530 = arith.addi %multiple_of3A_1014, %add3A_1529 : i32
          %mul3A_1531 = arith.constant 64 : i32
          %mul3A_1532 = arith.muli %add3A_1530, %mul3A_1531 : i32
          %multiple_of3A_1533 = tpu.assume_multiple %mul3A_1532, 64 : i32
          %get3A_1534 = arith.index_cast %multiple_of3A_1533 : i32 to index
          %get3A_1535 = tpu.vector_load %arg7[%get3A_1534] {strides = array<i32>} : memref<32768xf32, #tpu.memory_space<vmem>>, vector<16xf32>,
          %mul3A_1536 = arith.mulf %get3A_1535, %gather3A_1528 : vector<16xf32>
          %add3A_1537 = arith.addf %add3A_1502, %mul3A_1536 : vector<16xf32>
          %add3A_1538 = arith.constant 16 : i32
          %add3A_1539 = arith.addi %multiple_of3A_1533, %add3A_1538 : i32
          %get3A_1540 = arith.index_cast %add3A_1539 : i32 to index
          %get3A_1541 = tpu.vector_load %arg7[%get3A_1540] {strides = array<i32>} : memref<32768xf32, #tpu.memory_space<vmem>>, vector<16xf32>,
          %mul3A_1542 = arith.mulf %get3A_1541, %gather3A_1528 : vector<16xf32>
          %add3A_1543 = arith.addf %add3A_1508, %mul3A_1542 : vector<16xf32>
          %add3A_1544 = arith.constant 32 : i32
          %add3A_1545 = arith.addi %multiple_of3A_1533, %add3A_1544 : i32
          %get3A_1546 = arith.index_cast %add3A_1545 : i32 to index
          %get3A_1547 = tpu.vector_load %arg7[%get3A_1546] {strides = array<i32>} : memref<32768xf32, #tpu.memory_space<vmem>>, vector<16xf32>,
          %mul3A_1548 = arith.mulf %get3A_1547, %gather3A_1528 : vector<16xf32>
          %add3A_1549 = arith.addf %add3A_1514, %mul3A_1548 : vector<16xf32>
          %add3A_1550 = arith.constant 48 : i32
          %add3A_1551 = arith.addi %multiple_of3A_1533, %add3A_1550 : i32
          %get3A_1552 = arith.index_cast %add3A_1551 : i32 to index
          %get3A_1553 = tpu.vector_load %arg7[%get3A_1552] {strides = array<i32>} : memref<32768xf32, #tpu.memory_space<vmem>>, vector<16xf32>,
          %mul3A_1554 = arith.mulf %get3A_1553, %gather3A_1528 : vector<16xf32>
          %add3A_1555 = arith.addf %add3A_1520, %mul3A_1554 : vector<16xf32>
          %add3A_1556 = arith.addf %add3A_1521, %gather3A_1528 : vector<16xf32>
          %broadcast_in_dim3A_1557 = arith.constant 1 : i32
          %broadcast_in_dim3A_1558 = vector.broadcast %broadcast_in_dim3A_1557 : i32 to vector<16xi32>
          %add3A_1559 = arith.constant 15 : i32
          %add3A_1560 = arith.addi %multiple_of3A_1014, %add3A_1559 : i32
          %mul3A_1561 = vector.broadcast %add3A_1560 : i32 to vector<16xi32>
          %mul3A_1562 = arith.muli %broadcast_in_dim3A_1558, %mul3A_1561 : vector<16xi32>
          %gather3A_1563 = tpu.vector_load_idx %arg10[%mul3A_1562] : memref<512xf32, #tpu.memory_space<vmem>>[vector<16xi32>], vector<16xf32>,
          %add3A_1564 = arith.constant 15 : i32
          %add3A_1565 = arith.addi %multiple_of3A_1014, %add3A_1564 : i32
          %mul3A_1566 = arith.constant 64 : i32
          %mul3A_1567 = arith.muli %add3A_1565, %mul3A_1566 : i32
          %multiple_of3A_1568 = tpu.assume_multiple %mul3A_1567, 64 : i32
          %get3A_1569 = arith.index_cast %multiple_of3A_1568 : i32 to index
          %get3A_1570 = tpu.vector_load %arg7[%get3A_1569] {strides = array<i32>} : memref<32768xf32, #tpu.memory_space<vmem>>, vector<16xf32>,
          %mul3A_1571 = arith.mulf %get3A_1570, %gather3A_1563 : vector<16xf32>
          %add3A_1572 = arith.addf %add3A_1537, %mul3A_1571 : vector<16xf32>
          %add3A_1573 = arith.constant 16 : i32
          %add3A_1574 = arith.addi %multiple_of3A_1568, %add3A_1573 : i32
          %get3A_1575 = arith.index_cast %add3A_1574 : i32 to index
          %get3A_1576 = tpu.vector_load %arg7[%get3A_1575] {strides = array<i32>} : memref<32768xf32, #tpu.memory_space<vmem>>, vector<16xf32>,
          %mul3A_1577 = arith.mulf %get3A_1576, %gather3A_1563 : vector<16xf32>
          %add3A_1578 = arith.addf %add3A_1543, %mul3A_1577 : vector<16xf32>
          %add3A_1579 = arith.constant 32 : i32
          %add3A_1580 = arith.addi %multiple_of3A_1568, %add3A_1579 : i32
          %get3A_1581 = arith.index_cast %add3A_1580 : i32 to index
          %get3A_1582 = tpu.vector_load %arg7[%get3A_1581] {strides = array<i32>} : memref<32768xf32, #tpu.memory_space<vmem>>, vector<16xf32>,
          %mul3A_1583 = arith.mulf %get3A_1582, %gather3A_1563 : vector<16xf32>
          %add3A_1584 = arith.addf %add3A_1549, %mul3A_1583 : vector<16xf32>
          %add3A_1585 = arith.constant 48 : i32
          %add3A_1586 = arith.addi %multiple_of3A_1568, %add3A_1585 : i32
          %get3A_1587 = arith.index_cast %add3A_1586 : i32 to index
          %get3A_1588 = tpu.vector_load %arg7[%get3A_1587] {strides = array<i32>} : memref<32768xf32, #tpu.memory_space<vmem>>, vector<16xf32>,
          %mul3A_1589 = arith.mulf %get3A_1588, %gather3A_1563 : vector<16xf32>
          %add3A_1590 = arith.addf %add3A_1555, %mul3A_1589 : vector<16xf32>
          %add3A_1591 = arith.addf %add3A_1556, %gather3A_1563 : vector<16xf32>
          scf.yield %add3A_1572, %add3A_1578, %add3A_1584, %add3A_1590, %add3A_1591, %scan3A_1011 : vector<16xf32>, vector<16xf32>, vector<16xf32>, vector<16xf32>, vector<16xf32>, vector<16xi32>
        } else {
          %add3A_1032 = arith.constant 0 : i32
          %add3A_1033 = vector.broadcast %add3A_1032 : i32 to vector<16xi32>
          %add3A_1034 = arith.addi %iota3A, %add3A_1033 : vector<16xi32>
          tpu.vector_store_idx %arg12[%scan3A_1011, %add3A_1034], %scan3A_1006 {add = true} : memref<1024x80xf32, #tpu.memory_space<vmem>>[vector<16xi32>, vector<16xi32>], vector<16xf32>,
          %add3A_1035 = arith.constant 16 : i32
          %add3A_1036 = vector.broadcast %add3A_1035 : i32 to vector<16xi32>
          %add3A_1037 = arith.addi %iota3A, %add3A_1036 : vector<16xi32>
          tpu.vector_store_idx %arg12[%scan3A_1011, %add3A_1037], %scan3A_1007 {add = true} : memref<1024x80xf32, #tpu.memory_space<vmem>>[vector<16xi32>, vector<16xi32>], vector<16xf32>,
          %add3A_1038 = arith.constant 32 : i32
          %add3A_1039 = vector.broadcast %add3A_1038 : i32 to vector<16xi32>
          %add3A_1040 = arith.addi %iota3A, %add3A_1039 : vector<16xi32>
          tpu.vector_store_idx %arg12[%scan3A_1011, %add3A_1040], %scan3A_1008 {add = true} : memref<1024x80xf32, #tpu.memory_space<vmem>>[vector<16xi32>, vector<16xi32>], vector<16xf32>,
          %add3A_1041 = arith.constant 48 : i32
          %add3A_1042 = vector.broadcast %add3A_1041 : i32 to vector<16xi32>
          %add3A_1043 = arith.addi %iota3A, %add3A_1042 : vector<16xi32>
          tpu.vector_store_idx %arg12[%scan3A_1011, %add3A_1043], %scan3A_1009 {add = true} : memref<1024x80xf32, #tpu.memory_space<vmem>>[vector<16xi32>, vector<16xi32>], vector<16xf32>,
          %add3A_1044 = arith.constant 64 : i32
          %add3A_1045 = vector.broadcast %add3A_1044 : i32 to vector<16xi32>
          %add3A_1046 = arith.addi %iota3A, %add3A_1045 : vector<16xi32>
          %mul3A_1047 = arith.mulf %scan3A_1010, %convert_element_type3A_5 : vector<16xf32>
          tpu.vector_store_idx %arg12[%scan3A_1011, %add3A_1046], %mul3A_1047 {add = true} : memref<1024x80xf32, #tpu.memory_space<vmem>>[vector<16xi32>, vector<16xi32>], vector<16xf32>,
          %add3A_1048 = arith.constant 0 : i32
          %add3A_1049 = arith.addi %multiple_of3A_1014, %add3A_1048 : i32
          %broadcast_in_dim3A_1050 = arith.constant 1 : i32
          %broadcast_in_dim3A_1051 = vector.broadcast %broadcast_in_dim3A_1050 : i32 to vector<16xi32>
          %mul3A_1052 = vector.broadcast %add3A_1049 : i32 to vector<16xi32>
          %mul3A_1053 = arith.muli %broadcast_in_dim3A_1051, %mul3A_1052 : vector<16xi32>
          %gather3A_1054 = tpu.vector_load_idx %arg10[%mul3A_1053] : memref<512xf32, #tpu.memory_space<vmem>>[vector<16xi32>], vector<16xf32>,
          %broadcast_in_dim3A_1055 = arith.constant 1 : i32
          %broadcast_in_dim3A_1056 = vector.broadcast %broadcast_in_dim3A_1055 : i32 to vector<16xi32>
          %mul3A_1057 = vector.broadcast %add3A_1049 : i32 to vector<16xi32>
          %mul3A_1058 = arith.muli %broadcast_in_dim3A_1056, %mul3A_1057 : vector<16xi32>
          %gather3A_1059 = tpu.vector_load_idx %arg9[%mul3A_1058] : memref<512xi32, #tpu.memory_space<vmem>>[vector<16xi32>], vector<16xi32>,
          %mul3A_1060 = arith.constant 64 : i32
          %mul3A_1061 = arith.muli %add3A_1049, %mul3A_1060 : i32
          %multiple_of3A_1062 = tpu.assume_multiple %mul3A_1061, 64 : i32
          %add3A_1063 = arith.constant 0 : i32
          %add3A_1064 = arith.addi %multiple_of3A_1062, %add3A_1063 : i32
          %get3A_1065 = arith.index_cast %add3A_1064 : i32 to index
          %get3A_1066 = tpu.vector_load %arg7[%get3A_1065] {strides = array<i32>} : memref<32768xf32, #tpu.memory_space<vmem>>, vector<16xf32>,
          %add3A_1067 = arith.constant 0 : i32
          %add3A_1068 = vector.broadcast %add3A_1067 : i32 to vector<16xi32>
          %add3A_1069 = arith.addi %iota3A, %add3A_1068 : vector<16xi32>
          %mul3A_1070 = arith.mulf %get3A_1066, %gather3A_1054 : vector<16xf32>
          tpu.vector_store_idx %arg12[%gather3A_1059, %add3A_1069], %mul3A_1070 {add = true} : memref<1024x80xf32, #tpu.memory_space<vmem>>[vector<16xi32>, vector<16xi32>], vector<16xf32>,
          %add3A_1071 = arith.constant 16 : i32
          %add3A_1072 = arith.addi %multiple_of3A_1062, %add3A_1071 : i32
          %get3A_1073 = arith.index_cast %add3A_1072 : i32 to index
          %get3A_1074 = tpu.vector_load %arg7[%get3A_1073] {strides = array<i32>} : memref<32768xf32, #tpu.memory_space<vmem>>, vector<16xf32>,
          %add3A_1075 = arith.constant 16 : i32
          %add3A_1076 = vector.broadcast %add3A_1075 : i32 to vector<16xi32>
          %add3A_1077 = arith.addi %iota3A, %add3A_1076 : vector<16xi32>
          %mul3A_1078 = arith.mulf %get3A_1074, %gather3A_1054 : vector<16xf32>
          tpu.vector_store_idx %arg12[%gather3A_1059, %add3A_1077], %mul3A_1078 {add = true} : memref<1024x80xf32, #tpu.memory_space<vmem>>[vector<16xi32>, vector<16xi32>], vector<16xf32>,
          %add3A_1079 = arith.constant 32 : i32
          %add3A_1080 = arith.addi %multiple_of3A_1062, %add3A_1079 : i32
          %get3A_1081 = arith.index_cast %add3A_1080 : i32 to index
          %get3A_1082 = tpu.vector_load %arg7[%get3A_1081] {strides = array<i32>} : memref<32768xf32, #tpu.memory_space<vmem>>, vector<16xf32>,
          %add3A_1083 = arith.constant 32 : i32
          %add3A_1084 = vector.broadcast %add3A_1083 : i32 to vector<16xi32>
          %add3A_1085 = arith.addi %iota3A, %add3A_1084 : vector<16xi32>
          %mul3A_1086 = arith.mulf %get3A_1082, %gather3A_1054 : vector<16xf32>
          tpu.vector_store_idx %arg12[%gather3A_1059, %add3A_1085], %mul3A_1086 {add = true} : memref<1024x80xf32, #tpu.memory_space<vmem>>[vector<16xi32>, vector<16xi32>], vector<16xf32>,
          %add3A_1087 = arith.constant 48 : i32
          %add3A_1088 = arith.addi %multiple_of3A_1062, %add3A_1087 : i32
          %get3A_1089 = arith.index_cast %add3A_1088 : i32 to index
          %get3A_1090 = tpu.vector_load %arg7[%get3A_1089] {strides = array<i32>} : memref<32768xf32, #tpu.memory_space<vmem>>, vector<16xf32>,
          %add3A_1091 = arith.constant 48 : i32
          %add3A_1092 = vector.broadcast %add3A_1091 : i32 to vector<16xi32>
          %add3A_1093 = arith.addi %iota3A, %add3A_1092 : vector<16xi32>
          %mul3A_1094 = arith.mulf %get3A_1090, %gather3A_1054 : vector<16xf32>
          tpu.vector_store_idx %arg12[%gather3A_1059, %add3A_1093], %mul3A_1094 {add = true} : memref<1024x80xf32, #tpu.memory_space<vmem>>[vector<16xi32>, vector<16xi32>], vector<16xf32>,
          %add3A_1095 = arith.constant 64 : i32
          %add3A_1096 = vector.broadcast %add3A_1095 : i32 to vector<16xi32>
          %add3A_1097 = arith.addi %iota3A, %add3A_1096 : vector<16xi32>
          %mul3A_1098 = arith.mulf %gather3A_1054, %convert_element_type3A_5 : vector<16xf32>
          tpu.vector_store_idx %arg12[%gather3A_1059, %add3A_1097], %mul3A_1098 {add = true} : memref<1024x80xf32, #tpu.memory_space<vmem>>[vector<16xi32>, vector<16xi32>], vector<16xf32>,
          %add3A_1099 = arith.constant 1 : i32
          %add3A_1100 = arith.addi %multiple_of3A_1014, %add3A_1099 : i32
          %broadcast_in_dim3A_1101 = arith.constant 1 : i32
          %broadcast_in_dim3A_1102 = vector.broadcast %broadcast_in_dim3A_1101 : i32 to vector<16xi32>
          %mul3A_1103 = vector.broadcast %add3A_1100 : i32 to vector<16xi32>
          %mul3A_1104 = arith.muli %broadcast_in_dim3A_1102, %mul3A_1103 : vector<16xi32>
          %gather3A_1105 = tpu.vector_load_idx %arg10[%mul3A_1104] : memref<512xf32, #tpu.memory_space<vmem>>[vector<16xi32>], vector<16xf32>,
          %broadcast_in_dim3A_1106 = arith.constant 1 : i32
          %broadcast_in_dim3A_1107 = vector.broadcast %broadcast_in_dim3A_1106 : i32 to vector<16xi32>
          %mul3A_1108 = vector.broadcast %add3A_1100 : i32 to vector<16xi32>
          %mul3A_1109 = arith.muli %broadcast_in_dim3A_1107, %mul3A_1108 : vector<16xi32>
          %gather3A_1110 = tpu.vector_load_idx %arg9[%mul3A_1109] : memref<512xi32, #tpu.memory_space<vmem>>[vector<16xi32>], vector<16xi32>,
          %mul3A_1111 = arith.constant 64 : i32
          %mul3A_1112 = arith.muli %add3A_1100, %mul3A_1111 : i32
          %multiple_of3A_1113 = tpu.assume_multiple %mul3A_1112, 64 : i32
          %add3A_1114 = arith.constant 0 : i32
          %add3A_1115 = arith.addi %multiple_of3A_1113, %add3A_1114 : i32
          %get3A_1116 = arith.index_cast %add3A_1115 : i32 to index
          %get3A_1117 = tpu.vector_load %arg7[%get3A_1116] {strides = array<i32>} : memref<32768xf32, #tpu.memory_space<vmem>>, vector<16xf32>,
          %add3A_1118 = arith.constant 0 : i32
          %add3A_1119 = vector.broadcast %add3A_1118 : i32 to vector<16xi32>
          %add3A_1120 = arith.addi %iota3A, %add3A_1119 : vector<16xi32>
          %mul3A_1121 = arith.mulf %get3A_1117, %gather3A_1105 : vector<16xf32>
          tpu.vector_store_idx %arg12[%gather3A_1110, %add3A_1120], %mul3A_1121 {add = true} : memref<1024x80xf32, #tpu.memory_space<vmem>>[vector<16xi32>, vector<16xi32>], vector<16xf32>,
          %add3A_1122 = arith.constant 16 : i32
          %add3A_1123 = arith.addi %multiple_of3A_1113, %add3A_1122 : i32
          %get3A_1124 = arith.index_cast %add3A_1123 : i32 to index
          %get3A_1125 = tpu.vector_load %arg7[%get3A_1124] {strides = array<i32>} : memref<32768xf32, #tpu.memory_space<vmem>>, vector<16xf32>,
          %add3A_1126 = arith.constant 16 : i32
          %add3A_1127 = vector.broadcast %add3A_1126 : i32 to vector<16xi32>
          %add3A_1128 = arith.addi %iota3A, %add3A_1127 : vector<16xi32>
          %mul3A_1129 = arith.mulf %get3A_1125, %gather3A_1105 : vector<16xf32>
          tpu.vector_store_idx %arg12[%gather3A_1110, %add3A_1128], %mul3A_1129 {add = true} : memref<1024x80xf32, #tpu.memory_space<vmem>>[vector<16xi32>, vector<16xi32>], vector<16xf32>,
          %add3A_1130 = arith.constant 32 : i32
          %add3A_1131 = arith.addi %multiple_of3A_1113, %add3A_1130 : i32
          %get3A_1132 = arith.index_cast %add3A_1131 : i32 to index
          %get3A_1133 = tpu.vector_load %arg7[%get3A_1132] {strides = array<i32>} : memref<32768xf32, #tpu.memory_space<vmem>>, vector<16xf32>,
          %add3A_1134 = arith.constant 32 : i32
          %add3A_1135 = vector.broadcast %add3A_1134 : i32 to vector<16xi32>
          %add3A_1136 = arith.addi %iota3A, %add3A_1135 : vector<16xi32>
          %mul3A_1137 = arith.mulf %get3A_1133, %gather3A_1105 : vector<16xf32>
          tpu.vector_store_idx %arg12[%gather3A_1110, %add3A_1136], %mul3A_1137 {add = true} : memref<1024x80xf32, #tpu.memory_space<vmem>>[vector<16xi32>, vector<16xi32>], vector<16xf32>,
          %add3A_1138 = arith.constant 48 : i32
          %add3A_1139 = arith.addi %multiple_of3A_1113, %add3A_1138 : i32
          %get3A_1140 = arith.index_cast %add3A_1139 : i32 to index
          %get3A_1141 = tpu.vector_load %arg7[%get3A_1140] {strides = array<i32>} : memref<32768xf32, #tpu.memory_space<vmem>>, vector<16xf32>,
          %add3A_1142 = arith.constant 48 : i32
          %add3A_1143 = vector.broadcast %add3A_1142 : i32 to vector<16xi32>
          %add3A_1144 = arith.addi %iota3A, %add3A_1143 : vector<16xi32>
          %mul3A_1145 = arith.mulf %get3A_1141, %gather3A_1105 : vector<16xf32>
          tpu.vector_store_idx %arg12[%gather3A_1110, %add3A_1144], %mul3A_1145 {add = true} : memref<1024x80xf32, #tpu.memory_space<vmem>>[vector<16xi32>, vector<16xi32>], vector<16xf32>,
          %add3A_1146 = arith.constant 64 : i32
          %add3A_1147 = vector.broadcast %add3A_1146 : i32 to vector<16xi32>
          %add3A_1148 = arith.addi %iota3A, %add3A_1147 : vector<16xi32>
          %mul3A_1149 = arith.mulf %gather3A_1105, %convert_element_type3A_5 : vector<16xf32>
          tpu.vector_store_idx %arg12[%gather3A_1110, %add3A_1148], %mul3A_1149 {add = true} : memref<1024x80xf32, #tpu.memory_space<vmem>>[vector<16xi32>, vector<16xi32>], vector<16xf32>,
          %add3A_1150 = arith.constant 2 : i32
          %add3A_1151 = arith.addi %multiple_of3A_1014, %add3A_1150 : i32
          %broadcast_in_dim3A_1152 = arith.constant 1 : i32
          %broadcast_in_dim3A_1153 = vector.broadcast %broadcast_in_dim3A_1152 : i32 to vector<16xi32>
          %mul3A_1154 = vector.broadcast %add3A_1151 : i32 to vector<16xi32>
          %mul3A_1155 = arith.muli %broadcast_in_dim3A_1153, %mul3A_1154 : vector<16xi32>
          %gather3A_1156 = tpu.vector_load_idx %arg10[%mul3A_1155] : memref<512xf32, #tpu.memory_space<vmem>>[vector<16xi32>], vector<16xf32>,
          %broadcast_in_dim3A_1157 = arith.constant 1 : i32
          %broadcast_in_dim3A_1158 = vector.broadcast %broadcast_in_dim3A_1157 : i32 to vector<16xi32>
          %mul3A_1159 = vector.broadcast %add3A_1151 : i32 to vector<16xi32>
          %mul3A_1160 = arith.muli %broadcast_in_dim3A_1158, %mul3A_1159 : vector<16xi32>
          %gather3A_1161 = tpu.vector_load_idx %arg9[%mul3A_1160] : memref<512xi32, #tpu.memory_space<vmem>>[vector<16xi32>], vector<16xi32>,
          %mul3A_1162 = arith.constant 64 : i32
          %mul3A_1163 = arith.muli %add3A_1151, %mul3A_1162 : i32
          %multiple_of3A_1164 = tpu.assume_multiple %mul3A_1163, 64 : i32
          %add3A_1165 = arith.constant 0 : i32
          %add3A_1166 = arith.addi %multiple_of3A_1164, %add3A_1165 : i32
          %get3A_1167 = arith.index_cast %add3A_1166 : i32 to index
          %get3A_1168 = tpu.vector_load %arg7[%get3A_1167] {strides = array<i32>} : memref<32768xf32, #tpu.memory_space<vmem>>, vector<16xf32>,
          %add3A_1169 = arith.constant 0 : i32
          %add3A_1170 = vector.broadcast %add3A_1169 : i32 to vector<16xi32>
          %add3A_1171 = arith.addi %iota3A, %add3A_1170 : vector<16xi32>
          %mul3A_1172 = arith.mulf %get3A_1168, %gather3A_1156 : vector<16xf32>
          tpu.vector_store_idx %arg12[%gather3A_1161, %add3A_1171], %mul3A_1172 {add = true} : memref<1024x80xf32, #tpu.memory_space<vmem>>[vector<16xi32>, vector<16xi32>], vector<16xf32>,
          %add3A_1173 = arith.constant 16 : i32
          %add3A_1174 = arith.addi %multiple_of3A_1164, %add3A_1173 : i32
          %get3A_1175 = arith.index_cast %add3A_1174 : i32 to index
          %get3A_1176 = tpu.vector_load %arg7[%get3A_1175] {strides = array<i32>} : memref<32768xf32, #tpu.memory_space<vmem>>, vector<16xf32>,
          %add3A_1177 = arith.constant 16 : i32
          %add3A_1178 = vector.broadcast %add3A_1177 : i32 to vector<16xi32>
          %add3A_1179 = arith.addi %iota3A, %add3A_1178 : vector<16xi32>
          %mul3A_1180 = arith.mulf %get3A_1176, %gather3A_1156 : vector<16xf32>
          tpu.vector_store_idx %arg12[%gather3A_1161, %add3A_1179], %mul3A_1180 {add = true} : memref<1024x80xf32, #tpu.memory_space<vmem>>[vector<16xi32>, vector<16xi32>], vector<16xf32>,
          %add3A_1181 = arith.constant 32 : i32
          %add3A_1182 = arith.addi %multiple_of3A_1164, %add3A_1181 : i32
          %get3A_1183 = arith.index_cast %add3A_1182 : i32 to index
          %get3A_1184 = tpu.vector_load %arg7[%get3A_1183] {strides = array<i32>} : memref<32768xf32, #tpu.memory_space<vmem>>, vector<16xf32>,
          %add3A_1185 = arith.constant 32 : i32
          %add3A_1186 = vector.broadcast %add3A_1185 : i32 to vector<16xi32>
          %add3A_1187 = arith.addi %iota3A, %add3A_1186 : vector<16xi32>
          %mul3A_1188 = arith.mulf %get3A_1184, %gather3A_1156 : vector<16xf32>
          tpu.vector_store_idx %arg12[%gather3A_1161, %add3A_1187], %mul3A_1188 {add = true} : memref<1024x80xf32, #tpu.memory_space<vmem>>[vector<16xi32>, vector<16xi32>], vector<16xf32>,
          %add3A_1189 = arith.constant 48 : i32
          %add3A_1190 = arith.addi %multiple_of3A_1164, %add3A_1189 : i32
          %get3A_1191 = arith.index_cast %add3A_1190 : i32 to index
          %get3A_1192 = tpu.vector_load %arg7[%get3A_1191] {strides = array<i32>} : memref<32768xf32, #tpu.memory_space<vmem>>, vector<16xf32>,
          %add3A_1193 = arith.constant 48 : i32
          %add3A_1194 = vector.broadcast %add3A_1193 : i32 to vector<16xi32>
          %add3A_1195 = arith.addi %iota3A, %add3A_1194 : vector<16xi32>
          %mul3A_1196 = arith.mulf %get3A_1192, %gather3A_1156 : vector<16xf32>
          tpu.vector_store_idx %arg12[%gather3A_1161, %add3A_1195], %mul3A_1196 {add = true} : memref<1024x80xf32, #tpu.memory_space<vmem>>[vector<16xi32>, vector<16xi32>], vector<16xf32>,
          %add3A_1197 = arith.constant 64 : i32
          %add3A_1198 = vector.broadcast %add3A_1197 : i32 to vector<16xi32>
          %add3A_1199 = arith.addi %iota3A, %add3A_1198 : vector<16xi32>
          %mul3A_1200 = arith.mulf %gather3A_1156, %convert_element_type3A_5 : vector<16xf32>
          tpu.vector_store_idx %arg12[%gather3A_1161, %add3A_1199], %mul3A_1200 {add = true} : memref<1024x80xf32, #tpu.memory_space<vmem>>[vector<16xi32>, vector<16xi32>], vector<16xf32>,
          %add3A_1201 = arith.constant 3 : i32
          %add3A_1202 = arith.addi %multiple_of3A_1014, %add3A_1201 : i32
          %broadcast_in_dim3A_1203 = arith.constant 1 : i32
          %broadcast_in_dim3A_1204 = vector.broadcast %broadcast_in_dim3A_1203 : i32 to vector<16xi32>
          %mul3A_1205 = vector.broadcast %add3A_1202 : i32 to vector<16xi32>
          %mul3A_1206 = arith.muli %broadcast_in_dim3A_1204, %mul3A_1205 : vector<16xi32>
          %gather3A_1207 = tpu.vector_load_idx %arg10[%mul3A_1206] : memref<512xf32, #tpu.memory_space<vmem>>[vector<16xi32>], vector<16xf32>,
          %broadcast_in_dim3A_1208 = arith.constant 1 : i32
          %broadcast_in_dim3A_1209 = vector.broadcast %broadcast_in_dim3A_1208 : i32 to vector<16xi32>
          %mul3A_1210 = vector.broadcast %add3A_1202 : i32 to vector<16xi32>
          %mul3A_1211 = arith.muli %broadcast_in_dim3A_1209, %mul3A_1210 : vector<16xi32>
          %gather3A_1212 = tpu.vector_load_idx %arg9[%mul3A_1211] : memref<512xi32, #tpu.memory_space<vmem>>[vector<16xi32>], vector<16xi32>,
          %mul3A_1213 = arith.constant 64 : i32
          %mul3A_1214 = arith.muli %add3A_1202, %mul3A_1213 : i32
          %multiple_of3A_1215 = tpu.assume_multiple %mul3A_1214, 64 : i32
          %add3A_1216 = arith.constant 0 : i32
          %add3A_1217 = arith.addi %multiple_of3A_1215, %add3A_1216 : i32
          %get3A_1218 = arith.index_cast %add3A_1217 : i32 to index
          %get3A_1219 = tpu.vector_load %arg7[%get3A_1218] {strides = array<i32>} : memref<32768xf32, #tpu.memory_space<vmem>>, vector<16xf32>,
          %add3A_1220 = arith.constant 0 : i32
          %add3A_1221 = vector.broadcast %add3A_1220 : i32 to vector<16xi32>
          %add3A_1222 = arith.addi %iota3A, %add3A_1221 : vector<16xi32>
          %mul3A_1223 = arith.mulf %get3A_1219, %gather3A_1207 : vector<16xf32>
          tpu.vector_store_idx %arg12[%gather3A_1212, %add3A_1222], %mul3A_1223 {add = true} : memref<1024x80xf32, #tpu.memory_space<vmem>>[vector<16xi32>, vector<16xi32>], vector<16xf32>,
          %add3A_1224 = arith.constant 16 : i32
          %add3A_1225 = arith.addi %multiple_of3A_1215, %add3A_1224 : i32
          %get3A_1226 = arith.index_cast %add3A_1225 : i32 to index
          %get3A_1227 = tpu.vector_load %arg7[%get3A_1226] {strides = array<i32>} : memref<32768xf32, #tpu.memory_space<vmem>>, vector<16xf32>,
          %add3A_1228 = arith.constant 16 : i32
          %add3A_1229 = vector.broadcast %add3A_1228 : i32 to vector<16xi32>
          %add3A_1230 = arith.addi %iota3A, %add3A_1229 : vector<16xi32>
          %mul3A_1231 = arith.mulf %get3A_1227, %gather3A_1207 : vector<16xf32>
          tpu.vector_store_idx %arg12[%gather3A_1212, %add3A_1230], %mul3A_1231 {add = true} : memref<1024x80xf32, #tpu.memory_space<vmem>>[vector<16xi32>, vector<16xi32>], vector<16xf32>,
          %add3A_1232 = arith.constant 32 : i32
          %add3A_1233 = arith.addi %multiple_of3A_1215, %add3A_1232 : i32
          %get3A_1234 = arith.index_cast %add3A_1233 : i32 to index
          %get3A_1235 = tpu.vector_load %arg7[%get3A_1234] {strides = array<i32>} : memref<32768xf32, #tpu.memory_space<vmem>>, vector<16xf32>,
          %add3A_1236 = arith.constant 32 : i32
          %add3A_1237 = vector.broadcast %add3A_1236 : i32 to vector<16xi32>
          %add3A_1238 = arith.addi %iota3A, %add3A_1237 : vector<16xi32>
          %mul3A_1239 = arith.mulf %get3A_1235, %gather3A_1207 : vector<16xf32>
          tpu.vector_store_idx %arg12[%gather3A_1212, %add3A_1238], %mul3A_1239 {add = true} : memref<1024x80xf32, #tpu.memory_space<vmem>>[vector<16xi32>, vector<16xi32>], vector<16xf32>,
          %add3A_1240 = arith.constant 48 : i32
          %add3A_1241 = arith.addi %multiple_of3A_1215, %add3A_1240 : i32
          %get3A_1242 = arith.index_cast %add3A_1241 : i32 to index
          %get3A_1243 = tpu.vector_load %arg7[%get3A_1242] {strides = array<i32>} : memref<32768xf32, #tpu.memory_space<vmem>>, vector<16xf32>,
          %add3A_1244 = arith.constant 48 : i32
          %add3A_1245 = vector.broadcast %add3A_1244 : i32 to vector<16xi32>
          %add3A_1246 = arith.addi %iota3A, %add3A_1245 : vector<16xi32>
          %mul3A_1247 = arith.mulf %get3A_1243, %gather3A_1207 : vector<16xf32>
          tpu.vector_store_idx %arg12[%gather3A_1212, %add3A_1246], %mul3A_1247 {add = true} : memref<1024x80xf32, #tpu.memory_space<vmem>>[vector<16xi32>, vector<16xi32>], vector<16xf32>,
          %add3A_1248 = arith.constant 64 : i32
          %add3A_1249 = vector.broadcast %add3A_1248 : i32 to vector<16xi32>
          %add3A_1250 = arith.addi %iota3A, %add3A_1249 : vector<16xi32>
          %mul3A_1251 = arith.mulf %gather3A_1207, %convert_element_type3A_5 : vector<16xf32>
          tpu.vector_store_idx %arg12[%gather3A_1212, %add3A_1250], %mul3A_1251 {add = true} : memref<1024x80xf32, #tpu.memory_space<vmem>>[vector<16xi32>, vector<16xi32>], vector<16xf32>,
          %add3A_1252 = arith.constant 4 : i32
          %add3A_1253 = arith.addi %multiple_of3A_1014, %add3A_1252 : i32
          %broadcast_in_dim3A_1254 = arith.constant 1 : i32
          %broadcast_in_dim3A_1255 = vector.broadcast %broadcast_in_dim3A_1254 : i32 to vector<16xi32>
          %mul3A_1256 = vector.broadcast %add3A_1253 : i32 to vector<16xi32>
          %mul3A_1257 = arith.muli %broadcast_in_dim3A_1255, %mul3A_1256 : vector<16xi32>
          %gather3A_1258 = tpu.vector_load_idx %arg10[%mul3A_1257] : memref<512xf32, #tpu.memory_space<vmem>>[vector<16xi32>], vector<16xf32>,
          %broadcast_in_dim3A_1259 = arith.constant 1 : i32
          %broadcast_in_dim3A_1260 = vector.broadcast %broadcast_in_dim3A_1259 : i32 to vector<16xi32>
          %mul3A_1261 = vector.broadcast %add3A_1253 : i32 to vector<16xi32>
          %mul3A_1262 = arith.muli %broadcast_in_dim3A_1260, %mul3A_1261 : vector<16xi32>
          %gather3A_1263 = tpu.vector_load_idx %arg9[%mul3A_1262] : memref<512xi32, #tpu.memory_space<vmem>>[vector<16xi32>], vector<16xi32>,
          %mul3A_1264 = arith.constant 64 : i32
          %mul3A_1265 = arith.muli %add3A_1253, %mul3A_1264 : i32
          %multiple_of3A_1266 = tpu.assume_multiple %mul3A_1265, 64 : i32
          %add3A_1267 = arith.constant 0 : i32
          %add3A_1268 = arith.addi %multiple_of3A_1266, %add3A_1267 : i32
          %get3A_1269 = arith.index_cast %add3A_1268 : i32 to index
          %get3A_1270 = tpu.vector_load %arg7[%get3A_1269] {strides = array<i32>} : memref<32768xf32, #tpu.memory_space<vmem>>, vector<16xf32>,
          %add3A_1271 = arith.constant 0 : i32
          %add3A_1272 = vector.broadcast %add3A_1271 : i32 to vector<16xi32>
          %add3A_1273 = arith.addi %iota3A, %add3A_1272 : vector<16xi32>
          %mul3A_1274 = arith.mulf %get3A_1270, %gather3A_1258 : vector<16xf32>
          tpu.vector_store_idx %arg12[%gather3A_1263, %add3A_1273], %mul3A_1274 {add = true} : memref<1024x80xf32, #tpu.memory_space<vmem>>[vector<16xi32>, vector<16xi32>], vector<16xf32>,
          %add3A_1275 = arith.constant 16 : i32
          %add3A_1276 = arith.addi %multiple_of3A_1266, %add3A_1275 : i32
          %get3A_1277 = arith.index_cast %add3A_1276 : i32 to index
          %get3A_1278 = tpu.vector_load %arg7[%get3A_1277] {strides = array<i32>} : memref<32768xf32, #tpu.memory_space<vmem>>, vector<16xf32>,
          %add3A_1279 = arith.constant 16 : i32
          %add3A_1280 = vector.broadcast %add3A_1279 : i32 to vector<16xi32>
          %add3A_1281 = arith.addi %iota3A, %add3A_1280 : vector<16xi32>
          %mul3A_1282 = arith.mulf %get3A_1278, %gather3A_1258 : vector<16xf32>
          tpu.vector_store_idx %arg12[%gather3A_1263, %add3A_1281], %mul3A_1282 {add = true} : memref<1024x80xf32, #tpu.memory_space<vmem>>[vector<16xi32>, vector<16xi32>], vector<16xf32>,
          %add3A_1283 = arith.constant 32 : i32
          %add3A_1284 = arith.addi %multiple_of3A_1266, %add3A_1283 : i32
          %get3A_1285 = arith.index_cast %add3A_1284 : i32 to index
          %get3A_1286 = tpu.vector_load %arg7[%get3A_1285] {strides = array<i32>} : memref<32768xf32, #tpu.memory_space<vmem>>, vector<16xf32>,
          %add3A_1287 = arith.constant 32 : i32
          %add3A_1288 = vector.broadcast %add3A_1287 : i32 to vector<16xi32>
          %add3A_1289 = arith.addi %iota3A, %add3A_1288 : vector<16xi32>
          %mul3A_1290 = arith.mulf %get3A_1286, %gather3A_1258 : vector<16xf32>
          tpu.vector_store_idx %arg12[%gather3A_1263, %add3A_1289], %mul3A_1290 {add = true} : memref<1024x80xf32, #tpu.memory_space<vmem>>[vector<16xi32>, vector<16xi32>], vector<16xf32>,
          %add3A_1291 = arith.constant 48 : i32
          %add3A_1292 = arith.addi %multiple_of3A_1266, %add3A_1291 : i32
          %get3A_1293 = arith.index_cast %add3A_1292 : i32 to index
          %get3A_1294 = tpu.vector_load %arg7[%get3A_1293] {strides = array<i32>} : memref<32768xf32, #tpu.memory_space<vmem>>, vector<16xf32>,
          %add3A_1295 = arith.constant 48 : i32
          %add3A_1296 = vector.broadcast %add3A_1295 : i32 to vector<16xi32>
          %add3A_1297 = arith.addi %iota3A, %add3A_1296 : vector<16xi32>
          %mul3A_1298 = arith.mulf %get3A_1294, %gather3A_1258 : vector<16xf32>
          tpu.vector_store_idx %arg12[%gather3A_1263, %add3A_1297], %mul3A_1298 {add = true} : memref<1024x80xf32, #tpu.memory_space<vmem>>[vector<16xi32>, vector<16xi32>], vector<16xf32>,
          %add3A_1299 = arith.constant 64 : i32
          %add3A_1300 = vector.broadcast %add3A_1299 : i32 to vector<16xi32>
          %add3A_1301 = arith.addi %iota3A, %add3A_1300 : vector<16xi32>
          %mul3A_1302 = arith.mulf %gather3A_1258, %convert_element_type3A_5 : vector<16xf32>
          tpu.vector_store_idx %arg12[%gather3A_1263, %add3A_1301], %mul3A_1302 {add = true} : memref<1024x80xf32, #tpu.memory_space<vmem>>[vector<16xi32>, vector<16xi32>], vector<16xf32>,
          %add3A_1303 = arith.constant 5 : i32
          %add3A_1304 = arith.addi %multiple_of3A_1014, %add3A_1303 : i32
          %broadcast_in_dim3A_1305 = arith.constant 1 : i32
          %broadcast_in_dim3A_1306 = vector.broadcast %broadcast_in_dim3A_1305 : i32 to vector<16xi32>
          %mul3A_1307 = vector.broadcast %add3A_1304 : i32 to vector<16xi32>
          %mul3A_1308 = arith.muli %broadcast_in_dim3A_1306, %mul3A_1307 : vector<16xi32>
          %gather3A_1309 = tpu.vector_load_idx %arg10[%mul3A_1308] : memref<512xf32, #tpu.memory_space<vmem>>[vector<16xi32>], vector<16xf32>,
          %broadcast_in_dim3A_1310 = arith.constant 1 : i32
          %broadcast_in_dim3A_1311 = vector.broadcast %broadcast_in_dim3A_1310 : i32 to vector<16xi32>
          %mul3A_1312 = vector.broadcast %add3A_1304 : i32 to vector<16xi32>
          %mul3A_1313 = arith.muli %broadcast_in_dim3A_1311, %mul3A_1312 : vector<16xi32>
          %gather3A_1314 = tpu.vector_load_idx %arg9[%mul3A_1313] : memref<512xi32, #tpu.memory_space<vmem>>[vector<16xi32>], vector<16xi32>,
          %mul3A_1315 = arith.constant 64 : i32
          %mul3A_1316 = arith.muli %add3A_1304, %mul3A_1315 : i32
          %multiple_of3A_1317 = tpu.assume_multiple %mul3A_1316, 64 : i32
          %add3A_1318 = arith.constant 0 : i32
          %add3A_1319 = arith.addi %multiple_of3A_1317, %add3A_1318 : i32
          %get3A_1320 = arith.index_cast %add3A_1319 : i32 to index
          %get3A_1321 = tpu.vector_load %arg7[%get3A_1320] {strides = array<i32>} : memref<32768xf32, #tpu.memory_space<vmem>>, vector<16xf32>,
          %add3A_1322 = arith.constant 0 : i32
          %add3A_1323 = vector.broadcast %add3A_1322 : i32 to vector<16xi32>
          %add3A_1324 = arith.addi %iota3A, %add3A_1323 : vector<16xi32>
          %mul3A_1325 = arith.mulf %get3A_1321, %gather3A_1309 : vector<16xf32>
          tpu.vector_store_idx %arg12[%gather3A_1314, %add3A_1324], %mul3A_1325 {add = true} : memref<1024x80xf32, #tpu.memory_space<vmem>>[vector<16xi32>, vector<16xi32>], vector<16xf32>,
          %add3A_1326 = arith.constant 16 : i32
          %add3A_1327 = arith.addi %multiple_of3A_1317, %add3A_1326 : i32
          %get3A_1328 = arith.index_cast %add3A_1327 : i32 to index
          %get3A_1329 = tpu.vector_load %arg7[%get3A_1328] {strides = array<i32>} : memref<32768xf32, #tpu.memory_space<vmem>>, vector<16xf32>,
          %add3A_1330 = arith.constant 16 : i32
          %add3A_1331 = vector.broadcast %add3A_1330 : i32 to vector<16xi32>
          %add3A_1332 = arith.addi %iota3A, %add3A_1331 : vector<16xi32>
          %mul3A_1333 = arith.mulf %get3A_1329, %gather3A_1309 : vector<16xf32>
          tpu.vector_store_idx %arg12[%gather3A_1314, %add3A_1332], %mul3A_1333 {add = true} : memref<1024x80xf32, #tpu.memory_space<vmem>>[vector<16xi32>, vector<16xi32>], vector<16xf32>,
          %add3A_1334 = arith.constant 32 : i32
          %add3A_1335 = arith.addi %multiple_of3A_1317, %add3A_1334 : i32
          %get3A_1336 = arith.index_cast %add3A_1335 : i32 to index
          %get3A_1337 = tpu.vector_load %arg7[%get3A_1336] {strides = array<i32>} : memref<32768xf32, #tpu.memory_space<vmem>>, vector<16xf32>,
          %add3A_1338 = arith.constant 32 : i32
          %add3A_1339 = vector.broadcast %add3A_1338 : i32 to vector<16xi32>
          %add3A_1340 = arith.addi %iota3A, %add3A_1339 : vector<16xi32>
          %mul3A_1341 = arith.mulf %get3A_1337, %gather3A_1309 : vector<16xf32>
          tpu.vector_store_idx %arg12[%gather3A_1314, %add3A_1340], %mul3A_1341 {add = true} : memref<1024x80xf32, #tpu.memory_space<vmem>>[vector<16xi32>, vector<16xi32>], vector<16xf32>,
          %add3A_1342 = arith.constant 48 : i32
          %add3A_1343 = arith.addi %multiple_of3A_1317, %add3A_1342 : i32
          %get3A_1344 = arith.index_cast %add3A_1343 : i32 to index
          %get3A_1345 = tpu.vector_load %arg7[%get3A_1344] {strides = array<i32>} : memref<32768xf32, #tpu.memory_space<vmem>>, vector<16xf32>,
          %add3A_1346 = arith.constant 48 : i32
          %add3A_1347 = vector.broadcast %add3A_1346 : i32 to vector<16xi32>
          %add3A_1348 = arith.addi %iota3A, %add3A_1347 : vector<16xi32>
          %mul3A_1349 = arith.mulf %get3A_1345, %gather3A_1309 : vector<16xf32>
          tpu.vector_store_idx %arg12[%gather3A_1314, %add3A_1348], %mul3A_1349 {add = true} : memref<1024x80xf32, #tpu.memory_space<vmem>>[vector<16xi32>, vector<16xi32>], vector<16xf32>,
          %add3A_1350 = arith.constant 64 : i32
          %add3A_1351 = vector.broadcast %add3A_1350 : i32 to vector<16xi32>
          %add3A_1352 = arith.addi %iota3A, %add3A_1351 : vector<16xi32>
          %mul3A_1353 = arith.mulf %gather3A_1309, %convert_element_type3A_5 : vector<16xf32>
          tpu.vector_store_idx %arg12[%gather3A_1314, %add3A_1352], %mul3A_1353 {add = true} : memref<1024x80xf32, #tpu.memory_space<vmem>>[vector<16xi32>, vector<16xi32>], vector<16xf32>,
          %add3A_1354 = arith.constant 6 : i32
          %add3A_1355 = arith.addi %multiple_of3A_1014, %add3A_1354 : i32
          %broadcast_in_dim3A_1356 = arith.constant 1 : i32
          %broadcast_in_dim3A_1357 = vector.broadcast %broadcast_in_dim3A_1356 : i32 to vector<16xi32>
          %mul3A_1358 = vector.broadcast %add3A_1355 : i32 to vector<16xi32>
          %mul3A_1359 = arith.muli %broadcast_in_dim3A_1357, %mul3A_1358 : vector<16xi32>
          %gather3A_1360 = tpu.vector_load_idx %arg10[%mul3A_1359] : memref<512xf32, #tpu.memory_space<vmem>>[vector<16xi32>], vector<16xf32>,
          %broadcast_in_dim3A_1361 = arith.constant 1 : i32
          %broadcast_in_dim3A_1362 = vector.broadcast %broadcast_in_dim3A_1361 : i32 to vector<16xi32>
          %mul3A_1363 = vector.broadcast %add3A_1355 : i32 to vector<16xi32>
          %mul3A_1364 = arith.muli %broadcast_in_dim3A_1362, %mul3A_1363 : vector<16xi32>
          %gather3A_1365 = tpu.vector_load_idx %arg9[%mul3A_1364] : memref<512xi32, #tpu.memory_space<vmem>>[vector<16xi32>], vector<16xi32>,
          %mul3A_1366 = arith.constant 64 : i32
          %mul3A_1367 = arith.muli %add3A_1355, %mul3A_1366 : i32
          %multiple_of3A_1368 = tpu.assume_multiple %mul3A_1367, 64 : i32
          %add3A_1369 = arith.constant 0 : i32
          %add3A_1370 = arith.addi %multiple_of3A_1368, %add3A_1369 : i32
          %get3A_1371 = arith.index_cast %add3A_1370 : i32 to index
          %get3A_1372 = tpu.vector_load %arg7[%get3A_1371] {strides = array<i32>} : memref<32768xf32, #tpu.memory_space<vmem>>, vector<16xf32>,
          %add3A_1373 = arith.constant 0 : i32
          %add3A_1374 = vector.broadcast %add3A_1373 : i32 to vector<16xi32>
          %add3A_1375 = arith.addi %iota3A, %add3A_1374 : vector<16xi32>
          %mul3A_1376 = arith.mulf %get3A_1372, %gather3A_1360 : vector<16xf32>
          tpu.vector_store_idx %arg12[%gather3A_1365, %add3A_1375], %mul3A_1376 {add = true} : memref<1024x80xf32, #tpu.memory_space<vmem>>[vector<16xi32>, vector<16xi32>], vector<16xf32>,
          %add3A_1377 = arith.constant 16 : i32
          %add3A_1378 = arith.addi %multiple_of3A_1368, %add3A_1377 : i32
          %get3A_1379 = arith.index_cast %add3A_1378 : i32 to index
          %get3A_1380 = tpu.vector_load %arg7[%get3A_1379] {strides = array<i32>} : memref<32768xf32, #tpu.memory_space<vmem>>, vector<16xf32>,
          %add3A_1381 = arith.constant 16 : i32
          %add3A_1382 = vector.broadcast %add3A_1381 : i32 to vector<16xi32>
          %add3A_1383 = arith.addi %iota3A, %add3A_1382 : vector<16xi32>
          %mul3A_1384 = arith.mulf %get3A_1380, %gather3A_1360 : vector<16xf32>
          tpu.vector_store_idx %arg12[%gather3A_1365, %add3A_1383], %mul3A_1384 {add = true} : memref<1024x80xf32, #tpu.memory_space<vmem>>[vector<16xi32>, vector<16xi32>], vector<16xf32>,
          %add3A_1385 = arith.constant 32 : i32
          %add3A_1386 = arith.addi %multiple_of3A_1368, %add3A_1385 : i32
          %get3A_1387 = arith.index_cast %add3A_1386 : i32 to index
          %get3A_1388 = tpu.vector_load %arg7[%get3A_1387] {strides = array<i32>} : memref<32768xf32, #tpu.memory_space<vmem>>, vector<16xf32>,
          %add3A_1389 = arith.constant 32 : i32
          %add3A_1390 = vector.broadcast %add3A_1389 : i32 to vector<16xi32>
          %add3A_1391 = arith.addi %iota3A, %add3A_1390 : vector<16xi32>
          %mul3A_1392 = arith.mulf %get3A_1388, %gather3A_1360 : vector<16xf32>
          tpu.vector_store_idx %arg12[%gather3A_1365, %add3A_1391], %mul3A_1392 {add = true} : memref<1024x80xf32, #tpu.memory_space<vmem>>[vector<16xi32>, vector<16xi32>], vector<16xf32>,
          %add3A_1393 = arith.constant 48 : i32
          %add3A_1394 = arith.addi %multiple_of3A_1368, %add3A_1393 : i32
          %get3A_1395 = arith.index_cast %add3A_1394 : i32 to index
          %get3A_1396 = tpu.vector_load %arg7[%get3A_1395] {strides = array<i32>} : memref<32768xf32, #tpu.memory_space<vmem>>, vector<16xf32>,
          %add3A_1397 = arith.constant 48 : i32
          %add3A_1398 = vector.broadcast %add3A_1397 : i32 to vector<16xi32>
          %add3A_1399 = arith.addi %iota3A, %add3A_1398 : vector<16xi32>
          %mul3A_1400 = arith.mulf %get3A_1396, %gather3A_1360 : vector<16xf32>
          tpu.vector_store_idx %arg12[%gather3A_1365, %add3A_1399], %mul3A_1400 {add = true} : memref<1024x80xf32, #tpu.memory_space<vmem>>[vector<16xi32>, vector<16xi32>], vector<16xf32>,
          %add3A_1401 = arith.constant 64 : i32
          %add3A_1402 = vector.broadcast %add3A_1401 : i32 to vector<16xi32>
          %add3A_1403 = arith.addi %iota3A, %add3A_1402 : vector<16xi32>
          %mul3A_1404 = arith.mulf %gather3A_1360, %convert_element_type3A_5 : vector<16xf32>
          tpu.vector_store_idx %arg12[%gather3A_1365, %add3A_1403], %mul3A_1404 {add = true} : memref<1024x80xf32, #tpu.memory_space<vmem>>[vector<16xi32>, vector<16xi32>], vector<16xf32>,
          %add3A_1405 = arith.constant 7 : i32
          %add3A_1406 = arith.addi %multiple_of3A_1014, %add3A_1405 : i32
          %broadcast_in_dim3A_1407 = arith.constant 1 : i32
          %broadcast_in_dim3A_1408 = vector.broadcast %broadcast_in_dim3A_1407 : i32 to vector<16xi32>
          %mul3A_1409 = vector.broadcast %add3A_1406 : i32 to vector<16xi32>
          %mul3A_1410 = arith.muli %broadcast_in_dim3A_1408, %mul3A_1409 : vector<16xi32>
          %gather3A_1411 = tpu.vector_load_idx %arg10[%mul3A_1410] : memref<512xf32, #tpu.memory_space<vmem>>[vector<16xi32>], vector<16xf32>,
          %broadcast_in_dim3A_1412 = arith.constant 1 : i32
          %broadcast_in_dim3A_1413 = vector.broadcast %broadcast_in_dim3A_1412 : i32 to vector<16xi32>
          %mul3A_1414 = vector.broadcast %add3A_1406 : i32 to vector<16xi32>
          %mul3A_1415 = arith.muli %broadcast_in_dim3A_1413, %mul3A_1414 : vector<16xi32>
          %gather3A_1416 = tpu.vector_load_idx %arg9[%mul3A_1415] : memref<512xi32, #tpu.memory_space<vmem>>[vector<16xi32>], vector<16xi32>,
          %mul3A_1417 = arith.constant 64 : i32
          %mul3A_1418 = arith.muli %add3A_1406, %mul3A_1417 : i32
          %multiple_of3A_1419 = tpu.assume_multiple %mul3A_1418, 64 : i32
          %add3A_1420 = arith.constant 0 : i32
          %add3A_1421 = arith.addi %multiple_of3A_1419, %add3A_1420 : i32
          %get3A_1422 = arith.index_cast %add3A_1421 : i32 to index
          %get3A_1423 = tpu.vector_load %arg7[%get3A_1422] {strides = array<i32>} : memref<32768xf32, #tpu.memory_space<vmem>>, vector<16xf32>,
          %add3A_1424 = arith.constant 0 : i32
          %add3A_1425 = vector.broadcast %add3A_1424 : i32 to vector<16xi32>
          %add3A_1426 = arith.addi %iota3A, %add3A_1425 : vector<16xi32>
          %mul3A_1427 = arith.mulf %get3A_1423, %gather3A_1411 : vector<16xf32>
          tpu.vector_store_idx %arg12[%gather3A_1416, %add3A_1426], %mul3A_1427 {add = true} : memref<1024x80xf32, #tpu.memory_space<vmem>>[vector<16xi32>, vector<16xi32>], vector<16xf32>,
          %add3A_1428 = arith.constant 16 : i32
          %add3A_1429 = arith.addi %multiple_of3A_1419, %add3A_1428 : i32
          %get3A_1430 = arith.index_cast %add3A_1429 : i32 to index
          %get3A_1431 = tpu.vector_load %arg7[%get3A_1430] {strides = array<i32>} : memref<32768xf32, #tpu.memory_space<vmem>>, vector<16xf32>,
          %add3A_1432 = arith.constant 16 : i32
          %add3A_1433 = vector.broadcast %add3A_1432 : i32 to vector<16xi32>
          %add3A_1434 = arith.addi %iota3A, %add3A_1433 : vector<16xi32>
          %mul3A_1435 = arith.mulf %get3A_1431, %gather3A_1411 : vector<16xf32>
          tpu.vector_store_idx %arg12[%gather3A_1416, %add3A_1434], %mul3A_1435 {add = true} : memref<1024x80xf32, #tpu.memory_space<vmem>>[vector<16xi32>, vector<16xi32>], vector<16xf32>,
          %add3A_1436 = arith.constant 32 : i32
          %add3A_1437 = arith.addi %multiple_of3A_1419, %add3A_1436 : i32
          %get3A_1438 = arith.index_cast %add3A_1437 : i32 to index
          %get3A_1439 = tpu.vector_load %arg7[%get3A_1438] {strides = array<i32>} : memref<32768xf32, #tpu.memory_space<vmem>>, vector<16xf32>,
          %add3A_1440 = arith.constant 32 : i32
          %add3A_1441 = vector.broadcast %add3A_1440 : i32 to vector<16xi32>
          %add3A_1442 = arith.addi %iota3A, %add3A_1441 : vector<16xi32>
          %mul3A_1443 = arith.mulf %get3A_1439, %gather3A_1411 : vector<16xf32>
          tpu.vector_store_idx %arg12[%gather3A_1416, %add3A_1442], %mul3A_1443 {add = true} : memref<1024x80xf32, #tpu.memory_space<vmem>>[vector<16xi32>, vector<16xi32>], vector<16xf32>,
          %add3A_1444 = arith.constant 48 : i32
          %add3A_1445 = arith.addi %multiple_of3A_1419, %add3A_1444 : i32
          %get3A_1446 = arith.index_cast %add3A_1445 : i32 to index
          %get3A_1447 = tpu.vector_load %arg7[%get3A_1446] {strides = array<i32>} : memref<32768xf32, #tpu.memory_space<vmem>>, vector<16xf32>,
          %add3A_1448 = arith.constant 48 : i32
          %add3A_1449 = vector.broadcast %add3A_1448 : i32 to vector<16xi32>
          %add3A_1450 = arith.addi %iota3A, %add3A_1449 : vector<16xi32>
          %mul3A_1451 = arith.mulf %get3A_1447, %gather3A_1411 : vector<16xf32>
          tpu.vector_store_idx %arg12[%gather3A_1416, %add3A_1450], %mul3A_1451 {add = true} : memref<1024x80xf32, #tpu.memory_space<vmem>>[vector<16xi32>, vector<16xi32>], vector<16xf32>,
          %add3A_1452 = arith.constant 64 : i32
          %add3A_1453 = vector.broadcast %add3A_1452 : i32 to vector<16xi32>
          %add3A_1454 = arith.addi %iota3A, %add3A_1453 : vector<16xi32>
          %mul3A_1455 = arith.mulf %gather3A_1411, %convert_element_type3A_5 : vector<16xf32>
          tpu.vector_store_idx %arg12[%gather3A_1416, %add3A_1454], %mul3A_1455 {add = true} : memref<1024x80xf32, #tpu.memory_space<vmem>>[vector<16xi32>, vector<16xi32>], vector<16xf32>,
          %add3A_1456 = arith.constant 8 : i32
          %add3A_1457 = arith.addi %multiple_of3A_1014, %add3A_1456 : i32
          %broadcast_in_dim3A_1458 = arith.constant 1 : i32
          %broadcast_in_dim3A_1459 = vector.broadcast %broadcast_in_dim3A_1458 : i32 to vector<16xi32>
          %mul3A_1460 = vector.broadcast %add3A_1457 : i32 to vector<16xi32>
          %mul3A_1461 = arith.muli %broadcast_in_dim3A_1459, %mul3A_1460 : vector<16xi32>
          %gather3A_1462 = tpu.vector_load_idx %arg10[%mul3A_1461] : memref<512xf32, #tpu.memory_space<vmem>>[vector<16xi32>], vector<16xf32>,
          %broadcast_in_dim3A_1463 = arith.constant 1 : i32
          %broadcast_in_dim3A_1464 = vector.broadcast %broadcast_in_dim3A_1463 : i32 to vector<16xi32>
          %mul3A_1465 = vector.broadcast %add3A_1457 : i32 to vector<16xi32>
          %mul3A_1466 = arith.muli %broadcast_in_dim3A_1464, %mul3A_1465 : vector<16xi32>
          %gather3A_1467 = tpu.vector_load_idx %arg9[%mul3A_1466] : memref<512xi32, #tpu.memory_space<vmem>>[vector<16xi32>], vector<16xi32>,
          %mul3A_1468 = arith.constant 64 : i32
          %mul3A_1469 = arith.muli %add3A_1457, %mul3A_1468 : i32
          %multiple_of3A_1470 = tpu.assume_multiple %mul3A_1469, 64 : i32
          %add3A_1471 = arith.constant 0 : i32
          %add3A_1472 = arith.addi %multiple_of3A_1470, %add3A_1471 : i32
          %get3A_1473 = arith.index_cast %add3A_1472 : i32 to index
          %get3A_1474 = tpu.vector_load %arg7[%get3A_1473] {strides = array<i32>} : memref<32768xf32, #tpu.memory_space<vmem>>, vector<16xf32>,
          %add3A_1475 = arith.constant 0 : i32
          %add3A_1476 = vector.broadcast %add3A_1475 : i32 to vector<16xi32>
          %add3A_1477 = arith.addi %iota3A, %add3A_1476 : vector<16xi32>
          %mul3A_1478 = arith.mulf %get3A_1474, %gather3A_1462 : vector<16xf32>
          tpu.vector_store_idx %arg12[%gather3A_1467, %add3A_1477], %mul3A_1478 {add = true} : memref<1024x80xf32, #tpu.memory_space<vmem>>[vector<16xi32>, vector<16xi32>], vector<16xf32>,
          %add3A_1479 = arith.constant 16 : i32
          %add3A_1480 = arith.addi %multiple_of3A_1470, %add3A_1479 : i32
          %get3A_1481 = arith.index_cast %add3A_1480 : i32 to index
          %get3A_1482 = tpu.vector_load %arg7[%get3A_1481] {strides = array<i32>} : memref<32768xf32, #tpu.memory_space<vmem>>, vector<16xf32>,
          %add3A_1483 = arith.constant 16 : i32
          %add3A_1484 = vector.broadcast %add3A_1483 : i32 to vector<16xi32>
          %add3A_1485 = arith.addi %iota3A, %add3A_1484 : vector<16xi32>
          %mul3A_1486 = arith.mulf %get3A_1482, %gather3A_1462 : vector<16xf32>
          tpu.vector_store_idx %arg12[%gather3A_1467, %add3A_1485], %mul3A_1486 {add = true} : memref<1024x80xf32, #tpu.memory_space<vmem>>[vector<16xi32>, vector<16xi32>], vector<16xf32>,
          %add3A_1487 = arith.constant 32 : i32
          %add3A_1488 = arith.addi %multiple_of3A_1470, %add3A_1487 : i32
          %get3A_1489 = arith.index_cast %add3A_1488 : i32 to index
          %get3A_1490 = tpu.vector_load %arg7[%get3A_1489] {strides = array<i32>} : memref<32768xf32, #tpu.memory_space<vmem>>, vector<16xf32>,
          %add3A_1491 = arith.constant 32 : i32
          %add3A_1492 = vector.broadcast %add3A_1491 : i32 to vector<16xi32>
          %add3A_1493 = arith.addi %iota3A, %add3A_1492 : vector<16xi32>
          %mul3A_1494 = arith.mulf %get3A_1490, %gather3A_1462 : vector<16xf32>
          tpu.vector_store_idx %arg12[%gather3A_1467, %add3A_1493], %mul3A_1494 {add = true} : memref<1024x80xf32, #tpu.memory_space<vmem>>[vector<16xi32>, vector<16xi32>], vector<16xf32>,
          %add3A_1495 = arith.constant 48 : i32
          %add3A_1496 = arith.addi %multiple_of3A_1470, %add3A_1495 : i32
          %get3A_1497 = arith.index_cast %add3A_1496 : i32 to index
          %get3A_1498 = tpu.vector_load %arg7[%get3A_1497] {strides = array<i32>} : memref<32768xf32, #tpu.memory_space<vmem>>, vector<16xf32>,
          %add3A_1499 = arith.constant 48 : i32
          %add3A_1500 = vector.broadcast %add3A_1499 : i32 to vector<16xi32>
          %add3A_1501 = arith.addi %iota3A, %add3A_1500 : vector<16xi32>
          %mul3A_1502 = arith.mulf %get3A_1498, %gather3A_1462 : vector<16xf32>
          tpu.vector_store_idx %arg12[%gather3A_1467, %add3A_1501], %mul3A_1502 {add = true} : memref<1024x80xf32, #tpu.memory_space<vmem>>[vector<16xi32>, vector<16xi32>], vector<16xf32>,
          %add3A_1503 = arith.constant 64 : i32
          %add3A_1504 = vector.broadcast %add3A_1503 : i32 to vector<16xi32>
          %add3A_1505 = arith.addi %iota3A, %add3A_1504 : vector<16xi32>
          %mul3A_1506 = arith.mulf %gather3A_1462, %convert_element_type3A_5 : vector<16xf32>
          tpu.vector_store_idx %arg12[%gather3A_1467, %add3A_1505], %mul3A_1506 {add = true} : memref<1024x80xf32, #tpu.memory_space<vmem>>[vector<16xi32>, vector<16xi32>], vector<16xf32>,
          %add3A_1507 = arith.constant 9 : i32
          %add3A_1508 = arith.addi %multiple_of3A_1014, %add3A_1507 : i32
          %broadcast_in_dim3A_1509 = arith.constant 1 : i32
          %broadcast_in_dim3A_1510 = vector.broadcast %broadcast_in_dim3A_1509 : i32 to vector<16xi32>
          %mul3A_1511 = vector.broadcast %add3A_1508 : i32 to vector<16xi32>
          %mul3A_1512 = arith.muli %broadcast_in_dim3A_1510, %mul3A_1511 : vector<16xi32>
          %gather3A_1513 = tpu.vector_load_idx %arg10[%mul3A_1512] : memref<512xf32, #tpu.memory_space<vmem>>[vector<16xi32>], vector<16xf32>,
          %broadcast_in_dim3A_1514 = arith.constant 1 : i32
          %broadcast_in_dim3A_1515 = vector.broadcast %broadcast_in_dim3A_1514 : i32 to vector<16xi32>
          %mul3A_1516 = vector.broadcast %add3A_1508 : i32 to vector<16xi32>
          %mul3A_1517 = arith.muli %broadcast_in_dim3A_1515, %mul3A_1516 : vector<16xi32>
          %gather3A_1518 = tpu.vector_load_idx %arg9[%mul3A_1517] : memref<512xi32, #tpu.memory_space<vmem>>[vector<16xi32>], vector<16xi32>,
          %mul3A_1519 = arith.constant 64 : i32
          %mul3A_1520 = arith.muli %add3A_1508, %mul3A_1519 : i32
          %multiple_of3A_1521 = tpu.assume_multiple %mul3A_1520, 64 : i32
          %add3A_1522 = arith.constant 0 : i32
          %add3A_1523 = arith.addi %multiple_of3A_1521, %add3A_1522 : i32
          %get3A_1524 = arith.index_cast %add3A_1523 : i32 to index
          %get3A_1525 = tpu.vector_load %arg7[%get3A_1524] {strides = array<i32>} : memref<32768xf32, #tpu.memory_space<vmem>>, vector<16xf32>,
          %add3A_1526 = arith.constant 0 : i32
          %add3A_1527 = vector.broadcast %add3A_1526 : i32 to vector<16xi32>
          %add3A_1528 = arith.addi %iota3A, %add3A_1527 : vector<16xi32>
          %mul3A_1529 = arith.mulf %get3A_1525, %gather3A_1513 : vector<16xf32>
          tpu.vector_store_idx %arg12[%gather3A_1518, %add3A_1528], %mul3A_1529 {add = true} : memref<1024x80xf32, #tpu.memory_space<vmem>>[vector<16xi32>, vector<16xi32>], vector<16xf32>,
          %add3A_1530 = arith.constant 16 : i32
          %add3A_1531 = arith.addi %multiple_of3A_1521, %add3A_1530 : i32
          %get3A_1532 = arith.index_cast %add3A_1531 : i32 to index
          %get3A_1533 = tpu.vector_load %arg7[%get3A_1532] {strides = array<i32>} : memref<32768xf32, #tpu.memory_space<vmem>>, vector<16xf32>,
          %add3A_1534 = arith.constant 16 : i32
          %add3A_1535 = vector.broadcast %add3A_1534 : i32 to vector<16xi32>
          %add3A_1536 = arith.addi %iota3A, %add3A_1535 : vector<16xi32>
          %mul3A_1537 = arith.mulf %get3A_1533, %gather3A_1513 : vector<16xf32>
          tpu.vector_store_idx %arg12[%gather3A_1518, %add3A_1536], %mul3A_1537 {add = true} : memref<1024x80xf32, #tpu.memory_space<vmem>>[vector<16xi32>, vector<16xi32>], vector<16xf32>,
          %add3A_1538 = arith.constant 32 : i32
          %add3A_1539 = arith.addi %multiple_of3A_1521, %add3A_1538 : i32
          %get3A_1540 = arith.index_cast %add3A_1539 : i32 to index
          %get3A_1541 = tpu.vector_load %arg7[%get3A_1540] {strides = array<i32>} : memref<32768xf32, #tpu.memory_space<vmem>>, vector<16xf32>,
          %add3A_1542 = arith.constant 32 : i32
          %add3A_1543 = vector.broadcast %add3A_1542 : i32 to vector<16xi32>
          %add3A_1544 = arith.addi %iota3A, %add3A_1543 : vector<16xi32>
          %mul3A_1545 = arith.mulf %get3A_1541, %gather3A_1513 : vector<16xf32>
          tpu.vector_store_idx %arg12[%gather3A_1518, %add3A_1544], %mul3A_1545 {add = true} : memref<1024x80xf32, #tpu.memory_space<vmem>>[vector<16xi32>, vector<16xi32>], vector<16xf32>,
          %add3A_1546 = arith.constant 48 : i32
          %add3A_1547 = arith.addi %multiple_of3A_1521, %add3A_1546 : i32
          %get3A_1548 = arith.index_cast %add3A_1547 : i32 to index
          %get3A_1549 = tpu.vector_load %arg7[%get3A_1548] {strides = array<i32>} : memref<32768xf32, #tpu.memory_space<vmem>>, vector<16xf32>,
          %add3A_1550 = arith.constant 48 : i32
          %add3A_1551 = vector.broadcast %add3A_1550 : i32 to vector<16xi32>
          %add3A_1552 = arith.addi %iota3A, %add3A_1551 : vector<16xi32>
          %mul3A_1553 = arith.mulf %get3A_1549, %gather3A_1513 : vector<16xf32>
          tpu.vector_store_idx %arg12[%gather3A_1518, %add3A_1552], %mul3A_1553 {add = true} : memref<1024x80xf32, #tpu.memory_space<vmem>>[vector<16xi32>, vector<16xi32>], vector<16xf32>,
          %add3A_1554 = arith.constant 64 : i32
          %add3A_1555 = vector.broadcast %add3A_1554 : i32 to vector<16xi32>
          %add3A_1556 = arith.addi %iota3A, %add3A_1555 : vector<16xi32>
          %mul3A_1557 = arith.mulf %gather3A_1513, %convert_element_type3A_5 : vector<16xf32>
          tpu.vector_store_idx %arg12[%gather3A_1518, %add3A_1556], %mul3A_1557 {add = true} : memref<1024x80xf32, #tpu.memory_space<vmem>>[vector<16xi32>, vector<16xi32>], vector<16xf32>,
          %add3A_1558 = arith.constant 10 : i32
          %add3A_1559 = arith.addi %multiple_of3A_1014, %add3A_1558 : i32
          %broadcast_in_dim3A_1560 = arith.constant 1 : i32
          %broadcast_in_dim3A_1561 = vector.broadcast %broadcast_in_dim3A_1560 : i32 to vector<16xi32>
          %mul3A_1562 = vector.broadcast %add3A_1559 : i32 to vector<16xi32>
          %mul3A_1563 = arith.muli %broadcast_in_dim3A_1561, %mul3A_1562 : vector<16xi32>
          %gather3A_1564 = tpu.vector_load_idx %arg10[%mul3A_1563] : memref<512xf32, #tpu.memory_space<vmem>>[vector<16xi32>], vector<16xf32>,
          %broadcast_in_dim3A_1565 = arith.constant 1 : i32
          %broadcast_in_dim3A_1566 = vector.broadcast %broadcast_in_dim3A_1565 : i32 to vector<16xi32>
          %mul3A_1567 = vector.broadcast %add3A_1559 : i32 to vector<16xi32>
          %mul3A_1568 = arith.muli %broadcast_in_dim3A_1566, %mul3A_1567 : vector<16xi32>
          %gather3A_1569 = tpu.vector_load_idx %arg9[%mul3A_1568] : memref<512xi32, #tpu.memory_space<vmem>>[vector<16xi32>], vector<16xi32>,
          %mul3A_1570 = arith.constant 64 : i32
          %mul3A_1571 = arith.muli %add3A_1559, %mul3A_1570 : i32
          %multiple_of3A_1572 = tpu.assume_multiple %mul3A_1571, 64 : i32
          %add3A_1573 = arith.constant 0 : i32
          %add3A_1574 = arith.addi %multiple_of3A_1572, %add3A_1573 : i32
          %get3A_1575 = arith.index_cast %add3A_1574 : i32 to index
          %get3A_1576 = tpu.vector_load %arg7[%get3A_1575] {strides = array<i32>} : memref<32768xf32, #tpu.memory_space<vmem>>, vector<16xf32>,
          %add3A_1577 = arith.constant 0 : i32
          %add3A_1578 = vector.broadcast %add3A_1577 : i32 to vector<16xi32>
          %add3A_1579 = arith.addi %iota3A, %add3A_1578 : vector<16xi32>
          %mul3A_1580 = arith.mulf %get3A_1576, %gather3A_1564 : vector<16xf32>
          tpu.vector_store_idx %arg12[%gather3A_1569, %add3A_1579], %mul3A_1580 {add = true} : memref<1024x80xf32, #tpu.memory_space<vmem>>[vector<16xi32>, vector<16xi32>], vector<16xf32>,
          %add3A_1581 = arith.constant 16 : i32
          %add3A_1582 = arith.addi %multiple_of3A_1572, %add3A_1581 : i32
          %get3A_1583 = arith.index_cast %add3A_1582 : i32 to index
          %get3A_1584 = tpu.vector_load %arg7[%get3A_1583] {strides = array<i32>} : memref<32768xf32, #tpu.memory_space<vmem>>, vector<16xf32>,
          %add3A_1585 = arith.constant 16 : i32
          %add3A_1586 = vector.broadcast %add3A_1585 : i32 to vector<16xi32>
          %add3A_1587 = arith.addi %iota3A, %add3A_1586 : vector<16xi32>
          %mul3A_1588 = arith.mulf %get3A_1584, %gather3A_1564 : vector<16xf32>
          tpu.vector_store_idx %arg12[%gather3A_1569, %add3A_1587], %mul3A_1588 {add = true} : memref<1024x80xf32, #tpu.memory_space<vmem>>[vector<16xi32>, vector<16xi32>], vector<16xf32>,
          %add3A_1589 = arith.constant 32 : i32
          %add3A_1590 = arith.addi %multiple_of3A_1572, %add3A_1589 : i32
          %get3A_1591 = arith.index_cast %add3A_1590 : i32 to index
          %get3A_1592 = tpu.vector_load %arg7[%get3A_1591] {strides = array<i32>} : memref<32768xf32, #tpu.memory_space<vmem>>, vector<16xf32>,
          %add3A_1593 = arith.constant 32 : i32
          %add3A_1594 = vector.broadcast %add3A_1593 : i32 to vector<16xi32>
          %add3A_1595 = arith.addi %iota3A, %add3A_1594 : vector<16xi32>
          %mul3A_1596 = arith.mulf %get3A_1592, %gather3A_1564 : vector<16xf32>
          tpu.vector_store_idx %arg12[%gather3A_1569, %add3A_1595], %mul3A_1596 {add = true} : memref<1024x80xf32, #tpu.memory_space<vmem>>[vector<16xi32>, vector<16xi32>], vector<16xf32>,
          %add3A_1597 = arith.constant 48 : i32
          %add3A_1598 = arith.addi %multiple_of3A_1572, %add3A_1597 : i32
          %get3A_1599 = arith.index_cast %add3A_1598 : i32 to index
          %get3A_1600 = tpu.vector_load %arg7[%get3A_1599] {strides = array<i32>} : memref<32768xf32, #tpu.memory_space<vmem>>, vector<16xf32>,
          %add3A_1601 = arith.constant 48 : i32
          %add3A_1602 = vector.broadcast %add3A_1601 : i32 to vector<16xi32>
          %add3A_1603 = arith.addi %iota3A, %add3A_1602 : vector<16xi32>
          %mul3A_1604 = arith.mulf %get3A_1600, %gather3A_1564 : vector<16xf32>
          tpu.vector_store_idx %arg12[%gather3A_1569, %add3A_1603], %mul3A_1604 {add = true} : memref<1024x80xf32, #tpu.memory_space<vmem>>[vector<16xi32>, vector<16xi32>], vector<16xf32>,
          %add3A_1605 = arith.constant 64 : i32
          %add3A_1606 = vector.broadcast %add3A_1605 : i32 to vector<16xi32>
          %add3A_1607 = arith.addi %iota3A, %add3A_1606 : vector<16xi32>
          %mul3A_1608 = arith.mulf %gather3A_1564, %convert_element_type3A_5 : vector<16xf32>
          tpu.vector_store_idx %arg12[%gather3A_1569, %add3A_1607], %mul3A_1608 {add = true} : memref<1024x80xf32, #tpu.memory_space<vmem>>[vector<16xi32>, vector<16xi32>], vector<16xf32>,
          %add3A_1609 = arith.constant 11 : i32
          %add3A_1610 = arith.addi %multiple_of3A_1014, %add3A_1609 : i32
          %broadcast_in_dim3A_1611 = arith.constant 1 : i32
          %broadcast_in_dim3A_1612 = vector.broadcast %broadcast_in_dim3A_1611 : i32 to vector<16xi32>
          %mul3A_1613 = vector.broadcast %add3A_1610 : i32 to vector<16xi32>
          %mul3A_1614 = arith.muli %broadcast_in_dim3A_1612, %mul3A_1613 : vector<16xi32>
          %gather3A_1615 = tpu.vector_load_idx %arg10[%mul3A_1614] : memref<512xf32, #tpu.memory_space<vmem>>[vector<16xi32>], vector<16xf32>,
          %broadcast_in_dim3A_1616 = arith.constant 1 : i32
          %broadcast_in_dim3A_1617 = vector.broadcast %broadcast_in_dim3A_1616 : i32 to vector<16xi32>
          %mul3A_1618 = vector.broadcast %add3A_1610 : i32 to vector<16xi32>
          %mul3A_1619 = arith.muli %broadcast_in_dim3A_1617, %mul3A_1618 : vector<16xi32>
          %gather3A_1620 = tpu.vector_load_idx %arg9[%mul3A_1619] : memref<512xi32, #tpu.memory_space<vmem>>[vector<16xi32>], vector<16xi32>,
          %mul3A_1621 = arith.constant 64 : i32
          %mul3A_1622 = arith.muli %add3A_1610, %mul3A_1621 : i32
          %multiple_of3A_1623 = tpu.assume_multiple %mul3A_1622, 64 : i32
          %add3A_1624 = arith.constant 0 : i32
          %add3A_1625 = arith.addi %multiple_of3A_1623, %add3A_1624 : i32
          %get3A_1626 = arith.index_cast %add3A_1625 : i32 to index
          %get3A_1627 = tpu.vector_load %arg7[%get3A_1626] {strides = array<i32>} : memref<32768xf32, #tpu.memory_space<vmem>>, vector<16xf32>,
          %add3A_1628 = arith.constant 0 : i32
          %add3A_1629 = vector.broadcast %add3A_1628 : i32 to vector<16xi32>
          %add3A_1630 = arith.addi %iota3A, %add3A_1629 : vector<16xi32>
          %mul3A_1631 = arith.mulf %get3A_1627, %gather3A_1615 : vector<16xf32>
          tpu.vector_store_idx %arg12[%gather3A_1620, %add3A_1630], %mul3A_1631 {add = true} : memref<1024x80xf32, #tpu.memory_space<vmem>>[vector<16xi32>, vector<16xi32>], vector<16xf32>,
          %add3A_1632 = arith.constant 16 : i32
          %add3A_1633 = arith.addi %multiple_of3A_1623, %add3A_1632 : i32
          %get3A_1634 = arith.index_cast %add3A_1633 : i32 to index
          %get3A_1635 = tpu.vector_load %arg7[%get3A_1634] {strides = array<i32>} : memref<32768xf32, #tpu.memory_space<vmem>>, vector<16xf32>,
          %add3A_1636 = arith.constant 16 : i32
          %add3A_1637 = vector.broadcast %add3A_1636 : i32 to vector<16xi32>
          %add3A_1638 = arith.addi %iota3A, %add3A_1637 : vector<16xi32>
          %mul3A_1639 = arith.mulf %get3A_1635, %gather3A_1615 : vector<16xf32>
          tpu.vector_store_idx %arg12[%gather3A_1620, %add3A_1638], %mul3A_1639 {add = true} : memref<1024x80xf32, #tpu.memory_space<vmem>>[vector<16xi32>, vector<16xi32>], vector<16xf32>,
          %add3A_1640 = arith.constant 32 : i32
          %add3A_1641 = arith.addi %multiple_of3A_1623, %add3A_1640 : i32
          %get3A_1642 = arith.index_cast %add3A_1641 : i32 to index
          %get3A_1643 = tpu.vector_load %arg7[%get3A_1642] {strides = array<i32>} : memref<32768xf32, #tpu.memory_space<vmem>>, vector<16xf32>,
          %add3A_1644 = arith.constant 32 : i32
          %add3A_1645 = vector.broadcast %add3A_1644 : i32 to vector<16xi32>
          %add3A_1646 = arith.addi %iota3A, %add3A_1645 : vector<16xi32>
          %mul3A_1647 = arith.mulf %get3A_1643, %gather3A_1615 : vector<16xf32>
          tpu.vector_store_idx %arg12[%gather3A_1620, %add3A_1646], %mul3A_1647 {add = true} : memref<1024x80xf32, #tpu.memory_space<vmem>>[vector<16xi32>, vector<16xi32>], vector<16xf32>,
          %add3A_1648 = arith.constant 48 : i32
          %add3A_1649 = arith.addi %multiple_of3A_1623, %add3A_1648 : i32
          %get3A_1650 = arith.index_cast %add3A_1649 : i32 to index
          %get3A_1651 = tpu.vector_load %arg7[%get3A_1650] {strides = array<i32>} : memref<32768xf32, #tpu.memory_space<vmem>>, vector<16xf32>,
          %add3A_1652 = arith.constant 48 : i32
          %add3A_1653 = vector.broadcast %add3A_1652 : i32 to vector<16xi32>
          %add3A_1654 = arith.addi %iota3A, %add3A_1653 : vector<16xi32>
          %mul3A_1655 = arith.mulf %get3A_1651, %gather3A_1615 : vector<16xf32>
          tpu.vector_store_idx %arg12[%gather3A_1620, %add3A_1654], %mul3A_1655 {add = true} : memref<1024x80xf32, #tpu.memory_space<vmem>>[vector<16xi32>, vector<16xi32>], vector<16xf32>,
          %add3A_1656 = arith.constant 64 : i32
          %add3A_1657 = vector.broadcast %add3A_1656 : i32 to vector<16xi32>
          %add3A_1658 = arith.addi %iota3A, %add3A_1657 : vector<16xi32>
          %mul3A_1659 = arith.mulf %gather3A_1615, %convert_element_type3A_5 : vector<16xf32>
          tpu.vector_store_idx %arg12[%gather3A_1620, %add3A_1658], %mul3A_1659 {add = true} : memref<1024x80xf32, #tpu.memory_space<vmem>>[vector<16xi32>, vector<16xi32>], vector<16xf32>,
          %add3A_1660 = arith.constant 12 : i32
          %add3A_1661 = arith.addi %multiple_of3A_1014, %add3A_1660 : i32
          %broadcast_in_dim3A_1662 = arith.constant 1 : i32
          %broadcast_in_dim3A_1663 = vector.broadcast %broadcast_in_dim3A_1662 : i32 to vector<16xi32>
          %mul3A_1664 = vector.broadcast %add3A_1661 : i32 to vector<16xi32>
          %mul3A_1665 = arith.muli %broadcast_in_dim3A_1663, %mul3A_1664 : vector<16xi32>
          %gather3A_1666 = tpu.vector_load_idx %arg10[%mul3A_1665] : memref<512xf32, #tpu.memory_space<vmem>>[vector<16xi32>], vector<16xf32>,
          %broadcast_in_dim3A_1667 = arith.constant 1 : i32
          %broadcast_in_dim3A_1668 = vector.broadcast %broadcast_in_dim3A_1667 : i32 to vector<16xi32>
          %mul3A_1669 = vector.broadcast %add3A_1661 : i32 to vector<16xi32>
          %mul3A_1670 = arith.muli %broadcast_in_dim3A_1668, %mul3A_1669 : vector<16xi32>
          %gather3A_1671 = tpu.vector_load_idx %arg9[%mul3A_1670] : memref<512xi32, #tpu.memory_space<vmem>>[vector<16xi32>], vector<16xi32>,
          %mul3A_1672 = arith.constant 64 : i32
          %mul3A_1673 = arith.muli %add3A_1661, %mul3A_1672 : i32
          %multiple_of3A_1674 = tpu.assume_multiple %mul3A_1673, 64 : i32
          %add3A_1675 = arith.constant 0 : i32
          %add3A_1676 = arith.addi %multiple_of3A_1674, %add3A_1675 : i32
          %get3A_1677 = arith.index_cast %add3A_1676 : i32 to index
          %get3A_1678 = tpu.vector_load %arg7[%get3A_1677] {strides = array<i32>} : memref<32768xf32, #tpu.memory_space<vmem>>, vector<16xf32>,
          %add3A_1679 = arith.constant 0 : i32
          %add3A_1680 = vector.broadcast %add3A_1679 : i32 to vector<16xi32>
          %add3A_1681 = arith.addi %iota3A, %add3A_1680 : vector<16xi32>
          %mul3A_1682 = arith.mulf %get3A_1678, %gather3A_1666 : vector<16xf32>
          tpu.vector_store_idx %arg12[%gather3A_1671, %add3A_1681], %mul3A_1682 {add = true} : memref<1024x80xf32, #tpu.memory_space<vmem>>[vector<16xi32>, vector<16xi32>], vector<16xf32>,
          %add3A_1683 = arith.constant 16 : i32
          %add3A_1684 = arith.addi %multiple_of3A_1674, %add3A_1683 : i32
          %get3A_1685 = arith.index_cast %add3A_1684 : i32 to index
          %get3A_1686 = tpu.vector_load %arg7[%get3A_1685] {strides = array<i32>} : memref<32768xf32, #tpu.memory_space<vmem>>, vector<16xf32>,
          %add3A_1687 = arith.constant 16 : i32
          %add3A_1688 = vector.broadcast %add3A_1687 : i32 to vector<16xi32>
          %add3A_1689 = arith.addi %iota3A, %add3A_1688 : vector<16xi32>
          %mul3A_1690 = arith.mulf %get3A_1686, %gather3A_1666 : vector<16xf32>
          tpu.vector_store_idx %arg12[%gather3A_1671, %add3A_1689], %mul3A_1690 {add = true} : memref<1024x80xf32, #tpu.memory_space<vmem>>[vector<16xi32>, vector<16xi32>], vector<16xf32>,
          %add3A_1691 = arith.constant 32 : i32
          %add3A_1692 = arith.addi %multiple_of3A_1674, %add3A_1691 : i32
          %get3A_1693 = arith.index_cast %add3A_1692 : i32 to index
          %get3A_1694 = tpu.vector_load %arg7[%get3A_1693] {strides = array<i32>} : memref<32768xf32, #tpu.memory_space<vmem>>, vector<16xf32>,
          %add3A_1695 = arith.constant 32 : i32
          %add3A_1696 = vector.broadcast %add3A_1695 : i32 to vector<16xi32>
          %add3A_1697 = arith.addi %iota3A, %add3A_1696 : vector<16xi32>
          %mul3A_1698 = arith.mulf %get3A_1694, %gather3A_1666 : vector<16xf32>
          tpu.vector_store_idx %arg12[%gather3A_1671, %add3A_1697], %mul3A_1698 {add = true} : memref<1024x80xf32, #tpu.memory_space<vmem>>[vector<16xi32>, vector<16xi32>], vector<16xf32>,
          %add3A_1699 = arith.constant 48 : i32
          %add3A_1700 = arith.addi %multiple_of3A_1674, %add3A_1699 : i32
          %get3A_1701 = arith.index_cast %add3A_1700 : i32 to index
          %get3A_1702 = tpu.vector_load %arg7[%get3A_1701] {strides = array<i32>} : memref<32768xf32, #tpu.memory_space<vmem>>, vector<16xf32>,
          %add3A_1703 = arith.constant 48 : i32
          %add3A_1704 = vector.broadcast %add3A_1703 : i32 to vector<16xi32>
          %add3A_1705 = arith.addi %iota3A, %add3A_1704 : vector<16xi32>
          %mul3A_1706 = arith.mulf %get3A_1702, %gather3A_1666 : vector<16xf32>
          tpu.vector_store_idx %arg12[%gather3A_1671, %add3A_1705], %mul3A_1706 {add = true} : memref<1024x80xf32, #tpu.memory_space<vmem>>[vector<16xi32>, vector<16xi32>], vector<16xf32>,
          %add3A_1707 = arith.constant 64 : i32
          %add3A_1708 = vector.broadcast %add3A_1707 : i32 to vector<16xi32>
          %add3A_1709 = arith.addi %iota3A, %add3A_1708 : vector<16xi32>
          %mul3A_1710 = arith.mulf %gather3A_1666, %convert_element_type3A_5 : vector<16xf32>
          tpu.vector_store_idx %arg12[%gather3A_1671, %add3A_1709], %mul3A_1710 {add = true} : memref<1024x80xf32, #tpu.memory_space<vmem>>[vector<16xi32>, vector<16xi32>], vector<16xf32>,
          %add3A_1711 = arith.constant 13 : i32
          %add3A_1712 = arith.addi %multiple_of3A_1014, %add3A_1711 : i32
          %broadcast_in_dim3A_1713 = arith.constant 1 : i32
          %broadcast_in_dim3A_1714 = vector.broadcast %broadcast_in_dim3A_1713 : i32 to vector<16xi32>
          %mul3A_1715 = vector.broadcast %add3A_1712 : i32 to vector<16xi32>
          %mul3A_1716 = arith.muli %broadcast_in_dim3A_1714, %mul3A_1715 : vector<16xi32>
          %gather3A_1717 = tpu.vector_load_idx %arg10[%mul3A_1716] : memref<512xf32, #tpu.memory_space<vmem>>[vector<16xi32>], vector<16xf32>,
          %broadcast_in_dim3A_1718 = arith.constant 1 : i32
          %broadcast_in_dim3A_1719 = vector.broadcast %broadcast_in_dim3A_1718 : i32 to vector<16xi32>
          %mul3A_1720 = vector.broadcast %add3A_1712 : i32 to vector<16xi32>
          %mul3A_1721 = arith.muli %broadcast_in_dim3A_1719, %mul3A_1720 : vector<16xi32>
          %gather3A_1722 = tpu.vector_load_idx %arg9[%mul3A_1721] : memref<512xi32, #tpu.memory_space<vmem>>[vector<16xi32>], vector<16xi32>,
          %mul3A_1723 = arith.constant 64 : i32
          %mul3A_1724 = arith.muli %add3A_1712, %mul3A_1723 : i32
          %multiple_of3A_1725 = tpu.assume_multiple %mul3A_1724, 64 : i32
          %add3A_1726 = arith.constant 0 : i32
          %add3A_1727 = arith.addi %multiple_of3A_1725, %add3A_1726 : i32
          %get3A_1728 = arith.index_cast %add3A_1727 : i32 to index
          %get3A_1729 = tpu.vector_load %arg7[%get3A_1728] {strides = array<i32>} : memref<32768xf32, #tpu.memory_space<vmem>>, vector<16xf32>,
          %add3A_1730 = arith.constant 0 : i32
          %add3A_1731 = vector.broadcast %add3A_1730 : i32 to vector<16xi32>
          %add3A_1732 = arith.addi %iota3A, %add3A_1731 : vector<16xi32>
          %mul3A_1733 = arith.mulf %get3A_1729, %gather3A_1717 : vector<16xf32>
          tpu.vector_store_idx %arg12[%gather3A_1722, %add3A_1732], %mul3A_1733 {add = true} : memref<1024x80xf32, #tpu.memory_space<vmem>>[vector<16xi32>, vector<16xi32>], vector<16xf32>,
          %add3A_1734 = arith.constant 16 : i32
          %add3A_1735 = arith.addi %multiple_of3A_1725, %add3A_1734 : i32
          %get3A_1736 = arith.index_cast %add3A_1735 : i32 to index
          %get3A_1737 = tpu.vector_load %arg7[%get3A_1736] {strides = array<i32>} : memref<32768xf32, #tpu.memory_space<vmem>>, vector<16xf32>,
          %add3A_1738 = arith.constant 16 : i32
          %add3A_1739 = vector.broadcast %add3A_1738 : i32 to vector<16xi32>
          %add3A_1740 = arith.addi %iota3A, %add3A_1739 : vector<16xi32>
          %mul3A_1741 = arith.mulf %get3A_1737, %gather3A_1717 : vector<16xf32>
          tpu.vector_store_idx %arg12[%gather3A_1722, %add3A_1740], %mul3A_1741 {add = true} : memref<1024x80xf32, #tpu.memory_space<vmem>>[vector<16xi32>, vector<16xi32>], vector<16xf32>,
          %add3A_1742 = arith.constant 32 : i32
          %add3A_1743 = arith.addi %multiple_of3A_1725, %add3A_1742 : i32
          %get3A_1744 = arith.index_cast %add3A_1743 : i32 to index
          %get3A_1745 = tpu.vector_load %arg7[%get3A_1744] {strides = array<i32>} : memref<32768xf32, #tpu.memory_space<vmem>>, vector<16xf32>,
          %add3A_1746 = arith.constant 32 : i32
          %add3A_1747 = vector.broadcast %add3A_1746 : i32 to vector<16xi32>
          %add3A_1748 = arith.addi %iota3A, %add3A_1747 : vector<16xi32>
          %mul3A_1749 = arith.mulf %get3A_1745, %gather3A_1717 : vector<16xf32>
          tpu.vector_store_idx %arg12[%gather3A_1722, %add3A_1748], %mul3A_1749 {add = true} : memref<1024x80xf32, #tpu.memory_space<vmem>>[vector<16xi32>, vector<16xi32>], vector<16xf32>,
          %add3A_1750 = arith.constant 48 : i32
          %add3A_1751 = arith.addi %multiple_of3A_1725, %add3A_1750 : i32
          %get3A_1752 = arith.index_cast %add3A_1751 : i32 to index
          %get3A_1753 = tpu.vector_load %arg7[%get3A_1752] {strides = array<i32>} : memref<32768xf32, #tpu.memory_space<vmem>>, vector<16xf32>,
          %add3A_1754 = arith.constant 48 : i32
          %add3A_1755 = vector.broadcast %add3A_1754 : i32 to vector<16xi32>
          %add3A_1756 = arith.addi %iota3A, %add3A_1755 : vector<16xi32>
          %mul3A_1757 = arith.mulf %get3A_1753, %gather3A_1717 : vector<16xf32>
          tpu.vector_store_idx %arg12[%gather3A_1722, %add3A_1756], %mul3A_1757 {add = true} : memref<1024x80xf32, #tpu.memory_space<vmem>>[vector<16xi32>, vector<16xi32>], vector<16xf32>,
          %add3A_1758 = arith.constant 64 : i32
          %add3A_1759 = vector.broadcast %add3A_1758 : i32 to vector<16xi32>
          %add3A_1760 = arith.addi %iota3A, %add3A_1759 : vector<16xi32>
          %mul3A_1761 = arith.mulf %gather3A_1717, %convert_element_type3A_5 : vector<16xf32>
          tpu.vector_store_idx %arg12[%gather3A_1722, %add3A_1760], %mul3A_1761 {add = true} : memref<1024x80xf32, #tpu.memory_space<vmem>>[vector<16xi32>, vector<16xi32>], vector<16xf32>,
          %add3A_1762 = arith.constant 14 : i32
          %add3A_1763 = arith.addi %multiple_of3A_1014, %add3A_1762 : i32
          %broadcast_in_dim3A_1764 = arith.constant 1 : i32
          %broadcast_in_dim3A_1765 = vector.broadcast %broadcast_in_dim3A_1764 : i32 to vector<16xi32>
          %mul3A_1766 = vector.broadcast %add3A_1763 : i32 to vector<16xi32>
          %mul3A_1767 = arith.muli %broadcast_in_dim3A_1765, %mul3A_1766 : vector<16xi32>
          %gather3A_1768 = tpu.vector_load_idx %arg10[%mul3A_1767] : memref<512xf32, #tpu.memory_space<vmem>>[vector<16xi32>], vector<16xf32>,
          %broadcast_in_dim3A_1769 = arith.constant 1 : i32
          %broadcast_in_dim3A_1770 = vector.broadcast %broadcast_in_dim3A_1769 : i32 to vector<16xi32>
          %mul3A_1771 = vector.broadcast %add3A_1763 : i32 to vector<16xi32>
          %mul3A_1772 = arith.muli %broadcast_in_dim3A_1770, %mul3A_1771 : vector<16xi32>
          %gather3A_1773 = tpu.vector_load_idx %arg9[%mul3A_1772] : memref<512xi32, #tpu.memory_space<vmem>>[vector<16xi32>], vector<16xi32>,
          %mul3A_1774 = arith.constant 64 : i32
          %mul3A_1775 = arith.muli %add3A_1763, %mul3A_1774 : i32
          %multiple_of3A_1776 = tpu.assume_multiple %mul3A_1775, 64 : i32
          %add3A_1777 = arith.constant 0 : i32
          %add3A_1778 = arith.addi %multiple_of3A_1776, %add3A_1777 : i32
          %get3A_1779 = arith.index_cast %add3A_1778 : i32 to index
          %get3A_1780 = tpu.vector_load %arg7[%get3A_1779] {strides = array<i32>} : memref<32768xf32, #tpu.memory_space<vmem>>, vector<16xf32>,
          %add3A_1781 = arith.constant 0 : i32
          %add3A_1782 = vector.broadcast %add3A_1781 : i32 to vector<16xi32>
          %add3A_1783 = arith.addi %iota3A, %add3A_1782 : vector<16xi32>
          %mul3A_1784 = arith.mulf %get3A_1780, %gather3A_1768 : vector<16xf32>
          tpu.vector_store_idx %arg12[%gather3A_1773, %add3A_1783], %mul3A_1784 {add = true} : memref<1024x80xf32, #tpu.memory_space<vmem>>[vector<16xi32>, vector<16xi32>], vector<16xf32>,
          %add3A_1785 = arith.constant 16 : i32
          %add3A_1786 = arith.addi %multiple_of3A_1776, %add3A_1785 : i32
          %get3A_1787 = arith.index_cast %add3A_1786 : i32 to index
          %get3A_1788 = tpu.vector_load %arg7[%get3A_1787] {strides = array<i32>} : memref<32768xf32, #tpu.memory_space<vmem>>, vector<16xf32>,
          %add3A_1789 = arith.constant 16 : i32
          %add3A_1790 = vector.broadcast %add3A_1789 : i32 to vector<16xi32>
          %add3A_1791 = arith.addi %iota3A, %add3A_1790 : vector<16xi32>
          %mul3A_1792 = arith.mulf %get3A_1788, %gather3A_1768 : vector<16xf32>
          tpu.vector_store_idx %arg12[%gather3A_1773, %add3A_1791], %mul3A_1792 {add = true} : memref<1024x80xf32, #tpu.memory_space<vmem>>[vector<16xi32>, vector<16xi32>], vector<16xf32>,
          %add3A_1793 = arith.constant 32 : i32
          %add3A_1794 = arith.addi %multiple_of3A_1776, %add3A_1793 : i32
          %get3A_1795 = arith.index_cast %add3A_1794 : i32 to index
          %get3A_1796 = tpu.vector_load %arg7[%get3A_1795] {strides = array<i32>} : memref<32768xf32, #tpu.memory_space<vmem>>, vector<16xf32>,
          %add3A_1797 = arith.constant 32 : i32
          %add3A_1798 = vector.broadcast %add3A_1797 : i32 to vector<16xi32>
          %add3A_1799 = arith.addi %iota3A, %add3A_1798 : vector<16xi32>
          %mul3A_1800 = arith.mulf %get3A_1796, %gather3A_1768 : vector<16xf32>
          tpu.vector_store_idx %arg12[%gather3A_1773, %add3A_1799], %mul3A_1800 {add = true} : memref<1024x80xf32, #tpu.memory_space<vmem>>[vector<16xi32>, vector<16xi32>], vector<16xf32>,
          %add3A_1801 = arith.constant 48 : i32
          %add3A_1802 = arith.addi %multiple_of3A_1776, %add3A_1801 : i32
          %get3A_1803 = arith.index_cast %add3A_1802 : i32 to index
          %get3A_1804 = tpu.vector_load %arg7[%get3A_1803] {strides = array<i32>} : memref<32768xf32, #tpu.memory_space<vmem>>, vector<16xf32>,
          %add3A_1805 = arith.constant 48 : i32
          %add3A_1806 = vector.broadcast %add3A_1805 : i32 to vector<16xi32>
          %add3A_1807 = arith.addi %iota3A, %add3A_1806 : vector<16xi32>
          %mul3A_1808 = arith.mulf %get3A_1804, %gather3A_1768 : vector<16xf32>
          tpu.vector_store_idx %arg12[%gather3A_1773, %add3A_1807], %mul3A_1808 {add = true} : memref<1024x80xf32, #tpu.memory_space<vmem>>[vector<16xi32>, vector<16xi32>], vector<16xf32>,
          %add3A_1809 = arith.constant 64 : i32
          %add3A_1810 = vector.broadcast %add3A_1809 : i32 to vector<16xi32>
          %add3A_1811 = arith.addi %iota3A, %add3A_1810 : vector<16xi32>
          %mul3A_1812 = arith.mulf %gather3A_1768, %convert_element_type3A_5 : vector<16xf32>
          tpu.vector_store_idx %arg12[%gather3A_1773, %add3A_1811], %mul3A_1812 {add = true} : memref<1024x80xf32, #tpu.memory_space<vmem>>[vector<16xi32>, vector<16xi32>], vector<16xf32>,
          %add3A_1813 = arith.constant 15 : i32
          %add3A_1814 = arith.addi %multiple_of3A_1014, %add3A_1813 : i32
          %broadcast_in_dim3A_1815 = arith.constant 1 : i32
          %broadcast_in_dim3A_1816 = vector.broadcast %broadcast_in_dim3A_1815 : i32 to vector<16xi32>
          %mul3A_1817 = vector.broadcast %add3A_1814 : i32 to vector<16xi32>
          %mul3A_1818 = arith.muli %broadcast_in_dim3A_1816, %mul3A_1817 : vector<16xi32>
          %gather3A_1819 = tpu.vector_load_idx %arg10[%mul3A_1818] : memref<512xf32, #tpu.memory_space<vmem>>[vector<16xi32>], vector<16xf32>,
          %broadcast_in_dim3A_1820 = arith.constant 1 : i32
          %broadcast_in_dim3A_1821 = vector.broadcast %broadcast_in_dim3A_1820 : i32 to vector<16xi32>
          %mul3A_1822 = vector.broadcast %add3A_1814 : i32 to vector<16xi32>
          %mul3A_1823 = arith.muli %broadcast_in_dim3A_1821, %mul3A_1822 : vector<16xi32>
          %gather3A_1824 = tpu.vector_load_idx %arg9[%mul3A_1823] : memref<512xi32, #tpu.memory_space<vmem>>[vector<16xi32>], vector<16xi32>,
          %mul3A_1825 = arith.constant 64 : i32
          %mul3A_1826 = arith.muli %add3A_1814, %mul3A_1825 : i32
          %multiple_of3A_1827 = tpu.assume_multiple %mul3A_1826, 64 : i32
          %add3A_1828 = arith.constant 0 : i32
          %add3A_1829 = arith.addi %multiple_of3A_1827, %add3A_1828 : i32
          %get3A_1830 = arith.index_cast %add3A_1829 : i32 to index
          %get3A_1831 = tpu.vector_load %arg7[%get3A_1830] {strides = array<i32>} : memref<32768xf32, #tpu.memory_space<vmem>>, vector<16xf32>,
          %add3A_1832 = arith.constant 0 : i32
          %add3A_1833 = vector.broadcast %add3A_1832 : i32 to vector<16xi32>
          %add3A_1834 = arith.addi %iota3A, %add3A_1833 : vector<16xi32>
          %mul3A_1835 = arith.mulf %get3A_1831, %gather3A_1819 : vector<16xf32>
          tpu.vector_store_idx %arg12[%gather3A_1824, %add3A_1834], %mul3A_1835 {add = true} : memref<1024x80xf32, #tpu.memory_space<vmem>>[vector<16xi32>, vector<16xi32>], vector<16xf32>,
          %add3A_1836 = arith.constant 16 : i32
          %add3A_1837 = arith.addi %multiple_of3A_1827, %add3A_1836 : i32
          %get3A_1838 = arith.index_cast %add3A_1837 : i32 to index
          %get3A_1839 = tpu.vector_load %arg7[%get3A_1838] {strides = array<i32>} : memref<32768xf32, #tpu.memory_space<vmem>>, vector<16xf32>,
          %add3A_1840 = arith.constant 16 : i32
          %add3A_1841 = vector.broadcast %add3A_1840 : i32 to vector<16xi32>
          %add3A_1842 = arith.addi %iota3A, %add3A_1841 : vector<16xi32>
          %mul3A_1843 = arith.mulf %get3A_1839, %gather3A_1819 : vector<16xf32>
          tpu.vector_store_idx %arg12[%gather3A_1824, %add3A_1842], %mul3A_1843 {add = true} : memref<1024x80xf32, #tpu.memory_space<vmem>>[vector<16xi32>, vector<16xi32>], vector<16xf32>,
          %add3A_1844 = arith.constant 32 : i32
          %add3A_1845 = arith.addi %multiple_of3A_1827, %add3A_1844 : i32
          %get3A_1846 = arith.index_cast %add3A_1845 : i32 to index
          %get3A_1847 = tpu.vector_load %arg7[%get3A_1846] {strides = array<i32>} : memref<32768xf32, #tpu.memory_space<vmem>>, vector<16xf32>,
          %add3A_1848 = arith.constant 32 : i32
          %add3A_1849 = vector.broadcast %add3A_1848 : i32 to vector<16xi32>
          %add3A_1850 = arith.addi %iota3A, %add3A_1849 : vector<16xi32>
          %mul3A_1851 = arith.mulf %get3A_1847, %gather3A_1819 : vector<16xf32>
          tpu.vector_store_idx %arg12[%gather3A_1824, %add3A_1850], %mul3A_1851 {add = true} : memref<1024x80xf32, #tpu.memory_space<vmem>>[vector<16xi32>, vector<16xi32>], vector<16xf32>,
          %add3A_1852 = arith.constant 48 : i32
          %add3A_1853 = arith.addi %multiple_of3A_1827, %add3A_1852 : i32
          %get3A_1854 = arith.index_cast %add3A_1853 : i32 to index
          %get3A_1855 = tpu.vector_load %arg7[%get3A_1854] {strides = array<i32>} : memref<32768xf32, #tpu.memory_space<vmem>>, vector<16xf32>,
          %add3A_1856 = arith.constant 48 : i32
          %add3A_1857 = vector.broadcast %add3A_1856 : i32 to vector<16xi32>
          %add3A_1858 = arith.addi %iota3A, %add3A_1857 : vector<16xi32>
          %mul3A_1859 = arith.mulf %get3A_1855, %gather3A_1819 : vector<16xf32>
          tpu.vector_store_idx %arg12[%gather3A_1824, %add3A_1858], %mul3A_1859 {add = true} : memref<1024x80xf32, #tpu.memory_space<vmem>>[vector<16xi32>, vector<16xi32>], vector<16xf32>,
          %add3A_1860 = arith.constant 64 : i32
          %add3A_1861 = vector.broadcast %add3A_1860 : i32 to vector<16xi32>
          %add3A_1862 = arith.addi %iota3A, %add3A_1861 : vector<16xi32>
          %mul3A_1863 = arith.mulf %gather3A_1819, %convert_element_type3A_5 : vector<16xf32>
          tpu.vector_store_idx %arg12[%gather3A_1824, %add3A_1862], %mul3A_1863 {add = true} : memref<1024x80xf32, #tpu.memory_space<vmem>>[vector<16xi32>, vector<16xi32>], vector<16xf32>,
          %broadcast_in_dim3A_1864 = arith.constant 1 : i32
          %broadcast_in_dim3A_1865 = vector.broadcast %broadcast_in_dim3A_1864 : i32 to vector<16xi32>
          %add3A_1866 = arith.constant 15 : i32
          %add3A_1867 = arith.addi %multiple_of3A_1014, %add3A_1866 : i32
          %mul3A_1868 = vector.broadcast %add3A_1867 : i32 to vector<16xi32>
          %mul3A_1869 = arith.muli %broadcast_in_dim3A_1865, %mul3A_1868 : vector<16xi32>
          %gather3A_1870 = tpu.vector_load_idx %arg9[%mul3A_1869] : memref<512xi32, #tpu.memory_space<vmem>>[vector<16xi32>], vector<16xi32>,
          scf.yield %broadcast_in_dim3A_6, %broadcast_in_dim3A_6, %broadcast_in_dim3A_6, %broadcast_in_dim3A_6, %broadcast_in_dim3A_6, %gather3A_1870 : vector<16xf32>, vector<16xf32>, vector<16xf32>, vector<16xf32>, vector<16xf32>, vector<16xi32>
        }
        scf.yield %cond3A_1031#0, %cond3A_1031#1, %cond3A_1031#2, %cond3A_1031#3, %cond3A_1031#4, %cond3A_1031#5 : vector<16xf32>, vector<16xf32>, vector<16xf32>, vector<16xf32>, vector<16xf32>, vector<16xi32>
      }
      %scan3A_1004 = arith.constant 32 : i32
      scf.yield %scan3A_1003#0, %scan3A_1003#1, %scan3A_1003#2, %scan3A_1003#3, %scan3A_1003#4, %scan3A_1003#5 : vector<16xf32>, vector<16xf32>, vector<16xf32>, vector<16xf32>, vector<16xf32>, vector<16xi32>
    }
    %scan3A_20 = arith.constant 48 : i32
    %add3A_21 = arith.constant 24576 : i32
    %add3A_22 = arith.addi %mul3A_2, %add3A_21 : i32
    %mul3A_23 = arith.constant 64 : i32
    %mul3A_24 = arith.muli %add3A_22, %mul3A_23 : i32
    %multiple_of3A = tpu.assume_multiple %mul3A_24, 64 : i32
    %dma_start3A = arith.constant 0 : i32
    %dma_start3A_25 = tpu.memref_slice %arg7[%dma_start3A] : memref<32768xf32, #tpu.memory_space<vmem>> -> memref<27136xf32, #tpu.memory_space<vmem>>
    %dma_start3A_26 = tpu.memref_slice %arg2[%multiple_of3A] : memref<51200000xf32, #tpu.memory_space<hbm>> -> memref<27136xf32, #tpu.memory_space<hbm>>
    %dma_start3A_27 = arith.constant 0 : i32
    %dma_start3A_28 = tpu.memref_slice %arg7[%dma_start3A_27] : memref<32768xf32, #tpu.memory_space<vmem>> -> memref<27136xf32, #tpu.memory_space<vmem>>
    %dma_start3A_29 = tpu.memref_slice %arg2[%multiple_of3A] : memref<51200000xf32, #tpu.memory_space<hbm>> -> memref<27136xf32, #tpu.memory_space<hbm>>
    tpu.enqueue_dma source(%dma_start3A_29 : memref<27136xf32, #tpu.memory_space<hbm>>) target(%dma_start3A_28 : memref<27136xf32, #tpu.memory_space<vmem>>) target_semaphore(%arg13 : memref<!tpu.dma_semaphore, #tpu.memory_space<semaphore_mem>>)
    %multiple_of3A_30 = tpu.assume_multiple %add3A_22, 8 : i32
    %dma_start3A_31 = arith.constant 0 : i32
    %dma_start3A_32 = tpu.memref_slice %arg8[%dma_start3A_31] : memref<512xf32, #tpu.memory_space<vmem>> -> memref<432xf32, #tpu.memory_space<vmem>>
    %dma_start3A_33 = tpu.memref_slice %arg3[%multiple_of3A_30] : memref<800016xf32, #tpu.memory_space<hbm>> -> memref<432xf32, #tpu.memory_space<hbm>>
    %dma_start3A_34 = arith.constant 0 : i32
    %dma_start3A_35 = tpu.memref_slice %arg8[%dma_start3A_34] : memref<512xf32, #tpu.memory_space<vmem>> -> memref<432xf32, #tpu.memory_space<vmem>>
    %dma_start3A_36 = tpu.memref_slice %arg3[%multiple_of3A_30] : memref<800016xf32, #tpu.memory_space<hbm>> -> memref<432xf32, #tpu.memory_space<hbm>>
    tpu.enqueue_dma source(%dma_start3A_36 : memref<432xf32, #tpu.memory_space<hbm>>) target(%dma_start3A_35 : memref<432xf32, #tpu.memory_space<vmem>>) target_semaphore(%arg14 : memref<!tpu.dma_semaphore, #tpu.memory_space<semaphore_mem>>)
    %dma_start3A_37 = arith.constant 0 : i32
    %dma_start3A_38 = tpu.memref_slice %arg9[%dma_start3A_37] : memref<512xi32, #tpu.memory_space<vmem>> -> memref<432xi32, #tpu.memory_space<vmem>>
    %dma_start3A_39 = tpu.memref_slice %arg4[%multiple_of3A_30] : memref<800016xi32, #tpu.memory_space<hbm>> -> memref<432xi32, #tpu.memory_space<hbm>>
    %dma_start3A_40 = arith.constant 0 : i32
    %dma_start3A_41 = tpu.memref_slice %arg9[%dma_start3A_40] : memref<512xi32, #tpu.memory_space<vmem>> -> memref<432xi32, #tpu.memory_space<vmem>>
    %dma_start3A_42 = tpu.memref_slice %arg4[%multiple_of3A_30] : memref<800016xi32, #tpu.memory_space<hbm>> -> memref<432xi32, #tpu.memory_space<hbm>>
    tpu.enqueue_dma source(%dma_start3A_42 : memref<432xi32, #tpu.memory_space<hbm>>) target(%dma_start3A_41 : memref<432xi32, #tpu.memory_space<vmem>>) target_semaphore(%arg15 : memref<!tpu.dma_semaphore, #tpu.memory_space<semaphore_mem>>)
    %dma_wait3A = arith.constant 0 : i32
    %dma_wait3A_43 = tpu.memref_slice %arg7[%dma_wait3A] : memref<32768xf32, #tpu.memory_space<vmem>> -> memref<27136xf32, #tpu.memory_space<vmem>>
    %dma_wait3A_44 = tpu.memref_slice %arg2[%multiple_of3A] : memref<51200000xf32, #tpu.memory_space<hbm>> -> memref<27136xf32, #tpu.memory_space<hbm>>
    %dma_wait3A_45 = arith.constant 0 : i32
    %dma_wait3A_46 = tpu.memref_slice %arg7[%dma_wait3A_45] : memref<32768xf32, #tpu.memory_space<vmem>> -> memref<27136xf32, #tpu.memory_space<vmem>>
    %dma_wait3A_47 = tpu.memref_slice %arg2[%multiple_of3A] : memref<51200000xf32, #tpu.memory_space<hbm>> -> memref<27136xf32, #tpu.memory_space<hbm>>
    tpu.wait_dma2 semaphore(%arg13 : memref<!tpu.dma_semaphore, #tpu.memory_space<semaphore_mem>>) src(%dma_wait3A_47 : memref<27136xf32, #tpu.memory_space<hbm>>) dst(%dma_wait3A_46 : memref<27136xf32, #tpu.memory_space<vmem>>)
    %dma_wait3A_48 = arith.constant 0 : i32
    %dma_wait3A_49 = tpu.memref_slice %arg8[%dma_wait3A_48] : memref<512xf32, #tpu.memory_space<vmem>> -> memref<432xf32, #tpu.memory_space<vmem>>
    %dma_wait3A_50 = tpu.memref_slice %arg3[%multiple_of3A_30] : memref<800016xf32, #tpu.memory_space<hbm>> -> memref<432xf32, #tpu.memory_space<hbm>>
    %dma_wait3A_51 = arith.constant 0 : i32
    %dma_wait3A_52 = tpu.memref_slice %arg8[%dma_wait3A_51] : memref<512xf32, #tpu.memory_space<vmem>> -> memref<432xf32, #tpu.memory_space<vmem>>
    %dma_wait3A_53 = tpu.memref_slice %arg3[%multiple_of3A_30] : memref<800016xf32, #tpu.memory_space<hbm>> -> memref<432xf32, #tpu.memory_space<hbm>>
    tpu.wait_dma2 semaphore(%arg14 : memref<!tpu.dma_semaphore, #tpu.memory_space<semaphore_mem>>) src(%dma_wait3A_53 : memref<432xf32, #tpu.memory_space<hbm>>) dst(%dma_wait3A_52 : memref<432xf32, #tpu.memory_space<vmem>>)
    %dma_wait3A_54 = arith.constant 0 : i32
    %dma_wait3A_55 = tpu.memref_slice %arg9[%dma_wait3A_54] : memref<512xi32, #tpu.memory_space<vmem>> -> memref<432xi32, #tpu.memory_space<vmem>>
    %dma_wait3A_56 = tpu.memref_slice %arg4[%multiple_of3A_30] : memref<800016xi32, #tpu.memory_space<hbm>> -> memref<432xi32, #tpu.memory_space<hbm>>
    %dma_wait3A_57 = arith.constant 0 : i32
    %dma_wait3A_58 = tpu.memref_slice %arg9[%dma_wait3A_57] : memref<512xi32, #tpu.memory_space<vmem>> -> memref<432xi32, #tpu.memory_space<vmem>>
    %dma_wait3A_59 = tpu.memref_slice %arg4[%multiple_of3A_30] : memref<800016xi32, #tpu.memory_space<hbm>> -> memref<432xi32, #tpu.memory_space<hbm>>
    tpu.wait_dma2 semaphore(%arg15 : memref<!tpu.dma_semaphore, #tpu.memory_space<semaphore_mem>>) src(%dma_wait3A_59 : memref<432xi32, #tpu.memory_space<hbm>>) dst(%dma_wait3A_58 : memref<432xi32, #tpu.memory_space<vmem>>)
    %get3A = arith.constant 0 : index
    %get3A_60 = tpu.vector_load %arg8[%get3A] {strides = array<i32>} : memref<512xf32, #tpu.memory_space<vmem>>, vector<16xf32>,
    %get3A_61 = arith.constant 0 : index
    %get3A_62 = tpu.vector_load %arg11[%get3A_61] {strides = array<i32>} : memref<16xf32, #tpu.memory_space<vmem>>, vector<16xf32>,
    %sub3A = arith.subf %get3A_60, %get3A_62 : vector<16xf32>
    %exp3A = math.exp %sub3A : vector<16xf32>
    %swap3A = arith.constant 0 : index
    %swap3A_63 = tpu.vector_load %arg10[%swap3A] {strides = array<i32>} : memref<512xf32, #tpu.memory_space<vmem>>, vector<16xf32>,
    tpu.vector_store %arg10[%swap3A], %exp3A {strides = array<i32>} : memref<512xf32, #tpu.memory_space<vmem>>, vector<16xf32>,
    %get3A_64 = arith.constant 16 : index
    %get3A_65 = tpu.vector_load %arg8[%get3A_64] {strides = array<i32>} : memref<512xf32, #tpu.memory_space<vmem>>, vector<16xf32>,
    %get3A_66 = arith.constant 0 : index
    %get3A_67 = tpu.vector_load %arg11[%get3A_66] {strides = array<i32>} : memref<16xf32, #tpu.memory_space<vmem>>, vector<16xf32>,
    %sub3A_68 = arith.subf %get3A_65, %get3A_67 : vector<16xf32>
    %exp3A_69 = math.exp %sub3A_68 : vector<16xf32>
    %swap3A_70 = arith.constant 16 : index
    %swap3A_71 = tpu.vector_load %arg10[%swap3A_70] {strides = array<i32>} : memref<512xf32, #tpu.memory_space<vmem>>, vector<16xf32>,
    tpu.vector_store %arg10[%swap3A_70], %exp3A_69 {strides = array<i32>} : memref<512xf32, #tpu.memory_space<vmem>>, vector<16xf32>,
    %get3A_72 = arith.constant 32 : index
    %get3A_73 = tpu.vector_load %arg8[%get3A_72] {strides = array<i32>} : memref<512xf32, #tpu.memory_space<vmem>>, vector<16xf32>,
    %get3A_74 = arith.constant 0 : index
    %get3A_75 = tpu.vector_load %arg11[%get3A_74] {strides = array<i32>} : memref<16xf32, #tpu.memory_space<vmem>>, vector<16xf32>,
    %sub3A_76 = arith.subf %get3A_73, %get3A_75 : vector<16xf32>
    %exp3A_77 = math.exp %sub3A_76 : vector<16xf32>
    %swap3A_78 = arith.constant 32 : index
    %swap3A_79 = tpu.vector_load %arg10[%swap3A_78] {strides = array<i32>} : memref<512xf32, #tpu.memory_space<vmem>>, vector<16xf32>,
    tpu.vector_store %arg10[%swap3A_78], %exp3A_77 {strides = array<i32>} : memref<512xf32, #tpu.memory_space<vmem>>, vector<16xf32>,
    %get3A_80 = arith.constant 48 : index
    %get3A_81 = tpu.vector_load %arg8[%get3A_80] {strides = array<i32>} : memref<512xf32, #tpu.memory_space<vmem>>, vector<16xf32>,
    %get3A_82 = arith.constant 0 : index
    %get3A_83 = tpu.vector_load %arg11[%get3A_82] {strides = array<i32>} : memref<16xf32, #tpu.memory_space<vmem>>, vector<16xf32>,
    %sub3A_84 = arith.subf %get3A_81, %get3A_83 : vector<16xf32>
    %exp3A_85 = math.exp %sub3A_84 : vector<16xf32>
    %swap3A_86 = arith.constant 48 : index
    %swap3A_87 = tpu.vector_load %arg10[%swap3A_86] {strides = array<i32>} : memref<512xf32, #tpu.memory_space<vmem>>, vector<16xf32>,
    tpu.vector_store %arg10[%swap3A_86], %exp3A_85 {strides = array<i32>} : memref<512xf32, #tpu.memory_space<vmem>>, vector<16xf32>,
    %get3A_88 = arith.constant 64 : index
    %get3A_89 = tpu.vector_load %arg8[%get3A_88] {strides = array<i32>} : memref<512xf32, #tpu.memory_space<vmem>>, vector<16xf32>,
    %get3A_90 = arith.constant 0 : index
    %get3A_91 = tpu.vector_load %arg11[%get3A_90] {strides = array<i32>} : memref<16xf32, #tpu.memory_space<vmem>>, vector<16xf32>,
    %sub3A_92 = arith.subf %get3A_89, %get3A_91 : vector<16xf32>
    %exp3A_93 = math.exp %sub3A_92 : vector<16xf32>
    %swap3A_94 = arith.constant 64 : index
    %swap3A_95 = tpu.vector_load %arg10[%swap3A_94] {strides = array<i32>} : memref<512xf32, #tpu.memory_space<vmem>>, vector<16xf32>,
    tpu.vector_store %arg10[%swap3A_94], %exp3A_93 {strides = array<i32>} : memref<512xf32, #tpu.memory_space<vmem>>, vector<16xf32>,
    %get3A_96 = arith.constant 80 : index
    %get3A_97 = tpu.vector_load %arg8[%get3A_96] {strides = array<i32>} : memref<512xf32, #tpu.memory_space<vmem>>, vector<16xf32>,
    %get3A_98 = arith.constant 0 : index
    %get3A_99 = tpu.vector_load %arg11[%get3A_98] {strides = array<i32>} : memref<16xf32, #tpu.memory_space<vmem>>, vector<16xf32>,
    %sub3A_100 = arith.subf %get3A_97, %get3A_99 : vector<16xf32>
    %exp3A_101 = math.exp %sub3A_100 : vector<16xf32>
    %swap3A_102 = arith.constant 80 : index
    %swap3A_103 = tpu.vector_load %arg10[%swap3A_102] {strides = array<i32>} : memref<512xf32, #tpu.memory_space<vmem>>, vector<16xf32>,
    tpu.vector_store %arg10[%swap3A_102], %exp3A_101 {strides = array<i32>} : memref<512xf32, #tpu.memory_space<vmem>>, vector<16xf32>,
    %get3A_104 = arith.constant 96 : index
    %get3A_105 = tpu.vector_load %arg8[%get3A_104] {strides = array<i32>} : memref<512xf32, #tpu.memory_space<vmem>>, vector<16xf32>,
    %get3A_106 = arith.constant 0 : index
    %get3A_107 = tpu.vector_load %arg11[%get3A_106] {strides = array<i32>} : memref<16xf32, #tpu.memory_space<vmem>>, vector<16xf32>,
    %sub3A_108 = arith.subf %get3A_105, %get3A_107 : vector<16xf32>
    %exp3A_109 = math.exp %sub3A_108 : vector<16xf32>
    %swap3A_110 = arith.constant 96 : index
    %swap3A_111 = tpu.vector_load %arg10[%swap3A_110] {strides = array<i32>} : memref<512xf32, #tpu.memory_space<vmem>>, vector<16xf32>,
    tpu.vector_store %arg10[%swap3A_110], %exp3A_109 {strides = array<i32>} : memref<512xf32, #tpu.memory_space<vmem>>, vector<16xf32>,
    %get3A_112 = arith.constant 112 : index
    %get3A_113 = tpu.vector_load %arg8[%get3A_112] {strides = array<i32>} : memref<512xf32, #tpu.memory_space<vmem>>, vector<16xf32>,
    %get3A_114 = arith.constant 0 : index
    %get3A_115 = tpu.vector_load %arg11[%get3A_114] {strides = array<i32>} : memref<16xf32, #tpu.memory_space<vmem>>, vector<16xf32>,
    %sub3A_116 = arith.subf %get3A_113, %get3A_115 : vector<16xf32>
    %exp3A_117 = math.exp %sub3A_116 : vector<16xf32>
    %swap3A_118 = arith.constant 112 : index
    %swap3A_119 = tpu.vector_load %arg10[%swap3A_118] {strides = array<i32>} : memref<512xf32, #tpu.memory_space<vmem>>, vector<16xf32>,
    tpu.vector_store %arg10[%swap3A_118], %exp3A_117 {strides = array<i32>} : memref<512xf32, #tpu.memory_space<vmem>>, vector<16xf32>,
    %get3A_120 = arith.constant 128 : index
    %get3A_121 = tpu.vector_load %arg8[%get3A_120] {strides = array<i32>} : memref<512xf32, #tpu.memory_space<vmem>>, vector<16xf32>,
    %get3A_122 = arith.constant 0 : index
    %get3A_123 = tpu.vector_load %arg11[%get3A_122] {strides = array<i32>} : memref<16xf32, #tpu.memory_space<vmem>>, vector<16xf32>,
    %sub3A_124 = arith.subf %get3A_121, %get3A_123 : vector<16xf32>
    %exp3A_125 = math.exp %sub3A_124 : vector<16xf32>
    %swap3A_126 = arith.constant 128 : index
    %swap3A_127 = tpu.vector_load %arg10[%swap3A_126] {strides = array<i32>} : memref<512xf32, #tpu.memory_space<vmem>>, vector<16xf32>,
    tpu.vector_store %arg10[%swap3A_126], %exp3A_125 {strides = array<i32>} : memref<512xf32, #tpu.memory_space<vmem>>, vector<16xf32>,
    %get3A_128 = arith.constant 144 : index
    %get3A_129 = tpu.vector_load %arg8[%get3A_128] {strides = array<i32>} : memref<512xf32, #tpu.memory_space<vmem>>, vector<16xf32>,
    %get3A_130 = arith.constant 0 : index
    %get3A_131 = tpu.vector_load %arg11[%get3A_130] {strides = array<i32>} : memref<16xf32, #tpu.memory_space<vmem>>, vector<16xf32>,
    %sub3A_132 = arith.subf %get3A_129, %get3A_131 : vector<16xf32>
    %exp3A_133 = math.exp %sub3A_132 : vector<16xf32>
    %swap3A_134 = arith.constant 144 : index
    %swap3A_135 = tpu.vector_load %arg10[%swap3A_134] {strides = array<i32>} : memref<512xf32, #tpu.memory_space<vmem>>, vector<16xf32>,
    tpu.vector_store %arg10[%swap3A_134], %exp3A_133 {strides = array<i32>} : memref<512xf32, #tpu.memory_space<vmem>>, vector<16xf32>,
    %get3A_136 = arith.constant 160 : index
    %get3A_137 = tpu.vector_load %arg8[%get3A_136] {strides = array<i32>} : memref<512xf32, #tpu.memory_space<vmem>>, vector<16xf32>,
    %get3A_138 = arith.constant 0 : index
    %get3A_139 = tpu.vector_load %arg11[%get3A_138] {strides = array<i32>} : memref<16xf32, #tpu.memory_space<vmem>>, vector<16xf32>,
    %sub3A_140 = arith.subf %get3A_137, %get3A_139 : vector<16xf32>
    %exp3A_141 = math.exp %sub3A_140 : vector<16xf32>
    %swap3A_142 = arith.constant 160 : index
    %swap3A_143 = tpu.vector_load %arg10[%swap3A_142] {strides = array<i32>} : memref<512xf32, #tpu.memory_space<vmem>>, vector<16xf32>,
    tpu.vector_store %arg10[%swap3A_142], %exp3A_141 {strides = array<i32>} : memref<512xf32, #tpu.memory_space<vmem>>, vector<16xf32>,
    %get3A_144 = arith.constant 176 : index
    %get3A_145 = tpu.vector_load %arg8[%get3A_144] {strides = array<i32>} : memref<512xf32, #tpu.memory_space<vmem>>, vector<16xf32>,
    %get3A_146 = arith.constant 0 : index
    %get3A_147 = tpu.vector_load %arg11[%get3A_146] {strides = array<i32>} : memref<16xf32, #tpu.memory_space<vmem>>, vector<16xf32>,
    %sub3A_148 = arith.subf %get3A_145, %get3A_147 : vector<16xf32>
    %exp3A_149 = math.exp %sub3A_148 : vector<16xf32>
    %swap3A_150 = arith.constant 176 : index
    %swap3A_151 = tpu.vector_load %arg10[%swap3A_150] {strides = array<i32>} : memref<512xf32, #tpu.memory_space<vmem>>, vector<16xf32>,
    tpu.vector_store %arg10[%swap3A_150], %exp3A_149 {strides = array<i32>} : memref<512xf32, #tpu.memory_space<vmem>>, vector<16xf32>,
    %get3A_152 = arith.constant 192 : index
    %get3A_153 = tpu.vector_load %arg8[%get3A_152] {strides = array<i32>} : memref<512xf32, #tpu.memory_space<vmem>>, vector<16xf32>,
    %get3A_154 = arith.constant 0 : index
    %get3A_155 = tpu.vector_load %arg11[%get3A_154] {strides = array<i32>} : memref<16xf32, #tpu.memory_space<vmem>>, vector<16xf32>,
    %sub3A_156 = arith.subf %get3A_153, %get3A_155 : vector<16xf32>
    %exp3A_157 = math.exp %sub3A_156 : vector<16xf32>
    %swap3A_158 = arith.constant 192 : index
    %swap3A_159 = tpu.vector_load %arg10[%swap3A_158] {strides = array<i32>} : memref<512xf32, #tpu.memory_space<vmem>>, vector<16xf32>,
    tpu.vector_store %arg10[%swap3A_158], %exp3A_157 {strides = array<i32>} : memref<512xf32, #tpu.memory_space<vmem>>, vector<16xf32>,
    %get3A_160 = arith.constant 208 : index
    %get3A_161 = tpu.vector_load %arg8[%get3A_160] {strides = array<i32>} : memref<512xf32, #tpu.memory_space<vmem>>, vector<16xf32>,
    %get3A_162 = arith.constant 0 : index
    %get3A_163 = tpu.vector_load %arg11[%get3A_162] {strides = array<i32>} : memref<16xf32, #tpu.memory_space<vmem>>, vector<16xf32>,
    %sub3A_164 = arith.subf %get3A_161, %get3A_163 : vector<16xf32>
    %exp3A_165 = math.exp %sub3A_164 : vector<16xf32>
    %swap3A_166 = arith.constant 208 : index
    %swap3A_167 = tpu.vector_load %arg10[%swap3A_166] {strides = array<i32>} : memref<512xf32, #tpu.memory_space<vmem>>, vector<16xf32>,
    tpu.vector_store %arg10[%swap3A_166], %exp3A_165 {strides = array<i32>} : memref<512xf32, #tpu.memory_space<vmem>>, vector<16xf32>,
    %get3A_168 = arith.constant 224 : index
    %get3A_169 = tpu.vector_load %arg8[%get3A_168] {strides = array<i32>} : memref<512xf32, #tpu.memory_space<vmem>>, vector<16xf32>,
    %get3A_170 = arith.constant 0 : index
    %get3A_171 = tpu.vector_load %arg11[%get3A_170] {strides = array<i32>} : memref<16xf32, #tpu.memory_space<vmem>>, vector<16xf32>,
    %sub3A_172 = arith.subf %get3A_169, %get3A_171 : vector<16xf32>
    %exp3A_173 = math.exp %sub3A_172 : vector<16xf32>
    %swap3A_174 = arith.constant 224 : index
    %swap3A_175 = tpu.vector_load %arg10[%swap3A_174] {strides = array<i32>} : memref<512xf32, #tpu.memory_space<vmem>>, vector<16xf32>,
    tpu.vector_store %arg10[%swap3A_174], %exp3A_173 {strides = array<i32>} : memref<512xf32, #tpu.memory_space<vmem>>, vector<16xf32>,
    %get3A_176 = arith.constant 240 : index
    %get3A_177 = tpu.vector_load %arg8[%get3A_176] {strides = array<i32>} : memref<512xf32, #tpu.memory_space<vmem>>, vector<16xf32>,
    %get3A_178 = arith.constant 0 : index
    %get3A_179 = tpu.vector_load %arg11[%get3A_178] {strides = array<i32>} : memref<16xf32, #tpu.memory_space<vmem>>, vector<16xf32>,
    %sub3A_180 = arith.subf %get3A_177, %get3A_179 : vector<16xf32>
    %exp3A_181 = math.exp %sub3A_180 : vector<16xf32>
    %swap3A_182 = arith.constant 240 : index
    %swap3A_183 = tpu.vector_load %arg10[%swap3A_182] {strides = array<i32>} : memref<512xf32, #tpu.memory_space<vmem>>, vector<16xf32>,
    tpu.vector_store %arg10[%swap3A_182], %exp3A_181 {strides = array<i32>} : memref<512xf32, #tpu.memory_space<vmem>>, vector<16xf32>,
    %get3A_184 = arith.constant 256 : index
    %get3A_185 = tpu.vector_load %arg8[%get3A_184] {strides = array<i32>} : memref<512xf32, #tpu.memory_space<vmem>>, vector<16xf32>,
    %get3A_186 = arith.constant 0 : index
    %get3A_187 = tpu.vector_load %arg11[%get3A_186] {strides = array<i32>} : memref<16xf32, #tpu.memory_space<vmem>>, vector<16xf32>,
    %sub3A_188 = arith.subf %get3A_185, %get3A_187 : vector<16xf32>
    %exp3A_189 = math.exp %sub3A_188 : vector<16xf32>
    %swap3A_190 = arith.constant 256 : index
    %swap3A_191 = tpu.vector_load %arg10[%swap3A_190] {strides = array<i32>} : memref<512xf32, #tpu.memory_space<vmem>>, vector<16xf32>,
    tpu.vector_store %arg10[%swap3A_190], %exp3A_189 {strides = array<i32>} : memref<512xf32, #tpu.memory_space<vmem>>, vector<16xf32>,
    %get3A_192 = arith.constant 272 : index
    %get3A_193 = tpu.vector_load %arg8[%get3A_192] {strides = array<i32>} : memref<512xf32, #tpu.memory_space<vmem>>, vector<16xf32>,
    %get3A_194 = arith.constant 0 : index
    %get3A_195 = tpu.vector_load %arg11[%get3A_194] {strides = array<i32>} : memref<16xf32, #tpu.memory_space<vmem>>, vector<16xf32>,
    %sub3A_196 = arith.subf %get3A_193, %get3A_195 : vector<16xf32>
    %exp3A_197 = math.exp %sub3A_196 : vector<16xf32>
    %swap3A_198 = arith.constant 272 : index
    %swap3A_199 = tpu.vector_load %arg10[%swap3A_198] {strides = array<i32>} : memref<512xf32, #tpu.memory_space<vmem>>, vector<16xf32>,
    tpu.vector_store %arg10[%swap3A_198], %exp3A_197 {strides = array<i32>} : memref<512xf32, #tpu.memory_space<vmem>>, vector<16xf32>,
    %get3A_200 = arith.constant 288 : index
    %get3A_201 = tpu.vector_load %arg8[%get3A_200] {strides = array<i32>} : memref<512xf32, #tpu.memory_space<vmem>>, vector<16xf32>,
    %get3A_202 = arith.constant 0 : index
    %get3A_203 = tpu.vector_load %arg11[%get3A_202] {strides = array<i32>} : memref<16xf32, #tpu.memory_space<vmem>>, vector<16xf32>,
    %sub3A_204 = arith.subf %get3A_201, %get3A_203 : vector<16xf32>
    %exp3A_205 = math.exp %sub3A_204 : vector<16xf32>
    %swap3A_206 = arith.constant 288 : index
    %swap3A_207 = tpu.vector_load %arg10[%swap3A_206] {strides = array<i32>} : memref<512xf32, #tpu.memory_space<vmem>>, vector<16xf32>,
    tpu.vector_store %arg10[%swap3A_206], %exp3A_205 {strides = array<i32>} : memref<512xf32, #tpu.memory_space<vmem>>, vector<16xf32>,
    %get3A_208 = arith.constant 304 : index
    %get3A_209 = tpu.vector_load %arg8[%get3A_208] {strides = array<i32>} : memref<512xf32, #tpu.memory_space<vmem>>, vector<16xf32>,
    %get3A_210 = arith.constant 0 : index
    %get3A_211 = tpu.vector_load %arg11[%get3A_210] {strides = array<i32>} : memref<16xf32, #tpu.memory_space<vmem>>, vector<16xf32>,
    %sub3A_212 = arith.subf %get3A_209, %get3A_211 : vector<16xf32>
    %exp3A_213 = math.exp %sub3A_212 : vector<16xf32>
    %swap3A_214 = arith.constant 304 : index
    %swap3A_215 = tpu.vector_load %arg10[%swap3A_214] {strides = array<i32>} : memref<512xf32, #tpu.memory_space<vmem>>, vector<16xf32>,
    tpu.vector_store %arg10[%swap3A_214], %exp3A_213 {strides = array<i32>} : memref<512xf32, #tpu.memory_space<vmem>>, vector<16xf32>,
    %get3A_216 = arith.constant 320 : index
    %get3A_217 = tpu.vector_load %arg8[%get3A_216] {strides = array<i32>} : memref<512xf32, #tpu.memory_space<vmem>>, vector<16xf32>,
    %get3A_218 = arith.constant 0 : index
    %get3A_219 = tpu.vector_load %arg11[%get3A_218] {strides = array<i32>} : memref<16xf32, #tpu.memory_space<vmem>>, vector<16xf32>,
    %sub3A_220 = arith.subf %get3A_217, %get3A_219 : vector<16xf32>
    %exp3A_221 = math.exp %sub3A_220 : vector<16xf32>
    %swap3A_222 = arith.constant 320 : index
    %swap3A_223 = tpu.vector_load %arg10[%swap3A_222] {strides = array<i32>} : memref<512xf32, #tpu.memory_space<vmem>>, vector<16xf32>,
    tpu.vector_store %arg10[%swap3A_222], %exp3A_221 {strides = array<i32>} : memref<512xf32, #tpu.memory_space<vmem>>, vector<16xf32>,
    %get3A_224 = arith.constant 336 : index
    %get3A_225 = tpu.vector_load %arg8[%get3A_224] {strides = array<i32>} : memref<512xf32, #tpu.memory_space<vmem>>, vector<16xf32>,
    %get3A_226 = arith.constant 0 : index
    %get3A_227 = tpu.vector_load %arg11[%get3A_226] {strides = array<i32>} : memref<16xf32, #tpu.memory_space<vmem>>, vector<16xf32>,
    %sub3A_228 = arith.subf %get3A_225, %get3A_227 : vector<16xf32>
    %exp3A_229 = math.exp %sub3A_228 : vector<16xf32>
    %swap3A_230 = arith.constant 336 : index
    %swap3A_231 = tpu.vector_load %arg10[%swap3A_230] {strides = array<i32>} : memref<512xf32, #tpu.memory_space<vmem>>, vector<16xf32>,
    tpu.vector_store %arg10[%swap3A_230], %exp3A_229 {strides = array<i32>} : memref<512xf32, #tpu.memory_space<vmem>>, vector<16xf32>,
    %get3A_232 = arith.constant 352 : index
    %get3A_233 = tpu.vector_load %arg8[%get3A_232] {strides = array<i32>} : memref<512xf32, #tpu.memory_space<vmem>>, vector<16xf32>,
    %get3A_234 = arith.constant 0 : index
    %get3A_235 = tpu.vector_load %arg11[%get3A_234] {strides = array<i32>} : memref<16xf32, #tpu.memory_space<vmem>>, vector<16xf32>,
    %sub3A_236 = arith.subf %get3A_233, %get3A_235 : vector<16xf32>
    %exp3A_237 = math.exp %sub3A_236 : vector<16xf32>
    %swap3A_238 = arith.constant 352 : index
    %swap3A_239 = tpu.vector_load %arg10[%swap3A_238] {strides = array<i32>} : memref<512xf32, #tpu.memory_space<vmem>>, vector<16xf32>,
    tpu.vector_store %arg10[%swap3A_238], %exp3A_237 {strides = array<i32>} : memref<512xf32, #tpu.memory_space<vmem>>, vector<16xf32>,
    %get3A_240 = arith.constant 368 : index
    %get3A_241 = tpu.vector_load %arg8[%get3A_240] {strides = array<i32>} : memref<512xf32, #tpu.memory_space<vmem>>, vector<16xf32>,
    %get3A_242 = arith.constant 0 : index
    %get3A_243 = tpu.vector_load %arg11[%get3A_242] {strides = array<i32>} : memref<16xf32, #tpu.memory_space<vmem>>, vector<16xf32>,
    %sub3A_244 = arith.subf %get3A_241, %get3A_243 : vector<16xf32>
    %exp3A_245 = math.exp %sub3A_244 : vector<16xf32>
    %swap3A_246 = arith.constant 368 : index
    %swap3A_247 = tpu.vector_load %arg10[%swap3A_246] {strides = array<i32>} : memref<512xf32, #tpu.memory_space<vmem>>, vector<16xf32>,
    tpu.vector_store %arg10[%swap3A_246], %exp3A_245 {strides = array<i32>} : memref<512xf32, #tpu.memory_space<vmem>>, vector<16xf32>,
    %get3A_248 = arith.constant 384 : index
    %get3A_249 = tpu.vector_load %arg8[%get3A_248] {strides = array<i32>} : memref<512xf32, #tpu.memory_space<vmem>>, vector<16xf32>,
    %get3A_250 = arith.constant 0 : index
    %get3A_251 = tpu.vector_load %arg11[%get3A_250] {strides = array<i32>} : memref<16xf32, #tpu.memory_space<vmem>>, vector<16xf32>,
    %sub3A_252 = arith.subf %get3A_249, %get3A_251 : vector<16xf32>
    %exp3A_253 = math.exp %sub3A_252 : vector<16xf32>
    %swap3A_254 = arith.constant 384 : index
    %swap3A_255 = tpu.vector_load %arg10[%swap3A_254] {strides = array<i32>} : memref<512xf32, #tpu.memory_space<vmem>>, vector<16xf32>,
    tpu.vector_store %arg10[%swap3A_254], %exp3A_253 {strides = array<i32>} : memref<512xf32, #tpu.memory_space<vmem>>, vector<16xf32>,
    %get3A_256 = arith.constant 400 : index
    %get3A_257 = tpu.vector_load %arg8[%get3A_256] {strides = array<i32>} : memref<512xf32, #tpu.memory_space<vmem>>, vector<16xf32>,
    %get3A_258 = arith.constant 0 : index
    %get3A_259 = tpu.vector_load %arg11[%get3A_258] {strides = array<i32>} : memref<16xf32, #tpu.memory_space<vmem>>, vector<16xf32>,
    %sub3A_260 = arith.subf %get3A_257, %get3A_259 : vector<16xf32>
    %exp3A_261 = math.exp %sub3A_260 : vector<16xf32>
    %swap3A_262 = arith.constant 400 : index
    %swap3A_263 = tpu.vector_load %arg10[%swap3A_262] {strides = array<i32>} : memref<512xf32, #tpu.memory_space<vmem>>, vector<16xf32>,
    tpu.vector_store %arg10[%swap3A_262], %exp3A_261 {strides = array<i32>} : memref<512xf32, #tpu.memory_space<vmem>>, vector<16xf32>,
    %get3A_264 = arith.constant 416 : index
    %get3A_265 = tpu.vector_load %arg8[%get3A_264] {strides = array<i32>} : memref<512xf32, #tpu.memory_space<vmem>>, vector<16xf32>,
    %get3A_266 = arith.constant 0 : index
    %get3A_267 = tpu.vector_load %arg11[%get3A_266] {strides = array<i32>} : memref<16xf32, #tpu.memory_space<vmem>>, vector<16xf32>,
    %sub3A_268 = arith.subf %get3A_265, %get3A_267 : vector<16xf32>
    %exp3A_269 = math.exp %sub3A_268 : vector<16xf32>
    %swap3A_270 = arith.constant 416 : index
    %swap3A_271 = tpu.vector_load %arg10[%swap3A_270] {strides = array<i32>} : memref<512xf32, #tpu.memory_space<vmem>>, vector<16xf32>,
    tpu.vector_store %arg10[%swap3A_270], %exp3A_269 {strides = array<i32>} : memref<512xf32, #tpu.memory_space<vmem>>, vector<16xf32>,
    %scan3A_272 = arith.constant 0 : i32
    %scan3A_273 = arith.constant 26 : i32
    %scan3A_274 = arith.addi %scan3A_272, %scan3A_273 : i32
    %scan3A_275 = arith.constant 1 : i32
    %scan3A_276:6 = scf.for %scan3A_693 = %scan3A_272 to %scan3A_274 step %scan3A_275 iter_args(%scan3A_694 = %scan3A_19#0, %scan3A_695 = %scan3A_19#1, %scan3A_696 = %scan3A_19#2, %scan3A_697 = %scan3A_19#3, %scan3A_698 = %scan3A_19#4, %scan3A_699 = %scan3A_19#5) -> (vector<16xf32>, vector<16xf32>, vector<16xf32>, vector<16xf32>, vector<16xf32>, vector<16xi32>)  : i32 {
      %mul3A_700 = arith.constant 16 : i32
      %mul3A_701 = arith.muli %scan3A_693, %mul3A_700 : i32
      %multiple_of3A_702 = tpu.assume_multiple %mul3A_701, 16 : i32
      %get3A_703 = arith.index_cast %multiple_of3A_702 : i32 to index
      %get3A_704 = tpu.vector_load %arg9[%get3A_703] {strides = array<i32>} : memref<512xi32, #tpu.memory_space<vmem>>, vector<16xi32>,
      %eq3A_705 = arith.cmpi eq, %get3A_704, %scan3A_699 : vector<16xi32>
      %convert_element_type3A_706 = arith.extui %eq3A_705 : vector<16xi1> to vector<16xi32>
      %reduce_min3A = arith.constant true
      %reduce_min3A_707 = vector.broadcast %reduce_min3A : i1 to vector<16xi1>
      %reduce_min3A_708 = arith.constant -2147483648 : i32
      %reduce_min3A_709 = vector.broadcast %reduce_min3A_708 : i32 to vector<16xi32>
      %reduce_min3A_710 = arith.xori %convert_element_type3A_706, %reduce_min3A_709 : vector<16xi32>
      %reduce_min3A_711 = tpu.scan <min>, %reduce_min3A_710 masked %reduce_min3A_707 : vector<16xi32>, vector<16xi1> -> vector<16xi32>
      %reduce_min3A_712 = arith.xori %reduce_min3A_711, %reduce_min3A_709 : vector<16xi32>
      %reduce_min3A_713 = vector.extract %reduce_min3A_712[15] : i32 from vector<16xi32>
      %eq3A_714 = arith.constant 1 : i32
      %eq3A_715 = arith.cmpi eq, %reduce_min3A_713, %eq3A_714 : i32
      %convert_element_type3A_716 = arith.extui %eq3A_715 : i1 to i32
      %cond3A = arith.constant 0 : i32
      %cond3A_717 = arith.constant 0 : i32
      %cond3A_718 = arith.cmpi ne, %convert_element_type3A_716, %cond3A_717 : i32
      %cond3A_719:6 = scf.if %cond3A_718 -> (vector<16xf32>, vector<16xf32>, vector<16xf32>, vector<16xf32>, vector<16xf32>, vector<16xi32>) {
        %broadcast_in_dim3A_720 = arith.constant 1 : i32
        %broadcast_in_dim3A_721 = vector.broadcast %broadcast_in_dim3A_720 : i32 to vector<16xi32>
        %add3A_722 = arith.constant 0 : i32
        %add3A_723 = arith.addi %multiple_of3A_702, %add3A_722 : i32
        %mul3A_724 = vector.broadcast %add3A_723 : i32 to vector<16xi32>
        %mul3A_725 = arith.muli %broadcast_in_dim3A_721, %mul3A_724 : vector<16xi32>
        %gather3A_726 = tpu.vector_load_idx %arg10[%mul3A_725] : memref<512xf32, #tpu.memory_space<vmem>>[vector<16xi32>], vector<16xf32>,
        %add3A_727 = arith.constant 0 : i32
        %add3A_728 = arith.addi %multiple_of3A_702, %add3A_727 : i32
        %mul3A_729 = arith.constant 64 : i32
        %mul3A_730 = arith.muli %add3A_728, %mul3A_729 : i32
        %multiple_of3A_731 = tpu.assume_multiple %mul3A_730, 64 : i32
        %get3A_732 = arith.index_cast %multiple_of3A_731 : i32 to index
        %get3A_733 = tpu.vector_load %arg7[%get3A_732] {strides = array<i32>} : memref<32768xf32, #tpu.memory_space<vmem>>, vector<16xf32>,
        %mul3A_734 = arith.mulf %get3A_733, %gather3A_726 : vector<16xf32>
        %add3A_735 = arith.addf %scan3A_694, %mul3A_734 : vector<16xf32>
        %add3A_736 = arith.constant 16 : i32
        %add3A_737 = arith.addi %multiple_of3A_731, %add3A_736 : i32
        %get3A_738 = arith.index_cast %add3A_737 : i32 to index
        %get3A_739 = tpu.vector_load %arg7[%get3A_738] {strides = array<i32>} : memref<32768xf32, #tpu.memory_space<vmem>>, vector<16xf32>,
        %mul3A_740 = arith.mulf %get3A_739, %gather3A_726 : vector<16xf32>
        %add3A_741 = arith.addf %scan3A_695, %mul3A_740 : vector<16xf32>
        %add3A_742 = arith.constant 32 : i32
        %add3A_743 = arith.addi %multiple_of3A_731, %add3A_742 : i32
        %get3A_744 = arith.index_cast %add3A_743 : i32 to index
        %get3A_745 = tpu.vector_load %arg7[%get3A_744] {strides = array<i32>} : memref<32768xf32, #tpu.memory_space<vmem>>, vector<16xf32>,
        %mul3A_746 = arith.mulf %get3A_745, %gather3A_726 : vector<16xf32>
        %add3A_747 = arith.addf %scan3A_696, %mul3A_746 : vector<16xf32>
        %add3A_748 = arith.constant 48 : i32
        %add3A_749 = arith.addi %multiple_of3A_731, %add3A_748 : i32
        %get3A_750 = arith.index_cast %add3A_749 : i32 to index
        %get3A_751 = tpu.vector_load %arg7[%get3A_750] {strides = array<i32>} : memref<32768xf32, #tpu.memory_space<vmem>>, vector<16xf32>,
        %mul3A_752 = arith.mulf %get3A_751, %gather3A_726 : vector<16xf32>
        %add3A_753 = arith.addf %scan3A_697, %mul3A_752 : vector<16xf32>
        %add3A_754 = arith.addf %scan3A_698, %gather3A_726 : vector<16xf32>
        %broadcast_in_dim3A_755 = arith.constant 1 : i32
        %broadcast_in_dim3A_756 = vector.broadcast %broadcast_in_dim3A_755 : i32 to vector<16xi32>
        %add3A_757 = arith.constant 1 : i32
        %add3A_758 = arith.addi %multiple_of3A_702, %add3A_757 : i32
        %mul3A_759 = vector.broadcast %add3A_758 : i32 to vector<16xi32>
        %mul3A_760 = arith.muli %broadcast_in_dim3A_756, %mul3A_759 : vector<16xi32>
        %gather3A_761 = tpu.vector_load_idx %arg10[%mul3A_760] : memref<512xf32, #tpu.memory_space<vmem>>[vector<16xi32>], vector<16xf32>,
        %add3A_762 = arith.constant 1 : i32
        %add3A_763 = arith.addi %multiple_of3A_702, %add3A_762 : i32
        %mul3A_764 = arith.constant 64 : i32
        %mul3A_765 = arith.muli %add3A_763, %mul3A_764 : i32
        %multiple_of3A_766 = tpu.assume_multiple %mul3A_765, 64 : i32
        %get3A_767 = arith.index_cast %multiple_of3A_766 : i32 to index
        %get3A_768 = tpu.vector_load %arg7[%get3A_767] {strides = array<i32>} : memref<32768xf32, #tpu.memory_space<vmem>>, vector<16xf32>,
        %mul3A_769 = arith.mulf %get3A_768, %gather3A_761 : vector<16xf32>
        %add3A_770 = arith.addf %add3A_735, %mul3A_769 : vector<16xf32>
        %add3A_771 = arith.constant 16 : i32
        %add3A_772 = arith.addi %multiple_of3A_766, %add3A_771 : i32
        %get3A_773 = arith.index_cast %add3A_772 : i32 to index
        %get3A_774 = tpu.vector_load %arg7[%get3A_773] {strides = array<i32>} : memref<32768xf32, #tpu.memory_space<vmem>>, vector<16xf32>,
        %mul3A_775 = arith.mulf %get3A_774, %gather3A_761 : vector<16xf32>
        %add3A_776 = arith.addf %add3A_741, %mul3A_775 : vector<16xf32>
        %add3A_777 = arith.constant 32 : i32
        %add3A_778 = arith.addi %multiple_of3A_766, %add3A_777 : i32
        %get3A_779 = arith.index_cast %add3A_778 : i32 to index
        %get3A_780 = tpu.vector_load %arg7[%get3A_779] {strides = array<i32>} : memref<32768xf32, #tpu.memory_space<vmem>>, vector<16xf32>,
        %mul3A_781 = arith.mulf %get3A_780, %gather3A_761 : vector<16xf32>
        %add3A_782 = arith.addf %add3A_747, %mul3A_781 : vector<16xf32>
        %add3A_783 = arith.constant 48 : i32
        %add3A_784 = arith.addi %multiple_of3A_766, %add3A_783 : i32
        %get3A_785 = arith.index_cast %add3A_784 : i32 to index
        %get3A_786 = tpu.vector_load %arg7[%get3A_785] {strides = array<i32>} : memref<32768xf32, #tpu.memory_space<vmem>>, vector<16xf32>,
        %mul3A_787 = arith.mulf %get3A_786, %gather3A_761 : vector<16xf32>
        %add3A_788 = arith.addf %add3A_753, %mul3A_787 : vector<16xf32>
        %add3A_789 = arith.addf %add3A_754, %gather3A_761 : vector<16xf32>
        %broadcast_in_dim3A_790 = arith.constant 1 : i32
        %broadcast_in_dim3A_791 = vector.broadcast %broadcast_in_dim3A_790 : i32 to vector<16xi32>
        %add3A_792 = arith.constant 2 : i32
        %add3A_793 = arith.addi %multiple_of3A_702, %add3A_792 : i32
        %mul3A_794 = vector.broadcast %add3A_793 : i32 to vector<16xi32>
        %mul3A_795 = arith.muli %broadcast_in_dim3A_791, %mul3A_794 : vector<16xi32>
        %gather3A_796 = tpu.vector_load_idx %arg10[%mul3A_795] : memref<512xf32, #tpu.memory_space<vmem>>[vector<16xi32>], vector<16xf32>,
        %add3A_797 = arith.constant 2 : i32
        %add3A_798 = arith.addi %multiple_of3A_702, %add3A_797 : i32
        %mul3A_799 = arith.constant 64 : i32
        %mul3A_800 = arith.muli %add3A_798, %mul3A_799 : i32
        %multiple_of3A_801 = tpu.assume_multiple %mul3A_800, 64 : i32
        %get3A_802 = arith.index_cast %multiple_of3A_801 : i32 to index
        %get3A_803 = tpu.vector_load %arg7[%get3A_802] {strides = array<i32>} : memref<32768xf32, #tpu.memory_space<vmem>>, vector<16xf32>,
        %mul3A_804 = arith.mulf %get3A_803, %gather3A_796 : vector<16xf32>
        %add3A_805 = arith.addf %add3A_770, %mul3A_804 : vector<16xf32>
        %add3A_806 = arith.constant 16 : i32
        %add3A_807 = arith.addi %multiple_of3A_801, %add3A_806 : i32
        %get3A_808 = arith.index_cast %add3A_807 : i32 to index
        %get3A_809 = tpu.vector_load %arg7[%get3A_808] {strides = array<i32>} : memref<32768xf32, #tpu.memory_space<vmem>>, vector<16xf32>,
        %mul3A_810 = arith.mulf %get3A_809, %gather3A_796 : vector<16xf32>
        %add3A_811 = arith.addf %add3A_776, %mul3A_810 : vector<16xf32>
        %add3A_812 = arith.constant 32 : i32
        %add3A_813 = arith.addi %multiple_of3A_801, %add3A_812 : i32
        %get3A_814 = arith.index_cast %add3A_813 : i32 to index
        %get3A_815 = tpu.vector_load %arg7[%get3A_814] {strides = array<i32>} : memref<32768xf32, #tpu.memory_space<vmem>>, vector<16xf32>,
        %mul3A_816 = arith.mulf %get3A_815, %gather3A_796 : vector<16xf32>
        %add3A_817 = arith.addf %add3A_782, %mul3A_816 : vector<16xf32>
        %add3A_818 = arith.constant 48 : i32
        %add3A_819 = arith.addi %multiple_of3A_801, %add3A_818 : i32
        %get3A_820 = arith.index_cast %add3A_819 : i32 to index
        %get3A_821 = tpu.vector_load %arg7[%get3A_820] {strides = array<i32>} : memref<32768xf32, #tpu.memory_space<vmem>>, vector<16xf32>,
        %mul3A_822 = arith.mulf %get3A_821, %gather3A_796 : vector<16xf32>
        %add3A_823 = arith.addf %add3A_788, %mul3A_822 : vector<16xf32>
        %add3A_824 = arith.addf %add3A_789, %gather3A_796 : vector<16xf32>
        %broadcast_in_dim3A_825 = arith.constant 1 : i32
        %broadcast_in_dim3A_826 = vector.broadcast %broadcast_in_dim3A_825 : i32 to vector<16xi32>
        %add3A_827 = arith.constant 3 : i32
        %add3A_828 = arith.addi %multiple_of3A_702, %add3A_827 : i32
        %mul3A_829 = vector.broadcast %add3A_828 : i32 to vector<16xi32>
        %mul3A_830 = arith.muli %broadcast_in_dim3A_826, %mul3A_829 : vector<16xi32>
        %gather3A_831 = tpu.vector_load_idx %arg10[%mul3A_830] : memref<512xf32, #tpu.memory_space<vmem>>[vector<16xi32>], vector<16xf32>,
        %add3A_832 = arith.constant 3 : i32
        %add3A_833 = arith.addi %multiple_of3A_702, %add3A_832 : i32
        %mul3A_834 = arith.constant 64 : i32
        %mul3A_835 = arith.muli %add3A_833, %mul3A_834 : i32
        %multiple_of3A_836 = tpu.assume_multiple %mul3A_835, 64 : i32
        %get3A_837 = arith.index_cast %multiple_of3A_836 : i32 to index
        %get3A_838 = tpu.vector_load %arg7[%get3A_837] {strides = array<i32>} : memref<32768xf32, #tpu.memory_space<vmem>>, vector<16xf32>,
        %mul3A_839 = arith.mulf %get3A_838, %gather3A_831 : vector<16xf32>
        %add3A_840 = arith.addf %add3A_805, %mul3A_839 : vector<16xf32>
        %add3A_841 = arith.constant 16 : i32
        %add3A_842 = arith.addi %multiple_of3A_836, %add3A_841 : i32
        %get3A_843 = arith.index_cast %add3A_842 : i32 to index
        %get3A_844 = tpu.vector_load %arg7[%get3A_843] {strides = array<i32>} : memref<32768xf32, #tpu.memory_space<vmem>>, vector<16xf32>,
        %mul3A_845 = arith.mulf %get3A_844, %gather3A_831 : vector<16xf32>
        %add3A_846 = arith.addf %add3A_811, %mul3A_845 : vector<16xf32>
        %add3A_847 = arith.constant 32 : i32
        %add3A_848 = arith.addi %multiple_of3A_836, %add3A_847 : i32
        %get3A_849 = arith.index_cast %add3A_848 : i32 to index
        %get3A_850 = tpu.vector_load %arg7[%get3A_849] {strides = array<i32>} : memref<32768xf32, #tpu.memory_space<vmem>>, vector<16xf32>,
        %mul3A_851 = arith.mulf %get3A_850, %gather3A_831 : vector<16xf32>
        %add3A_852 = arith.addf %add3A_817, %mul3A_851 : vector<16xf32>
        %add3A_853 = arith.constant 48 : i32
        %add3A_854 = arith.addi %multiple_of3A_836, %add3A_853 : i32
        %get3A_855 = arith.index_cast %add3A_854 : i32 to index
        %get3A_856 = tpu.vector_load %arg7[%get3A_855] {strides = array<i32>} : memref<32768xf32, #tpu.memory_space<vmem>>, vector<16xf32>,
        %mul3A_857 = arith.mulf %get3A_856, %gather3A_831 : vector<16xf32>
        %add3A_858 = arith.addf %add3A_823, %mul3A_857 : vector<16xf32>
        %add3A_859 = arith.addf %add3A_824, %gather3A_831 : vector<16xf32>
        %broadcast_in_dim3A_860 = arith.constant 1 : i32
        %broadcast_in_dim3A_861 = vector.broadcast %broadcast_in_dim3A_860 : i32 to vector<16xi32>
        %add3A_862 = arith.constant 4 : i32
        %add3A_863 = arith.addi %multiple_of3A_702, %add3A_862 : i32
        %mul3A_864 = vector.broadcast %add3A_863 : i32 to vector<16xi32>
        %mul3A_865 = arith.muli %broadcast_in_dim3A_861, %mul3A_864 : vector<16xi32>
        %gather3A_866 = tpu.vector_load_idx %arg10[%mul3A_865] : memref<512xf32, #tpu.memory_space<vmem>>[vector<16xi32>], vector<16xf32>,
        %add3A_867 = arith.constant 4 : i32
        %add3A_868 = arith.addi %multiple_of3A_702, %add3A_867 : i32
        %mul3A_869 = arith.constant 64 : i32
        %mul3A_870 = arith.muli %add3A_868, %mul3A_869 : i32
        %multiple_of3A_871 = tpu.assume_multiple %mul3A_870, 64 : i32
        %get3A_872 = arith.index_cast %multiple_of3A_871 : i32 to index
        %get3A_873 = tpu.vector_load %arg7[%get3A_872] {strides = array<i32>} : memref<32768xf32, #tpu.memory_space<vmem>>, vector<16xf32>,
        %mul3A_874 = arith.mulf %get3A_873, %gather3A_866 : vector<16xf32>
        %add3A_875 = arith.addf %add3A_840, %mul3A_874 : vector<16xf32>
        %add3A_876 = arith.constant 16 : i32
        %add3A_877 = arith.addi %multiple_of3A_871, %add3A_876 : i32
        %get3A_878 = arith.index_cast %add3A_877 : i32 to index
        %get3A_879 = tpu.vector_load %arg7[%get3A_878] {strides = array<i32>} : memref<32768xf32, #tpu.memory_space<vmem>>, vector<16xf32>,
        %mul3A_880 = arith.mulf %get3A_879, %gather3A_866 : vector<16xf32>
        %add3A_881 = arith.addf %add3A_846, %mul3A_880 : vector<16xf32>
        %add3A_882 = arith.constant 32 : i32
        %add3A_883 = arith.addi %multiple_of3A_871, %add3A_882 : i32
        %get3A_884 = arith.index_cast %add3A_883 : i32 to index
        %get3A_885 = tpu.vector_load %arg7[%get3A_884] {strides = array<i32>} : memref<32768xf32, #tpu.memory_space<vmem>>, vector<16xf32>,
        %mul3A_886 = arith.mulf %get3A_885, %gather3A_866 : vector<16xf32>
        %add3A_887 = arith.addf %add3A_852, %mul3A_886 : vector<16xf32>
        %add3A_888 = arith.constant 48 : i32
        %add3A_889 = arith.addi %multiple_of3A_871, %add3A_888 : i32
        %get3A_890 = arith.index_cast %add3A_889 : i32 to index
        %get3A_891 = tpu.vector_load %arg7[%get3A_890] {strides = array<i32>} : memref<32768xf32, #tpu.memory_space<vmem>>, vector<16xf32>,
        %mul3A_892 = arith.mulf %get3A_891, %gather3A_866 : vector<16xf32>
        %add3A_893 = arith.addf %add3A_858, %mul3A_892 : vector<16xf32>
        %add3A_894 = arith.addf %add3A_859, %gather3A_866 : vector<16xf32>
        %broadcast_in_dim3A_895 = arith.constant 1 : i32
        %broadcast_in_dim3A_896 = vector.broadcast %broadcast_in_dim3A_895 : i32 to vector<16xi32>
        %add3A_897 = arith.constant 5 : i32
        %add3A_898 = arith.addi %multiple_of3A_702, %add3A_897 : i32
        %mul3A_899 = vector.broadcast %add3A_898 : i32 to vector<16xi32>
        %mul3A_900 = arith.muli %broadcast_in_dim3A_896, %mul3A_899 : vector<16xi32>
        %gather3A_901 = tpu.vector_load_idx %arg10[%mul3A_900] : memref<512xf32, #tpu.memory_space<vmem>>[vector<16xi32>], vector<16xf32>,
        %add3A_902 = arith.constant 5 : i32
        %add3A_903 = arith.addi %multiple_of3A_702, %add3A_902 : i32
        %mul3A_904 = arith.constant 64 : i32
        %mul3A_905 = arith.muli %add3A_903, %mul3A_904 : i32
        %multiple_of3A_906 = tpu.assume_multiple %mul3A_905, 64 : i32
        %get3A_907 = arith.index_cast %multiple_of3A_906 : i32 to index
        %get3A_908 = tpu.vector_load %arg7[%get3A_907] {strides = array<i32>} : memref<32768xf32, #tpu.memory_space<vmem>>, vector<16xf32>,
        %mul3A_909 = arith.mulf %get3A_908, %gather3A_901 : vector<16xf32>
        %add3A_910 = arith.addf %add3A_875, %mul3A_909 : vector<16xf32>
        %add3A_911 = arith.constant 16 : i32
        %add3A_912 = arith.addi %multiple_of3A_906, %add3A_911 : i32
        %get3A_913 = arith.index_cast %add3A_912 : i32 to index
        %get3A_914 = tpu.vector_load %arg7[%get3A_913] {strides = array<i32>} : memref<32768xf32, #tpu.memory_space<vmem>>, vector<16xf32>,
        %mul3A_915 = arith.mulf %get3A_914, %gather3A_901 : vector<16xf32>
        %add3A_916 = arith.addf %add3A_881, %mul3A_915 : vector<16xf32>
        %add3A_917 = arith.constant 32 : i32
        %add3A_918 = arith.addi %multiple_of3A_906, %add3A_917 : i32
        %get3A_919 = arith.index_cast %add3A_918 : i32 to index
        %get3A_920 = tpu.vector_load %arg7[%get3A_919] {strides = array<i32>} : memref<32768xf32, #tpu.memory_space<vmem>>, vector<16xf32>,
        %mul3A_921 = arith.mulf %get3A_920, %gather3A_901 : vector<16xf32>
        %add3A_922 = arith.addf %add3A_887, %mul3A_921 : vector<16xf32>
        %add3A_923 = arith.constant 48 : i32
        %add3A_924 = arith.addi %multiple_of3A_906, %add3A_923 : i32
        %get3A_925 = arith.index_cast %add3A_924 : i32 to index
        %get3A_926 = tpu.vector_load %arg7[%get3A_925] {strides = array<i32>} : memref<32768xf32, #tpu.memory_space<vmem>>, vector<16xf32>,
        %mul3A_927 = arith.mulf %get3A_926, %gather3A_901 : vector<16xf32>
        %add3A_928 = arith.addf %add3A_893, %mul3A_927 : vector<16xf32>
        %add3A_929 = arith.addf %add3A_894, %gather3A_901 : vector<16xf32>
        %broadcast_in_dim3A_930 = arith.constant 1 : i32
        %broadcast_in_dim3A_931 = vector.broadcast %broadcast_in_dim3A_930 : i32 to vector<16xi32>
        %add3A_932 = arith.constant 6 : i32
        %add3A_933 = arith.addi %multiple_of3A_702, %add3A_932 : i32
        %mul3A_934 = vector.broadcast %add3A_933 : i32 to vector<16xi32>
        %mul3A_935 = arith.muli %broadcast_in_dim3A_931, %mul3A_934 : vector<16xi32>
        %gather3A_936 = tpu.vector_load_idx %arg10[%mul3A_935] : memref<512xf32, #tpu.memory_space<vmem>>[vector<16xi32>], vector<16xf32>,
        %add3A_937 = arith.constant 6 : i32
        %add3A_938 = arith.addi %multiple_of3A_702, %add3A_937 : i32
        %mul3A_939 = arith.constant 64 : i32
        %mul3A_940 = arith.muli %add3A_938, %mul3A_939 : i32
        %multiple_of3A_941 = tpu.assume_multiple %mul3A_940, 64 : i32
        %get3A_942 = arith.index_cast %multiple_of3A_941 : i32 to index
        %get3A_943 = tpu.vector_load %arg7[%get3A_942] {strides = array<i32>} : memref<32768xf32, #tpu.memory_space<vmem>>, vector<16xf32>,
        %mul3A_944 = arith.mulf %get3A_943, %gather3A_936 : vector<16xf32>
        %add3A_945 = arith.addf %add3A_910, %mul3A_944 : vector<16xf32>
        %add3A_946 = arith.constant 16 : i32
        %add3A_947 = arith.addi %multiple_of3A_941, %add3A_946 : i32
        %get3A_948 = arith.index_cast %add3A_947 : i32 to index
        %get3A_949 = tpu.vector_load %arg7[%get3A_948] {strides = array<i32>} : memref<32768xf32, #tpu.memory_space<vmem>>, vector<16xf32>,
        %mul3A_950 = arith.mulf %get3A_949, %gather3A_936 : vector<16xf32>
        %add3A_951 = arith.addf %add3A_916, %mul3A_950 : vector<16xf32>
        %add3A_952 = arith.constant 32 : i32
        %add3A_953 = arith.addi %multiple_of3A_941, %add3A_952 : i32
        %get3A_954 = arith.index_cast %add3A_953 : i32 to index
        %get3A_955 = tpu.vector_load %arg7[%get3A_954] {strides = array<i32>} : memref<32768xf32, #tpu.memory_space<vmem>>, vector<16xf32>,
        %mul3A_956 = arith.mulf %get3A_955, %gather3A_936 : vector<16xf32>
        %add3A_957 = arith.addf %add3A_922, %mul3A_956 : vector<16xf32>
        %add3A_958 = arith.constant 48 : i32
        %add3A_959 = arith.addi %multiple_of3A_941, %add3A_958 : i32
        %get3A_960 = arith.index_cast %add3A_959 : i32 to index
        %get3A_961 = tpu.vector_load %arg7[%get3A_960] {strides = array<i32>} : memref<32768xf32, #tpu.memory_space<vmem>>, vector<16xf32>,
        %mul3A_962 = arith.mulf %get3A_961, %gather3A_936 : vector<16xf32>
        %add3A_963 = arith.addf %add3A_928, %mul3A_962 : vector<16xf32>
        %add3A_964 = arith.addf %add3A_929, %gather3A_936 : vector<16xf32>
        %broadcast_in_dim3A_965 = arith.constant 1 : i32
        %broadcast_in_dim3A_966 = vector.broadcast %broadcast_in_dim3A_965 : i32 to vector<16xi32>
        %add3A_967 = arith.constant 7 : i32
        %add3A_968 = arith.addi %multiple_of3A_702, %add3A_967 : i32
        %mul3A_969 = vector.broadcast %add3A_968 : i32 to vector<16xi32>
        %mul3A_970 = arith.muli %broadcast_in_dim3A_966, %mul3A_969 : vector<16xi32>
        %gather3A_971 = tpu.vector_load_idx %arg10[%mul3A_970] : memref<512xf32, #tpu.memory_space<vmem>>[vector<16xi32>], vector<16xf32>,
        %add3A_972 = arith.constant 7 : i32
        %add3A_973 = arith.addi %multiple_of3A_702, %add3A_972 : i32
        %mul3A_974 = arith.constant 64 : i32
        %mul3A_975 = arith.muli %add3A_973, %mul3A_974 : i32
        %multiple_of3A_976 = tpu.assume_multiple %mul3A_975, 64 : i32
        %get3A_977 = arith.index_cast %multiple_of3A_976 : i32 to index
        %get3A_978 = tpu.vector_load %arg7[%get3A_977] {strides = array<i32>} : memref<32768xf32, #tpu.memory_space<vmem>>, vector<16xf32>,
        %mul3A_979 = arith.mulf %get3A_978, %gather3A_971 : vector<16xf32>
        %add3A_980 = arith.addf %add3A_945, %mul3A_979 : vector<16xf32>
        %add3A_981 = arith.constant 16 : i32
        %add3A_982 = arith.addi %multiple_of3A_976, %add3A_981 : i32
        %get3A_983 = arith.index_cast %add3A_982 : i32 to index
        %get3A_984 = tpu.vector_load %arg7[%get3A_983] {strides = array<i32>} : memref<32768xf32, #tpu.memory_space<vmem>>, vector<16xf32>,
        %mul3A_985 = arith.mulf %get3A_984, %gather3A_971 : vector<16xf32>
        %add3A_986 = arith.addf %add3A_951, %mul3A_985 : vector<16xf32>
        %add3A_987 = arith.constant 32 : i32
        %add3A_988 = arith.addi %multiple_of3A_976, %add3A_987 : i32
        %get3A_989 = arith.index_cast %add3A_988 : i32 to index
        %get3A_990 = tpu.vector_load %arg7[%get3A_989] {strides = array<i32>} : memref<32768xf32, #tpu.memory_space<vmem>>, vector<16xf32>,
        %mul3A_991 = arith.mulf %get3A_990, %gather3A_971 : vector<16xf32>
        %add3A_992 = arith.addf %add3A_957, %mul3A_991 : vector<16xf32>
        %add3A_993 = arith.constant 48 : i32
        %add3A_994 = arith.addi %multiple_of3A_976, %add3A_993 : i32
        %get3A_995 = arith.index_cast %add3A_994 : i32 to index
        %get3A_996 = tpu.vector_load %arg7[%get3A_995] {strides = array<i32>} : memref<32768xf32, #tpu.memory_space<vmem>>, vector<16xf32>,
        %mul3A_997 = arith.mulf %get3A_996, %gather3A_971 : vector<16xf32>
        %add3A_998 = arith.addf %add3A_963, %mul3A_997 : vector<16xf32>
        %add3A_999 = arith.addf %add3A_964, %gather3A_971 : vector<16xf32>
        %broadcast_in_dim3A_1000 = arith.constant 1 : i32
        %broadcast_in_dim3A_1001 = vector.broadcast %broadcast_in_dim3A_1000 : i32 to vector<16xi32>
        %add3A_1002 = arith.constant 8 : i32
        %add3A_1003 = arith.addi %multiple_of3A_702, %add3A_1002 : i32
        %mul3A_1004 = vector.broadcast %add3A_1003 : i32 to vector<16xi32>
        %mul3A_1005 = arith.muli %broadcast_in_dim3A_1001, %mul3A_1004 : vector<16xi32>
        %gather3A_1006 = tpu.vector_load_idx %arg10[%mul3A_1005] : memref<512xf32, #tpu.memory_space<vmem>>[vector<16xi32>], vector<16xf32>,
        %add3A_1007 = arith.constant 8 : i32
        %add3A_1008 = arith.addi %multiple_of3A_702, %add3A_1007 : i32
        %mul3A_1009 = arith.constant 64 : i32
        %mul3A_1010 = arith.muli %add3A_1008, %mul3A_1009 : i32
        %multiple_of3A_1011 = tpu.assume_multiple %mul3A_1010, 64 : i32
        %get3A_1012 = arith.index_cast %multiple_of3A_1011 : i32 to index
        %get3A_1013 = tpu.vector_load %arg7[%get3A_1012] {strides = array<i32>} : memref<32768xf32, #tpu.memory_space<vmem>>, vector<16xf32>,
        %mul3A_1014 = arith.mulf %get3A_1013, %gather3A_1006 : vector<16xf32>
        %add3A_1015 = arith.addf %add3A_980, %mul3A_1014 : vector<16xf32>
        %add3A_1016 = arith.constant 16 : i32
        %add3A_1017 = arith.addi %multiple_of3A_1011, %add3A_1016 : i32
        %get3A_1018 = arith.index_cast %add3A_1017 : i32 to index
        %get3A_1019 = tpu.vector_load %arg7[%get3A_1018] {strides = array<i32>} : memref<32768xf32, #tpu.memory_space<vmem>>, vector<16xf32>,
        %mul3A_1020 = arith.mulf %get3A_1019, %gather3A_1006 : vector<16xf32>
        %add3A_1021 = arith.addf %add3A_986, %mul3A_1020 : vector<16xf32>
        %add3A_1022 = arith.constant 32 : i32
        %add3A_1023 = arith.addi %multiple_of3A_1011, %add3A_1022 : i32
        %get3A_1024 = arith.index_cast %add3A_1023 : i32 to index
        %get3A_1025 = tpu.vector_load %arg7[%get3A_1024] {strides = array<i32>} : memref<32768xf32, #tpu.memory_space<vmem>>, vector<16xf32>,
        %mul3A_1026 = arith.mulf %get3A_1025, %gather3A_1006 : vector<16xf32>
        %add3A_1027 = arith.addf %add3A_992, %mul3A_1026 : vector<16xf32>
        %add3A_1028 = arith.constant 48 : i32
        %add3A_1029 = arith.addi %multiple_of3A_1011, %add3A_1028 : i32
        %get3A_1030 = arith.index_cast %add3A_1029 : i32 to index
        %get3A_1031 = tpu.vector_load %arg7[%get3A_1030] {strides = array<i32>} : memref<32768xf32, #tpu.memory_space<vmem>>, vector<16xf32>,
        %mul3A_1032 = arith.mulf %get3A_1031, %gather3A_1006 : vector<16xf32>
        %add3A_1033 = arith.addf %add3A_998, %mul3A_1032 : vector<16xf32>
        %add3A_1034 = arith.addf %add3A_999, %gather3A_1006 : vector<16xf32>
        %broadcast_in_dim3A_1035 = arith.constant 1 : i32
        %broadcast_in_dim3A_1036 = vector.broadcast %broadcast_in_dim3A_1035 : i32 to vector<16xi32>
        %add3A_1037 = arith.constant 9 : i32
        %add3A_1038 = arith.addi %multiple_of3A_702, %add3A_1037 : i32
        %mul3A_1039 = vector.broadcast %add3A_1038 : i32 to vector<16xi32>
        %mul3A_1040 = arith.muli %broadcast_in_dim3A_1036, %mul3A_1039 : vector<16xi32>
        %gather3A_1041 = tpu.vector_load_idx %arg10[%mul3A_1040] : memref<512xf32, #tpu.memory_space<vmem>>[vector<16xi32>], vector<16xf32>,
        %add3A_1042 = arith.constant 9 : i32
        %add3A_1043 = arith.addi %multiple_of3A_702, %add3A_1042 : i32
        %mul3A_1044 = arith.constant 64 : i32
        %mul3A_1045 = arith.muli %add3A_1043, %mul3A_1044 : i32
        %multiple_of3A_1046 = tpu.assume_multiple %mul3A_1045, 64 : i32
        %get3A_1047 = arith.index_cast %multiple_of3A_1046 : i32 to index
        %get3A_1048 = tpu.vector_load %arg7[%get3A_1047] {strides = array<i32>} : memref<32768xf32, #tpu.memory_space<vmem>>, vector<16xf32>,
        %mul3A_1049 = arith.mulf %get3A_1048, %gather3A_1041 : vector<16xf32>
        %add3A_1050 = arith.addf %add3A_1015, %mul3A_1049 : vector<16xf32>
        %add3A_1051 = arith.constant 16 : i32
        %add3A_1052 = arith.addi %multiple_of3A_1046, %add3A_1051 : i32
        %get3A_1053 = arith.index_cast %add3A_1052 : i32 to index
        %get3A_1054 = tpu.vector_load %arg7[%get3A_1053] {strides = array<i32>} : memref<32768xf32, #tpu.memory_space<vmem>>, vector<16xf32>,
        %mul3A_1055 = arith.mulf %get3A_1054, %gather3A_1041 : vector<16xf32>
        %add3A_1056 = arith.addf %add3A_1021, %mul3A_1055 : vector<16xf32>
        %add3A_1057 = arith.constant 32 : i32
        %add3A_1058 = arith.addi %multiple_of3A_1046, %add3A_1057 : i32
        %get3A_1059 = arith.index_cast %add3A_1058 : i32 to index
        %get3A_1060 = tpu.vector_load %arg7[%get3A_1059] {strides = array<i32>} : memref<32768xf32, #tpu.memory_space<vmem>>, vector<16xf32>,
        %mul3A_1061 = arith.mulf %get3A_1060, %gather3A_1041 : vector<16xf32>
        %add3A_1062 = arith.addf %add3A_1027, %mul3A_1061 : vector<16xf32>
        %add3A_1063 = arith.constant 48 : i32
        %add3A_1064 = arith.addi %multiple_of3A_1046, %add3A_1063 : i32
        %get3A_1065 = arith.index_cast %add3A_1064 : i32 to index
        %get3A_1066 = tpu.vector_load %arg7[%get3A_1065] {strides = array<i32>} : memref<32768xf32, #tpu.memory_space<vmem>>, vector<16xf32>,
        %mul3A_1067 = arith.mulf %get3A_1066, %gather3A_1041 : vector<16xf32>
        %add3A_1068 = arith.addf %add3A_1033, %mul3A_1067 : vector<16xf32>
        %add3A_1069 = arith.addf %add3A_1034, %gather3A_1041 : vector<16xf32>
        %broadcast_in_dim3A_1070 = arith.constant 1 : i32
        %broadcast_in_dim3A_1071 = vector.broadcast %broadcast_in_dim3A_1070 : i32 to vector<16xi32>
        %add3A_1072 = arith.constant 10 : i32
        %add3A_1073 = arith.addi %multiple_of3A_702, %add3A_1072 : i32
        %mul3A_1074 = vector.broadcast %add3A_1073 : i32 to vector<16xi32>
        %mul3A_1075 = arith.muli %broadcast_in_dim3A_1071, %mul3A_1074 : vector<16xi32>
        %gather3A_1076 = tpu.vector_load_idx %arg10[%mul3A_1075] : memref<512xf32, #tpu.memory_space<vmem>>[vector<16xi32>], vector<16xf32>,
        %add3A_1077 = arith.constant 10 : i32
        %add3A_1078 = arith.addi %multiple_of3A_702, %add3A_1077 : i32
        %mul3A_1079 = arith.constant 64 : i32
        %mul3A_1080 = arith.muli %add3A_1078, %mul3A_1079 : i32
        %multiple_of3A_1081 = tpu.assume_multiple %mul3A_1080, 64 : i32
        %get3A_1082 = arith.index_cast %multiple_of3A_1081 : i32 to index
        %get3A_1083 = tpu.vector_load %arg7[%get3A_1082] {strides = array<i32>} : memref<32768xf32, #tpu.memory_space<vmem>>, vector<16xf32>,
        %mul3A_1084 = arith.mulf %get3A_1083, %gather3A_1076 : vector<16xf32>
        %add3A_1085 = arith.addf %add3A_1050, %mul3A_1084 : vector<16xf32>
        %add3A_1086 = arith.constant 16 : i32
        %add3A_1087 = arith.addi %multiple_of3A_1081, %add3A_1086 : i32
        %get3A_1088 = arith.index_cast %add3A_1087 : i32 to index
        %get3A_1089 = tpu.vector_load %arg7[%get3A_1088] {strides = array<i32>} : memref<32768xf32, #tpu.memory_space<vmem>>, vector<16xf32>,
        %mul3A_1090 = arith.mulf %get3A_1089, %gather3A_1076 : vector<16xf32>
        %add3A_1091 = arith.addf %add3A_1056, %mul3A_1090 : vector<16xf32>
        %add3A_1092 = arith.constant 32 : i32
        %add3A_1093 = arith.addi %multiple_of3A_1081, %add3A_1092 : i32
        %get3A_1094 = arith.index_cast %add3A_1093 : i32 to index
        %get3A_1095 = tpu.vector_load %arg7[%get3A_1094] {strides = array<i32>} : memref<32768xf32, #tpu.memory_space<vmem>>, vector<16xf32>,
        %mul3A_1096 = arith.mulf %get3A_1095, %gather3A_1076 : vector<16xf32>
        %add3A_1097 = arith.addf %add3A_1062, %mul3A_1096 : vector<16xf32>
        %add3A_1098 = arith.constant 48 : i32
        %add3A_1099 = arith.addi %multiple_of3A_1081, %add3A_1098 : i32
        %get3A_1100 = arith.index_cast %add3A_1099 : i32 to index
        %get3A_1101 = tpu.vector_load %arg7[%get3A_1100] {strides = array<i32>} : memref<32768xf32, #tpu.memory_space<vmem>>, vector<16xf32>,
        %mul3A_1102 = arith.mulf %get3A_1101, %gather3A_1076 : vector<16xf32>
        %add3A_1103 = arith.addf %add3A_1068, %mul3A_1102 : vector<16xf32>
        %add3A_1104 = arith.addf %add3A_1069, %gather3A_1076 : vector<16xf32>
        %broadcast_in_dim3A_1105 = arith.constant 1 : i32
        %broadcast_in_dim3A_1106 = vector.broadcast %broadcast_in_dim3A_1105 : i32 to vector<16xi32>
        %add3A_1107 = arith.constant 11 : i32
        %add3A_1108 = arith.addi %multiple_of3A_702, %add3A_1107 : i32
        %mul3A_1109 = vector.broadcast %add3A_1108 : i32 to vector<16xi32>
        %mul3A_1110 = arith.muli %broadcast_in_dim3A_1106, %mul3A_1109 : vector<16xi32>
        %gather3A_1111 = tpu.vector_load_idx %arg10[%mul3A_1110] : memref<512xf32, #tpu.memory_space<vmem>>[vector<16xi32>], vector<16xf32>,
        %add3A_1112 = arith.constant 11 : i32
        %add3A_1113 = arith.addi %multiple_of3A_702, %add3A_1112 : i32
        %mul3A_1114 = arith.constant 64 : i32
        %mul3A_1115 = arith.muli %add3A_1113, %mul3A_1114 : i32
        %multiple_of3A_1116 = tpu.assume_multiple %mul3A_1115, 64 : i32
        %get3A_1117 = arith.index_cast %multiple_of3A_1116 : i32 to index
        %get3A_1118 = tpu.vector_load %arg7[%get3A_1117] {strides = array<i32>} : memref<32768xf32, #tpu.memory_space<vmem>>, vector<16xf32>,
        %mul3A_1119 = arith.mulf %get3A_1118, %gather3A_1111 : vector<16xf32>
        %add3A_1120 = arith.addf %add3A_1085, %mul3A_1119 : vector<16xf32>
        %add3A_1121 = arith.constant 16 : i32
        %add3A_1122 = arith.addi %multiple_of3A_1116, %add3A_1121 : i32
        %get3A_1123 = arith.index_cast %add3A_1122 : i32 to index
        %get3A_1124 = tpu.vector_load %arg7[%get3A_1123] {strides = array<i32>} : memref<32768xf32, #tpu.memory_space<vmem>>, vector<16xf32>,
        %mul3A_1125 = arith.mulf %get3A_1124, %gather3A_1111 : vector<16xf32>
        %add3A_1126 = arith.addf %add3A_1091, %mul3A_1125 : vector<16xf32>
        %add3A_1127 = arith.constant 32 : i32
        %add3A_1128 = arith.addi %multiple_of3A_1116, %add3A_1127 : i32
        %get3A_1129 = arith.index_cast %add3A_1128 : i32 to index
        %get3A_1130 = tpu.vector_load %arg7[%get3A_1129] {strides = array<i32>} : memref<32768xf32, #tpu.memory_space<vmem>>, vector<16xf32>,
        %mul3A_1131 = arith.mulf %get3A_1130, %gather3A_1111 : vector<16xf32>
        %add3A_1132 = arith.addf %add3A_1097, %mul3A_1131 : vector<16xf32>
        %add3A_1133 = arith.constant 48 : i32
        %add3A_1134 = arith.addi %multiple_of3A_1116, %add3A_1133 : i32
        %get3A_1135 = arith.index_cast %add3A_1134 : i32 to index
        %get3A_1136 = tpu.vector_load %arg7[%get3A_1135] {strides = array<i32>} : memref<32768xf32, #tpu.memory_space<vmem>>, vector<16xf32>,
        %mul3A_1137 = arith.mulf %get3A_1136, %gather3A_1111 : vector<16xf32>
        %add3A_1138 = arith.addf %add3A_1103, %mul3A_1137 : vector<16xf32>
        %add3A_1139 = arith.addf %add3A_1104, %gather3A_1111 : vector<16xf32>
        %broadcast_in_dim3A_1140 = arith.constant 1 : i32
        %broadcast_in_dim3A_1141 = vector.broadcast %broadcast_in_dim3A_1140 : i32 to vector<16xi32>
        %add3A_1142 = arith.constant 12 : i32
        %add3A_1143 = arith.addi %multiple_of3A_702, %add3A_1142 : i32
        %mul3A_1144 = vector.broadcast %add3A_1143 : i32 to vector<16xi32>
        %mul3A_1145 = arith.muli %broadcast_in_dim3A_1141, %mul3A_1144 : vector<16xi32>
        %gather3A_1146 = tpu.vector_load_idx %arg10[%mul3A_1145] : memref<512xf32, #tpu.memory_space<vmem>>[vector<16xi32>], vector<16xf32>,
        %add3A_1147 = arith.constant 12 : i32
        %add3A_1148 = arith.addi %multiple_of3A_702, %add3A_1147 : i32
        %mul3A_1149 = arith.constant 64 : i32
        %mul3A_1150 = arith.muli %add3A_1148, %mul3A_1149 : i32
        %multiple_of3A_1151 = tpu.assume_multiple %mul3A_1150, 64 : i32
        %get3A_1152 = arith.index_cast %multiple_of3A_1151 : i32 to index
        %get3A_1153 = tpu.vector_load %arg7[%get3A_1152] {strides = array<i32>} : memref<32768xf32, #tpu.memory_space<vmem>>, vector<16xf32>,
        %mul3A_1154 = arith.mulf %get3A_1153, %gather3A_1146 : vector<16xf32>
        %add3A_1155 = arith.addf %add3A_1120, %mul3A_1154 : vector<16xf32>
        %add3A_1156 = arith.constant 16 : i32
        %add3A_1157 = arith.addi %multiple_of3A_1151, %add3A_1156 : i32
        %get3A_1158 = arith.index_cast %add3A_1157 : i32 to index
        %get3A_1159 = tpu.vector_load %arg7[%get3A_1158] {strides = array<i32>} : memref<32768xf32, #tpu.memory_space<vmem>>, vector<16xf32>,
        %mul3A_1160 = arith.mulf %get3A_1159, %gather3A_1146 : vector<16xf32>
        %add3A_1161 = arith.addf %add3A_1126, %mul3A_1160 : vector<16xf32>
        %add3A_1162 = arith.constant 32 : i32
        %add3A_1163 = arith.addi %multiple_of3A_1151, %add3A_1162 : i32
        %get3A_1164 = arith.index_cast %add3A_1163 : i32 to index
        %get3A_1165 = tpu.vector_load %arg7[%get3A_1164] {strides = array<i32>} : memref<32768xf32, #tpu.memory_space<vmem>>, vector<16xf32>,
        %mul3A_1166 = arith.mulf %get3A_1165, %gather3A_1146 : vector<16xf32>
        %add3A_1167 = arith.addf %add3A_1132, %mul3A_1166 : vector<16xf32>
        %add3A_1168 = arith.constant 48 : i32
        %add3A_1169 = arith.addi %multiple_of3A_1151, %add3A_1168 : i32
        %get3A_1170 = arith.index_cast %add3A_1169 : i32 to index
        %get3A_1171 = tpu.vector_load %arg7[%get3A_1170] {strides = array<i32>} : memref<32768xf32, #tpu.memory_space<vmem>>, vector<16xf32>,
        %mul3A_1172 = arith.mulf %get3A_1171, %gather3A_1146 : vector<16xf32>
        %add3A_1173 = arith.addf %add3A_1138, %mul3A_1172 : vector<16xf32>
        %add3A_1174 = arith.addf %add3A_1139, %gather3A_1146 : vector<16xf32>
        %broadcast_in_dim3A_1175 = arith.constant 1 : i32
        %broadcast_in_dim3A_1176 = vector.broadcast %broadcast_in_dim3A_1175 : i32 to vector<16xi32>
        %add3A_1177 = arith.constant 13 : i32
        %add3A_1178 = arith.addi %multiple_of3A_702, %add3A_1177 : i32
        %mul3A_1179 = vector.broadcast %add3A_1178 : i32 to vector<16xi32>
        %mul3A_1180 = arith.muli %broadcast_in_dim3A_1176, %mul3A_1179 : vector<16xi32>
        %gather3A_1181 = tpu.vector_load_idx %arg10[%mul3A_1180] : memref<512xf32, #tpu.memory_space<vmem>>[vector<16xi32>], vector<16xf32>,
        %add3A_1182 = arith.constant 13 : i32
        %add3A_1183 = arith.addi %multiple_of3A_702, %add3A_1182 : i32
        %mul3A_1184 = arith.constant 64 : i32
        %mul3A_1185 = arith.muli %add3A_1183, %mul3A_1184 : i32
        %multiple_of3A_1186 = tpu.assume_multiple %mul3A_1185, 64 : i32
        %get3A_1187 = arith.index_cast %multiple_of3A_1186 : i32 to index
        %get3A_1188 = tpu.vector_load %arg7[%get3A_1187] {strides = array<i32>} : memref<32768xf32, #tpu.memory_space<vmem>>, vector<16xf32>,
        %mul3A_1189 = arith.mulf %get3A_1188, %gather3A_1181 : vector<16xf32>
        %add3A_1190 = arith.addf %add3A_1155, %mul3A_1189 : vector<16xf32>
        %add3A_1191 = arith.constant 16 : i32
        %add3A_1192 = arith.addi %multiple_of3A_1186, %add3A_1191 : i32
        %get3A_1193 = arith.index_cast %add3A_1192 : i32 to index
        %get3A_1194 = tpu.vector_load %arg7[%get3A_1193] {strides = array<i32>} : memref<32768xf32, #tpu.memory_space<vmem>>, vector<16xf32>,
        %mul3A_1195 = arith.mulf %get3A_1194, %gather3A_1181 : vector<16xf32>
        %add3A_1196 = arith.addf %add3A_1161, %mul3A_1195 : vector<16xf32>
        %add3A_1197 = arith.constant 32 : i32
        %add3A_1198 = arith.addi %multiple_of3A_1186, %add3A_1197 : i32
        %get3A_1199 = arith.index_cast %add3A_1198 : i32 to index
        %get3A_1200 = tpu.vector_load %arg7[%get3A_1199] {strides = array<i32>} : memref<32768xf32, #tpu.memory_space<vmem>>, vector<16xf32>,
        %mul3A_1201 = arith.mulf %get3A_1200, %gather3A_1181 : vector<16xf32>
        %add3A_1202 = arith.addf %add3A_1167, %mul3A_1201 : vector<16xf32>
        %add3A_1203 = arith.constant 48 : i32
        %add3A_1204 = arith.addi %multiple_of3A_1186, %add3A_1203 : i32
        %get3A_1205 = arith.index_cast %add3A_1204 : i32 to index
        %get3A_1206 = tpu.vector_load %arg7[%get3A_1205] {strides = array<i32>} : memref<32768xf32, #tpu.memory_space<vmem>>, vector<16xf32>,
        %mul3A_1207 = arith.mulf %get3A_1206, %gather3A_1181 : vector<16xf32>
        %add3A_1208 = arith.addf %add3A_1173, %mul3A_1207 : vector<16xf32>
        %add3A_1209 = arith.addf %add3A_1174, %gather3A_1181 : vector<16xf32>
        %broadcast_in_dim3A_1210 = arith.constant 1 : i32
        %broadcast_in_dim3A_1211 = vector.broadcast %broadcast_in_dim3A_1210 : i32 to vector<16xi32>
        %add3A_1212 = arith.constant 14 : i32
        %add3A_1213 = arith.addi %multiple_of3A_702, %add3A_1212 : i32
        %mul3A_1214 = vector.broadcast %add3A_1213 : i32 to vector<16xi32>
        %mul3A_1215 = arith.muli %broadcast_in_dim3A_1211, %mul3A_1214 : vector<16xi32>
        %gather3A_1216 = tpu.vector_load_idx %arg10[%mul3A_1215] : memref<512xf32, #tpu.memory_space<vmem>>[vector<16xi32>], vector<16xf32>,
        %add3A_1217 = arith.constant 14 : i32
        %add3A_1218 = arith.addi %multiple_of3A_702, %add3A_1217 : i32
        %mul3A_1219 = arith.constant 64 : i32
        %mul3A_1220 = arith.muli %add3A_1218, %mul3A_1219 : i32
        %multiple_of3A_1221 = tpu.assume_multiple %mul3A_1220, 64 : i32
        %get3A_1222 = arith.index_cast %multiple_of3A_1221 : i32 to index
        %get3A_1223 = tpu.vector_load %arg7[%get3A_1222] {strides = array<i32>} : memref<32768xf32, #tpu.memory_space<vmem>>, vector<16xf32>,
        %mul3A_1224 = arith.mulf %get3A_1223, %gather3A_1216 : vector<16xf32>
        %add3A_1225 = arith.addf %add3A_1190, %mul3A_1224 : vector<16xf32>
        %add3A_1226 = arith.constant 16 : i32
        %add3A_1227 = arith.addi %multiple_of3A_1221, %add3A_1226 : i32
        %get3A_1228 = arith.index_cast %add3A_1227 : i32 to index
        %get3A_1229 = tpu.vector_load %arg7[%get3A_1228] {strides = array<i32>} : memref<32768xf32, #tpu.memory_space<vmem>>, vector<16xf32>,
        %mul3A_1230 = arith.mulf %get3A_1229, %gather3A_1216 : vector<16xf32>
        %add3A_1231 = arith.addf %add3A_1196, %mul3A_1230 : vector<16xf32>
        %add3A_1232 = arith.constant 32 : i32
        %add3A_1233 = arith.addi %multiple_of3A_1221, %add3A_1232 : i32
        %get3A_1234 = arith.index_cast %add3A_1233 : i32 to index
        %get3A_1235 = tpu.vector_load %arg7[%get3A_1234] {strides = array<i32>} : memref<32768xf32, #tpu.memory_space<vmem>>, vector<16xf32>,
        %mul3A_1236 = arith.mulf %get3A_1235, %gather3A_1216 : vector<16xf32>
        %add3A_1237 = arith.addf %add3A_1202, %mul3A_1236 : vector<16xf32>
        %add3A_1238 = arith.constant 48 : i32
        %add3A_1239 = arith.addi %multiple_of3A_1221, %add3A_1238 : i32
        %get3A_1240 = arith.index_cast %add3A_1239 : i32 to index
        %get3A_1241 = tpu.vector_load %arg7[%get3A_1240] {strides = array<i32>} : memref<32768xf32, #tpu.memory_space<vmem>>, vector<16xf32>,
        %mul3A_1242 = arith.mulf %get3A_1241, %gather3A_1216 : vector<16xf32>
        %add3A_1243 = arith.addf %add3A_1208, %mul3A_1242 : vector<16xf32>
        %add3A_1244 = arith.addf %add3A_1209, %gather3A_1216 : vector<16xf32>
        %broadcast_in_dim3A_1245 = arith.constant 1 : i32
        %broadcast_in_dim3A_1246 = vector.broadcast %broadcast_in_dim3A_1245 : i32 to vector<16xi32>
        %add3A_1247 = arith.constant 15 : i32
        %add3A_1248 = arith.addi %multiple_of3A_702, %add3A_1247 : i32
        %mul3A_1249 = vector.broadcast %add3A_1248 : i32 to vector<16xi32>
        %mul3A_1250 = arith.muli %broadcast_in_dim3A_1246, %mul3A_1249 : vector<16xi32>
        %gather3A_1251 = tpu.vector_load_idx %arg10[%mul3A_1250] : memref<512xf32, #tpu.memory_space<vmem>>[vector<16xi32>], vector<16xf32>,
        %add3A_1252 = arith.constant 15 : i32
        %add3A_1253 = arith.addi %multiple_of3A_702, %add3A_1252 : i32
        %mul3A_1254 = arith.constant 64 : i32
        %mul3A_1255 = arith.muli %add3A_1253, %mul3A_1254 : i32
        %multiple_of3A_1256 = tpu.assume_multiple %mul3A_1255, 64 : i32
        %get3A_1257 = arith.index_cast %multiple_of3A_1256 : i32 to index
        %get3A_1258 = tpu.vector_load %arg7[%get3A_1257] {strides = array<i32>} : memref<32768xf32, #tpu.memory_space<vmem>>, vector<16xf32>,
        %mul3A_1259 = arith.mulf %get3A_1258, %gather3A_1251 : vector<16xf32>
        %add3A_1260 = arith.addf %add3A_1225, %mul3A_1259 : vector<16xf32>
        %add3A_1261 = arith.constant 16 : i32
        %add3A_1262 = arith.addi %multiple_of3A_1256, %add3A_1261 : i32
        %get3A_1263 = arith.index_cast %add3A_1262 : i32 to index
        %get3A_1264 = tpu.vector_load %arg7[%get3A_1263] {strides = array<i32>} : memref<32768xf32, #tpu.memory_space<vmem>>, vector<16xf32>,
        %mul3A_1265 = arith.mulf %get3A_1264, %gather3A_1251 : vector<16xf32>
        %add3A_1266 = arith.addf %add3A_1231, %mul3A_1265 : vector<16xf32>
        %add3A_1267 = arith.constant 32 : i32
        %add3A_1268 = arith.addi %multiple_of3A_1256, %add3A_1267 : i32
        %get3A_1269 = arith.index_cast %add3A_1268 : i32 to index
        %get3A_1270 = tpu.vector_load %arg7[%get3A_1269] {strides = array<i32>} : memref<32768xf32, #tpu.memory_space<vmem>>, vector<16xf32>,
        %mul3A_1271 = arith.mulf %get3A_1270, %gather3A_1251 : vector<16xf32>
        %add3A_1272 = arith.addf %add3A_1237, %mul3A_1271 : vector<16xf32>
        %add3A_1273 = arith.constant 48 : i32
        %add3A_1274 = arith.addi %multiple_of3A_1256, %add3A_1273 : i32
        %get3A_1275 = arith.index_cast %add3A_1274 : i32 to index
        %get3A_1276 = tpu.vector_load %arg7[%get3A_1275] {strides = array<i32>} : memref<32768xf32, #tpu.memory_space<vmem>>, vector<16xf32>,
        %mul3A_1277 = arith.mulf %get3A_1276, %gather3A_1251 : vector<16xf32>
        %add3A_1278 = arith.addf %add3A_1243, %mul3A_1277 : vector<16xf32>
        %add3A_1279 = arith.addf %add3A_1244, %gather3A_1251 : vector<16xf32>
        scf.yield %add3A_1260, %add3A_1266, %add3A_1272, %add3A_1278, %add3A_1279, %scan3A_699 : vector<16xf32>, vector<16xf32>, vector<16xf32>, vector<16xf32>, vector<16xf32>, vector<16xi32>
      } else {
        %add3A_720 = arith.constant 0 : i32
        %add3A_721 = vector.broadcast %add3A_720 : i32 to vector<16xi32>
        %add3A_722 = arith.addi %iota3A, %add3A_721 : vector<16xi32>
        tpu.vector_store_idx %arg12[%scan3A_699, %add3A_722], %scan3A_694 {add = true} : memref<1024x80xf32, #tpu.memory_space<vmem>>[vector<16xi32>, vector<16xi32>], vector<16xf32>,
        %add3A_723 = arith.constant 16 : i32
        %add3A_724 = vector.broadcast %add3A_723 : i32 to vector<16xi32>
        %add3A_725 = arith.addi %iota3A, %add3A_724 : vector<16xi32>
        tpu.vector_store_idx %arg12[%scan3A_699, %add3A_725], %scan3A_695 {add = true} : memref<1024x80xf32, #tpu.memory_space<vmem>>[vector<16xi32>, vector<16xi32>], vector<16xf32>,
        %add3A_726 = arith.constant 32 : i32
        %add3A_727 = vector.broadcast %add3A_726 : i32 to vector<16xi32>
        %add3A_728 = arith.addi %iota3A, %add3A_727 : vector<16xi32>
        tpu.vector_store_idx %arg12[%scan3A_699, %add3A_728], %scan3A_696 {add = true} : memref<1024x80xf32, #tpu.memory_space<vmem>>[vector<16xi32>, vector<16xi32>], vector<16xf32>,
        %add3A_729 = arith.constant 48 : i32
        %add3A_730 = vector.broadcast %add3A_729 : i32 to vector<16xi32>
        %add3A_731 = arith.addi %iota3A, %add3A_730 : vector<16xi32>
        tpu.vector_store_idx %arg12[%scan3A_699, %add3A_731], %scan3A_697 {add = true} : memref<1024x80xf32, #tpu.memory_space<vmem>>[vector<16xi32>, vector<16xi32>], vector<16xf32>,
        %add3A_732 = arith.constant 64 : i32
        %add3A_733 = vector.broadcast %add3A_732 : i32 to vector<16xi32>
        %add3A_734 = arith.addi %iota3A, %add3A_733 : vector<16xi32>
        %mul3A_735 = arith.mulf %scan3A_698, %convert_element_type3A_5 : vector<16xf32>
        tpu.vector_store_idx %arg12[%scan3A_699, %add3A_734], %mul3A_735 {add = true} : memref<1024x80xf32, #tpu.memory_space<vmem>>[vector<16xi32>, vector<16xi32>], vector<16xf32>,
        %add3A_736 = arith.constant 0 : i32
        %add3A_737 = arith.addi %multiple_of3A_702, %add3A_736 : i32
        %broadcast_in_dim3A_738 = arith.constant 1 : i32
        %broadcast_in_dim3A_739 = vector.broadcast %broadcast_in_dim3A_738 : i32 to vector<16xi32>
        %mul3A_740 = vector.broadcast %add3A_737 : i32 to vector<16xi32>
        %mul3A_741 = arith.muli %broadcast_in_dim3A_739, %mul3A_740 : vector<16xi32>
        %gather3A_742 = tpu.vector_load_idx %arg10[%mul3A_741] : memref<512xf32, #tpu.memory_space<vmem>>[vector<16xi32>], vector<16xf32>,
        %broadcast_in_dim3A_743 = arith.constant 1 : i32
        %broadcast_in_dim3A_744 = vector.broadcast %broadcast_in_dim3A_743 : i32 to vector<16xi32>
        %mul3A_745 = vector.broadcast %add3A_737 : i32 to vector<16xi32>
        %mul3A_746 = arith.muli %broadcast_in_dim3A_744, %mul3A_745 : vector<16xi32>
        %gather3A_747 = tpu.vector_load_idx %arg9[%mul3A_746] : memref<512xi32, #tpu.memory_space<vmem>>[vector<16xi32>], vector<16xi32>,
        %mul3A_748 = arith.constant 64 : i32
        %mul3A_749 = arith.muli %add3A_737, %mul3A_748 : i32
        %multiple_of3A_750 = tpu.assume_multiple %mul3A_749, 64 : i32
        %add3A_751 = arith.constant 0 : i32
        %add3A_752 = arith.addi %multiple_of3A_750, %add3A_751 : i32
        %get3A_753 = arith.index_cast %add3A_752 : i32 to index
        %get3A_754 = tpu.vector_load %arg7[%get3A_753] {strides = array<i32>} : memref<32768xf32, #tpu.memory_space<vmem>>, vector<16xf32>,
        %add3A_755 = arith.constant 0 : i32
        %add3A_756 = vector.broadcast %add3A_755 : i32 to vector<16xi32>
        %add3A_757 = arith.addi %iota3A, %add3A_756 : vector<16xi32>
        %mul3A_758 = arith.mulf %get3A_754, %gather3A_742 : vector<16xf32>
        tpu.vector_store_idx %arg12[%gather3A_747, %add3A_757], %mul3A_758 {add = true} : memref<1024x80xf32, #tpu.memory_space<vmem>>[vector<16xi32>, vector<16xi32>], vector<16xf32>,
        %add3A_759 = arith.constant 16 : i32
        %add3A_760 = arith.addi %multiple_of3A_750, %add3A_759 : i32
        %get3A_761 = arith.index_cast %add3A_760 : i32 to index
        %get3A_762 = tpu.vector_load %arg7[%get3A_761] {strides = array<i32>} : memref<32768xf32, #tpu.memory_space<vmem>>, vector<16xf32>,
        %add3A_763 = arith.constant 16 : i32
        %add3A_764 = vector.broadcast %add3A_763 : i32 to vector<16xi32>
        %add3A_765 = arith.addi %iota3A, %add3A_764 : vector<16xi32>
        %mul3A_766 = arith.mulf %get3A_762, %gather3A_742 : vector<16xf32>
        tpu.vector_store_idx %arg12[%gather3A_747, %add3A_765], %mul3A_766 {add = true} : memref<1024x80xf32, #tpu.memory_space<vmem>>[vector<16xi32>, vector<16xi32>], vector<16xf32>,
        %add3A_767 = arith.constant 32 : i32
        %add3A_768 = arith.addi %multiple_of3A_750, %add3A_767 : i32
        %get3A_769 = arith.index_cast %add3A_768 : i32 to index
        %get3A_770 = tpu.vector_load %arg7[%get3A_769] {strides = array<i32>} : memref<32768xf32, #tpu.memory_space<vmem>>, vector<16xf32>,
        %add3A_771 = arith.constant 32 : i32
        %add3A_772 = vector.broadcast %add3A_771 : i32 to vector<16xi32>
        %add3A_773 = arith.addi %iota3A, %add3A_772 : vector<16xi32>
        %mul3A_774 = arith.mulf %get3A_770, %gather3A_742 : vector<16xf32>
        tpu.vector_store_idx %arg12[%gather3A_747, %add3A_773], %mul3A_774 {add = true} : memref<1024x80xf32, #tpu.memory_space<vmem>>[vector<16xi32>, vector<16xi32>], vector<16xf32>,
        %add3A_775 = arith.constant 48 : i32
        %add3A_776 = arith.addi %multiple_of3A_750, %add3A_775 : i32
        %get3A_777 = arith.index_cast %add3A_776 : i32 to index
        %get3A_778 = tpu.vector_load %arg7[%get3A_777] {strides = array<i32>} : memref<32768xf32, #tpu.memory_space<vmem>>, vector<16xf32>,
        %add3A_779 = arith.constant 48 : i32
        %add3A_780 = vector.broadcast %add3A_779 : i32 to vector<16xi32>
        %add3A_781 = arith.addi %iota3A, %add3A_780 : vector<16xi32>
        %mul3A_782 = arith.mulf %get3A_778, %gather3A_742 : vector<16xf32>
        tpu.vector_store_idx %arg12[%gather3A_747, %add3A_781], %mul3A_782 {add = true} : memref<1024x80xf32, #tpu.memory_space<vmem>>[vector<16xi32>, vector<16xi32>], vector<16xf32>,
        %add3A_783 = arith.constant 64 : i32
        %add3A_784 = vector.broadcast %add3A_783 : i32 to vector<16xi32>
        %add3A_785 = arith.addi %iota3A, %add3A_784 : vector<16xi32>
        %mul3A_786 = arith.mulf %gather3A_742, %convert_element_type3A_5 : vector<16xf32>
        tpu.vector_store_idx %arg12[%gather3A_747, %add3A_785], %mul3A_786 {add = true} : memref<1024x80xf32, #tpu.memory_space<vmem>>[vector<16xi32>, vector<16xi32>], vector<16xf32>,
        %add3A_787 = arith.constant 1 : i32
        %add3A_788 = arith.addi %multiple_of3A_702, %add3A_787 : i32
        %broadcast_in_dim3A_789 = arith.constant 1 : i32
        %broadcast_in_dim3A_790 = vector.broadcast %broadcast_in_dim3A_789 : i32 to vector<16xi32>
        %mul3A_791 = vector.broadcast %add3A_788 : i32 to vector<16xi32>
        %mul3A_792 = arith.muli %broadcast_in_dim3A_790, %mul3A_791 : vector<16xi32>
        %gather3A_793 = tpu.vector_load_idx %arg10[%mul3A_792] : memref<512xf32, #tpu.memory_space<vmem>>[vector<16xi32>], vector<16xf32>,
        %broadcast_in_dim3A_794 = arith.constant 1 : i32
        %broadcast_in_dim3A_795 = vector.broadcast %broadcast_in_dim3A_794 : i32 to vector<16xi32>
        %mul3A_796 = vector.broadcast %add3A_788 : i32 to vector<16xi32>
        %mul3A_797 = arith.muli %broadcast_in_dim3A_795, %mul3A_796 : vector<16xi32>
        %gather3A_798 = tpu.vector_load_idx %arg9[%mul3A_797] : memref<512xi32, #tpu.memory_space<vmem>>[vector<16xi32>], vector<16xi32>,
        %mul3A_799 = arith.constant 64 : i32
        %mul3A_800 = arith.muli %add3A_788, %mul3A_799 : i32
        %multiple_of3A_801 = tpu.assume_multiple %mul3A_800, 64 : i32
        %add3A_802 = arith.constant 0 : i32
        %add3A_803 = arith.addi %multiple_of3A_801, %add3A_802 : i32
        %get3A_804 = arith.index_cast %add3A_803 : i32 to index
        %get3A_805 = tpu.vector_load %arg7[%get3A_804] {strides = array<i32>} : memref<32768xf32, #tpu.memory_space<vmem>>, vector<16xf32>,
        %add3A_806 = arith.constant 0 : i32
        %add3A_807 = vector.broadcast %add3A_806 : i32 to vector<16xi32>
        %add3A_808 = arith.addi %iota3A, %add3A_807 : vector<16xi32>
        %mul3A_809 = arith.mulf %get3A_805, %gather3A_793 : vector<16xf32>
        tpu.vector_store_idx %arg12[%gather3A_798, %add3A_808], %mul3A_809 {add = true} : memref<1024x80xf32, #tpu.memory_space<vmem>>[vector<16xi32>, vector<16xi32>], vector<16xf32>,
        %add3A_810 = arith.constant 16 : i32
        %add3A_811 = arith.addi %multiple_of3A_801, %add3A_810 : i32
        %get3A_812 = arith.index_cast %add3A_811 : i32 to index
        %get3A_813 = tpu.vector_load %arg7[%get3A_812] {strides = array<i32>} : memref<32768xf32, #tpu.memory_space<vmem>>, vector<16xf32>,
        %add3A_814 = arith.constant 16 : i32
        %add3A_815 = vector.broadcast %add3A_814 : i32 to vector<16xi32>
        %add3A_816 = arith.addi %iota3A, %add3A_815 : vector<16xi32>
        %mul3A_817 = arith.mulf %get3A_813, %gather3A_793 : vector<16xf32>
        tpu.vector_store_idx %arg12[%gather3A_798, %add3A_816], %mul3A_817 {add = true} : memref<1024x80xf32, #tpu.memory_space<vmem>>[vector<16xi32>, vector<16xi32>], vector<16xf32>,
        %add3A_818 = arith.constant 32 : i32
        %add3A_819 = arith.addi %multiple_of3A_801, %add3A_818 : i32
        %get3A_820 = arith.index_cast %add3A_819 : i32 to index
        %get3A_821 = tpu.vector_load %arg7[%get3A_820] {strides = array<i32>} : memref<32768xf32, #tpu.memory_space<vmem>>, vector<16xf32>,
        %add3A_822 = arith.constant 32 : i32
        %add3A_823 = vector.broadcast %add3A_822 : i32 to vector<16xi32>
        %add3A_824 = arith.addi %iota3A, %add3A_823 : vector<16xi32>
        %mul3A_825 = arith.mulf %get3A_821, %gather3A_793 : vector<16xf32>
        tpu.vector_store_idx %arg12[%gather3A_798, %add3A_824], %mul3A_825 {add = true} : memref<1024x80xf32, #tpu.memory_space<vmem>>[vector<16xi32>, vector<16xi32>], vector<16xf32>,
        %add3A_826 = arith.constant 48 : i32
        %add3A_827 = arith.addi %multiple_of3A_801, %add3A_826 : i32
        %get3A_828 = arith.index_cast %add3A_827 : i32 to index
        %get3A_829 = tpu.vector_load %arg7[%get3A_828] {strides = array<i32>} : memref<32768xf32, #tpu.memory_space<vmem>>, vector<16xf32>,
        %add3A_830 = arith.constant 48 : i32
        %add3A_831 = vector.broadcast %add3A_830 : i32 to vector<16xi32>
        %add3A_832 = arith.addi %iota3A, %add3A_831 : vector<16xi32>
        %mul3A_833 = arith.mulf %get3A_829, %gather3A_793 : vector<16xf32>
        tpu.vector_store_idx %arg12[%gather3A_798, %add3A_832], %mul3A_833 {add = true} : memref<1024x80xf32, #tpu.memory_space<vmem>>[vector<16xi32>, vector<16xi32>], vector<16xf32>,
        %add3A_834 = arith.constant 64 : i32
        %add3A_835 = vector.broadcast %add3A_834 : i32 to vector<16xi32>
        %add3A_836 = arith.addi %iota3A, %add3A_835 : vector<16xi32>
        %mul3A_837 = arith.mulf %gather3A_793, %convert_element_type3A_5 : vector<16xf32>
        tpu.vector_store_idx %arg12[%gather3A_798, %add3A_836], %mul3A_837 {add = true} : memref<1024x80xf32, #tpu.memory_space<vmem>>[vector<16xi32>, vector<16xi32>], vector<16xf32>,
        %add3A_838 = arith.constant 2 : i32
        %add3A_839 = arith.addi %multiple_of3A_702, %add3A_838 : i32
        %broadcast_in_dim3A_840 = arith.constant 1 : i32
        %broadcast_in_dim3A_841 = vector.broadcast %broadcast_in_dim3A_840 : i32 to vector<16xi32>
        %mul3A_842 = vector.broadcast %add3A_839 : i32 to vector<16xi32>
        %mul3A_843 = arith.muli %broadcast_in_dim3A_841, %mul3A_842 : vector<16xi32>
        %gather3A_844 = tpu.vector_load_idx %arg10[%mul3A_843] : memref<512xf32, #tpu.memory_space<vmem>>[vector<16xi32>], vector<16xf32>,
        %broadcast_in_dim3A_845 = arith.constant 1 : i32
        %broadcast_in_dim3A_846 = vector.broadcast %broadcast_in_dim3A_845 : i32 to vector<16xi32>
        %mul3A_847 = vector.broadcast %add3A_839 : i32 to vector<16xi32>
        %mul3A_848 = arith.muli %broadcast_in_dim3A_846, %mul3A_847 : vector<16xi32>
        %gather3A_849 = tpu.vector_load_idx %arg9[%mul3A_848] : memref<512xi32, #tpu.memory_space<vmem>>[vector<16xi32>], vector<16xi32>,
        %mul3A_850 = arith.constant 64 : i32
        %mul3A_851 = arith.muli %add3A_839, %mul3A_850 : i32
        %multiple_of3A_852 = tpu.assume_multiple %mul3A_851, 64 : i32
        %add3A_853 = arith.constant 0 : i32
        %add3A_854 = arith.addi %multiple_of3A_852, %add3A_853 : i32
        %get3A_855 = arith.index_cast %add3A_854 : i32 to index
        %get3A_856 = tpu.vector_load %arg7[%get3A_855] {strides = array<i32>} : memref<32768xf32, #tpu.memory_space<vmem>>, vector<16xf32>,
        %add3A_857 = arith.constant 0 : i32
        %add3A_858 = vector.broadcast %add3A_857 : i32 to vector<16xi32>
        %add3A_859 = arith.addi %iota3A, %add3A_858 : vector<16xi32>
        %mul3A_860 = arith.mulf %get3A_856, %gather3A_844 : vector<16xf32>
        tpu.vector_store_idx %arg12[%gather3A_849, %add3A_859], %mul3A_860 {add = true} : memref<1024x80xf32, #tpu.memory_space<vmem>>[vector<16xi32>, vector<16xi32>], vector<16xf32>,
        %add3A_861 = arith.constant 16 : i32
        %add3A_862 = arith.addi %multiple_of3A_852, %add3A_861 : i32
        %get3A_863 = arith.index_cast %add3A_862 : i32 to index
        %get3A_864 = tpu.vector_load %arg7[%get3A_863] {strides = array<i32>} : memref<32768xf32, #tpu.memory_space<vmem>>, vector<16xf32>,
        %add3A_865 = arith.constant 16 : i32
        %add3A_866 = vector.broadcast %add3A_865 : i32 to vector<16xi32>
        %add3A_867 = arith.addi %iota3A, %add3A_866 : vector<16xi32>
        %mul3A_868 = arith.mulf %get3A_864, %gather3A_844 : vector<16xf32>
        tpu.vector_store_idx %arg12[%gather3A_849, %add3A_867], %mul3A_868 {add = true} : memref<1024x80xf32, #tpu.memory_space<vmem>>[vector<16xi32>, vector<16xi32>], vector<16xf32>,
        %add3A_869 = arith.constant 32 : i32
        %add3A_870 = arith.addi %multiple_of3A_852, %add3A_869 : i32
        %get3A_871 = arith.index_cast %add3A_870 : i32 to index
        %get3A_872 = tpu.vector_load %arg7[%get3A_871] {strides = array<i32>} : memref<32768xf32, #tpu.memory_space<vmem>>, vector<16xf32>,
        %add3A_873 = arith.constant 32 : i32
        %add3A_874 = vector.broadcast %add3A_873 : i32 to vector<16xi32>
        %add3A_875 = arith.addi %iota3A, %add3A_874 : vector<16xi32>
        %mul3A_876 = arith.mulf %get3A_872, %gather3A_844 : vector<16xf32>
        tpu.vector_store_idx %arg12[%gather3A_849, %add3A_875], %mul3A_876 {add = true} : memref<1024x80xf32, #tpu.memory_space<vmem>>[vector<16xi32>, vector<16xi32>], vector<16xf32>,
        %add3A_877 = arith.constant 48 : i32
        %add3A_878 = arith.addi %multiple_of3A_852, %add3A_877 : i32
        %get3A_879 = arith.index_cast %add3A_878 : i32 to index
        %get3A_880 = tpu.vector_load %arg7[%get3A_879] {strides = array<i32>} : memref<32768xf32, #tpu.memory_space<vmem>>, vector<16xf32>,
        %add3A_881 = arith.constant 48 : i32
        %add3A_882 = vector.broadcast %add3A_881 : i32 to vector<16xi32>
        %add3A_883 = arith.addi %iota3A, %add3A_882 : vector<16xi32>
        %mul3A_884 = arith.mulf %get3A_880, %gather3A_844 : vector<16xf32>
        tpu.vector_store_idx %arg12[%gather3A_849, %add3A_883], %mul3A_884 {add = true} : memref<1024x80xf32, #tpu.memory_space<vmem>>[vector<16xi32>, vector<16xi32>], vector<16xf32>,
        %add3A_885 = arith.constant 64 : i32
        %add3A_886 = vector.broadcast %add3A_885 : i32 to vector<16xi32>
        %add3A_887 = arith.addi %iota3A, %add3A_886 : vector<16xi32>
        %mul3A_888 = arith.mulf %gather3A_844, %convert_element_type3A_5 : vector<16xf32>
        tpu.vector_store_idx %arg12[%gather3A_849, %add3A_887], %mul3A_888 {add = true} : memref<1024x80xf32, #tpu.memory_space<vmem>>[vector<16xi32>, vector<16xi32>], vector<16xf32>,
        %add3A_889 = arith.constant 3 : i32
        %add3A_890 = arith.addi %multiple_of3A_702, %add3A_889 : i32
        %broadcast_in_dim3A_891 = arith.constant 1 : i32
        %broadcast_in_dim3A_892 = vector.broadcast %broadcast_in_dim3A_891 : i32 to vector<16xi32>
        %mul3A_893 = vector.broadcast %add3A_890 : i32 to vector<16xi32>
        %mul3A_894 = arith.muli %broadcast_in_dim3A_892, %mul3A_893 : vector<16xi32>
        %gather3A_895 = tpu.vector_load_idx %arg10[%mul3A_894] : memref<512xf32, #tpu.memory_space<vmem>>[vector<16xi32>], vector<16xf32>,
        %broadcast_in_dim3A_896 = arith.constant 1 : i32
        %broadcast_in_dim3A_897 = vector.broadcast %broadcast_in_dim3A_896 : i32 to vector<16xi32>
        %mul3A_898 = vector.broadcast %add3A_890 : i32 to vector<16xi32>
        %mul3A_899 = arith.muli %broadcast_in_dim3A_897, %mul3A_898 : vector<16xi32>
        %gather3A_900 = tpu.vector_load_idx %arg9[%mul3A_899] : memref<512xi32, #tpu.memory_space<vmem>>[vector<16xi32>], vector<16xi32>,
        %mul3A_901 = arith.constant 64 : i32
        %mul3A_902 = arith.muli %add3A_890, %mul3A_901 : i32
        %multiple_of3A_903 = tpu.assume_multiple %mul3A_902, 64 : i32
        %add3A_904 = arith.constant 0 : i32
        %add3A_905 = arith.addi %multiple_of3A_903, %add3A_904 : i32
        %get3A_906 = arith.index_cast %add3A_905 : i32 to index
        %get3A_907 = tpu.vector_load %arg7[%get3A_906] {strides = array<i32>} : memref<32768xf32, #tpu.memory_space<vmem>>, vector<16xf32>,
        %add3A_908 = arith.constant 0 : i32
        %add3A_909 = vector.broadcast %add3A_908 : i32 to vector<16xi32>
        %add3A_910 = arith.addi %iota3A, %add3A_909 : vector<16xi32>
        %mul3A_911 = arith.mulf %get3A_907, %gather3A_895 : vector<16xf32>
        tpu.vector_store_idx %arg12[%gather3A_900, %add3A_910], %mul3A_911 {add = true} : memref<1024x80xf32, #tpu.memory_space<vmem>>[vector<16xi32>, vector<16xi32>], vector<16xf32>,
        %add3A_912 = arith.constant 16 : i32
        %add3A_913 = arith.addi %multiple_of3A_903, %add3A_912 : i32
        %get3A_914 = arith.index_cast %add3A_913 : i32 to index
        %get3A_915 = tpu.vector_load %arg7[%get3A_914] {strides = array<i32>} : memref<32768xf32, #tpu.memory_space<vmem>>, vector<16xf32>,
        %add3A_916 = arith.constant 16 : i32
        %add3A_917 = vector.broadcast %add3A_916 : i32 to vector<16xi32>
        %add3A_918 = arith.addi %iota3A, %add3A_917 : vector<16xi32>
        %mul3A_919 = arith.mulf %get3A_915, %gather3A_895 : vector<16xf32>
        tpu.vector_store_idx %arg12[%gather3A_900, %add3A_918], %mul3A_919 {add = true} : memref<1024x80xf32, #tpu.memory_space<vmem>>[vector<16xi32>, vector<16xi32>], vector<16xf32>,
        %add3A_920 = arith.constant 32 : i32
        %add3A_921 = arith.addi %multiple_of3A_903, %add3A_920 : i32
        %get3A_922 = arith.index_cast %add3A_921 : i32 to index
        %get3A_923 = tpu.vector_load %arg7[%get3A_922] {strides = array<i32>} : memref<32768xf32, #tpu.memory_space<vmem>>, vector<16xf32>,
        %add3A_924 = arith.constant 32 : i32
        %add3A_925 = vector.broadcast %add3A_924 : i32 to vector<16xi32>
        %add3A_926 = arith.addi %iota3A, %add3A_925 : vector<16xi32>
        %mul3A_927 = arith.mulf %get3A_923, %gather3A_895 : vector<16xf32>
        tpu.vector_store_idx %arg12[%gather3A_900, %add3A_926], %mul3A_927 {add = true} : memref<1024x80xf32, #tpu.memory_space<vmem>>[vector<16xi32>, vector<16xi32>], vector<16xf32>,
        %add3A_928 = arith.constant 48 : i32
        %add3A_929 = arith.addi %multiple_of3A_903, %add3A_928 : i32
        %get3A_930 = arith.index_cast %add3A_929 : i32 to index
        %get3A_931 = tpu.vector_load %arg7[%get3A_930] {strides = array<i32>} : memref<32768xf32, #tpu.memory_space<vmem>>, vector<16xf32>,
        %add3A_932 = arith.constant 48 : i32
        %add3A_933 = vector.broadcast %add3A_932 : i32 to vector<16xi32>
        %add3A_934 = arith.addi %iota3A, %add3A_933 : vector<16xi32>
        %mul3A_935 = arith.mulf %get3A_931, %gather3A_895 : vector<16xf32>
        tpu.vector_store_idx %arg12[%gather3A_900, %add3A_934], %mul3A_935 {add = true} : memref<1024x80xf32, #tpu.memory_space<vmem>>[vector<16xi32>, vector<16xi32>], vector<16xf32>,
        %add3A_936 = arith.constant 64 : i32
        %add3A_937 = vector.broadcast %add3A_936 : i32 to vector<16xi32>
        %add3A_938 = arith.addi %iota3A, %add3A_937 : vector<16xi32>
        %mul3A_939 = arith.mulf %gather3A_895, %convert_element_type3A_5 : vector<16xf32>
        tpu.vector_store_idx %arg12[%gather3A_900, %add3A_938], %mul3A_939 {add = true} : memref<1024x80xf32, #tpu.memory_space<vmem>>[vector<16xi32>, vector<16xi32>], vector<16xf32>,
        %add3A_940 = arith.constant 4 : i32
        %add3A_941 = arith.addi %multiple_of3A_702, %add3A_940 : i32
        %broadcast_in_dim3A_942 = arith.constant 1 : i32
        %broadcast_in_dim3A_943 = vector.broadcast %broadcast_in_dim3A_942 : i32 to vector<16xi32>
        %mul3A_944 = vector.broadcast %add3A_941 : i32 to vector<16xi32>
        %mul3A_945 = arith.muli %broadcast_in_dim3A_943, %mul3A_944 : vector<16xi32>
        %gather3A_946 = tpu.vector_load_idx %arg10[%mul3A_945] : memref<512xf32, #tpu.memory_space<vmem>>[vector<16xi32>], vector<16xf32>,
        %broadcast_in_dim3A_947 = arith.constant 1 : i32
        %broadcast_in_dim3A_948 = vector.broadcast %broadcast_in_dim3A_947 : i32 to vector<16xi32>
        %mul3A_949 = vector.broadcast %add3A_941 : i32 to vector<16xi32>
        %mul3A_950 = arith.muli %broadcast_in_dim3A_948, %mul3A_949 : vector<16xi32>
        %gather3A_951 = tpu.vector_load_idx %arg9[%mul3A_950] : memref<512xi32, #tpu.memory_space<vmem>>[vector<16xi32>], vector<16xi32>,
        %mul3A_952 = arith.constant 64 : i32
        %mul3A_953 = arith.muli %add3A_941, %mul3A_952 : i32
        %multiple_of3A_954 = tpu.assume_multiple %mul3A_953, 64 : i32
        %add3A_955 = arith.constant 0 : i32
        %add3A_956 = arith.addi %multiple_of3A_954, %add3A_955 : i32
        %get3A_957 = arith.index_cast %add3A_956 : i32 to index
        %get3A_958 = tpu.vector_load %arg7[%get3A_957] {strides = array<i32>} : memref<32768xf32, #tpu.memory_space<vmem>>, vector<16xf32>,
        %add3A_959 = arith.constant 0 : i32
        %add3A_960 = vector.broadcast %add3A_959 : i32 to vector<16xi32>
        %add3A_961 = arith.addi %iota3A, %add3A_960 : vector<16xi32>
        %mul3A_962 = arith.mulf %get3A_958, %gather3A_946 : vector<16xf32>
        tpu.vector_store_idx %arg12[%gather3A_951, %add3A_961], %mul3A_962 {add = true} : memref<1024x80xf32, #tpu.memory_space<vmem>>[vector<16xi32>, vector<16xi32>], vector<16xf32>,
        %add3A_963 = arith.constant 16 : i32
        %add3A_964 = arith.addi %multiple_of3A_954, %add3A_963 : i32
        %get3A_965 = arith.index_cast %add3A_964 : i32 to index
        %get3A_966 = tpu.vector_load %arg7[%get3A_965] {strides = array<i32>} : memref<32768xf32, #tpu.memory_space<vmem>>, vector<16xf32>,
        %add3A_967 = arith.constant 16 : i32
        %add3A_968 = vector.broadcast %add3A_967 : i32 to vector<16xi32>
        %add3A_969 = arith.addi %iota3A, %add3A_968 : vector<16xi32>
        %mul3A_970 = arith.mulf %get3A_966, %gather3A_946 : vector<16xf32>
        tpu.vector_store_idx %arg12[%gather3A_951, %add3A_969], %mul3A_970 {add = true} : memref<1024x80xf32, #tpu.memory_space<vmem>>[vector<16xi32>, vector<16xi32>], vector<16xf32>,
        %add3A_971 = arith.constant 32 : i32
        %add3A_972 = arith.addi %multiple_of3A_954, %add3A_971 : i32
        %get3A_973 = arith.index_cast %add3A_972 : i32 to index
        %get3A_974 = tpu.vector_load %arg7[%get3A_973] {strides = array<i32>} : memref<32768xf32, #tpu.memory_space<vmem>>, vector<16xf32>,
        %add3A_975 = arith.constant 32 : i32
        %add3A_976 = vector.broadcast %add3A_975 : i32 to vector<16xi32>
        %add3A_977 = arith.addi %iota3A, %add3A_976 : vector<16xi32>
        %mul3A_978 = arith.mulf %get3A_974, %gather3A_946 : vector<16xf32>
        tpu.vector_store_idx %arg12[%gather3A_951, %add3A_977], %mul3A_978 {add = true} : memref<1024x80xf32, #tpu.memory_space<vmem>>[vector<16xi32>, vector<16xi32>], vector<16xf32>,
        %add3A_979 = arith.constant 48 : i32
        %add3A_980 = arith.addi %multiple_of3A_954, %add3A_979 : i32
        %get3A_981 = arith.index_cast %add3A_980 : i32 to index
        %get3A_982 = tpu.vector_load %arg7[%get3A_981] {strides = array<i32>} : memref<32768xf32, #tpu.memory_space<vmem>>, vector<16xf32>,
        %add3A_983 = arith.constant 48 : i32
        %add3A_984 = vector.broadcast %add3A_983 : i32 to vector<16xi32>
        %add3A_985 = arith.addi %iota3A, %add3A_984 : vector<16xi32>
        %mul3A_986 = arith.mulf %get3A_982, %gather3A_946 : vector<16xf32>
        tpu.vector_store_idx %arg12[%gather3A_951, %add3A_985], %mul3A_986 {add = true} : memref<1024x80xf32, #tpu.memory_space<vmem>>[vector<16xi32>, vector<16xi32>], vector<16xf32>,
        %add3A_987 = arith.constant 64 : i32
        %add3A_988 = vector.broadcast %add3A_987 : i32 to vector<16xi32>
        %add3A_989 = arith.addi %iota3A, %add3A_988 : vector<16xi32>
        %mul3A_990 = arith.mulf %gather3A_946, %convert_element_type3A_5 : vector<16xf32>
        tpu.vector_store_idx %arg12[%gather3A_951, %add3A_989], %mul3A_990 {add = true} : memref<1024x80xf32, #tpu.memory_space<vmem>>[vector<16xi32>, vector<16xi32>], vector<16xf32>,
        %add3A_991 = arith.constant 5 : i32
        %add3A_992 = arith.addi %multiple_of3A_702, %add3A_991 : i32
        %broadcast_in_dim3A_993 = arith.constant 1 : i32
        %broadcast_in_dim3A_994 = vector.broadcast %broadcast_in_dim3A_993 : i32 to vector<16xi32>
        %mul3A_995 = vector.broadcast %add3A_992 : i32 to vector<16xi32>
        %mul3A_996 = arith.muli %broadcast_in_dim3A_994, %mul3A_995 : vector<16xi32>
        %gather3A_997 = tpu.vector_load_idx %arg10[%mul3A_996] : memref<512xf32, #tpu.memory_space<vmem>>[vector<16xi32>], vector<16xf32>,
        %broadcast_in_dim3A_998 = arith.constant 1 : i32
        %broadcast_in_dim3A_999 = vector.broadcast %broadcast_in_dim3A_998 : i32 to vector<16xi32>
        %mul3A_1000 = vector.broadcast %add3A_992 : i32 to vector<16xi32>
        %mul3A_1001 = arith.muli %broadcast_in_dim3A_999, %mul3A_1000 : vector<16xi32>
        %gather3A_1002 = tpu.vector_load_idx %arg9[%mul3A_1001] : memref<512xi32, #tpu.memory_space<vmem>>[vector<16xi32>], vector<16xi32>,
        %mul3A_1003 = arith.constant 64 : i32
        %mul3A_1004 = arith.muli %add3A_992, %mul3A_1003 : i32
        %multiple_of3A_1005 = tpu.assume_multiple %mul3A_1004, 64 : i32
        %add3A_1006 = arith.constant 0 : i32
        %add3A_1007 = arith.addi %multiple_of3A_1005, %add3A_1006 : i32
        %get3A_1008 = arith.index_cast %add3A_1007 : i32 to index
        %get3A_1009 = tpu.vector_load %arg7[%get3A_1008] {strides = array<i32>} : memref<32768xf32, #tpu.memory_space<vmem>>, vector<16xf32>,
        %add3A_1010 = arith.constant 0 : i32
        %add3A_1011 = vector.broadcast %add3A_1010 : i32 to vector<16xi32>
        %add3A_1012 = arith.addi %iota3A, %add3A_1011 : vector<16xi32>
        %mul3A_1013 = arith.mulf %get3A_1009, %gather3A_997 : vector<16xf32>
        tpu.vector_store_idx %arg12[%gather3A_1002, %add3A_1012], %mul3A_1013 {add = true} : memref<1024x80xf32, #tpu.memory_space<vmem>>[vector<16xi32>, vector<16xi32>], vector<16xf32>,
        %add3A_1014 = arith.constant 16 : i32
        %add3A_1015 = arith.addi %multiple_of3A_1005, %add3A_1014 : i32
        %get3A_1016 = arith.index_cast %add3A_1015 : i32 to index
        %get3A_1017 = tpu.vector_load %arg7[%get3A_1016] {strides = array<i32>} : memref<32768xf32, #tpu.memory_space<vmem>>, vector<16xf32>,
        %add3A_1018 = arith.constant 16 : i32
        %add3A_1019 = vector.broadcast %add3A_1018 : i32 to vector<16xi32>
        %add3A_1020 = arith.addi %iota3A, %add3A_1019 : vector<16xi32>
        %mul3A_1021 = arith.mulf %get3A_1017, %gather3A_997 : vector<16xf32>
        tpu.vector_store_idx %arg12[%gather3A_1002, %add3A_1020], %mul3A_1021 {add = true} : memref<1024x80xf32, #tpu.memory_space<vmem>>[vector<16xi32>, vector<16xi32>], vector<16xf32>,
        %add3A_1022 = arith.constant 32 : i32
        %add3A_1023 = arith.addi %multiple_of3A_1005, %add3A_1022 : i32
        %get3A_1024 = arith.index_cast %add3A_1023 : i32 to index
        %get3A_1025 = tpu.vector_load %arg7[%get3A_1024] {strides = array<i32>} : memref<32768xf32, #tpu.memory_space<vmem>>, vector<16xf32>,
        %add3A_1026 = arith.constant 32 : i32
        %add3A_1027 = vector.broadcast %add3A_1026 : i32 to vector<16xi32>
        %add3A_1028 = arith.addi %iota3A, %add3A_1027 : vector<16xi32>
        %mul3A_1029 = arith.mulf %get3A_1025, %gather3A_997 : vector<16xf32>
        tpu.vector_store_idx %arg12[%gather3A_1002, %add3A_1028], %mul3A_1029 {add = true} : memref<1024x80xf32, #tpu.memory_space<vmem>>[vector<16xi32>, vector<16xi32>], vector<16xf32>,
        %add3A_1030 = arith.constant 48 : i32
        %add3A_1031 = arith.addi %multiple_of3A_1005, %add3A_1030 : i32
        %get3A_1032 = arith.index_cast %add3A_1031 : i32 to index
        %get3A_1033 = tpu.vector_load %arg7[%get3A_1032] {strides = array<i32>} : memref<32768xf32, #tpu.memory_space<vmem>>, vector<16xf32>,
        %add3A_1034 = arith.constant 48 : i32
        %add3A_1035 = vector.broadcast %add3A_1034 : i32 to vector<16xi32>
        %add3A_1036 = arith.addi %iota3A, %add3A_1035 : vector<16xi32>
        %mul3A_1037 = arith.mulf %get3A_1033, %gather3A_997 : vector<16xf32>
        tpu.vector_store_idx %arg12[%gather3A_1002, %add3A_1036], %mul3A_1037 {add = true} : memref<1024x80xf32, #tpu.memory_space<vmem>>[vector<16xi32>, vector<16xi32>], vector<16xf32>,
        %add3A_1038 = arith.constant 64 : i32
        %add3A_1039 = vector.broadcast %add3A_1038 : i32 to vector<16xi32>
        %add3A_1040 = arith.addi %iota3A, %add3A_1039 : vector<16xi32>
        %mul3A_1041 = arith.mulf %gather3A_997, %convert_element_type3A_5 : vector<16xf32>
        tpu.vector_store_idx %arg12[%gather3A_1002, %add3A_1040], %mul3A_1041 {add = true} : memref<1024x80xf32, #tpu.memory_space<vmem>>[vector<16xi32>, vector<16xi32>], vector<16xf32>,
        %add3A_1042 = arith.constant 6 : i32
        %add3A_1043 = arith.addi %multiple_of3A_702, %add3A_1042 : i32
        %broadcast_in_dim3A_1044 = arith.constant 1 : i32
        %broadcast_in_dim3A_1045 = vector.broadcast %broadcast_in_dim3A_1044 : i32 to vector<16xi32>
        %mul3A_1046 = vector.broadcast %add3A_1043 : i32 to vector<16xi32>
        %mul3A_1047 = arith.muli %broadcast_in_dim3A_1045, %mul3A_1046 : vector<16xi32>
        %gather3A_1048 = tpu.vector_load_idx %arg10[%mul3A_1047] : memref<512xf32, #tpu.memory_space<vmem>>[vector<16xi32>], vector<16xf32>,
        %broadcast_in_dim3A_1049 = arith.constant 1 : i32
        %broadcast_in_dim3A_1050 = vector.broadcast %broadcast_in_dim3A_1049 : i32 to vector<16xi32>
        %mul3A_1051 = vector.broadcast %add3A_1043 : i32 to vector<16xi32>
        %mul3A_1052 = arith.muli %broadcast_in_dim3A_1050, %mul3A_1051 : vector<16xi32>
        %gather3A_1053 = tpu.vector_load_idx %arg9[%mul3A_1052] : memref<512xi32, #tpu.memory_space<vmem>>[vector<16xi32>], vector<16xi32>,
        %mul3A_1054 = arith.constant 64 : i32
        %mul3A_1055 = arith.muli %add3A_1043, %mul3A_1054 : i32
        %multiple_of3A_1056 = tpu.assume_multiple %mul3A_1055, 64 : i32
        %add3A_1057 = arith.constant 0 : i32
        %add3A_1058 = arith.addi %multiple_of3A_1056, %add3A_1057 : i32
        %get3A_1059 = arith.index_cast %add3A_1058 : i32 to index
        %get3A_1060 = tpu.vector_load %arg7[%get3A_1059] {strides = array<i32>} : memref<32768xf32, #tpu.memory_space<vmem>>, vector<16xf32>,
        %add3A_1061 = arith.constant 0 : i32
        %add3A_1062 = vector.broadcast %add3A_1061 : i32 to vector<16xi32>
        %add3A_1063 = arith.addi %iota3A, %add3A_1062 : vector<16xi32>
        %mul3A_1064 = arith.mulf %get3A_1060, %gather3A_1048 : vector<16xf32>
        tpu.vector_store_idx %arg12[%gather3A_1053, %add3A_1063], %mul3A_1064 {add = true} : memref<1024x80xf32, #tpu.memory_space<vmem>>[vector<16xi32>, vector<16xi32>], vector<16xf32>,
        %add3A_1065 = arith.constant 16 : i32
        %add3A_1066 = arith.addi %multiple_of3A_1056, %add3A_1065 : i32
        %get3A_1067 = arith.index_cast %add3A_1066 : i32 to index
        %get3A_1068 = tpu.vector_load %arg7[%get3A_1067] {strides = array<i32>} : memref<32768xf32, #tpu.memory_space<vmem>>, vector<16xf32>,
        %add3A_1069 = arith.constant 16 : i32
        %add3A_1070 = vector.broadcast %add3A_1069 : i32 to vector<16xi32>
        %add3A_1071 = arith.addi %iota3A, %add3A_1070 : vector<16xi32>
        %mul3A_1072 = arith.mulf %get3A_1068, %gather3A_1048 : vector<16xf32>
        tpu.vector_store_idx %arg12[%gather3A_1053, %add3A_1071], %mul3A_1072 {add = true} : memref<1024x80xf32, #tpu.memory_space<vmem>>[vector<16xi32>, vector<16xi32>], vector<16xf32>,
        %add3A_1073 = arith.constant 32 : i32
        %add3A_1074 = arith.addi %multiple_of3A_1056, %add3A_1073 : i32
        %get3A_1075 = arith.index_cast %add3A_1074 : i32 to index
        %get3A_1076 = tpu.vector_load %arg7[%get3A_1075] {strides = array<i32>} : memref<32768xf32, #tpu.memory_space<vmem>>, vector<16xf32>,
        %add3A_1077 = arith.constant 32 : i32
        %add3A_1078 = vector.broadcast %add3A_1077 : i32 to vector<16xi32>
        %add3A_1079 = arith.addi %iota3A, %add3A_1078 : vector<16xi32>
        %mul3A_1080 = arith.mulf %get3A_1076, %gather3A_1048 : vector<16xf32>
        tpu.vector_store_idx %arg12[%gather3A_1053, %add3A_1079], %mul3A_1080 {add = true} : memref<1024x80xf32, #tpu.memory_space<vmem>>[vector<16xi32>, vector<16xi32>], vector<16xf32>,
        %add3A_1081 = arith.constant 48 : i32
        %add3A_1082 = arith.addi %multiple_of3A_1056, %add3A_1081 : i32
        %get3A_1083 = arith.index_cast %add3A_1082 : i32 to index
        %get3A_1084 = tpu.vector_load %arg7[%get3A_1083] {strides = array<i32>} : memref<32768xf32, #tpu.memory_space<vmem>>, vector<16xf32>,
        %add3A_1085 = arith.constant 48 : i32
        %add3A_1086 = vector.broadcast %add3A_1085 : i32 to vector<16xi32>
        %add3A_1087 = arith.addi %iota3A, %add3A_1086 : vector<16xi32>
        %mul3A_1088 = arith.mulf %get3A_1084, %gather3A_1048 : vector<16xf32>
        tpu.vector_store_idx %arg12[%gather3A_1053, %add3A_1087], %mul3A_1088 {add = true} : memref<1024x80xf32, #tpu.memory_space<vmem>>[vector<16xi32>, vector<16xi32>], vector<16xf32>,
        %add3A_1089 = arith.constant 64 : i32
        %add3A_1090 = vector.broadcast %add3A_1089 : i32 to vector<16xi32>
        %add3A_1091 = arith.addi %iota3A, %add3A_1090 : vector<16xi32>
        %mul3A_1092 = arith.mulf %gather3A_1048, %convert_element_type3A_5 : vector<16xf32>
        tpu.vector_store_idx %arg12[%gather3A_1053, %add3A_1091], %mul3A_1092 {add = true} : memref<1024x80xf32, #tpu.memory_space<vmem>>[vector<16xi32>, vector<16xi32>], vector<16xf32>,
        %add3A_1093 = arith.constant 7 : i32
        %add3A_1094 = arith.addi %multiple_of3A_702, %add3A_1093 : i32
        %broadcast_in_dim3A_1095 = arith.constant 1 : i32
        %broadcast_in_dim3A_1096 = vector.broadcast %broadcast_in_dim3A_1095 : i32 to vector<16xi32>
        %mul3A_1097 = vector.broadcast %add3A_1094 : i32 to vector<16xi32>
        %mul3A_1098 = arith.muli %broadcast_in_dim3A_1096, %mul3A_1097 : vector<16xi32>
        %gather3A_1099 = tpu.vector_load_idx %arg10[%mul3A_1098] : memref<512xf32, #tpu.memory_space<vmem>>[vector<16xi32>], vector<16xf32>,
        %broadcast_in_dim3A_1100 = arith.constant 1 : i32
        %broadcast_in_dim3A_1101 = vector.broadcast %broadcast_in_dim3A_1100 : i32 to vector<16xi32>
        %mul3A_1102 = vector.broadcast %add3A_1094 : i32 to vector<16xi32>
        %mul3A_1103 = arith.muli %broadcast_in_dim3A_1101, %mul3A_1102 : vector<16xi32>
        %gather3A_1104 = tpu.vector_load_idx %arg9[%mul3A_1103] : memref<512xi32, #tpu.memory_space<vmem>>[vector<16xi32>], vector<16xi32>,
        %mul3A_1105 = arith.constant 64 : i32
        %mul3A_1106 = arith.muli %add3A_1094, %mul3A_1105 : i32
        %multiple_of3A_1107 = tpu.assume_multiple %mul3A_1106, 64 : i32
        %add3A_1108 = arith.constant 0 : i32
        %add3A_1109 = arith.addi %multiple_of3A_1107, %add3A_1108 : i32
        %get3A_1110 = arith.index_cast %add3A_1109 : i32 to index
        %get3A_1111 = tpu.vector_load %arg7[%get3A_1110] {strides = array<i32>} : memref<32768xf32, #tpu.memory_space<vmem>>, vector<16xf32>,
        %add3A_1112 = arith.constant 0 : i32
        %add3A_1113 = vector.broadcast %add3A_1112 : i32 to vector<16xi32>
        %add3A_1114 = arith.addi %iota3A, %add3A_1113 : vector<16xi32>
        %mul3A_1115 = arith.mulf %get3A_1111, %gather3A_1099 : vector<16xf32>
        tpu.vector_store_idx %arg12[%gather3A_1104, %add3A_1114], %mul3A_1115 {add = true} : memref<1024x80xf32, #tpu.memory_space<vmem>>[vector<16xi32>, vector<16xi32>], vector<16xf32>,
        %add3A_1116 = arith.constant 16 : i32
        %add3A_1117 = arith.addi %multiple_of3A_1107, %add3A_1116 : i32
        %get3A_1118 = arith.index_cast %add3A_1117 : i32 to index
        %get3A_1119 = tpu.vector_load %arg7[%get3A_1118] {strides = array<i32>} : memref<32768xf32, #tpu.memory_space<vmem>>, vector<16xf32>,
        %add3A_1120 = arith.constant 16 : i32
        %add3A_1121 = vector.broadcast %add3A_1120 : i32 to vector<16xi32>
        %add3A_1122 = arith.addi %iota3A, %add3A_1121 : vector<16xi32>
        %mul3A_1123 = arith.mulf %get3A_1119, %gather3A_1099 : vector<16xf32>
        tpu.vector_store_idx %arg12[%gather3A_1104, %add3A_1122], %mul3A_1123 {add = true} : memref<1024x80xf32, #tpu.memory_space<vmem>>[vector<16xi32>, vector<16xi32>], vector<16xf32>,
        %add3A_1124 = arith.constant 32 : i32
        %add3A_1125 = arith.addi %multiple_of3A_1107, %add3A_1124 : i32
        %get3A_1126 = arith.index_cast %add3A_1125 : i32 to index
        %get3A_1127 = tpu.vector_load %arg7[%get3A_1126] {strides = array<i32>} : memref<32768xf32, #tpu.memory_space<vmem>>, vector<16xf32>,
        %add3A_1128 = arith.constant 32 : i32
        %add3A_1129 = vector.broadcast %add3A_1128 : i32 to vector<16xi32>
        %add3A_1130 = arith.addi %iota3A, %add3A_1129 : vector<16xi32>
        %mul3A_1131 = arith.mulf %get3A_1127, %gather3A_1099 : vector<16xf32>
        tpu.vector_store_idx %arg12[%gather3A_1104, %add3A_1130], %mul3A_1131 {add = true} : memref<1024x80xf32, #tpu.memory_space<vmem>>[vector<16xi32>, vector<16xi32>], vector<16xf32>,
        %add3A_1132 = arith.constant 48 : i32
        %add3A_1133 = arith.addi %multiple_of3A_1107, %add3A_1132 : i32
        %get3A_1134 = arith.index_cast %add3A_1133 : i32 to index
        %get3A_1135 = tpu.vector_load %arg7[%get3A_1134] {strides = array<i32>} : memref<32768xf32, #tpu.memory_space<vmem>>, vector<16xf32>,
        %add3A_1136 = arith.constant 48 : i32
        %add3A_1137 = vector.broadcast %add3A_1136 : i32 to vector<16xi32>
        %add3A_1138 = arith.addi %iota3A, %add3A_1137 : vector<16xi32>
        %mul3A_1139 = arith.mulf %get3A_1135, %gather3A_1099 : vector<16xf32>
        tpu.vector_store_idx %arg12[%gather3A_1104, %add3A_1138], %mul3A_1139 {add = true} : memref<1024x80xf32, #tpu.memory_space<vmem>>[vector<16xi32>, vector<16xi32>], vector<16xf32>,
        %add3A_1140 = arith.constant 64 : i32
        %add3A_1141 = vector.broadcast %add3A_1140 : i32 to vector<16xi32>
        %add3A_1142 = arith.addi %iota3A, %add3A_1141 : vector<16xi32>
        %mul3A_1143 = arith.mulf %gather3A_1099, %convert_element_type3A_5 : vector<16xf32>
        tpu.vector_store_idx %arg12[%gather3A_1104, %add3A_1142], %mul3A_1143 {add = true} : memref<1024x80xf32, #tpu.memory_space<vmem>>[vector<16xi32>, vector<16xi32>], vector<16xf32>,
        %add3A_1144 = arith.constant 8 : i32
        %add3A_1145 = arith.addi %multiple_of3A_702, %add3A_1144 : i32
        %broadcast_in_dim3A_1146 = arith.constant 1 : i32
        %broadcast_in_dim3A_1147 = vector.broadcast %broadcast_in_dim3A_1146 : i32 to vector<16xi32>
        %mul3A_1148 = vector.broadcast %add3A_1145 : i32 to vector<16xi32>
        %mul3A_1149 = arith.muli %broadcast_in_dim3A_1147, %mul3A_1148 : vector<16xi32>
        %gather3A_1150 = tpu.vector_load_idx %arg10[%mul3A_1149] : memref<512xf32, #tpu.memory_space<vmem>>[vector<16xi32>], vector<16xf32>,
        %broadcast_in_dim3A_1151 = arith.constant 1 : i32
        %broadcast_in_dim3A_1152 = vector.broadcast %broadcast_in_dim3A_1151 : i32 to vector<16xi32>
        %mul3A_1153 = vector.broadcast %add3A_1145 : i32 to vector<16xi32>
        %mul3A_1154 = arith.muli %broadcast_in_dim3A_1152, %mul3A_1153 : vector<16xi32>
        %gather3A_1155 = tpu.vector_load_idx %arg9[%mul3A_1154] : memref<512xi32, #tpu.memory_space<vmem>>[vector<16xi32>], vector<16xi32>,
        %mul3A_1156 = arith.constant 64 : i32
        %mul3A_1157 = arith.muli %add3A_1145, %mul3A_1156 : i32
        %multiple_of3A_1158 = tpu.assume_multiple %mul3A_1157, 64 : i32
        %add3A_1159 = arith.constant 0 : i32
        %add3A_1160 = arith.addi %multiple_of3A_1158, %add3A_1159 : i32
        %get3A_1161 = arith.index_cast %add3A_1160 : i32 to index
        %get3A_1162 = tpu.vector_load %arg7[%get3A_1161] {strides = array<i32>} : memref<32768xf32, #tpu.memory_space<vmem>>, vector<16xf32>,
        %add3A_1163 = arith.constant 0 : i32
        %add3A_1164 = vector.broadcast %add3A_1163 : i32 to vector<16xi32>
        %add3A_1165 = arith.addi %iota3A, %add3A_1164 : vector<16xi32>
        %mul3A_1166 = arith.mulf %get3A_1162, %gather3A_1150 : vector<16xf32>
        tpu.vector_store_idx %arg12[%gather3A_1155, %add3A_1165], %mul3A_1166 {add = true} : memref<1024x80xf32, #tpu.memory_space<vmem>>[vector<16xi32>, vector<16xi32>], vector<16xf32>,
        %add3A_1167 = arith.constant 16 : i32
        %add3A_1168 = arith.addi %multiple_of3A_1158, %add3A_1167 : i32
        %get3A_1169 = arith.index_cast %add3A_1168 : i32 to index
        %get3A_1170 = tpu.vector_load %arg7[%get3A_1169] {strides = array<i32>} : memref<32768xf32, #tpu.memory_space<vmem>>, vector<16xf32>,
        %add3A_1171 = arith.constant 16 : i32
        %add3A_1172 = vector.broadcast %add3A_1171 : i32 to vector<16xi32>
        %add3A_1173 = arith.addi %iota3A, %add3A_1172 : vector<16xi32>
        %mul3A_1174 = arith.mulf %get3A_1170, %gather3A_1150 : vector<16xf32>
        tpu.vector_store_idx %arg12[%gather3A_1155, %add3A_1173], %mul3A_1174 {add = true} : memref<1024x80xf32, #tpu.memory_space<vmem>>[vector<16xi32>, vector<16xi32>], vector<16xf32>,
        %add3A_1175 = arith.constant 32 : i32
        %add3A_1176 = arith.addi %multiple_of3A_1158, %add3A_1175 : i32
        %get3A_1177 = arith.index_cast %add3A_1176 : i32 to index
        %get3A_1178 = tpu.vector_load %arg7[%get3A_1177] {strides = array<i32>} : memref<32768xf32, #tpu.memory_space<vmem>>, vector<16xf32>,
        %add3A_1179 = arith.constant 32 : i32
        %add3A_1180 = vector.broadcast %add3A_1179 : i32 to vector<16xi32>
        %add3A_1181 = arith.addi %iota3A, %add3A_1180 : vector<16xi32>
        %mul3A_1182 = arith.mulf %get3A_1178, %gather3A_1150 : vector<16xf32>
        tpu.vector_store_idx %arg12[%gather3A_1155, %add3A_1181], %mul3A_1182 {add = true} : memref<1024x80xf32, #tpu.memory_space<vmem>>[vector<16xi32>, vector<16xi32>], vector<16xf32>,
        %add3A_1183 = arith.constant 48 : i32
        %add3A_1184 = arith.addi %multiple_of3A_1158, %add3A_1183 : i32
        %get3A_1185 = arith.index_cast %add3A_1184 : i32 to index
        %get3A_1186 = tpu.vector_load %arg7[%get3A_1185] {strides = array<i32>} : memref<32768xf32, #tpu.memory_space<vmem>>, vector<16xf32>,
        %add3A_1187 = arith.constant 48 : i32
        %add3A_1188 = vector.broadcast %add3A_1187 : i32 to vector<16xi32>
        %add3A_1189 = arith.addi %iota3A, %add3A_1188 : vector<16xi32>
        %mul3A_1190 = arith.mulf %get3A_1186, %gather3A_1150 : vector<16xf32>
        tpu.vector_store_idx %arg12[%gather3A_1155, %add3A_1189], %mul3A_1190 {add = true} : memref<1024x80xf32, #tpu.memory_space<vmem>>[vector<16xi32>, vector<16xi32>], vector<16xf32>,
        %add3A_1191 = arith.constant 64 : i32
        %add3A_1192 = vector.broadcast %add3A_1191 : i32 to vector<16xi32>
        %add3A_1193 = arith.addi %iota3A, %add3A_1192 : vector<16xi32>
        %mul3A_1194 = arith.mulf %gather3A_1150, %convert_element_type3A_5 : vector<16xf32>
        tpu.vector_store_idx %arg12[%gather3A_1155, %add3A_1193], %mul3A_1194 {add = true} : memref<1024x80xf32, #tpu.memory_space<vmem>>[vector<16xi32>, vector<16xi32>], vector<16xf32>,
        %add3A_1195 = arith.constant 9 : i32
        %add3A_1196 = arith.addi %multiple_of3A_702, %add3A_1195 : i32
        %broadcast_in_dim3A_1197 = arith.constant 1 : i32
        %broadcast_in_dim3A_1198 = vector.broadcast %broadcast_in_dim3A_1197 : i32 to vector<16xi32>
        %mul3A_1199 = vector.broadcast %add3A_1196 : i32 to vector<16xi32>
        %mul3A_1200 = arith.muli %broadcast_in_dim3A_1198, %mul3A_1199 : vector<16xi32>
        %gather3A_1201 = tpu.vector_load_idx %arg10[%mul3A_1200] : memref<512xf32, #tpu.memory_space<vmem>>[vector<16xi32>], vector<16xf32>,
        %broadcast_in_dim3A_1202 = arith.constant 1 : i32
        %broadcast_in_dim3A_1203 = vector.broadcast %broadcast_in_dim3A_1202 : i32 to vector<16xi32>
        %mul3A_1204 = vector.broadcast %add3A_1196 : i32 to vector<16xi32>
        %mul3A_1205 = arith.muli %broadcast_in_dim3A_1203, %mul3A_1204 : vector<16xi32>
        %gather3A_1206 = tpu.vector_load_idx %arg9[%mul3A_1205] : memref<512xi32, #tpu.memory_space<vmem>>[vector<16xi32>], vector<16xi32>,
        %mul3A_1207 = arith.constant 64 : i32
        %mul3A_1208 = arith.muli %add3A_1196, %mul3A_1207 : i32
        %multiple_of3A_1209 = tpu.assume_multiple %mul3A_1208, 64 : i32
        %add3A_1210 = arith.constant 0 : i32
        %add3A_1211 = arith.addi %multiple_of3A_1209, %add3A_1210 : i32
        %get3A_1212 = arith.index_cast %add3A_1211 : i32 to index
        %get3A_1213 = tpu.vector_load %arg7[%get3A_1212] {strides = array<i32>} : memref<32768xf32, #tpu.memory_space<vmem>>, vector<16xf32>,
        %add3A_1214 = arith.constant 0 : i32
        %add3A_1215 = vector.broadcast %add3A_1214 : i32 to vector<16xi32>
        %add3A_1216 = arith.addi %iota3A, %add3A_1215 : vector<16xi32>
        %mul3A_1217 = arith.mulf %get3A_1213, %gather3A_1201 : vector<16xf32>
        tpu.vector_store_idx %arg12[%gather3A_1206, %add3A_1216], %mul3A_1217 {add = true} : memref<1024x80xf32, #tpu.memory_space<vmem>>[vector<16xi32>, vector<16xi32>], vector<16xf32>,
        %add3A_1218 = arith.constant 16 : i32
        %add3A_1219 = arith.addi %multiple_of3A_1209, %add3A_1218 : i32
        %get3A_1220 = arith.index_cast %add3A_1219 : i32 to index
        %get3A_1221 = tpu.vector_load %arg7[%get3A_1220] {strides = array<i32>} : memref<32768xf32, #tpu.memory_space<vmem>>, vector<16xf32>,
        %add3A_1222 = arith.constant 16 : i32
        %add3A_1223 = vector.broadcast %add3A_1222 : i32 to vector<16xi32>
        %add3A_1224 = arith.addi %iota3A, %add3A_1223 : vector<16xi32>
        %mul3A_1225 = arith.mulf %get3A_1221, %gather3A_1201 : vector<16xf32>
        tpu.vector_store_idx %arg12[%gather3A_1206, %add3A_1224], %mul3A_1225 {add = true} : memref<1024x80xf32, #tpu.memory_space<vmem>>[vector<16xi32>, vector<16xi32>], vector<16xf32>,
        %add3A_1226 = arith.constant 32 : i32
        %add3A_1227 = arith.addi %multiple_of3A_1209, %add3A_1226 : i32
        %get3A_1228 = arith.index_cast %add3A_1227 : i32 to index
        %get3A_1229 = tpu.vector_load %arg7[%get3A_1228] {strides = array<i32>} : memref<32768xf32, #tpu.memory_space<vmem>>, vector<16xf32>,
        %add3A_1230 = arith.constant 32 : i32
        %add3A_1231 = vector.broadcast %add3A_1230 : i32 to vector<16xi32>
        %add3A_1232 = arith.addi %iota3A, %add3A_1231 : vector<16xi32>
        %mul3A_1233 = arith.mulf %get3A_1229, %gather3A_1201 : vector<16xf32>
        tpu.vector_store_idx %arg12[%gather3A_1206, %add3A_1232], %mul3A_1233 {add = true} : memref<1024x80xf32, #tpu.memory_space<vmem>>[vector<16xi32>, vector<16xi32>], vector<16xf32>,
        %add3A_1234 = arith.constant 48 : i32
        %add3A_1235 = arith.addi %multiple_of3A_1209, %add3A_1234 : i32
        %get3A_1236 = arith.index_cast %add3A_1235 : i32 to index
        %get3A_1237 = tpu.vector_load %arg7[%get3A_1236] {strides = array<i32>} : memref<32768xf32, #tpu.memory_space<vmem>>, vector<16xf32>,
        %add3A_1238 = arith.constant 48 : i32
        %add3A_1239 = vector.broadcast %add3A_1238 : i32 to vector<16xi32>
        %add3A_1240 = arith.addi %iota3A, %add3A_1239 : vector<16xi32>
        %mul3A_1241 = arith.mulf %get3A_1237, %gather3A_1201 : vector<16xf32>
        tpu.vector_store_idx %arg12[%gather3A_1206, %add3A_1240], %mul3A_1241 {add = true} : memref<1024x80xf32, #tpu.memory_space<vmem>>[vector<16xi32>, vector<16xi32>], vector<16xf32>,
        %add3A_1242 = arith.constant 64 : i32
        %add3A_1243 = vector.broadcast %add3A_1242 : i32 to vector<16xi32>
        %add3A_1244 = arith.addi %iota3A, %add3A_1243 : vector<16xi32>
        %mul3A_1245 = arith.mulf %gather3A_1201, %convert_element_type3A_5 : vector<16xf32>
        tpu.vector_store_idx %arg12[%gather3A_1206, %add3A_1244], %mul3A_1245 {add = true} : memref<1024x80xf32, #tpu.memory_space<vmem>>[vector<16xi32>, vector<16xi32>], vector<16xf32>,
        %add3A_1246 = arith.constant 10 : i32
        %add3A_1247 = arith.addi %multiple_of3A_702, %add3A_1246 : i32
        %broadcast_in_dim3A_1248 = arith.constant 1 : i32
        %broadcast_in_dim3A_1249 = vector.broadcast %broadcast_in_dim3A_1248 : i32 to vector<16xi32>
        %mul3A_1250 = vector.broadcast %add3A_1247 : i32 to vector<16xi32>
        %mul3A_1251 = arith.muli %broadcast_in_dim3A_1249, %mul3A_1250 : vector<16xi32>
        %gather3A_1252 = tpu.vector_load_idx %arg10[%mul3A_1251] : memref<512xf32, #tpu.memory_space<vmem>>[vector<16xi32>], vector<16xf32>,
        %broadcast_in_dim3A_1253 = arith.constant 1 : i32
        %broadcast_in_dim3A_1254 = vector.broadcast %broadcast_in_dim3A_1253 : i32 to vector<16xi32>
        %mul3A_1255 = vector.broadcast %add3A_1247 : i32 to vector<16xi32>
        %mul3A_1256 = arith.muli %broadcast_in_dim3A_1254, %mul3A_1255 : vector<16xi32>
        %gather3A_1257 = tpu.vector_load_idx %arg9[%mul3A_1256] : memref<512xi32, #tpu.memory_space<vmem>>[vector<16xi32>], vector<16xi32>,
        %mul3A_1258 = arith.constant 64 : i32
        %mul3A_1259 = arith.muli %add3A_1247, %mul3A_1258 : i32
        %multiple_of3A_1260 = tpu.assume_multiple %mul3A_1259, 64 : i32
        %add3A_1261 = arith.constant 0 : i32
        %add3A_1262 = arith.addi %multiple_of3A_1260, %add3A_1261 : i32
        %get3A_1263 = arith.index_cast %add3A_1262 : i32 to index
        %get3A_1264 = tpu.vector_load %arg7[%get3A_1263] {strides = array<i32>} : memref<32768xf32, #tpu.memory_space<vmem>>, vector<16xf32>,
        %add3A_1265 = arith.constant 0 : i32
        %add3A_1266 = vector.broadcast %add3A_1265 : i32 to vector<16xi32>
        %add3A_1267 = arith.addi %iota3A, %add3A_1266 : vector<16xi32>
        %mul3A_1268 = arith.mulf %get3A_1264, %gather3A_1252 : vector<16xf32>
        tpu.vector_store_idx %arg12[%gather3A_1257, %add3A_1267], %mul3A_1268 {add = true} : memref<1024x80xf32, #tpu.memory_space<vmem>>[vector<16xi32>, vector<16xi32>], vector<16xf32>,
        %add3A_1269 = arith.constant 16 : i32
        %add3A_1270 = arith.addi %multiple_of3A_1260, %add3A_1269 : i32
        %get3A_1271 = arith.index_cast %add3A_1270 : i32 to index
        %get3A_1272 = tpu.vector_load %arg7[%get3A_1271] {strides = array<i32>} : memref<32768xf32, #tpu.memory_space<vmem>>, vector<16xf32>,
        %add3A_1273 = arith.constant 16 : i32
        %add3A_1274 = vector.broadcast %add3A_1273 : i32 to vector<16xi32>
        %add3A_1275 = arith.addi %iota3A, %add3A_1274 : vector<16xi32>
        %mul3A_1276 = arith.mulf %get3A_1272, %gather3A_1252 : vector<16xf32>
        tpu.vector_store_idx %arg12[%gather3A_1257, %add3A_1275], %mul3A_1276 {add = true} : memref<1024x80xf32, #tpu.memory_space<vmem>>[vector<16xi32>, vector<16xi32>], vector<16xf32>,
        %add3A_1277 = arith.constant 32 : i32
        %add3A_1278 = arith.addi %multiple_of3A_1260, %add3A_1277 : i32
        %get3A_1279 = arith.index_cast %add3A_1278 : i32 to index
        %get3A_1280 = tpu.vector_load %arg7[%get3A_1279] {strides = array<i32>} : memref<32768xf32, #tpu.memory_space<vmem>>, vector<16xf32>,
        %add3A_1281 = arith.constant 32 : i32
        %add3A_1282 = vector.broadcast %add3A_1281 : i32 to vector<16xi32>
        %add3A_1283 = arith.addi %iota3A, %add3A_1282 : vector<16xi32>
        %mul3A_1284 = arith.mulf %get3A_1280, %gather3A_1252 : vector<16xf32>
        tpu.vector_store_idx %arg12[%gather3A_1257, %add3A_1283], %mul3A_1284 {add = true} : memref<1024x80xf32, #tpu.memory_space<vmem>>[vector<16xi32>, vector<16xi32>], vector<16xf32>,
        %add3A_1285 = arith.constant 48 : i32
        %add3A_1286 = arith.addi %multiple_of3A_1260, %add3A_1285 : i32
        %get3A_1287 = arith.index_cast %add3A_1286 : i32 to index
        %get3A_1288 = tpu.vector_load %arg7[%get3A_1287] {strides = array<i32>} : memref<32768xf32, #tpu.memory_space<vmem>>, vector<16xf32>,
        %add3A_1289 = arith.constant 48 : i32
        %add3A_1290 = vector.broadcast %add3A_1289 : i32 to vector<16xi32>
        %add3A_1291 = arith.addi %iota3A, %add3A_1290 : vector<16xi32>
        %mul3A_1292 = arith.mulf %get3A_1288, %gather3A_1252 : vector<16xf32>
        tpu.vector_store_idx %arg12[%gather3A_1257, %add3A_1291], %mul3A_1292 {add = true} : memref<1024x80xf32, #tpu.memory_space<vmem>>[vector<16xi32>, vector<16xi32>], vector<16xf32>,
        %add3A_1293 = arith.constant 64 : i32
        %add3A_1294 = vector.broadcast %add3A_1293 : i32 to vector<16xi32>
        %add3A_1295 = arith.addi %iota3A, %add3A_1294 : vector<16xi32>
        %mul3A_1296 = arith.mulf %gather3A_1252, %convert_element_type3A_5 : vector<16xf32>
        tpu.vector_store_idx %arg12[%gather3A_1257, %add3A_1295], %mul3A_1296 {add = true} : memref<1024x80xf32, #tpu.memory_space<vmem>>[vector<16xi32>, vector<16xi32>], vector<16xf32>,
        %add3A_1297 = arith.constant 11 : i32
        %add3A_1298 = arith.addi %multiple_of3A_702, %add3A_1297 : i32
        %broadcast_in_dim3A_1299 = arith.constant 1 : i32
        %broadcast_in_dim3A_1300 = vector.broadcast %broadcast_in_dim3A_1299 : i32 to vector<16xi32>
        %mul3A_1301 = vector.broadcast %add3A_1298 : i32 to vector<16xi32>
        %mul3A_1302 = arith.muli %broadcast_in_dim3A_1300, %mul3A_1301 : vector<16xi32>
        %gather3A_1303 = tpu.vector_load_idx %arg10[%mul3A_1302] : memref<512xf32, #tpu.memory_space<vmem>>[vector<16xi32>], vector<16xf32>,
        %broadcast_in_dim3A_1304 = arith.constant 1 : i32
        %broadcast_in_dim3A_1305 = vector.broadcast %broadcast_in_dim3A_1304 : i32 to vector<16xi32>
        %mul3A_1306 = vector.broadcast %add3A_1298 : i32 to vector<16xi32>
        %mul3A_1307 = arith.muli %broadcast_in_dim3A_1305, %mul3A_1306 : vector<16xi32>
        %gather3A_1308 = tpu.vector_load_idx %arg9[%mul3A_1307] : memref<512xi32, #tpu.memory_space<vmem>>[vector<16xi32>], vector<16xi32>,
        %mul3A_1309 = arith.constant 64 : i32
        %mul3A_1310 = arith.muli %add3A_1298, %mul3A_1309 : i32
        %multiple_of3A_1311 = tpu.assume_multiple %mul3A_1310, 64 : i32
        %add3A_1312 = arith.constant 0 : i32
        %add3A_1313 = arith.addi %multiple_of3A_1311, %add3A_1312 : i32
        %get3A_1314 = arith.index_cast %add3A_1313 : i32 to index
        %get3A_1315 = tpu.vector_load %arg7[%get3A_1314] {strides = array<i32>} : memref<32768xf32, #tpu.memory_space<vmem>>, vector<16xf32>,
        %add3A_1316 = arith.constant 0 : i32
        %add3A_1317 = vector.broadcast %add3A_1316 : i32 to vector<16xi32>
        %add3A_1318 = arith.addi %iota3A, %add3A_1317 : vector<16xi32>
        %mul3A_1319 = arith.mulf %get3A_1315, %gather3A_1303 : vector<16xf32>
        tpu.vector_store_idx %arg12[%gather3A_1308, %add3A_1318], %mul3A_1319 {add = true} : memref<1024x80xf32, #tpu.memory_space<vmem>>[vector<16xi32>, vector<16xi32>], vector<16xf32>,
        %add3A_1320 = arith.constant 16 : i32
        %add3A_1321 = arith.addi %multiple_of3A_1311, %add3A_1320 : i32
        %get3A_1322 = arith.index_cast %add3A_1321 : i32 to index
        %get3A_1323 = tpu.vector_load %arg7[%get3A_1322] {strides = array<i32>} : memref<32768xf32, #tpu.memory_space<vmem>>, vector<16xf32>,
        %add3A_1324 = arith.constant 16 : i32
        %add3A_1325 = vector.broadcast %add3A_1324 : i32 to vector<16xi32>
        %add3A_1326 = arith.addi %iota3A, %add3A_1325 : vector<16xi32>
        %mul3A_1327 = arith.mulf %get3A_1323, %gather3A_1303 : vector<16xf32>
        tpu.vector_store_idx %arg12[%gather3A_1308, %add3A_1326], %mul3A_1327 {add = true} : memref<1024x80xf32, #tpu.memory_space<vmem>>[vector<16xi32>, vector<16xi32>], vector<16xf32>,
        %add3A_1328 = arith.constant 32 : i32
        %add3A_1329 = arith.addi %multiple_of3A_1311, %add3A_1328 : i32
        %get3A_1330 = arith.index_cast %add3A_1329 : i32 to index
        %get3A_1331 = tpu.vector_load %arg7[%get3A_1330] {strides = array<i32>} : memref<32768xf32, #tpu.memory_space<vmem>>, vector<16xf32>,
        %add3A_1332 = arith.constant 32 : i32
        %add3A_1333 = vector.broadcast %add3A_1332 : i32 to vector<16xi32>
        %add3A_1334 = arith.addi %iota3A, %add3A_1333 : vector<16xi32>
        %mul3A_1335 = arith.mulf %get3A_1331, %gather3A_1303 : vector<16xf32>
        tpu.vector_store_idx %arg12[%gather3A_1308, %add3A_1334], %mul3A_1335 {add = true} : memref<1024x80xf32, #tpu.memory_space<vmem>>[vector<16xi32>, vector<16xi32>], vector<16xf32>,
        %add3A_1336 = arith.constant 48 : i32
        %add3A_1337 = arith.addi %multiple_of3A_1311, %add3A_1336 : i32
        %get3A_1338 = arith.index_cast %add3A_1337 : i32 to index
        %get3A_1339 = tpu.vector_load %arg7[%get3A_1338] {strides = array<i32>} : memref<32768xf32, #tpu.memory_space<vmem>>, vector<16xf32>,
        %add3A_1340 = arith.constant 48 : i32
        %add3A_1341 = vector.broadcast %add3A_1340 : i32 to vector<16xi32>
        %add3A_1342 = arith.addi %iota3A, %add3A_1341 : vector<16xi32>
        %mul3A_1343 = arith.mulf %get3A_1339, %gather3A_1303 : vector<16xf32>
        tpu.vector_store_idx %arg12[%gather3A_1308, %add3A_1342], %mul3A_1343 {add = true} : memref<1024x80xf32, #tpu.memory_space<vmem>>[vector<16xi32>, vector<16xi32>], vector<16xf32>,
        %add3A_1344 = arith.constant 64 : i32
        %add3A_1345 = vector.broadcast %add3A_1344 : i32 to vector<16xi32>
        %add3A_1346 = arith.addi %iota3A, %add3A_1345 : vector<16xi32>
        %mul3A_1347 = arith.mulf %gather3A_1303, %convert_element_type3A_5 : vector<16xf32>
        tpu.vector_store_idx %arg12[%gather3A_1308, %add3A_1346], %mul3A_1347 {add = true} : memref<1024x80xf32, #tpu.memory_space<vmem>>[vector<16xi32>, vector<16xi32>], vector<16xf32>,
        %add3A_1348 = arith.constant 12 : i32
        %add3A_1349 = arith.addi %multiple_of3A_702, %add3A_1348 : i32
        %broadcast_in_dim3A_1350 = arith.constant 1 : i32
        %broadcast_in_dim3A_1351 = vector.broadcast %broadcast_in_dim3A_1350 : i32 to vector<16xi32>
        %mul3A_1352 = vector.broadcast %add3A_1349 : i32 to vector<16xi32>
        %mul3A_1353 = arith.muli %broadcast_in_dim3A_1351, %mul3A_1352 : vector<16xi32>
        %gather3A_1354 = tpu.vector_load_idx %arg10[%mul3A_1353] : memref<512xf32, #tpu.memory_space<vmem>>[vector<16xi32>], vector<16xf32>,
        %broadcast_in_dim3A_1355 = arith.constant 1 : i32
        %broadcast_in_dim3A_1356 = vector.broadcast %broadcast_in_dim3A_1355 : i32 to vector<16xi32>
        %mul3A_1357 = vector.broadcast %add3A_1349 : i32 to vector<16xi32>
        %mul3A_1358 = arith.muli %broadcast_in_dim3A_1356, %mul3A_1357 : vector<16xi32>
        %gather3A_1359 = tpu.vector_load_idx %arg9[%mul3A_1358] : memref<512xi32, #tpu.memory_space<vmem>>[vector<16xi32>], vector<16xi32>,
        %mul3A_1360 = arith.constant 64 : i32
        %mul3A_1361 = arith.muli %add3A_1349, %mul3A_1360 : i32
        %multiple_of3A_1362 = tpu.assume_multiple %mul3A_1361, 64 : i32
        %add3A_1363 = arith.constant 0 : i32
        %add3A_1364 = arith.addi %multiple_of3A_1362, %add3A_1363 : i32
        %get3A_1365 = arith.index_cast %add3A_1364 : i32 to index
        %get3A_1366 = tpu.vector_load %arg7[%get3A_1365] {strides = array<i32>} : memref<32768xf32, #tpu.memory_space<vmem>>, vector<16xf32>,
        %add3A_1367 = arith.constant 0 : i32
        %add3A_1368 = vector.broadcast %add3A_1367 : i32 to vector<16xi32>
        %add3A_1369 = arith.addi %iota3A, %add3A_1368 : vector<16xi32>
        %mul3A_1370 = arith.mulf %get3A_1366, %gather3A_1354 : vector<16xf32>
        tpu.vector_store_idx %arg12[%gather3A_1359, %add3A_1369], %mul3A_1370 {add = true} : memref<1024x80xf32, #tpu.memory_space<vmem>>[vector<16xi32>, vector<16xi32>], vector<16xf32>,
        %add3A_1371 = arith.constant 16 : i32
        %add3A_1372 = arith.addi %multiple_of3A_1362, %add3A_1371 : i32
        %get3A_1373 = arith.index_cast %add3A_1372 : i32 to index
        %get3A_1374 = tpu.vector_load %arg7[%get3A_1373] {strides = array<i32>} : memref<32768xf32, #tpu.memory_space<vmem>>, vector<16xf32>,
        %add3A_1375 = arith.constant 16 : i32
        %add3A_1376 = vector.broadcast %add3A_1375 : i32 to vector<16xi32>
        %add3A_1377 = arith.addi %iota3A, %add3A_1376 : vector<16xi32>
        %mul3A_1378 = arith.mulf %get3A_1374, %gather3A_1354 : vector<16xf32>
        tpu.vector_store_idx %arg12[%gather3A_1359, %add3A_1377], %mul3A_1378 {add = true} : memref<1024x80xf32, #tpu.memory_space<vmem>>[vector<16xi32>, vector<16xi32>], vector<16xf32>,
        %add3A_1379 = arith.constant 32 : i32
        %add3A_1380 = arith.addi %multiple_of3A_1362, %add3A_1379 : i32
        %get3A_1381 = arith.index_cast %add3A_1380 : i32 to index
        %get3A_1382 = tpu.vector_load %arg7[%get3A_1381] {strides = array<i32>} : memref<32768xf32, #tpu.memory_space<vmem>>, vector<16xf32>,
        %add3A_1383 = arith.constant 32 : i32
        %add3A_1384 = vector.broadcast %add3A_1383 : i32 to vector<16xi32>
        %add3A_1385 = arith.addi %iota3A, %add3A_1384 : vector<16xi32>
        %mul3A_1386 = arith.mulf %get3A_1382, %gather3A_1354 : vector<16xf32>
        tpu.vector_store_idx %arg12[%gather3A_1359, %add3A_1385], %mul3A_1386 {add = true} : memref<1024x80xf32, #tpu.memory_space<vmem>>[vector<16xi32>, vector<16xi32>], vector<16xf32>,
        %add3A_1387 = arith.constant 48 : i32
        %add3A_1388 = arith.addi %multiple_of3A_1362, %add3A_1387 : i32
        %get3A_1389 = arith.index_cast %add3A_1388 : i32 to index
        %get3A_1390 = tpu.vector_load %arg7[%get3A_1389] {strides = array<i32>} : memref<32768xf32, #tpu.memory_space<vmem>>, vector<16xf32>,
        %add3A_1391 = arith.constant 48 : i32
        %add3A_1392 = vector.broadcast %add3A_1391 : i32 to vector<16xi32>
        %add3A_1393 = arith.addi %iota3A, %add3A_1392 : vector<16xi32>
        %mul3A_1394 = arith.mulf %get3A_1390, %gather3A_1354 : vector<16xf32>
        tpu.vector_store_idx %arg12[%gather3A_1359, %add3A_1393], %mul3A_1394 {add = true} : memref<1024x80xf32, #tpu.memory_space<vmem>>[vector<16xi32>, vector<16xi32>], vector<16xf32>,
        %add3A_1395 = arith.constant 64 : i32
        %add3A_1396 = vector.broadcast %add3A_1395 : i32 to vector<16xi32>
        %add3A_1397 = arith.addi %iota3A, %add3A_1396 : vector<16xi32>
        %mul3A_1398 = arith.mulf %gather3A_1354, %convert_element_type3A_5 : vector<16xf32>
        tpu.vector_store_idx %arg12[%gather3A_1359, %add3A_1397], %mul3A_1398 {add = true} : memref<1024x80xf32, #tpu.memory_space<vmem>>[vector<16xi32>, vector<16xi32>], vector<16xf32>,
        %add3A_1399 = arith.constant 13 : i32
        %add3A_1400 = arith.addi %multiple_of3A_702, %add3A_1399 : i32
        %broadcast_in_dim3A_1401 = arith.constant 1 : i32
        %broadcast_in_dim3A_1402 = vector.broadcast %broadcast_in_dim3A_1401 : i32 to vector<16xi32>
        %mul3A_1403 = vector.broadcast %add3A_1400 : i32 to vector<16xi32>
        %mul3A_1404 = arith.muli %broadcast_in_dim3A_1402, %mul3A_1403 : vector<16xi32>
        %gather3A_1405 = tpu.vector_load_idx %arg10[%mul3A_1404] : memref<512xf32, #tpu.memory_space<vmem>>[vector<16xi32>], vector<16xf32>,
        %broadcast_in_dim3A_1406 = arith.constant 1 : i32
        %broadcast_in_dim3A_1407 = vector.broadcast %broadcast_in_dim3A_1406 : i32 to vector<16xi32>
        %mul3A_1408 = vector.broadcast %add3A_1400 : i32 to vector<16xi32>
        %mul3A_1409 = arith.muli %broadcast_in_dim3A_1407, %mul3A_1408 : vector<16xi32>
        %gather3A_1410 = tpu.vector_load_idx %arg9[%mul3A_1409] : memref<512xi32, #tpu.memory_space<vmem>>[vector<16xi32>], vector<16xi32>,
        %mul3A_1411 = arith.constant 64 : i32
        %mul3A_1412 = arith.muli %add3A_1400, %mul3A_1411 : i32
        %multiple_of3A_1413 = tpu.assume_multiple %mul3A_1412, 64 : i32
        %add3A_1414 = arith.constant 0 : i32
        %add3A_1415 = arith.addi %multiple_of3A_1413, %add3A_1414 : i32
        %get3A_1416 = arith.index_cast %add3A_1415 : i32 to index
        %get3A_1417 = tpu.vector_load %arg7[%get3A_1416] {strides = array<i32>} : memref<32768xf32, #tpu.memory_space<vmem>>, vector<16xf32>,
        %add3A_1418 = arith.constant 0 : i32
        %add3A_1419 = vector.broadcast %add3A_1418 : i32 to vector<16xi32>
        %add3A_1420 = arith.addi %iota3A, %add3A_1419 : vector<16xi32>
        %mul3A_1421 = arith.mulf %get3A_1417, %gather3A_1405 : vector<16xf32>
        tpu.vector_store_idx %arg12[%gather3A_1410, %add3A_1420], %mul3A_1421 {add = true} : memref<1024x80xf32, #tpu.memory_space<vmem>>[vector<16xi32>, vector<16xi32>], vector<16xf32>,
        %add3A_1422 = arith.constant 16 : i32
        %add3A_1423 = arith.addi %multiple_of3A_1413, %add3A_1422 : i32
        %get3A_1424 = arith.index_cast %add3A_1423 : i32 to index
        %get3A_1425 = tpu.vector_load %arg7[%get3A_1424] {strides = array<i32>} : memref<32768xf32, #tpu.memory_space<vmem>>, vector<16xf32>,
        %add3A_1426 = arith.constant 16 : i32
        %add3A_1427 = vector.broadcast %add3A_1426 : i32 to vector<16xi32>
        %add3A_1428 = arith.addi %iota3A, %add3A_1427 : vector<16xi32>
        %mul3A_1429 = arith.mulf %get3A_1425, %gather3A_1405 : vector<16xf32>
        tpu.vector_store_idx %arg12[%gather3A_1410, %add3A_1428], %mul3A_1429 {add = true} : memref<1024x80xf32, #tpu.memory_space<vmem>>[vector<16xi32>, vector<16xi32>], vector<16xf32>,
        %add3A_1430 = arith.constant 32 : i32
        %add3A_1431 = arith.addi %multiple_of3A_1413, %add3A_1430 : i32
        %get3A_1432 = arith.index_cast %add3A_1431 : i32 to index
        %get3A_1433 = tpu.vector_load %arg7[%get3A_1432] {strides = array<i32>} : memref<32768xf32, #tpu.memory_space<vmem>>, vector<16xf32>,
        %add3A_1434 = arith.constant 32 : i32
        %add3A_1435 = vector.broadcast %add3A_1434 : i32 to vector<16xi32>
        %add3A_1436 = arith.addi %iota3A, %add3A_1435 : vector<16xi32>
        %mul3A_1437 = arith.mulf %get3A_1433, %gather3A_1405 : vector<16xf32>
        tpu.vector_store_idx %arg12[%gather3A_1410, %add3A_1436], %mul3A_1437 {add = true} : memref<1024x80xf32, #tpu.memory_space<vmem>>[vector<16xi32>, vector<16xi32>], vector<16xf32>,
        %add3A_1438 = arith.constant 48 : i32
        %add3A_1439 = arith.addi %multiple_of3A_1413, %add3A_1438 : i32
        %get3A_1440 = arith.index_cast %add3A_1439 : i32 to index
        %get3A_1441 = tpu.vector_load %arg7[%get3A_1440] {strides = array<i32>} : memref<32768xf32, #tpu.memory_space<vmem>>, vector<16xf32>,
        %add3A_1442 = arith.constant 48 : i32
        %add3A_1443 = vector.broadcast %add3A_1442 : i32 to vector<16xi32>
        %add3A_1444 = arith.addi %iota3A, %add3A_1443 : vector<16xi32>
        %mul3A_1445 = arith.mulf %get3A_1441, %gather3A_1405 : vector<16xf32>
        tpu.vector_store_idx %arg12[%gather3A_1410, %add3A_1444], %mul3A_1445 {add = true} : memref<1024x80xf32, #tpu.memory_space<vmem>>[vector<16xi32>, vector<16xi32>], vector<16xf32>,
        %add3A_1446 = arith.constant 64 : i32
        %add3A_1447 = vector.broadcast %add3A_1446 : i32 to vector<16xi32>
        %add3A_1448 = arith.addi %iota3A, %add3A_1447 : vector<16xi32>
        %mul3A_1449 = arith.mulf %gather3A_1405, %convert_element_type3A_5 : vector<16xf32>
        tpu.vector_store_idx %arg12[%gather3A_1410, %add3A_1448], %mul3A_1449 {add = true} : memref<1024x80xf32, #tpu.memory_space<vmem>>[vector<16xi32>, vector<16xi32>], vector<16xf32>,
        %add3A_1450 = arith.constant 14 : i32
        %add3A_1451 = arith.addi %multiple_of3A_702, %add3A_1450 : i32
        %broadcast_in_dim3A_1452 = arith.constant 1 : i32
        %broadcast_in_dim3A_1453 = vector.broadcast %broadcast_in_dim3A_1452 : i32 to vector<16xi32>
        %mul3A_1454 = vector.broadcast %add3A_1451 : i32 to vector<16xi32>
        %mul3A_1455 = arith.muli %broadcast_in_dim3A_1453, %mul3A_1454 : vector<16xi32>
        %gather3A_1456 = tpu.vector_load_idx %arg10[%mul3A_1455] : memref<512xf32, #tpu.memory_space<vmem>>[vector<16xi32>], vector<16xf32>,
        %broadcast_in_dim3A_1457 = arith.constant 1 : i32
        %broadcast_in_dim3A_1458 = vector.broadcast %broadcast_in_dim3A_1457 : i32 to vector<16xi32>
        %mul3A_1459 = vector.broadcast %add3A_1451 : i32 to vector<16xi32>
        %mul3A_1460 = arith.muli %broadcast_in_dim3A_1458, %mul3A_1459 : vector<16xi32>
        %gather3A_1461 = tpu.vector_load_idx %arg9[%mul3A_1460] : memref<512xi32, #tpu.memory_space<vmem>>[vector<16xi32>], vector<16xi32>,
        %mul3A_1462 = arith.constant 64 : i32
        %mul3A_1463 = arith.muli %add3A_1451, %mul3A_1462 : i32
        %multiple_of3A_1464 = tpu.assume_multiple %mul3A_1463, 64 : i32
        %add3A_1465 = arith.constant 0 : i32
        %add3A_1466 = arith.addi %multiple_of3A_1464, %add3A_1465 : i32
        %get3A_1467 = arith.index_cast %add3A_1466 : i32 to index
        %get3A_1468 = tpu.vector_load %arg7[%get3A_1467] {strides = array<i32>} : memref<32768xf32, #tpu.memory_space<vmem>>, vector<16xf32>,
        %add3A_1469 = arith.constant 0 : i32
        %add3A_1470 = vector.broadcast %add3A_1469 : i32 to vector<16xi32>
        %add3A_1471 = arith.addi %iota3A, %add3A_1470 : vector<16xi32>
        %mul3A_1472 = arith.mulf %get3A_1468, %gather3A_1456 : vector<16xf32>
        tpu.vector_store_idx %arg12[%gather3A_1461, %add3A_1471], %mul3A_1472 {add = true} : memref<1024x80xf32, #tpu.memory_space<vmem>>[vector<16xi32>, vector<16xi32>], vector<16xf32>,
        %add3A_1473 = arith.constant 16 : i32
        %add3A_1474 = arith.addi %multiple_of3A_1464, %add3A_1473 : i32
        %get3A_1475 = arith.index_cast %add3A_1474 : i32 to index
        %get3A_1476 = tpu.vector_load %arg7[%get3A_1475] {strides = array<i32>} : memref<32768xf32, #tpu.memory_space<vmem>>, vector<16xf32>,
        %add3A_1477 = arith.constant 16 : i32
        %add3A_1478 = vector.broadcast %add3A_1477 : i32 to vector<16xi32>
        %add3A_1479 = arith.addi %iota3A, %add3A_1478 : vector<16xi32>
        %mul3A_1480 = arith.mulf %get3A_1476, %gather3A_1456 : vector<16xf32>
        tpu.vector_store_idx %arg12[%gather3A_1461, %add3A_1479], %mul3A_1480 {add = true} : memref<1024x80xf32, #tpu.memory_space<vmem>>[vector<16xi32>, vector<16xi32>], vector<16xf32>,
        %add3A_1481 = arith.constant 32 : i32
        %add3A_1482 = arith.addi %multiple_of3A_1464, %add3A_1481 : i32
        %get3A_1483 = arith.index_cast %add3A_1482 : i32 to index
        %get3A_1484 = tpu.vector_load %arg7[%get3A_1483] {strides = array<i32>} : memref<32768xf32, #tpu.memory_space<vmem>>, vector<16xf32>,
        %add3A_1485 = arith.constant 32 : i32
        %add3A_1486 = vector.broadcast %add3A_1485 : i32 to vector<16xi32>
        %add3A_1487 = arith.addi %iota3A, %add3A_1486 : vector<16xi32>
        %mul3A_1488 = arith.mulf %get3A_1484, %gather3A_1456 : vector<16xf32>
        tpu.vector_store_idx %arg12[%gather3A_1461, %add3A_1487], %mul3A_1488 {add = true} : memref<1024x80xf32, #tpu.memory_space<vmem>>[vector<16xi32>, vector<16xi32>], vector<16xf32>,
        %add3A_1489 = arith.constant 48 : i32
        %add3A_1490 = arith.addi %multiple_of3A_1464, %add3A_1489 : i32
        %get3A_1491 = arith.index_cast %add3A_1490 : i32 to index
        %get3A_1492 = tpu.vector_load %arg7[%get3A_1491] {strides = array<i32>} : memref<32768xf32, #tpu.memory_space<vmem>>, vector<16xf32>,
        %add3A_1493 = arith.constant 48 : i32
        %add3A_1494 = vector.broadcast %add3A_1493 : i32 to vector<16xi32>
        %add3A_1495 = arith.addi %iota3A, %add3A_1494 : vector<16xi32>
        %mul3A_1496 = arith.mulf %get3A_1492, %gather3A_1456 : vector<16xf32>
        tpu.vector_store_idx %arg12[%gather3A_1461, %add3A_1495], %mul3A_1496 {add = true} : memref<1024x80xf32, #tpu.memory_space<vmem>>[vector<16xi32>, vector<16xi32>], vector<16xf32>,
        %add3A_1497 = arith.constant 64 : i32
        %add3A_1498 = vector.broadcast %add3A_1497 : i32 to vector<16xi32>
        %add3A_1499 = arith.addi %iota3A, %add3A_1498 : vector<16xi32>
        %mul3A_1500 = arith.mulf %gather3A_1456, %convert_element_type3A_5 : vector<16xf32>
        tpu.vector_store_idx %arg12[%gather3A_1461, %add3A_1499], %mul3A_1500 {add = true} : memref<1024x80xf32, #tpu.memory_space<vmem>>[vector<16xi32>, vector<16xi32>], vector<16xf32>,
        %add3A_1501 = arith.constant 15 : i32
        %add3A_1502 = arith.addi %multiple_of3A_702, %add3A_1501 : i32
        %broadcast_in_dim3A_1503 = arith.constant 1 : i32
        %broadcast_in_dim3A_1504 = vector.broadcast %broadcast_in_dim3A_1503 : i32 to vector<16xi32>
        %mul3A_1505 = vector.broadcast %add3A_1502 : i32 to vector<16xi32>
        %mul3A_1506 = arith.muli %broadcast_in_dim3A_1504, %mul3A_1505 : vector<16xi32>
        %gather3A_1507 = tpu.vector_load_idx %arg10[%mul3A_1506] : memref<512xf32, #tpu.memory_space<vmem>>[vector<16xi32>], vector<16xf32>,
        %broadcast_in_dim3A_1508 = arith.constant 1 : i32
        %broadcast_in_dim3A_1509 = vector.broadcast %broadcast_in_dim3A_1508 : i32 to vector<16xi32>
        %mul3A_1510 = vector.broadcast %add3A_1502 : i32 to vector<16xi32>
        %mul3A_1511 = arith.muli %broadcast_in_dim3A_1509, %mul3A_1510 : vector<16xi32>
        %gather3A_1512 = tpu.vector_load_idx %arg9[%mul3A_1511] : memref<512xi32, #tpu.memory_space<vmem>>[vector<16xi32>], vector<16xi32>,
        %mul3A_1513 = arith.constant 64 : i32
        %mul3A_1514 = arith.muli %add3A_1502, %mul3A_1513 : i32
        %multiple_of3A_1515 = tpu.assume_multiple %mul3A_1514, 64 : i32
        %add3A_1516 = arith.constant 0 : i32
        %add3A_1517 = arith.addi %multiple_of3A_1515, %add3A_1516 : i32
        %get3A_1518 = arith.index_cast %add3A_1517 : i32 to index
        %get3A_1519 = tpu.vector_load %arg7[%get3A_1518] {strides = array<i32>} : memref<32768xf32, #tpu.memory_space<vmem>>, vector<16xf32>,
        %add3A_1520 = arith.constant 0 : i32
        %add3A_1521 = vector.broadcast %add3A_1520 : i32 to vector<16xi32>
        %add3A_1522 = arith.addi %iota3A, %add3A_1521 : vector<16xi32>
        %mul3A_1523 = arith.mulf %get3A_1519, %gather3A_1507 : vector<16xf32>
        tpu.vector_store_idx %arg12[%gather3A_1512, %add3A_1522], %mul3A_1523 {add = true} : memref<1024x80xf32, #tpu.memory_space<vmem>>[vector<16xi32>, vector<16xi32>], vector<16xf32>,
        %add3A_1524 = arith.constant 16 : i32
        %add3A_1525 = arith.addi %multiple_of3A_1515, %add3A_1524 : i32
        %get3A_1526 = arith.index_cast %add3A_1525 : i32 to index
        %get3A_1527 = tpu.vector_load %arg7[%get3A_1526] {strides = array<i32>} : memref<32768xf32, #tpu.memory_space<vmem>>, vector<16xf32>,
        %add3A_1528 = arith.constant 16 : i32
        %add3A_1529 = vector.broadcast %add3A_1528 : i32 to vector<16xi32>
        %add3A_1530 = arith.addi %iota3A, %add3A_1529 : vector<16xi32>
        %mul3A_1531 = arith.mulf %get3A_1527, %gather3A_1507 : vector<16xf32>
        tpu.vector_store_idx %arg12[%gather3A_1512, %add3A_1530], %mul3A_1531 {add = true} : memref<1024x80xf32, #tpu.memory_space<vmem>>[vector<16xi32>, vector<16xi32>], vector<16xf32>,
        %add3A_1532 = arith.constant 32 : i32
        %add3A_1533 = arith.addi %multiple_of3A_1515, %add3A_1532 : i32
        %get3A_1534 = arith.index_cast %add3A_1533 : i32 to index
        %get3A_1535 = tpu.vector_load %arg7[%get3A_1534] {strides = array<i32>} : memref<32768xf32, #tpu.memory_space<vmem>>, vector<16xf32>,
        %add3A_1536 = arith.constant 32 : i32
        %add3A_1537 = vector.broadcast %add3A_1536 : i32 to vector<16xi32>
        %add3A_1538 = arith.addi %iota3A, %add3A_1537 : vector<16xi32>
        %mul3A_1539 = arith.mulf %get3A_1535, %gather3A_1507 : vector<16xf32>
        tpu.vector_store_idx %arg12[%gather3A_1512, %add3A_1538], %mul3A_1539 {add = true} : memref<1024x80xf32, #tpu.memory_space<vmem>>[vector<16xi32>, vector<16xi32>], vector<16xf32>,
        %add3A_1540 = arith.constant 48 : i32
        %add3A_1541 = arith.addi %multiple_of3A_1515, %add3A_1540 : i32
        %get3A_1542 = arith.index_cast %add3A_1541 : i32 to index
        %get3A_1543 = tpu.vector_load %arg7[%get3A_1542] {strides = array<i32>} : memref<32768xf32, #tpu.memory_space<vmem>>, vector<16xf32>,
        %add3A_1544 = arith.constant 48 : i32
        %add3A_1545 = vector.broadcast %add3A_1544 : i32 to vector<16xi32>
        %add3A_1546 = arith.addi %iota3A, %add3A_1545 : vector<16xi32>
        %mul3A_1547 = arith.mulf %get3A_1543, %gather3A_1507 : vector<16xf32>
        tpu.vector_store_idx %arg12[%gather3A_1512, %add3A_1546], %mul3A_1547 {add = true} : memref<1024x80xf32, #tpu.memory_space<vmem>>[vector<16xi32>, vector<16xi32>], vector<16xf32>,
        %add3A_1548 = arith.constant 64 : i32
        %add3A_1549 = vector.broadcast %add3A_1548 : i32 to vector<16xi32>
        %add3A_1550 = arith.addi %iota3A, %add3A_1549 : vector<16xi32>
        %mul3A_1551 = arith.mulf %gather3A_1507, %convert_element_type3A_5 : vector<16xf32>
        tpu.vector_store_idx %arg12[%gather3A_1512, %add3A_1550], %mul3A_1551 {add = true} : memref<1024x80xf32, #tpu.memory_space<vmem>>[vector<16xi32>, vector<16xi32>], vector<16xf32>,
        %broadcast_in_dim3A_1552 = arith.constant 1 : i32
        %broadcast_in_dim3A_1553 = vector.broadcast %broadcast_in_dim3A_1552 : i32 to vector<16xi32>
        %add3A_1554 = arith.constant 15 : i32
        %add3A_1555 = arith.addi %multiple_of3A_702, %add3A_1554 : i32
        %mul3A_1556 = vector.broadcast %add3A_1555 : i32 to vector<16xi32>
        %mul3A_1557 = arith.muli %broadcast_in_dim3A_1553, %mul3A_1556 : vector<16xi32>
        %gather3A_1558 = tpu.vector_load_idx %arg9[%mul3A_1557] : memref<512xi32, #tpu.memory_space<vmem>>[vector<16xi32>], vector<16xi32>,
        scf.yield %broadcast_in_dim3A_6, %broadcast_in_dim3A_6, %broadcast_in_dim3A_6, %broadcast_in_dim3A_6, %broadcast_in_dim3A_6, %gather3A_1558 : vector<16xf32>, vector<16xf32>, vector<16xf32>, vector<16xf32>, vector<16xf32>, vector<16xi32>
      }
      scf.yield %cond3A_719#0, %cond3A_719#1, %cond3A_719#2, %cond3A_719#3, %cond3A_719#4, %cond3A_719#5 : vector<16xf32>, vector<16xf32>, vector<16xf32>, vector<16xf32>, vector<16xf32>, vector<16xi32>
    }
    %scan3A_277 = arith.constant 26 : i32
    %broadcast_in_dim3A_278 = arith.constant 1 : i32
    %broadcast_in_dim3A_279 = vector.broadcast %broadcast_in_dim3A_278 : i32 to vector<16xi32>
    %mul3A_280 = arith.constant 416 : i32
    %mul3A_281 = vector.broadcast %mul3A_280 : i32 to vector<16xi32>
    %mul3A_282 = arith.muli %broadcast_in_dim3A_279, %mul3A_281 : vector<16xi32>
    %gather3A = tpu.vector_load_idx %arg10[%mul3A_282] : memref<512xf32, #tpu.memory_space<vmem>>[vector<16xi32>], vector<16xf32>,
    %broadcast_in_dim3A_283 = arith.constant 1 : i32
    %broadcast_in_dim3A_284 = vector.broadcast %broadcast_in_dim3A_283 : i32 to vector<16xi32>
    %mul3A_285 = arith.constant 416 : i32
    %mul3A_286 = vector.broadcast %mul3A_285 : i32 to vector<16xi32>
    %mul3A_287 = arith.muli %broadcast_in_dim3A_284, %mul3A_286 : vector<16xi32>
    %gather3A_288 = tpu.vector_load_idx %arg9[%mul3A_287] : memref<512xi32, #tpu.memory_space<vmem>>[vector<16xi32>], vector<16xi32>,
    %multiple_of3A_289 = arith.constant 26624 : i32
    %multiple_of3A_290 = tpu.assume_multiple %multiple_of3A_289, 64 : i32
    %add3A_291 = arith.constant 0 : i32
    %add3A_292 = arith.addi %multiple_of3A_290, %add3A_291 : i32
    %get3A_293 = arith.index_cast %add3A_292 : i32 to index
    %get3A_294 = tpu.vector_load %arg7[%get3A_293] {strides = array<i32>} : memref<32768xf32, #tpu.memory_space<vmem>>, vector<16xf32>,
    %add3A_295 = arith.constant 0 : i32
    %add3A_296 = vector.broadcast %add3A_295 : i32 to vector<16xi32>
    %add3A_297 = arith.addi %iota3A, %add3A_296 : vector<16xi32>
    %mul3A_298 = arith.mulf %get3A_294, %gather3A : vector<16xf32>
    tpu.vector_store_idx %arg12[%gather3A_288, %add3A_297], %mul3A_298 {add = true} : memref<1024x80xf32, #tpu.memory_space<vmem>>[vector<16xi32>, vector<16xi32>], vector<16xf32>,
    %add3A_299 = arith.constant 16 : i32
    %add3A_300 = arith.addi %multiple_of3A_290, %add3A_299 : i32
    %get3A_301 = arith.index_cast %add3A_300 : i32 to index
    %get3A_302 = tpu.vector_load %arg7[%get3A_301] {strides = array<i32>} : memref<32768xf32, #tpu.memory_space<vmem>>, vector<16xf32>,
    %add3A_303 = arith.constant 16 : i32
    %add3A_304 = vector.broadcast %add3A_303 : i32 to vector<16xi32>
    %add3A_305 = arith.addi %iota3A, %add3A_304 : vector<16xi32>
    %mul3A_306 = arith.mulf %get3A_302, %gather3A : vector<16xf32>
    tpu.vector_store_idx %arg12[%gather3A_288, %add3A_305], %mul3A_306 {add = true} : memref<1024x80xf32, #tpu.memory_space<vmem>>[vector<16xi32>, vector<16xi32>], vector<16xf32>,
    %add3A_307 = arith.constant 32 : i32
    %add3A_308 = arith.addi %multiple_of3A_290, %add3A_307 : i32
    %get3A_309 = arith.index_cast %add3A_308 : i32 to index
    %get3A_310 = tpu.vector_load %arg7[%get3A_309] {strides = array<i32>} : memref<32768xf32, #tpu.memory_space<vmem>>, vector<16xf32>,
    %add3A_311 = arith.constant 32 : i32
    %add3A_312 = vector.broadcast %add3A_311 : i32 to vector<16xi32>
    %add3A_313 = arith.addi %iota3A, %add3A_312 : vector<16xi32>
    %mul3A_314 = arith.mulf %get3A_310, %gather3A : vector<16xf32>
    tpu.vector_store_idx %arg12[%gather3A_288, %add3A_313], %mul3A_314 {add = true} : memref<1024x80xf32, #tpu.memory_space<vmem>>[vector<16xi32>, vector<16xi32>], vector<16xf32>,
    %add3A_315 = arith.constant 48 : i32
    %add3A_316 = arith.addi %multiple_of3A_290, %add3A_315 : i32
    %get3A_317 = arith.index_cast %add3A_316 : i32 to index
    %get3A_318 = tpu.vector_load %arg7[%get3A_317] {strides = array<i32>} : memref<32768xf32, #tpu.memory_space<vmem>>, vector<16xf32>,
    %add3A_319 = arith.constant 48 : i32
    %add3A_320 = vector.broadcast %add3A_319 : i32 to vector<16xi32>
    %add3A_321 = arith.addi %iota3A, %add3A_320 : vector<16xi32>
    %mul3A_322 = arith.mulf %get3A_318, %gather3A : vector<16xf32>
    tpu.vector_store_idx %arg12[%gather3A_288, %add3A_321], %mul3A_322 {add = true} : memref<1024x80xf32, #tpu.memory_space<vmem>>[vector<16xi32>, vector<16xi32>], vector<16xf32>,
    %add3A_323 = arith.constant 64 : i32
    %add3A_324 = vector.broadcast %add3A_323 : i32 to vector<16xi32>
    %add3A_325 = arith.addi %iota3A, %add3A_324 : vector<16xi32>
    %mul3A_326 = arith.mulf %gather3A, %convert_element_type3A_5 : vector<16xf32>
    tpu.vector_store_idx %arg12[%gather3A_288, %add3A_325], %mul3A_326 {add = true} : memref<1024x80xf32, #tpu.memory_space<vmem>>[vector<16xi32>, vector<16xi32>], vector<16xf32>,
    %broadcast_in_dim3A_327 = arith.constant 1 : i32
    %broadcast_in_dim3A_328 = vector.broadcast %broadcast_in_dim3A_327 : i32 to vector<16xi32>
    %mul3A_329 = arith.constant 417 : i32
    %mul3A_330 = vector.broadcast %mul3A_329 : i32 to vector<16xi32>
    %mul3A_331 = arith.muli %broadcast_in_dim3A_328, %mul3A_330 : vector<16xi32>
    %gather3A_332 = tpu.vector_load_idx %arg10[%mul3A_331] : memref<512xf32, #tpu.memory_space<vmem>>[vector<16xi32>], vector<16xf32>,
    %broadcast_in_dim3A_333 = arith.constant 1 : i32
    %broadcast_in_dim3A_334 = vector.broadcast %broadcast_in_dim3A_333 : i32 to vector<16xi32>
    %mul3A_335 = arith.constant 417 : i32
    %mul3A_336 = vector.broadcast %mul3A_335 : i32 to vector<16xi32>
    %mul3A_337 = arith.muli %broadcast_in_dim3A_334, %mul3A_336 : vector<16xi32>
    %gather3A_338 = tpu.vector_load_idx %arg9[%mul3A_337] : memref<512xi32, #tpu.memory_space<vmem>>[vector<16xi32>], vector<16xi32>,
    %multiple_of3A_339 = arith.constant 26688 : i32
    %multiple_of3A_340 = tpu.assume_multiple %multiple_of3A_339, 64 : i32
    %add3A_341 = arith.constant 0 : i32
    %add3A_342 = arith.addi %multiple_of3A_340, %add3A_341 : i32
    %get3A_343 = arith.index_cast %add3A_342 : i32 to index
    %get3A_344 = tpu.vector_load %arg7[%get3A_343] {strides = array<i32>} : memref<32768xf32, #tpu.memory_space<vmem>>, vector<16xf32>,
    %add3A_345 = arith.constant 0 : i32
    %add3A_346 = vector.broadcast %add3A_345 : i32 to vector<16xi32>
    %add3A_347 = arith.addi %iota3A, %add3A_346 : vector<16xi32>
    %mul3A_348 = arith.mulf %get3A_344, %gather3A_332 : vector<16xf32>
    tpu.vector_store_idx %arg12[%gather3A_338, %add3A_347], %mul3A_348 {add = true} : memref<1024x80xf32, #tpu.memory_space<vmem>>[vector<16xi32>, vector<16xi32>], vector<16xf32>,
    %add3A_349 = arith.constant 16 : i32
    %add3A_350 = arith.addi %multiple_of3A_340, %add3A_349 : i32
    %get3A_351 = arith.index_cast %add3A_350 : i32 to index
    %get3A_352 = tpu.vector_load %arg7[%get3A_351] {strides = array<i32>} : memref<32768xf32, #tpu.memory_space<vmem>>, vector<16xf32>,
    %add3A_353 = arith.constant 16 : i32
    %add3A_354 = vector.broadcast %add3A_353 : i32 to vector<16xi32>
    %add3A_355 = arith.addi %iota3A, %add3A_354 : vector<16xi32>
    %mul3A_356 = arith.mulf %get3A_352, %gather3A_332 : vector<16xf32>
    tpu.vector_store_idx %arg12[%gather3A_338, %add3A_355], %mul3A_356 {add = true} : memref<1024x80xf32, #tpu.memory_space<vmem>>[vector<16xi32>, vector<16xi32>], vector<16xf32>,
    %add3A_357 = arith.constant 32 : i32
    %add3A_358 = arith.addi %multiple_of3A_340, %add3A_357 : i32
    %get3A_359 = arith.index_cast %add3A_358 : i32 to index
    %get3A_360 = tpu.vector_load %arg7[%get3A_359] {strides = array<i32>} : memref<32768xf32, #tpu.memory_space<vmem>>, vector<16xf32>,
    %add3A_361 = arith.constant 32 : i32
    %add3A_362 = vector.broadcast %add3A_361 : i32 to vector<16xi32>
    %add3A_363 = arith.addi %iota3A, %add3A_362 : vector<16xi32>
    %mul3A_364 = arith.mulf %get3A_360, %gather3A_332 : vector<16xf32>
    tpu.vector_store_idx %arg12[%gather3A_338, %add3A_363], %mul3A_364 {add = true} : memref<1024x80xf32, #tpu.memory_space<vmem>>[vector<16xi32>, vector<16xi32>], vector<16xf32>,
    %add3A_365 = arith.constant 48 : i32
    %add3A_366 = arith.addi %multiple_of3A_340, %add3A_365 : i32
    %get3A_367 = arith.index_cast %add3A_366 : i32 to index
    %get3A_368 = tpu.vector_load %arg7[%get3A_367] {strides = array<i32>} : memref<32768xf32, #tpu.memory_space<vmem>>, vector<16xf32>,
    %add3A_369 = arith.constant 48 : i32
    %add3A_370 = vector.broadcast %add3A_369 : i32 to vector<16xi32>
    %add3A_371 = arith.addi %iota3A, %add3A_370 : vector<16xi32>
    %mul3A_372 = arith.mulf %get3A_368, %gather3A_332 : vector<16xf32>
    tpu.vector_store_idx %arg12[%gather3A_338, %add3A_371], %mul3A_372 {add = true} : memref<1024x80xf32, #tpu.memory_space<vmem>>[vector<16xi32>, vector<16xi32>], vector<16xf32>,
    %add3A_373 = arith.constant 64 : i32
    %add3A_374 = vector.broadcast %add3A_373 : i32 to vector<16xi32>
    %add3A_375 = arith.addi %iota3A, %add3A_374 : vector<16xi32>
    %mul3A_376 = arith.mulf %gather3A_332, %convert_element_type3A_5 : vector<16xf32>
    tpu.vector_store_idx %arg12[%gather3A_338, %add3A_375], %mul3A_376 {add = true} : memref<1024x80xf32, #tpu.memory_space<vmem>>[vector<16xi32>, vector<16xi32>], vector<16xf32>,
    %broadcast_in_dim3A_377 = arith.constant 1 : i32
    %broadcast_in_dim3A_378 = vector.broadcast %broadcast_in_dim3A_377 : i32 to vector<16xi32>
    %mul3A_379 = arith.constant 418 : i32
    %mul3A_380 = vector.broadcast %mul3A_379 : i32 to vector<16xi32>
    %mul3A_381 = arith.muli %broadcast_in_dim3A_378, %mul3A_380 : vector<16xi32>
    %gather3A_382 = tpu.vector_load_idx %arg10[%mul3A_381] : memref<512xf32, #tpu.memory_space<vmem>>[vector<16xi32>], vector<16xf32>,
    %broadcast_in_dim3A_383 = arith.constant 1 : i32
    %broadcast_in_dim3A_384 = vector.broadcast %broadcast_in_dim3A_383 : i32 to vector<16xi32>
    %mul3A_385 = arith.constant 418 : i32
    %mul3A_386 = vector.broadcast %mul3A_385 : i32 to vector<16xi32>
    %mul3A_387 = arith.muli %broadcast_in_dim3A_384, %mul3A_386 : vector<16xi32>
    %gather3A_388 = tpu.vector_load_idx %arg9[%mul3A_387] : memref<512xi32, #tpu.memory_space<vmem>>[vector<16xi32>], vector<16xi32>,
    %multiple_of3A_389 = arith.constant 26752 : i32
    %multiple_of3A_390 = tpu.assume_multiple %multiple_of3A_389, 64 : i32
    %add3A_391 = arith.constant 0 : i32
    %add3A_392 = arith.addi %multiple_of3A_390, %add3A_391 : i32
    %get3A_393 = arith.index_cast %add3A_392 : i32 to index
    %get3A_394 = tpu.vector_load %arg7[%get3A_393] {strides = array<i32>} : memref<32768xf32, #tpu.memory_space<vmem>>, vector<16xf32>,
    %add3A_395 = arith.constant 0 : i32
    %add3A_396 = vector.broadcast %add3A_395 : i32 to vector<16xi32>
    %add3A_397 = arith.addi %iota3A, %add3A_396 : vector<16xi32>
    %mul3A_398 = arith.mulf %get3A_394, %gather3A_382 : vector<16xf32>
    tpu.vector_store_idx %arg12[%gather3A_388, %add3A_397], %mul3A_398 {add = true} : memref<1024x80xf32, #tpu.memory_space<vmem>>[vector<16xi32>, vector<16xi32>], vector<16xf32>,
    %add3A_399 = arith.constant 16 : i32
    %add3A_400 = arith.addi %multiple_of3A_390, %add3A_399 : i32
    %get3A_401 = arith.index_cast %add3A_400 : i32 to index
    %get3A_402 = tpu.vector_load %arg7[%get3A_401] {strides = array<i32>} : memref<32768xf32, #tpu.memory_space<vmem>>, vector<16xf32>,
    %add3A_403 = arith.constant 16 : i32
    %add3A_404 = vector.broadcast %add3A_403 : i32 to vector<16xi32>
    %add3A_405 = arith.addi %iota3A, %add3A_404 : vector<16xi32>
    %mul3A_406 = arith.mulf %get3A_402, %gather3A_382 : vector<16xf32>
    tpu.vector_store_idx %arg12[%gather3A_388, %add3A_405], %mul3A_406 {add = true} : memref<1024x80xf32, #tpu.memory_space<vmem>>[vector<16xi32>, vector<16xi32>], vector<16xf32>,
    %add3A_407 = arith.constant 32 : i32
    %add3A_408 = arith.addi %multiple_of3A_390, %add3A_407 : i32
    %get3A_409 = arith.index_cast %add3A_408 : i32 to index
    %get3A_410 = tpu.vector_load %arg7[%get3A_409] {strides = array<i32>} : memref<32768xf32, #tpu.memory_space<vmem>>, vector<16xf32>,
    %add3A_411 = arith.constant 32 : i32
    %add3A_412 = vector.broadcast %add3A_411 : i32 to vector<16xi32>
    %add3A_413 = arith.addi %iota3A, %add3A_412 : vector<16xi32>
    %mul3A_414 = arith.mulf %get3A_410, %gather3A_382 : vector<16xf32>
    tpu.vector_store_idx %arg12[%gather3A_388, %add3A_413], %mul3A_414 {add = true} : memref<1024x80xf32, #tpu.memory_space<vmem>>[vector<16xi32>, vector<16xi32>], vector<16xf32>,
    %add3A_415 = arith.constant 48 : i32
    %add3A_416 = arith.addi %multiple_of3A_390, %add3A_415 : i32
    %get3A_417 = arith.index_cast %add3A_416 : i32 to index
    %get3A_418 = tpu.vector_load %arg7[%get3A_417] {strides = array<i32>} : memref<32768xf32, #tpu.memory_space<vmem>>, vector<16xf32>,
    %add3A_419 = arith.constant 48 : i32
    %add3A_420 = vector.broadcast %add3A_419 : i32 to vector<16xi32>
    %add3A_421 = arith.addi %iota3A, %add3A_420 : vector<16xi32>
    %mul3A_422 = arith.mulf %get3A_418, %gather3A_382 : vector<16xf32>
    tpu.vector_store_idx %arg12[%gather3A_388, %add3A_421], %mul3A_422 {add = true} : memref<1024x80xf32, #tpu.memory_space<vmem>>[vector<16xi32>, vector<16xi32>], vector<16xf32>,
    %add3A_423 = arith.constant 64 : i32
    %add3A_424 = vector.broadcast %add3A_423 : i32 to vector<16xi32>
    %add3A_425 = arith.addi %iota3A, %add3A_424 : vector<16xi32>
    %mul3A_426 = arith.mulf %gather3A_382, %convert_element_type3A_5 : vector<16xf32>
    tpu.vector_store_idx %arg12[%gather3A_388, %add3A_425], %mul3A_426 {add = true} : memref<1024x80xf32, #tpu.memory_space<vmem>>[vector<16xi32>, vector<16xi32>], vector<16xf32>,
    %broadcast_in_dim3A_427 = arith.constant 1 : i32
    %broadcast_in_dim3A_428 = vector.broadcast %broadcast_in_dim3A_427 : i32 to vector<16xi32>
    %mul3A_429 = arith.constant 419 : i32
    %mul3A_430 = vector.broadcast %mul3A_429 : i32 to vector<16xi32>
    %mul3A_431 = arith.muli %broadcast_in_dim3A_428, %mul3A_430 : vector<16xi32>
    %gather3A_432 = tpu.vector_load_idx %arg10[%mul3A_431] : memref<512xf32, #tpu.memory_space<vmem>>[vector<16xi32>], vector<16xf32>,
    %broadcast_in_dim3A_433 = arith.constant 1 : i32
    %broadcast_in_dim3A_434 = vector.broadcast %broadcast_in_dim3A_433 : i32 to vector<16xi32>
    %mul3A_435 = arith.constant 419 : i32
    %mul3A_436 = vector.broadcast %mul3A_435 : i32 to vector<16xi32>
    %mul3A_437 = arith.muli %broadcast_in_dim3A_434, %mul3A_436 : vector<16xi32>
    %gather3A_438 = tpu.vector_load_idx %arg9[%mul3A_437] : memref<512xi32, #tpu.memory_space<vmem>>[vector<16xi32>], vector<16xi32>,
    %multiple_of3A_439 = arith.constant 26816 : i32
    %multiple_of3A_440 = tpu.assume_multiple %multiple_of3A_439, 64 : i32
    %add3A_441 = arith.constant 0 : i32
    %add3A_442 = arith.addi %multiple_of3A_440, %add3A_441 : i32
    %get3A_443 = arith.index_cast %add3A_442 : i32 to index
    %get3A_444 = tpu.vector_load %arg7[%get3A_443] {strides = array<i32>} : memref<32768xf32, #tpu.memory_space<vmem>>, vector<16xf32>,
    %add3A_445 = arith.constant 0 : i32
    %add3A_446 = vector.broadcast %add3A_445 : i32 to vector<16xi32>
    %add3A_447 = arith.addi %iota3A, %add3A_446 : vector<16xi32>
    %mul3A_448 = arith.mulf %get3A_444, %gather3A_432 : vector<16xf32>
    tpu.vector_store_idx %arg12[%gather3A_438, %add3A_447], %mul3A_448 {add = true} : memref<1024x80xf32, #tpu.memory_space<vmem>>[vector<16xi32>, vector<16xi32>], vector<16xf32>,
    %add3A_449 = arith.constant 16 : i32
    %add3A_450 = arith.addi %multiple_of3A_440, %add3A_449 : i32
    %get3A_451 = arith.index_cast %add3A_450 : i32 to index
    %get3A_452 = tpu.vector_load %arg7[%get3A_451] {strides = array<i32>} : memref<32768xf32, #tpu.memory_space<vmem>>, vector<16xf32>,
    %add3A_453 = arith.constant 16 : i32
    %add3A_454 = vector.broadcast %add3A_453 : i32 to vector<16xi32>
    %add3A_455 = arith.addi %iota3A, %add3A_454 : vector<16xi32>
    %mul3A_456 = arith.mulf %get3A_452, %gather3A_432 : vector<16xf32>
    tpu.vector_store_idx %arg12[%gather3A_438, %add3A_455], %mul3A_456 {add = true} : memref<1024x80xf32, #tpu.memory_space<vmem>>[vector<16xi32>, vector<16xi32>], vector<16xf32>,
    %add3A_457 = arith.constant 32 : i32
    %add3A_458 = arith.addi %multiple_of3A_440, %add3A_457 : i32
    %get3A_459 = arith.index_cast %add3A_458 : i32 to index
    %get3A_460 = tpu.vector_load %arg7[%get3A_459] {strides = array<i32>} : memref<32768xf32, #tpu.memory_space<vmem>>, vector<16xf32>,
    %add3A_461 = arith.constant 32 : i32
    %add3A_462 = vector.broadcast %add3A_461 : i32 to vector<16xi32>
    %add3A_463 = arith.addi %iota3A, %add3A_462 : vector<16xi32>
    %mul3A_464 = arith.mulf %get3A_460, %gather3A_432 : vector<16xf32>
    tpu.vector_store_idx %arg12[%gather3A_438, %add3A_463], %mul3A_464 {add = true} : memref<1024x80xf32, #tpu.memory_space<vmem>>[vector<16xi32>, vector<16xi32>], vector<16xf32>,
    %add3A_465 = arith.constant 48 : i32
    %add3A_466 = arith.addi %multiple_of3A_440, %add3A_465 : i32
    %get3A_467 = arith.index_cast %add3A_466 : i32 to index
    %get3A_468 = tpu.vector_load %arg7[%get3A_467] {strides = array<i32>} : memref<32768xf32, #tpu.memory_space<vmem>>, vector<16xf32>,
    %add3A_469 = arith.constant 48 : i32
    %add3A_470 = vector.broadcast %add3A_469 : i32 to vector<16xi32>
    %add3A_471 = arith.addi %iota3A, %add3A_470 : vector<16xi32>
    %mul3A_472 = arith.mulf %get3A_468, %gather3A_432 : vector<16xf32>
    tpu.vector_store_idx %arg12[%gather3A_438, %add3A_471], %mul3A_472 {add = true} : memref<1024x80xf32, #tpu.memory_space<vmem>>[vector<16xi32>, vector<16xi32>], vector<16xf32>,
    %add3A_473 = arith.constant 64 : i32
    %add3A_474 = vector.broadcast %add3A_473 : i32 to vector<16xi32>
    %add3A_475 = arith.addi %iota3A, %add3A_474 : vector<16xi32>
    %mul3A_476 = arith.mulf %gather3A_432, %convert_element_type3A_5 : vector<16xf32>
    tpu.vector_store_idx %arg12[%gather3A_438, %add3A_475], %mul3A_476 {add = true} : memref<1024x80xf32, #tpu.memory_space<vmem>>[vector<16xi32>, vector<16xi32>], vector<16xf32>,
    %broadcast_in_dim3A_477 = arith.constant 1 : i32
    %broadcast_in_dim3A_478 = vector.broadcast %broadcast_in_dim3A_477 : i32 to vector<16xi32>
    %mul3A_479 = arith.constant 420 : i32
    %mul3A_480 = vector.broadcast %mul3A_479 : i32 to vector<16xi32>
    %mul3A_481 = arith.muli %broadcast_in_dim3A_478, %mul3A_480 : vector<16xi32>
    %gather3A_482 = tpu.vector_load_idx %arg10[%mul3A_481] : memref<512xf32, #tpu.memory_space<vmem>>[vector<16xi32>], vector<16xf32>,
    %broadcast_in_dim3A_483 = arith.constant 1 : i32
    %broadcast_in_dim3A_484 = vector.broadcast %broadcast_in_dim3A_483 : i32 to vector<16xi32>
    %mul3A_485 = arith.constant 420 : i32
    %mul3A_486 = vector.broadcast %mul3A_485 : i32 to vector<16xi32>
    %mul3A_487 = arith.muli %broadcast_in_dim3A_484, %mul3A_486 : vector<16xi32>
    %gather3A_488 = tpu.vector_load_idx %arg9[%mul3A_487] : memref<512xi32, #tpu.memory_space<vmem>>[vector<16xi32>], vector<16xi32>,
    %multiple_of3A_489 = arith.constant 26880 : i32
    %multiple_of3A_490 = tpu.assume_multiple %multiple_of3A_489, 64 : i32
    %add3A_491 = arith.constant 0 : i32
    %add3A_492 = arith.addi %multiple_of3A_490, %add3A_491 : i32
    %get3A_493 = arith.index_cast %add3A_492 : i32 to index
    %get3A_494 = tpu.vector_load %arg7[%get3A_493] {strides = array<i32>} : memref<32768xf32, #tpu.memory_space<vmem>>, vector<16xf32>,
    %add3A_495 = arith.constant 0 : i32
    %add3A_496 = vector.broadcast %add3A_495 : i32 to vector<16xi32>
    %add3A_497 = arith.addi %iota3A, %add3A_496 : vector<16xi32>
    %mul3A_498 = arith.mulf %get3A_494, %gather3A_482 : vector<16xf32>
    tpu.vector_store_idx %arg12[%gather3A_488, %add3A_497], %mul3A_498 {add = true} : memref<1024x80xf32, #tpu.memory_space<vmem>>[vector<16xi32>, vector<16xi32>], vector<16xf32>,
    %add3A_499 = arith.constant 16 : i32
    %add3A_500 = arith.addi %multiple_of3A_490, %add3A_499 : i32
    %get3A_501 = arith.index_cast %add3A_500 : i32 to index
    %get3A_502 = tpu.vector_load %arg7[%get3A_501] {strides = array<i32>} : memref<32768xf32, #tpu.memory_space<vmem>>, vector<16xf32>,
    %add3A_503 = arith.constant 16 : i32
    %add3A_504 = vector.broadcast %add3A_503 : i32 to vector<16xi32>
    %add3A_505 = arith.addi %iota3A, %add3A_504 : vector<16xi32>
    %mul3A_506 = arith.mulf %get3A_502, %gather3A_482 : vector<16xf32>
    tpu.vector_store_idx %arg12[%gather3A_488, %add3A_505], %mul3A_506 {add = true} : memref<1024x80xf32, #tpu.memory_space<vmem>>[vector<16xi32>, vector<16xi32>], vector<16xf32>,
    %add3A_507 = arith.constant 32 : i32
    %add3A_508 = arith.addi %multiple_of3A_490, %add3A_507 : i32
    %get3A_509 = arith.index_cast %add3A_508 : i32 to index
    %get3A_510 = tpu.vector_load %arg7[%get3A_509] {strides = array<i32>} : memref<32768xf32, #tpu.memory_space<vmem>>, vector<16xf32>,
    %add3A_511 = arith.constant 32 : i32
    %add3A_512 = vector.broadcast %add3A_511 : i32 to vector<16xi32>
    %add3A_513 = arith.addi %iota3A, %add3A_512 : vector<16xi32>
    %mul3A_514 = arith.mulf %get3A_510, %gather3A_482 : vector<16xf32>
    tpu.vector_store_idx %arg12[%gather3A_488, %add3A_513], %mul3A_514 {add = true} : memref<1024x80xf32, #tpu.memory_space<vmem>>[vector<16xi32>, vector<16xi32>], vector<16xf32>,
    %add3A_515 = arith.constant 48 : i32
    %add3A_516 = arith.addi %multiple_of3A_490, %add3A_515 : i32
    %get3A_517 = arith.index_cast %add3A_516 : i32 to index
    %get3A_518 = tpu.vector_load %arg7[%get3A_517] {strides = array<i32>} : memref<32768xf32, #tpu.memory_space<vmem>>, vector<16xf32>,
    %add3A_519 = arith.constant 48 : i32
    %add3A_520 = vector.broadcast %add3A_519 : i32 to vector<16xi32>
    %add3A_521 = arith.addi %iota3A, %add3A_520 : vector<16xi32>
    %mul3A_522 = arith.mulf %get3A_518, %gather3A_482 : vector<16xf32>
    tpu.vector_store_idx %arg12[%gather3A_488, %add3A_521], %mul3A_522 {add = true} : memref<1024x80xf32, #tpu.memory_space<vmem>>[vector<16xi32>, vector<16xi32>], vector<16xf32>,
    %add3A_523 = arith.constant 64 : i32
    %add3A_524 = vector.broadcast %add3A_523 : i32 to vector<16xi32>
    %add3A_525 = arith.addi %iota3A, %add3A_524 : vector<16xi32>
    %mul3A_526 = arith.mulf %gather3A_482, %convert_element_type3A_5 : vector<16xf32>
    tpu.vector_store_idx %arg12[%gather3A_488, %add3A_525], %mul3A_526 {add = true} : memref<1024x80xf32, #tpu.memory_space<vmem>>[vector<16xi32>, vector<16xi32>], vector<16xf32>,
    %broadcast_in_dim3A_527 = arith.constant 1 : i32
    %broadcast_in_dim3A_528 = vector.broadcast %broadcast_in_dim3A_527 : i32 to vector<16xi32>
    %mul3A_529 = arith.constant 421 : i32
    %mul3A_530 = vector.broadcast %mul3A_529 : i32 to vector<16xi32>
    %mul3A_531 = arith.muli %broadcast_in_dim3A_528, %mul3A_530 : vector<16xi32>
    %gather3A_532 = tpu.vector_load_idx %arg10[%mul3A_531] : memref<512xf32, #tpu.memory_space<vmem>>[vector<16xi32>], vector<16xf32>,
    %broadcast_in_dim3A_533 = arith.constant 1 : i32
    %broadcast_in_dim3A_534 = vector.broadcast %broadcast_in_dim3A_533 : i32 to vector<16xi32>
    %mul3A_535 = arith.constant 421 : i32
    %mul3A_536 = vector.broadcast %mul3A_535 : i32 to vector<16xi32>
    %mul3A_537 = arith.muli %broadcast_in_dim3A_534, %mul3A_536 : vector<16xi32>
    %gather3A_538 = tpu.vector_load_idx %arg9[%mul3A_537] : memref<512xi32, #tpu.memory_space<vmem>>[vector<16xi32>], vector<16xi32>,
    %multiple_of3A_539 = arith.constant 26944 : i32
    %multiple_of3A_540 = tpu.assume_multiple %multiple_of3A_539, 64 : i32
    %add3A_541 = arith.constant 0 : i32
    %add3A_542 = arith.addi %multiple_of3A_540, %add3A_541 : i32
    %get3A_543 = arith.index_cast %add3A_542 : i32 to index
    %get3A_544 = tpu.vector_load %arg7[%get3A_543] {strides = array<i32>} : memref<32768xf32, #tpu.memory_space<vmem>>, vector<16xf32>,
    %add3A_545 = arith.constant 0 : i32
    %add3A_546 = vector.broadcast %add3A_545 : i32 to vector<16xi32>
    %add3A_547 = arith.addi %iota3A, %add3A_546 : vector<16xi32>
    %mul3A_548 = arith.mulf %get3A_544, %gather3A_532 : vector<16xf32>
    tpu.vector_store_idx %arg12[%gather3A_538, %add3A_547], %mul3A_548 {add = true} : memref<1024x80xf32, #tpu.memory_space<vmem>>[vector<16xi32>, vector<16xi32>], vector<16xf32>,
    %add3A_549 = arith.constant 16 : i32
    %add3A_550 = arith.addi %multiple_of3A_540, %add3A_549 : i32
    %get3A_551 = arith.index_cast %add3A_550 : i32 to index
    %get3A_552 = tpu.vector_load %arg7[%get3A_551] {strides = array<i32>} : memref<32768xf32, #tpu.memory_space<vmem>>, vector<16xf32>,
    %add3A_553 = arith.constant 16 : i32
    %add3A_554 = vector.broadcast %add3A_553 : i32 to vector<16xi32>
    %add3A_555 = arith.addi %iota3A, %add3A_554 : vector<16xi32>
    %mul3A_556 = arith.mulf %get3A_552, %gather3A_532 : vector<16xf32>
    tpu.vector_store_idx %arg12[%gather3A_538, %add3A_555], %mul3A_556 {add = true} : memref<1024x80xf32, #tpu.memory_space<vmem>>[vector<16xi32>, vector<16xi32>], vector<16xf32>,
    %add3A_557 = arith.constant 32 : i32
    %add3A_558 = arith.addi %multiple_of3A_540, %add3A_557 : i32
    %get3A_559 = arith.index_cast %add3A_558 : i32 to index
    %get3A_560 = tpu.vector_load %arg7[%get3A_559] {strides = array<i32>} : memref<32768xf32, #tpu.memory_space<vmem>>, vector<16xf32>,
    %add3A_561 = arith.constant 32 : i32
    %add3A_562 = vector.broadcast %add3A_561 : i32 to vector<16xi32>
    %add3A_563 = arith.addi %iota3A, %add3A_562 : vector<16xi32>
    %mul3A_564 = arith.mulf %get3A_560, %gather3A_532 : vector<16xf32>
    tpu.vector_store_idx %arg12[%gather3A_538, %add3A_563], %mul3A_564 {add = true} : memref<1024x80xf32, #tpu.memory_space<vmem>>[vector<16xi32>, vector<16xi32>], vector<16xf32>,
    %add3A_565 = arith.constant 48 : i32
    %add3A_566 = arith.addi %multiple_of3A_540, %add3A_565 : i32
    %get3A_567 = arith.index_cast %add3A_566 : i32 to index
    %get3A_568 = tpu.vector_load %arg7[%get3A_567] {strides = array<i32>} : memref<32768xf32, #tpu.memory_space<vmem>>, vector<16xf32>,
    %add3A_569 = arith.constant 48 : i32
    %add3A_570 = vector.broadcast %add3A_569 : i32 to vector<16xi32>
    %add3A_571 = arith.addi %iota3A, %add3A_570 : vector<16xi32>
    %mul3A_572 = arith.mulf %get3A_568, %gather3A_532 : vector<16xf32>
    tpu.vector_store_idx %arg12[%gather3A_538, %add3A_571], %mul3A_572 {add = true} : memref<1024x80xf32, #tpu.memory_space<vmem>>[vector<16xi32>, vector<16xi32>], vector<16xf32>,
    %add3A_573 = arith.constant 64 : i32
    %add3A_574 = vector.broadcast %add3A_573 : i32 to vector<16xi32>
    %add3A_575 = arith.addi %iota3A, %add3A_574 : vector<16xi32>
    %mul3A_576 = arith.mulf %gather3A_532, %convert_element_type3A_5 : vector<16xf32>
    tpu.vector_store_idx %arg12[%gather3A_538, %add3A_575], %mul3A_576 {add = true} : memref<1024x80xf32, #tpu.memory_space<vmem>>[vector<16xi32>, vector<16xi32>], vector<16xf32>,
    %broadcast_in_dim3A_577 = arith.constant 1 : i32
    %broadcast_in_dim3A_578 = vector.broadcast %broadcast_in_dim3A_577 : i32 to vector<16xi32>
    %mul3A_579 = arith.constant 422 : i32
    %mul3A_580 = vector.broadcast %mul3A_579 : i32 to vector<16xi32>
    %mul3A_581 = arith.muli %broadcast_in_dim3A_578, %mul3A_580 : vector<16xi32>
    %gather3A_582 = tpu.vector_load_idx %arg10[%mul3A_581] : memref<512xf32, #tpu.memory_space<vmem>>[vector<16xi32>], vector<16xf32>,
    %broadcast_in_dim3A_583 = arith.constant 1 : i32
    %broadcast_in_dim3A_584 = vector.broadcast %broadcast_in_dim3A_583 : i32 to vector<16xi32>
    %mul3A_585 = arith.constant 422 : i32
    %mul3A_586 = vector.broadcast %mul3A_585 : i32 to vector<16xi32>
    %mul3A_587 = arith.muli %broadcast_in_dim3A_584, %mul3A_586 : vector<16xi32>
    %gather3A_588 = tpu.vector_load_idx %arg9[%mul3A_587] : memref<512xi32, #tpu.memory_space<vmem>>[vector<16xi32>], vector<16xi32>,
    %multiple_of3A_589 = arith.constant 27008 : i32
    %multiple_of3A_590 = tpu.assume_multiple %multiple_of3A_589, 64 : i32
    %add3A_591 = arith.constant 0 : i32
    %add3A_592 = arith.addi %multiple_of3A_590, %add3A_591 : i32
    %get3A_593 = arith.index_cast %add3A_592 : i32 to index
    %get3A_594 = tpu.vector_load %arg7[%get3A_593] {strides = array<i32>} : memref<32768xf32, #tpu.memory_space<vmem>>, vector<16xf32>,
    %add3A_595 = arith.constant 0 : i32
    %add3A_596 = vector.broadcast %add3A_595 : i32 to vector<16xi32>
    %add3A_597 = arith.addi %iota3A, %add3A_596 : vector<16xi32>
    %mul3A_598 = arith.mulf %get3A_594, %gather3A_582 : vector<16xf32>
    tpu.vector_store_idx %arg12[%gather3A_588, %add3A_597], %mul3A_598 {add = true} : memref<1024x80xf32, #tpu.memory_space<vmem>>[vector<16xi32>, vector<16xi32>], vector<16xf32>,
    %add3A_599 = arith.constant 16 : i32
    %add3A_600 = arith.addi %multiple_of3A_590, %add3A_599 : i32
    %get3A_601 = arith.index_cast %add3A_600 : i32 to index
    %get3A_602 = tpu.vector_load %arg7[%get3A_601] {strides = array<i32>} : memref<32768xf32, #tpu.memory_space<vmem>>, vector<16xf32>,
    %add3A_603 = arith.constant 16 : i32
    %add3A_604 = vector.broadcast %add3A_603 : i32 to vector<16xi32>
    %add3A_605 = arith.addi %iota3A, %add3A_604 : vector<16xi32>
    %mul3A_606 = arith.mulf %get3A_602, %gather3A_582 : vector<16xf32>
    tpu.vector_store_idx %arg12[%gather3A_588, %add3A_605], %mul3A_606 {add = true} : memref<1024x80xf32, #tpu.memory_space<vmem>>[vector<16xi32>, vector<16xi32>], vector<16xf32>,
    %add3A_607 = arith.constant 32 : i32
    %add3A_608 = arith.addi %multiple_of3A_590, %add3A_607 : i32
    %get3A_609 = arith.index_cast %add3A_608 : i32 to index
    %get3A_610 = tpu.vector_load %arg7[%get3A_609] {strides = array<i32>} : memref<32768xf32, #tpu.memory_space<vmem>>, vector<16xf32>,
    %add3A_611 = arith.constant 32 : i32
    %add3A_612 = vector.broadcast %add3A_611 : i32 to vector<16xi32>
    %add3A_613 = arith.addi %iota3A, %add3A_612 : vector<16xi32>
    %mul3A_614 = arith.mulf %get3A_610, %gather3A_582 : vector<16xf32>
    tpu.vector_store_idx %arg12[%gather3A_588, %add3A_613], %mul3A_614 {add = true} : memref<1024x80xf32, #tpu.memory_space<vmem>>[vector<16xi32>, vector<16xi32>], vector<16xf32>,
    %add3A_615 = arith.constant 48 : i32
    %add3A_616 = arith.addi %multiple_of3A_590, %add3A_615 : i32
    %get3A_617 = arith.index_cast %add3A_616 : i32 to index
    %get3A_618 = tpu.vector_load %arg7[%get3A_617] {strides = array<i32>} : memref<32768xf32, #tpu.memory_space<vmem>>, vector<16xf32>,
    %add3A_619 = arith.constant 48 : i32
    %add3A_620 = vector.broadcast %add3A_619 : i32 to vector<16xi32>
    %add3A_621 = arith.addi %iota3A, %add3A_620 : vector<16xi32>
    %mul3A_622 = arith.mulf %get3A_618, %gather3A_582 : vector<16xf32>
    tpu.vector_store_idx %arg12[%gather3A_588, %add3A_621], %mul3A_622 {add = true} : memref<1024x80xf32, #tpu.memory_space<vmem>>[vector<16xi32>, vector<16xi32>], vector<16xf32>,
    %add3A_623 = arith.constant 64 : i32
    %add3A_624 = vector.broadcast %add3A_623 : i32 to vector<16xi32>
    %add3A_625 = arith.addi %iota3A, %add3A_624 : vector<16xi32>
    %mul3A_626 = arith.mulf %gather3A_582, %convert_element_type3A_5 : vector<16xf32>
    tpu.vector_store_idx %arg12[%gather3A_588, %add3A_625], %mul3A_626 {add = true} : memref<1024x80xf32, #tpu.memory_space<vmem>>[vector<16xi32>, vector<16xi32>], vector<16xf32>,
    %broadcast_in_dim3A_627 = arith.constant 1 : i32
    %broadcast_in_dim3A_628 = vector.broadcast %broadcast_in_dim3A_627 : i32 to vector<16xi32>
    %mul3A_629 = arith.constant 423 : i32
    %mul3A_630 = vector.broadcast %mul3A_629 : i32 to vector<16xi32>
    %mul3A_631 = arith.muli %broadcast_in_dim3A_628, %mul3A_630 : vector<16xi32>
    %gather3A_632 = tpu.vector_load_idx %arg10[%mul3A_631] : memref<512xf32, #tpu.memory_space<vmem>>[vector<16xi32>], vector<16xf32>,
    %broadcast_in_dim3A_633 = arith.constant 1 : i32
    %broadcast_in_dim3A_634 = vector.broadcast %broadcast_in_dim3A_633 : i32 to vector<16xi32>
    %mul3A_635 = arith.constant 423 : i32
    %mul3A_636 = vector.broadcast %mul3A_635 : i32 to vector<16xi32>
    %mul3A_637 = arith.muli %broadcast_in_dim3A_634, %mul3A_636 : vector<16xi32>
    %gather3A_638 = tpu.vector_load_idx %arg9[%mul3A_637] : memref<512xi32, #tpu.memory_space<vmem>>[vector<16xi32>], vector<16xi32>,
    %multiple_of3A_639 = arith.constant 27072 : i32
    %multiple_of3A_640 = tpu.assume_multiple %multiple_of3A_639, 64 : i32
    %add3A_641 = arith.constant 0 : i32
    %add3A_642 = arith.addi %multiple_of3A_640, %add3A_641 : i32
    %get3A_643 = arith.index_cast %add3A_642 : i32 to index
    %get3A_644 = tpu.vector_load %arg7[%get3A_643] {strides = array<i32>} : memref<32768xf32, #tpu.memory_space<vmem>>, vector<16xf32>,
    %add3A_645 = arith.constant 0 : i32
    %add3A_646 = vector.broadcast %add3A_645 : i32 to vector<16xi32>
    %add3A_647 = arith.addi %iota3A, %add3A_646 : vector<16xi32>
    %mul3A_648 = arith.mulf %get3A_644, %gather3A_632 : vector<16xf32>
    tpu.vector_store_idx %arg12[%gather3A_638, %add3A_647], %mul3A_648 {add = true} : memref<1024x80xf32, #tpu.memory_space<vmem>>[vector<16xi32>, vector<16xi32>], vector<16xf32>,
    %add3A_649 = arith.constant 16 : i32
    %add3A_650 = arith.addi %multiple_of3A_640, %add3A_649 : i32
    %get3A_651 = arith.index_cast %add3A_650 : i32 to index
    %get3A_652 = tpu.vector_load %arg7[%get3A_651] {strides = array<i32>} : memref<32768xf32, #tpu.memory_space<vmem>>, vector<16xf32>,
    %add3A_653 = arith.constant 16 : i32
    %add3A_654 = vector.broadcast %add3A_653 : i32 to vector<16xi32>
    %add3A_655 = arith.addi %iota3A, %add3A_654 : vector<16xi32>
    %mul3A_656 = arith.mulf %get3A_652, %gather3A_632 : vector<16xf32>
    tpu.vector_store_idx %arg12[%gather3A_638, %add3A_655], %mul3A_656 {add = true} : memref<1024x80xf32, #tpu.memory_space<vmem>>[vector<16xi32>, vector<16xi32>], vector<16xf32>,
    %add3A_657 = arith.constant 32 : i32
    %add3A_658 = arith.addi %multiple_of3A_640, %add3A_657 : i32
    %get3A_659 = arith.index_cast %add3A_658 : i32 to index
    %get3A_660 = tpu.vector_load %arg7[%get3A_659] {strides = array<i32>} : memref<32768xf32, #tpu.memory_space<vmem>>, vector<16xf32>,
    %add3A_661 = arith.constant 32 : i32
    %add3A_662 = vector.broadcast %add3A_661 : i32 to vector<16xi32>
    %add3A_663 = arith.addi %iota3A, %add3A_662 : vector<16xi32>
    %mul3A_664 = arith.mulf %get3A_660, %gather3A_632 : vector<16xf32>
    tpu.vector_store_idx %arg12[%gather3A_638, %add3A_663], %mul3A_664 {add = true} : memref<1024x80xf32, #tpu.memory_space<vmem>>[vector<16xi32>, vector<16xi32>], vector<16xf32>,
    %add3A_665 = arith.constant 48 : i32
    %add3A_666 = arith.addi %multiple_of3A_640, %add3A_665 : i32
    %get3A_667 = arith.index_cast %add3A_666 : i32 to index
    %get3A_668 = tpu.vector_load %arg7[%get3A_667] {strides = array<i32>} : memref<32768xf32, #tpu.memory_space<vmem>>, vector<16xf32>,
    %add3A_669 = arith.constant 48 : i32
    %add3A_670 = vector.broadcast %add3A_669 : i32 to vector<16xi32>
    %add3A_671 = arith.addi %iota3A, %add3A_670 : vector<16xi32>
    %mul3A_672 = arith.mulf %get3A_668, %gather3A_632 : vector<16xf32>
    tpu.vector_store_idx %arg12[%gather3A_638, %add3A_671], %mul3A_672 {add = true} : memref<1024x80xf32, #tpu.memory_space<vmem>>[vector<16xi32>, vector<16xi32>], vector<16xf32>,
    %add3A_673 = arith.constant 64 : i32
    %add3A_674 = vector.broadcast %add3A_673 : i32 to vector<16xi32>
    %add3A_675 = arith.addi %iota3A, %add3A_674 : vector<16xi32>
    %mul3A_676 = arith.mulf %gather3A_632, %convert_element_type3A_5 : vector<16xf32>
    tpu.vector_store_idx %arg12[%gather3A_638, %add3A_675], %mul3A_676 {add = true} : memref<1024x80xf32, #tpu.memory_space<vmem>>[vector<16xi32>, vector<16xi32>], vector<16xf32>,
    %add3A_677 = arith.constant 0 : i32
    %add3A_678 = vector.broadcast %add3A_677 : i32 to vector<16xi32>
    %add3A_679 = arith.addi %iota3A, %add3A_678 : vector<16xi32>
    tpu.vector_store_idx %arg12[%scan3A_276#5, %add3A_679], %scan3A_276#0 {add = true} : memref<1024x80xf32, #tpu.memory_space<vmem>>[vector<16xi32>, vector<16xi32>], vector<16xf32>,
    %add3A_680 = arith.constant 16 : i32
    %add3A_681 = vector.broadcast %add3A_680 : i32 to vector<16xi32>
    %add3A_682 = arith.addi %iota3A, %add3A_681 : vector<16xi32>
    tpu.vector_store_idx %arg12[%scan3A_276#5, %add3A_682], %scan3A_276#1 {add = true} : memref<1024x80xf32, #tpu.memory_space<vmem>>[vector<16xi32>, vector<16xi32>], vector<16xf32>,
    %add3A_683 = arith.constant 32 : i32
    %add3A_684 = vector.broadcast %add3A_683 : i32 to vector<16xi32>
    %add3A_685 = arith.addi %iota3A, %add3A_684 : vector<16xi32>
    tpu.vector_store_idx %arg12[%scan3A_276#5, %add3A_685], %scan3A_276#2 {add = true} : memref<1024x80xf32, #tpu.memory_space<vmem>>[vector<16xi32>, vector<16xi32>], vector<16xf32>,
    %add3A_686 = arith.constant 48 : i32
    %add3A_687 = vector.broadcast %add3A_686 : i32 to vector<16xi32>
    %add3A_688 = arith.addi %iota3A, %add3A_687 : vector<16xi32>
    tpu.vector_store_idx %arg12[%scan3A_276#5, %add3A_688], %scan3A_276#3 {add = true} : memref<1024x80xf32, #tpu.memory_space<vmem>>[vector<16xi32>, vector<16xi32>], vector<16xf32>,
    %add3A_689 = arith.constant 64 : i32
    %add3A_690 = vector.broadcast %add3A_689 : i32 to vector<16xi32>
    %add3A_691 = arith.addi %iota3A, %add3A_690 : vector<16xi32>
    %mul3A_692 = arith.mulf %scan3A_276#4, %convert_element_type3A_5 : vector<16xf32>
    tpu.vector_store_idx %arg12[%scan3A_276#5, %add3A_691], %mul3A_692 {add = true} : memref<1024x80xf32, #tpu.memory_space<vmem>>[vector<16xi32>, vector<16xi32>], vector<16xf32>,
    "tpu.region"() ({
      %run_scoped3A = tpu.sem_alloc : memref<!tpu.dma_semaphore, #tpu.memory_space<semaphore_mem>>
      %dma_start3A_693 = arith.constant 0 : i32
      %dma_start3A_694 = arith.constant 0 : i32
      %dma_start3A_695 = tpu.memref_slice %arg6[%add3A, %dma_start3A_693, %dma_start3A_694] : memref<32x1024x80xf32, #tpu.memory_space<hbm>> -> memref<1x1024x80xf32, #tpu.memory_space<hbm>>
      %dma_start3A_696 = tpu.memref_squeeze %dma_start3A_695 : memref<1x1024x80xf32, #tpu.memory_space<hbm>> -> memref<1024x80xf32, #tpu.memory_space<hbm>>
      %dma_start3A_697 = arith.constant 0 : i32
      %dma_start3A_698 = arith.constant 0 : i32
      %dma_start3A_699 = tpu.memref_slice %arg6[%add3A, %dma_start3A_697, %dma_start3A_698] : memref<32x1024x80xf32, #tpu.memory_space<hbm>> -> memref<1x1024x80xf32, #tpu.memory_space<hbm>>
      %dma_start3A_700 = tpu.memref_squeeze %dma_start3A_699 : memref<1x1024x80xf32, #tpu.memory_space<hbm>> -> memref<1024x80xf32, #tpu.memory_space<hbm>>
      tpu.enqueue_dma source(%arg12 : memref<1024x80xf32, #tpu.memory_space<vmem>>) target(%dma_start3A_700 : memref<1024x80xf32, #tpu.memory_space<hbm>>) target_semaphore(%run_scoped3A : memref<!tpu.dma_semaphore, #tpu.memory_space<semaphore_mem>>)
      %dma_wait3A_701 = arith.constant 0 : i32
      %dma_wait3A_702 = arith.constant 0 : i32
      %dma_wait3A_703 = tpu.memref_slice %arg6[%add3A, %dma_wait3A_701, %dma_wait3A_702] : memref<32x1024x80xf32, #tpu.memory_space<hbm>> -> memref<1x1024x80xf32, #tpu.memory_space<hbm>>
      %dma_wait3A_704 = tpu.memref_squeeze %dma_wait3A_703 : memref<1x1024x80xf32, #tpu.memory_space<hbm>> -> memref<1024x80xf32, #tpu.memory_space<hbm>>
      %dma_wait3A_705 = arith.constant 0 : i32
      %dma_wait3A_706 = arith.constant 0 : i32
      %dma_wait3A_707 = tpu.memref_slice %arg6[%add3A, %dma_wait3A_705, %dma_wait3A_706] : memref<32x1024x80xf32, #tpu.memory_space<hbm>> -> memref<1x1024x80xf32, #tpu.memory_space<hbm>>
      %dma_wait3A_708 = tpu.memref_squeeze %dma_wait3A_707 : memref<1x1024x80xf32, #tpu.memory_space<hbm>> -> memref<1024x80xf32, #tpu.memory_space<hbm>>
      tpu.wait_dma2 semaphore(%run_scoped3A : memref<!tpu.dma_semaphore, #tpu.memory_space<semaphore_mem>>) src(%arg12 : memref<1024x80xf32, #tpu.memory_space<vmem>>) dst(%dma_wait3A_708 : memref<1024x80xf32, #tpu.memory_space<hbm>>)
      tpu.yield
    }) : () -> ()
    return
  }
}

module attributes {stable_mosaic.version = 14 : i64} {
  func.func @_gate_body(%arg0: i32, %arg1: memref<64x16000xf32, #tpu.memory_space<vmem>>, %arg2: memref<64x32xf32, #tpu.memory_space<vmem>>, %arg3: memref<32x1xf32, #tpu.memory_space<vmem>>, %arg4: memref<32x1xf32, #tpu.memory_space<vmem>>, %arg5: memref<1x1xf32, #tpu.memory_space<vmem>>, %arg6: memref<1x1x16000xf32, #tpu.memory_space<vmem>>, %arg7: memref<1x1xf32, #tpu.memory_space<vmem>>) attributes {dimension_semantics = [#tpu.dimension_semantics<arbitrary>], iteration_bounds = array<i64: 50>, scalar_prefetch = 0 : i64, scratch_operands = 0 : i64, tpu.core_type = #tpu.core_type<tc>, window_params = [{transform_indices = @transform_0, window_bounds = array<i64: 64, 16000>}, {pipeline_mode = #tpu.pipeline_mode<synchronous>, transform_indices = @transform_1, window_bounds = array<i64: 64, 32>}, {pipeline_mode = #tpu.pipeline_mode<synchronous>, transform_indices = @transform_2, window_bounds = array<i64: 32, 1>}, {pipeline_mode = #tpu.pipeline_mode<synchronous>, transform_indices = @transform_3, window_bounds = array<i64: 32, 1>}, {pipeline_mode = #tpu.pipeline_mode<synchronous>, transform_indices = @transform_4, window_bounds = array<i64: 1, 1>}, {transform_indices = @transform_5, window_bounds = array<i64: 1, 1, 16000>}, {pipeline_mode = #tpu.pipeline_mode<synchronous>, transform_indices = @transform_6, window_bounds = array<i64: 1, 1>}]} {
    %get3A = arith.constant 0 : index
    %get3A_0 = arith.constant 0 : index
    %get3A_1 = vector.load %arg2[%get3A, %get3A_0] : memref<64x32xf32, #tpu.memory_space<vmem>>, vector<64x32xf32>
    %get3A_2 = arith.constant 0 : index
    %get3A_3 = arith.constant 0 : index
    %get3A_4 = vector.load %arg1[%get3A_2, %get3A_3] : memref<64x16000xf32, #tpu.memory_space<vmem>>, vector<64x16000xf32>
    %dot_general3A = arith.constant dense<0.000000e+00> : vector<32x16000xf32>
    %dot_general3A_5 = tpu.matmul %get3A_1, %get3A_4, %dot_general3A {dimension_numbers = #tpu.dot_dimension_numbers<[0], [0], [1], [1], [0, 1, 1, 1], [], []>, transpose_lhs_hint = false} : vector<64x32xf32>, vector<64x16000xf32>, vector<32x16000xf32> -> vector<32x16000xf32>
    %get3A_6 = arith.constant 0 : index
    %get3A_7 = arith.constant 0 : index
    %get3A_8 = vector.load %arg3[%get3A_6, %get3A_7] : memref<32x1xf32, #tpu.memory_space<vmem>>, vector<32x1xf32>
    %add3A = vector.broadcast %get3A_8 : vector<32x1xf32> to vector<32x16000xf32>
    %add3A_9 = arith.addf %dot_general3A_5, %add3A : vector<32x16000xf32>
    %max3A = arith.constant 0.000000e+00 : f32
    %max3A_10 = vector.broadcast %max3A : f32 to vector<32x16000xf32>
    %max3A_11 = arith.maximumf %add3A_9, %max3A_10 : vector<32x16000xf32>
    %get3A_12 = arith.constant 0 : index
    %get3A_13 = arith.constant 0 : index
    %get3A_14 = vector.load %arg4[%get3A_12, %get3A_13] : memref<32x1xf32, #tpu.memory_space<vmem>>, vector<32x1xf32>
    %mul3A = vector.broadcast %get3A_14 : vector<32x1xf32> to vector<32x16000xf32>
    %mul3A_15 = arith.mulf %max3A_11, %mul3A : vector<32x16000xf32>
    %reduce_sum3A = arith.constant dense<0.000000e+00> : vector<16000xf32>
    %reduce_sum3A_16 = vector.multi_reduction <add>, %mul3A_15, %reduce_sum3A [0] : vector<32x16000xf32> to vector<16000xf32>
    %get3A_17 = arith.constant 0 : index
    %get3A_18 = arith.constant 0 : index
    %get3A_19 = vector.load %arg5[%get3A_17, %get3A_18] : memref<1x1xf32, #tpu.memory_space<vmem>>, vector<1x1xf32>
    %get3A_20 = vector.extract %get3A_19[0, 0] : f32 from vector<1x1xf32>
    %add3A_21 = vector.broadcast %get3A_20 : f32 to vector<16000xf32>
    %add3A_22 = arith.addf %reduce_sum3A_16, %add3A_21 : vector<16000xf32>
    %reshape3A = vector.shape_cast %add3A_22 : vector<16000xf32> to vector<1x1x16000xf32>
    %swap3A = arith.constant 0 : index
    %swap3A_23 = arith.constant 0 : index
    %swap3A_24 = arith.constant 0 : index
    %swap3A_25 = vector.load %arg6[%swap3A, %swap3A_23, %swap3A_24] : memref<1x1x16000xf32, #tpu.memory_space<vmem>>, vector<1x1x16000xf32>
    tpu.vector_store %arg6[%swap3A, %swap3A_23, %swap3A_24], %reshape3A {strides = array<i32>} : memref<1x1x16000xf32, #tpu.memory_space<vmem>>, vector<1x1x16000xf32>,
    %reduce_max3A = vector.shape_cast %add3A_22 : vector<16000xf32> to vector<1x16000xf32>
    %reduce_max3A_26 = arith.constant dense<0xFF800000> : vector<1xf32>
    %reduce_max3A_27 = vector.multi_reduction <maximumf>, %reduce_max3A, %reduce_max3A_26 [1] : vector<1x16000xf32> to vector<1xf32>
    %reduce_max3A_28 = vector.shape_cast %reduce_max3A_27 : vector<1xf32> to vector<1x1xf32>
    %reduce_max3A_29 = vector.extract %reduce_max3A_28[0, 0] : f32 from vector<1x1xf32>
    %eq3A = arith.constant 0 : i32
    %eq3A_30 = arith.cmpi eq, %arg0, %eq3A : i32
    %convert_element_type3A = arith.extui %eq3A_30 : i1 to i32
    %cond3A = arith.constant 0 : i32
    %cond3A_31 = arith.cmpi ne, %convert_element_type3A, %cond3A : i32
    scf.if %cond3A_31 {
      %broadcast_in_dim3A = vector.broadcast %reduce_max3A_29 : f32 to vector<1x1xf32>
      %swap3A_36 = arith.constant 0 : index
      %swap3A_37 = arith.constant 0 : index
      %swap3A_38 = vector.load %arg7[%swap3A_36, %swap3A_37] : memref<1x1xf32, #tpu.memory_space<vmem>>, vector<1x1xf32>
      tpu.vector_store %arg7[%swap3A_36, %swap3A_37], %broadcast_in_dim3A {strides = array<i32>} : memref<1x1xf32, #tpu.memory_space<vmem>>, vector<1x1xf32>,
    } else {
    }
    %gt3A = arith.constant 0 : i32
    %gt3A_32 = arith.cmpi sgt, %arg0, %gt3A : i32
    %convert_element_type3A_33 = arith.extui %gt3A_32 : i1 to i32
    %cond3A_34 = arith.constant 0 : i32
    %cond3A_35 = arith.cmpi ne, %convert_element_type3A_33, %cond3A_34 : i32
    scf.if %cond3A_35 {
      %get3A_36 = arith.constant 0 : index
      %get3A_37 = arith.constant 0 : index
      %get3A_38 = vector.load %arg7[%get3A_36, %get3A_37] : memref<1x1xf32, #tpu.memory_space<vmem>>, vector<1x1xf32>
      %max3A_39 = vector.broadcast %reduce_max3A_29 : f32 to vector<1x1xf32>
      %max3A_40 = arith.maximumf %get3A_38, %max3A_39 : vector<1x1xf32>
      %swap3A_41 = arith.constant 0 : index
      %swap3A_42 = arith.constant 0 : index
      %swap3A_43 = vector.load %arg7[%swap3A_41, %swap3A_42] : memref<1x1xf32, #tpu.memory_space<vmem>>, vector<1x1xf32>
      tpu.vector_store %arg7[%swap3A_41, %swap3A_42], %max3A_40 {strides = array<i32>} : memref<1x1xf32, #tpu.memory_space<vmem>>, vector<1x1xf32>,
    } else {
    }
    return
  }
  func.func @transform_0(%arg0: i32) -> (i32, i32) {
    %c0_i32 = arith.constant 0 : i32
    %c0_i32_0 = arith.constant 0 : i32
    return %c0_i32, %arg0 : i32, i32
  }
  func.func @transform_1(%arg0: i32) -> (i32, i32) {
    %c0_i32 = arith.constant 0 : i32
    %c0_i32_0 = arith.constant 0 : i32
    %c0_i32_1 = arith.constant 0 : i32
    return %c0_i32, %c0_i32_0 : i32, i32
  }
  func.func @transform_2(%arg0: i32) -> (i32, i32) {
    %c0_i32 = arith.constant 0 : i32
    %c0_i32_0 = arith.constant 0 : i32
    %c0_i32_1 = arith.constant 0 : i32
    return %c0_i32, %c0_i32_0 : i32, i32
  }
  func.func @transform_3(%arg0: i32) -> (i32, i32) {
    %c0_i32 = arith.constant 0 : i32
    %c0_i32_0 = arith.constant 0 : i32
    %c0_i32_1 = arith.constant 0 : i32
    return %c0_i32, %c0_i32_0 : i32, i32
  }
  func.func @transform_4(%arg0: i32) -> (i32, i32) {
    %c0_i32 = arith.constant 0 : i32
    %c0_i32_0 = arith.constant 0 : i32
    %c0_i32_1 = arith.constant 0 : i32
    return %c0_i32, %c0_i32_0 : i32, i32
  }
  func.func @transform_5(%arg0: i32) -> (i32, i32, i32) {
    %c0_i32 = arith.constant 0 : i32
    %c0_i32_0 = arith.constant 0 : i32
    %c0_i32_1 = arith.constant 0 : i32
    return %arg0, %c0_i32, %c0_i32_0 : i32, i32, i32
  }
  func.func @transform_6(%arg0: i32) -> (i32, i32) {
    %c0_i32 = arith.constant 0 : i32
    %c0_i32_0 = arith.constant 0 : i32
    %c0_i32_1 = arith.constant 0 : i32
    return %c0_i32, %c0_i32_0 : i32, i32
  }
}

module attributes {stable_mosaic.version = 14 : i64} {
  func.func @_final_body(%arg0: memref<32x1024x80xf32, #tpu.memory_space<vmem>>, %arg1: memref<64x32xf32, #tpu.memory_space<vmem>>, %arg2: memref<1x32xf32, #tpu.memory_space<vmem>>, %arg3: memref<32x1xf32, #tpu.memory_space<vmem>>, %arg4: memref<1x1xf32, #tpu.memory_space<vmem>>, %arg5: memref<1024x1xf32, #tpu.memory_space<vmem>>) attributes {dimension_semantics = [], scalar_prefetch = 0 : i64, scratch_operands = 0 : i64, tpu.core_type = #tpu.core_type<tc>} {
    %get3A = arith.constant 0 : index
    %get3A_0 = arith.constant 0 : index
    %get3A_1 = arith.constant 0 : index
    %get3A_2 = vector.load %arg0[%get3A, %get3A_0, %get3A_1] : memref<32x1024x80xf32, #tpu.memory_space<vmem>>, vector<32x1024x80xf32>
    %reduce_sum3A = arith.constant dense<0.000000e+00> : vector<1024x80xf32>
    %reduce_sum3A_3 = vector.multi_reduction <add>, %get3A_2, %reduce_sum3A [0] : vector<32x1024x80xf32> to vector<1024x80xf32>
    %slice3A = vector.extract_strided_slice %reduce_sum3A_3 {offsets = [0, 0], sizes = [1024, 64], strides = [1, 1]} : vector<1024x80xf32> to vector<1024x64xf32>
    %slice3A_4 = vector.extract_strided_slice %reduce_sum3A_3 {offsets = [0, 64], sizes = [1024, 1], strides = [1, 1]} : vector<1024x80xf32> to vector<1024x1xf32>
    %add3A = arith.constant 1.000000e-16 : f32
    %add3A_5 = vector.broadcast %add3A : f32 to vector<1024x1xf32>
    %add3A_6 = arith.addf %slice3A_4, %add3A_5 : vector<1024x1xf32>
    %div3A = vector.broadcast %add3A_6 : vector<1024x1xf32> to vector<1024x64xf32>
    %div3A_7 = arith.divf %slice3A, %div3A : vector<1024x64xf32>
    %get3A_8 = arith.constant 0 : index
    %get3A_9 = arith.constant 0 : index
    %get3A_10 = vector.load %arg1[%get3A_8, %get3A_9] : memref<64x32xf32, #tpu.memory_space<vmem>>, vector<64x32xf32>
    %dot_general3A = arith.constant dense<0.000000e+00> : vector<1024x32xf32>
    %dot_general3A_11 = tpu.matmul %div3A_7, %get3A_10, %dot_general3A {dimension_numbers = #tpu.dot_dimension_numbers<[1], [0], [0], [1], [0, 0, 1, 1], [], []>, transpose_lhs_hint = false} : vector<1024x64xf32>, vector<64x32xf32>, vector<1024x32xf32> -> vector<1024x32xf32>
    %get3A_12 = arith.constant 0 : index
    %get3A_13 = arith.constant 0 : index
    %get3A_14 = vector.load %arg2[%get3A_12, %get3A_13] : memref<1x32xf32, #tpu.memory_space<vmem>>, vector<1x32xf32>
    %add3A_15 = vector.broadcast %get3A_14 : vector<1x32xf32> to vector<1024x32xf32>
    %add3A_16 = arith.addf %dot_general3A_11, %add3A_15 : vector<1024x32xf32>
    %max3A = arith.constant 0.000000e+00 : f32
    %max3A_17 = vector.broadcast %max3A : f32 to vector<1024x32xf32>
    %max3A_18 = arith.maximumf %add3A_16, %max3A_17 : vector<1024x32xf32>
    %get3A_19 = arith.constant 0 : index
    %get3A_20 = arith.constant 0 : index
    %get3A_21 = vector.load %arg3[%get3A_19, %get3A_20] : memref<32x1xf32, #tpu.memory_space<vmem>>, vector<32x1xf32>
    %dot_general3A_22 = arith.constant dense<0.000000e+00> : vector<1024x1xf32>
    %dot_general3A_23 = tpu.matmul %max3A_18, %get3A_21, %dot_general3A_22 {dimension_numbers = #tpu.dot_dimension_numbers<[1], [0], [0], [1], [0, 0, 1, 1], [], []>, transpose_lhs_hint = false} : vector<1024x32xf32>, vector<32x1xf32>, vector<1024x1xf32> -> vector<1024x1xf32>
    %get3A_24 = arith.constant 0 : index
    %get3A_25 = arith.constant 0 : index
    %get3A_26 = vector.load %arg4[%get3A_24, %get3A_25] : memref<1x1xf32, #tpu.memory_space<vmem>>, vector<1x1xf32>
    %add3A_27 = vector.broadcast %get3A_26 : vector<1x1xf32> to vector<1024x1xf32>
    %add3A_28 = arith.addf %dot_general3A_23, %add3A_27 : vector<1024x1xf32>
    %swap3A = arith.constant 0 : index
    %swap3A_29 = arith.constant 0 : index
    %swap3A_30 = vector.load %arg5[%swap3A, %swap3A_29] : memref<1024x1xf32, #tpu.memory_space<vmem>>, vector<1024x1xf32>
    tpu.vector_store %arg5[%swap3A, %swap3A_29], %add3A_28 {strides = array<i32>} : memref<1024x1xf32, #tpu.memory_space<vmem>>, vector<1024x1xf32>,
    return
  }
}

</mosaic_0001>

<sc_bundles>
// kernel: kernel.5.cloned.1.call-start
scs
__scs_entry_jumppad:
0x0: {  	(pc) =	sbr.rel $0x88, $3  }
0x1: {  	(tag) =	ssettag $0x0;
	lr =	simm.s32 $0x1  }
0x2: {  	[smem:$0x3F97] =	sst lr;
	_ =	strace $0xD0000000  }
0x3: {  	_ = 	snop  }
0x4: {  	_ = 	snop  }
0x5: {  	_ = 	snop  }
0x6: {  	_ = 	snop  }
0x7: {  	_ = 	snop  }
__scs_overlays_trampoline_lowered:
0x8: {  	[smem:$0x3FA6] =	sst s0  }
0x9: {  	[smem:$0x3FA7] =	sst s1  }
0xa: {  	[smem:$0x3FA8] =	sst s2  }
0xb: {  	[smem:$0x3FA9] =	sst s3  }
0xc: {  	[smem:$0x3FAA] =	sst s4  }
0xd: {  	[smem:$0x3FAB] =	sst s5  }
0xe: {  	[smem:$0x3FAC] =	sst s6  }
0xf: {  	[smem:$0x3FAD] =	sst s7  }
0x10: {  	[smem:$0x3FAE] =	sst s8  }
0x11: {  	[smem:$0x3FAF] =	sst s9;
	s0 =	simm.s32 @!p0 $0x0  }
0x12: {  	s1 =	sld [smem:$0x3F95];
	s0 =	simm.s32 @p0 $0x1  }
0x13: {  	[smem:$0x3FB0] =	sst s0;
	s0 =	simm.s32 @!p1 $0x0  }
0x14: {  	s2 =	sld [smem:$0x3F94];
	s0 =	simm.s32 @p1 $0x1  }
0x15: {  	[smem:$0x3FB1] =	sst s0;
	s0 =	simm.s32 @!p2 $0x0  }
0x16: {  	s3 =	sld [smem:$0x3FDB];
	s0 =	simm.s32 @p2 $0x1  }
0x17: {  	s4 =	simm.s32 $0x1BF5;
	[smem:$0x3FB3] =	sst s0  }
0x18: {  	s0 =	sld [smem:$0x3F96];
	_ =	swait.ge [sflag:s4], $0x0  }
0x19: {  	s7 =	sld [smem:$0x3F97]  }
0x1a: {  	s8 =	sadd.s32 $0xFFFFE003, lr  }
0x1b: {  	s9 =	sadd.s32 $0xFFFFFEF7, lr;
	s5 =	simm.s32 $0xFFFFFFFF;
	p2 =	slt.u32 s8, $0xFFFFF086  }
0x1c: {  	p1 =	slt.u32 s9, $0xF7A;
	s5 =	simm.s32 @!p2 $0x0  }
0x1d: {  	s5 =	simm.s32 @p1 $0x1;
	p0 =	seq.s32 s7, s2  }
0x1e: {  	s7 =	smul.u32 @!p0 $0xF7A, s2;
	p2 =	seq.s32 @!p0 s5, $0x0  }
0x1f: {  	s9 =	smul.u32 $0xF7A, s1;
	s8 =	simm.s32 @!p0 $0x1BF5;
	p2 =	por !p2, p0  }
0x20: {  	[sflag:s8] =	ssyncset.s32 @!p0 $0xFFFFF086;
	s6 =	sadd.s32 @!p0 s3, s7;
	s7 =	simm.s32 @!p0 $0x108  }
0x21: {  	s3 =	sadd.s32 s3, s9;
	s6 =	sadd.s32 @!p0 $0x88, s6;
	s7 =	simm.s32 @p2 $0x1082  }
0x22: {  	[simem:s7], [sflag:s8] =	dma.local @!p0 [hbm:s6], $0xF7A  }
0x23: {  	s9 =	sor.u32 $0xD0000000, s2;
	s6 =	simm.s32 $0x108;
	_ =	swait.ge @!p0 [sflag:s8], $0x0  }
0x24: {  	s3 =	sadd.s32 $0x88, s3;
	s6 =	simm.s32 @!p1 $0x1082;
	[sflag:s4] =	ssyncset.s32 $0xFFFFF086  }
0x25: {  	[simem:s6], [sflag:s4] =	dma.local [hbm:s3], $0xF7A  }
0x26: {  	[smem:$0x3F97] =	sst s1;
	(tag) =	ssettag s2;
	_ =	strace s9  }
0x27: {  	s1 =	sld [smem:$0x3FA7]  }
0x28: {  	s2 =	sld [smem:$0x3FA8]  }
0x29: {  	s4 =	sld [smem:$0x3FAA]  }
0x2a: {  	p0 =	seq.s32 s5, $0x0;
	s5 =	sld [smem:$0x3FAB]  }
0x2b: {  	s6 =	sld [smem:$0x3FAC]  }
0x2c: {  	s7 =	sld [smem:$0x3FAD]  }
0x2d: {  	s3 =	simm.s32 $0x108;
	s8 =	sld [smem:$0x3FAE]  }
0x2e: {  	s3 =	simm.s32 @!p0 $0x1082;
	s9 =	sld [smem:$0x3FAF]  }
0x2f: {  	lr =	sadd.s32 s0, s3;
	s0 =	sld [smem:$0x3FA6]  }
0x30: {  	s3 =	sld [smem:$0x3FA9]  }
0x31: {  	[smem:$0x3FB2] =	sst s10  }
0x32: {  	s10 =	sld [smem:$0x3FB0];
	_ =	sdelay $0x3  }
0x33: {  	p0 =	seq.s32 s10, $0x1;
	s10 =	sld [smem:$0x3FB2];
	_ =	sdelay $0x3  }
0x34: {  	[smem:$0x3FB2] =	sst s10  }
0x35: {  	s10 =	sld [smem:$0x3FB1];
	_ =	sdelay $0x3  }
0x36: {  	p1 =	seq.s32 s10, $0x1;
	s10 =	sld [smem:$0x3FB2];
	_ =	sdelay $0x3  }
0x37: {  	[smem:$0x3FB2] =	sst s10  }
0x38: {  	s10 =	sld [smem:$0x3FB3]  }
0x39: {  	_ = 	snop;
	(pc) =	sbr.ind lr, $3  }
0x3a: {  	_ = 	snop  }
0x3b: {  	_ = 	snop  }
0x3c: {  	p2 =	seq.s32 s10, $0x1;
	s10 =	sld [smem:$0x3FB2]  }
0x3d: {  	_ =	shalt  }
0x3e: {  	_ =	shalt  }
0x3f: {  	_ =	shalt  }
0x40: {  	_ =	shalt  }
0x41: {  	_ =	shalt  }
0x42: {  	_ =	shalt  }
0x43: {  	_ =	shalt  }
0x44: {  	_ =	shalt  }
0x45: {  	_ =	shalt  }
0x46: {  	_ =	shalt  }
0x47: {  	_ =	shalt  }
0x48: {  	_ =	shalt  }
0x49: {  	_ =	shalt  }
0x4a: {  	_ =	shalt  }
0x4b: {  	_ =	shalt  }
0x4c: {  	_ =	shalt  }
0x4d: {  	_ =	shalt  }
0x4e: {  	_ =	shalt  }
0x4f: {  	_ =	shalt  }
0x50: {  	_ =	shalt  }
0x51: {  	_ =	shalt  }
0x52: {  	_ =	shalt  }
0x53: {  	_ =	shalt  }
0x54: {  	_ =	shalt  }
0x55: {  	_ =	shalt  }
0x56: {  	_ =	shalt  }
0x57: {  	_ =	shalt  }
0x58: {  	_ =	shalt  }
0x59: {  	_ =	shalt  }
0x5a: {  	_ =	shalt  }
0x5b: {  	_ =	shalt  }
0x5c: {  	_ =	shalt  }
0x5d: {  	_ =	shalt  }
0x5e: {  	_ =	shalt  }
0x5f: {  	_ =	shalt  }
0x60: {  	_ =	shalt  }
0x61: {  	_ =	shalt  }
0x62: {  	_ =	shalt  }
0x63: {  	_ =	shalt  }
0x64: {  	_ =	shalt  }
0x65: {  	_ =	shalt  }
0x66: {  	_ =	shalt  }
0x67: {  	_ =	shalt  }
0x68: {  	_ =	shalt  }
0x69: {  	_ =	shalt  }
0x6a: {  	_ =	shalt  }
0x6b: {  	_ =	shalt  }
0x6c: {  	_ =	shalt  }
0x6d: {  	_ =	shalt  }
0x6e: {  	_ =	shalt  }
0x6f: {  	_ =	shalt  }
0x70: {  	_ =	shalt  }
0x71: {  	_ =	shalt  }
0x72: {  	_ =	shalt  }
0x73: {  	_ =	shalt  }
0x74: {  	_ =	shalt  }
0x75: {  	_ =	shalt  }
0x76: {  	_ =	shalt  }
0x77: {  	_ =	shalt  }
0x78: {  	_ =	shalt  }
0x79: {  	_ =	shalt  }
0x7a: {  	_ =	shalt  }
0x7b: {  	_ =	shalt  }
0x7c: {  	_ =	shalt  }
0x7d: {  	_ =	shalt  }
0x7e: {  	_ =	shalt  }
0x7f: {  	_ =	shalt  }
0x80: {  	_ =	shalt  }
0x81: {  	_ =	shalt  }
0x82: {  	_ =	shalt  }
0x83: {  	_ =	shalt  }
0x84: {  	_ =	shalt  }
0x85: {  	_ =	shalt  }
0x86: {  	_ =	shalt  }
0x87: {  	_ =	shalt  }
.Lfunc_end0:
.L_simem_size_0:
called_computation_lowered:
.L_overlay_start_0:
0x88: {  	s2 =	sld [smem:$0x3FD9]  }
0x89: {  	s3 =	sld [smem:$0x3FFE];
	_ =	sdelay $0x1  }
0x8a: {  	s1 =	srdreg.scid  }
0x8b: {  	s0 =	sand.u32 $0x1, s1  }
0x8c: {  	s17 =	sshll.u32 s0, $0xA;
	s2 =	sadd.s32 s3, s2  }
0x8d: {  	s2 =	sadd.s32 s2, s17  }
0x8e: {  	[smem:$0x3FBE] =	sst s2  }
0x8f: {  	_ = 	snop  }
0x90: {  	s2 =	sld [smem:$0x3FD0];
	(tm) =	ssettm $0x1  }
0x91: {  	s18 =	sld [smem:$0x3FFB];
	_ =	sdelay $0x3  }
0x92: {  	_ =	strace s18  }
0x93: {  	s3 =	sld [smem:$0x3FFC];
	_ =	sdelay $0x3  }
0x94: {  	_ =	strace s3  }
0x95: {  	s3 =	sld [smem:$0x3FFD];
	_ =	sdelay $0x3  }
0x96: {  	_ =	strace s3  }
0x97: {  	_ =	strace $0x8FFFFFFF  }
0x98: {  	s19 =	sld [smem:$0x3FDB];
	_ =	sdelay $0x1  }
0x99: {  	s4 =	simm.s32 $_scs_section_size  }
0x9a: {  	s5 =	simm.s32 $_size__tile_overlayer_lowered;
	s6 =	simm.s32 $_tile_overlayer_lowered  }
0x9b: {  	s22 =	simm.s32 $0x1BFF;
	s21 =	sshll.u32 s6, $0x1;
	s3 =	sadd.s32 s4, s19  }
0x9c: {  	s7 =	simm.s32 $0x0;
	s20 =	sshll.u32 s5, $0x1;
	s5 =	sadd.s32 s21, s3  }
0x9d: {  	[timem:s7], [sflag:s22] =	dma.local [hbm:s5], s20  }
0x9e: {  	_ =	swait.ge [sflag:s22], s20  }
0x9f: {  	s4 =	ssub.s32 $0x0, s20;
	[sflag:s22] =	ssyncset.done $0x0  }
0xa0: {  	[sflag:s22] =	ssyncadd.s32 s4;
	_ =	sdelay $0x1  }
0xa1: {  	s23 =	simm.s32 $0x1B8B  }
0xa2: {  	_ =	swait.ge [sflag:s23], $0x1  }
0xa3: {  	[sflag:s23] =	ssyncset.done $0x0  }
0xa4: {  	s25 =	simm.s32 $0x1B8E;
	s24 =	sld [smem:$0x3FFE];
	[sflag:s23] =	ssyncadd.s32 $0xFFFFFFFF  }
0xa5: {  	s26 =	simm.s32 $execute0_lowered;
	[smem:$0x3FD2] =	sst s25  }
0xa6: {  	s5 =	sshll.u32 s26, $0x1;
	_ =	strace $0x80000046;
	[dreg:$0x1] =	wrdreg $0xFFFFFFFF  }
0xa7: {  	s28 =	simm.s32 $_size_execute0_lowered;
	s3 =	sadd.s32 s3, s5;
	[dreg:$0x0] =	wrdreg $0x0  }
0xa8: {  	s5 =	sshll.u32 s28, $0x1;
	[dreg:$0x2] =	wrdreg s3  }
0xa9: {  	[dreg:$0x3] =	wrdreg s5  }
0xaa: {  	[dreg:$0x4] =	wrdreg $0xC0  }
0xab: {  	_ =	task [dreg:s7], $0x5FFFF  }
0xac: {  	[dreg:$0x1] =	wrdreg $0xFFFFFFFF  }
0xad: {  	[dreg:$0x0] =	wrdreg $0x60  }
0xae: {  	[dreg:$0x2] =	wrdreg s24  }
0xaf: {  	[dreg:$0x3] =	wrdreg s2  }
0xb0: {  	[dreg:$0x4] =	wrdreg $0x9  }
0xb1: {  	_ =	task.clear_ibuf [dreg:s7], $0x5FFFF;
	_ =	strace $0x90000046  }
0xb2: {  	s29 =	simm.s32 $0x9;
	_ =	strace $0x80000048  }
0xb3: {  	_ =	swait.ge [sflag:s29], $0x1  }
0xb4: {  	[sflag:s29] =	ssyncadd.s32 $0xFFFFFFFF  }
0xb5: {  	_ =	strace $0x90000048  }
0xb6: {  	_ =	sfence  }
0xb7: {  	s30 =	sld [smem:$0x0];
	_ =	sdelay $0x2  }
0xb8: {  	s31 =	sshll.u32 s1, $0xD;
	s1 =	sshrl.u32 s1, $0x2  }
0xb9: {  	s3 =	sand.u32 $0x4000, s31;
	s1 =	sadd.s32 s1, s30  }
0xba: {  	s0 =	sor.u32 s3, s0;
	s1 =	sshll.u32 s1, $0x11  }
0xbb: {  	s0 =	sor.u32 s1, s0  }
0xbc: {  	s0 =	sadd.s32 $0x8F2B, s0  }
0xbd: {  	[sflag:s0] =	ssyncadd.remote.s32 $0x1  }
0xbe: {  	_ =	sfence.sel $0xFFFF  }
0xbf: {  	[dreg:$0x0] =	wrdreg $0xFFFFFFFF;
	(pc) =	sbr.abs _section_cstart, $3  }
0xc0: {  	[dreg:$0x1] =	wrdreg $0xFFFFFFFF  }
0xc1: {  	_ =	task.clear_ibuf [dreg:s7], $0x2FFFF;
	_ =	strace $0x9FFFFFFF  }
0xc2: {  	(tm) =	ssettm $0x7FFFFFFF  }
0xc3: {  	_ =	shalt  }
tec
execute0_lowered:
.L_overlay_start_1:
0x0: {  	(tag) =	ssettag $0x1  }
0x1: {  	s8 =	rddreg [dreg:$0x0]  }
0x2: {  	s0 =	srdreg.scid;
	s2 =	rddreg [dreg:$0x1]  }
0x3: {  	s1 =	stileid.u32;
	s3 =	simm.s32 $0x0;
	s13 =	simm.s32 $0x8600  }
0x4: {  	s14 =	simm.s32 $0x4;
	s15 =	simm.s32 $0x8000;
	s16 =	simm.s32 $0x1  }
0x5: {  	s17 =	simm.s32 $0x2;
	s18 =	simm.s32 $0x3;
	s9 =	sand.u32 $0x1, s0  }
0x6: {  	s19 =	simm.s32 $0x8400;
	s20 =	simm.s32 $0x8200;
	s4 =	sshll.u32 s9, $0x4  }
0x7: {  	s21 =	simm.s32 $0x8610;
	s0 =	rddreg [dreg:$0x2];
	s5 =	sor.u32 s1, s4  }
0x8: {  	s22 =	simm.s32 $0x0;
	[smem:$0x7FF] =	sst s3;
	s10 =	smul.u32 $0x2800, s5  }
0x9: {  	s6 =	sadd.s32 $0x1200, s8;
	s9 =	ssub.s32 $0x2, s9;
	s5 =	smul.u32 $0x61A8, s5  }
.Ltmp0:
0xa: {  	v0 =	vimm.s32 $0x0;
	vm0 =	vcmask $0x300;
	s7 =	sadd.s32 $0x19A00, s8;
	s29 =	sshrl.u32 s9, $0x1;
	(pc) =	sbr.rel .LBB2_1-.Ltmp0, $4  }
0xb: {  	v2 =	vimm.s32 $0x1A0;
	v4 =	vimm.f32 $0.0e+00;
	v3 =	vlaneseq.u32;
	_ =	strace $0x80000047;
	s4 =	sadd.s32 $0xC36000, s8;
	s12 =	ssub.s32 s9, s29  }
0xc: {  	v5 =	vimm.s32 $0x1A1;
	v6 =	vimm.s32 $0x1A2;
	v7 =	vimm.s32 $0x1A3;
	s12 =	smax.u32 s12, $0x1;
	s11 =	sadd.s32 s10, s8;
	s30 =	sadd.s32 $0x6000, s5  }
0xd: {  	v8 =	vimm.s32 $0x1A4;
	v9 =	vimm.s32 $0x1A5;
	v10 =	vimm.s32 $0x1A6;
	s31 =	sshll.u32 s30, $0x3;
	s10 =	sshrl.u32 s30, $0x3;
	s11 =	sadd.s32 $0x32200, s11  }
0xe: {  	v11 =	vimm.s32 $0x1A7;
	v1 =	vsel vm0, $0x3, v0;
	v4 =	vsel vm0, $0x3F800000, v4;
	s8 =	sadd.s32 s4, s31;
	s9 =	sadd.s32 s6, s10;
	s10 =	sadd.s32 s7, s10  }
.LBB2_15:
0xf: {  	_ =	sdelay $0x3  }
0x10: {  	v18 =	vld.idx.msk [tilespmem:v2+s20+$0x0], $0xffff;
	_ =	sdelay $0x3  }
0x11: {  	v22 =	vld.idx.msk [tilespmem:v2+s19+$0x0], $0xffff  }
0x12: {  	v19 =	vld [tilespmem:$0x6800];
	v23 =	vmul.u32 $0x50, v18;
	_ =	sdelay $0x1  }
0x13: {  	v18 =	vor.u32 v3, v23;
	_ =	sdelay $0x2  }
0x14: {  	v19 =	vmul.f32 v19, v22;
	_ =	sdelay $0x1  }
0x15: {  	[tilespmem:v18+s21+$0x0] =	vst.idx.add.f32.msk $0xffff, v19  }
0x16: {  	v19 =	vld [tilespmem:$0x6810]  }
0x17: {  	v31 =	vor.u32 $0x10, v3  }
0x18: {  	v20 =	vadd.s32 v31, v23;
	_ =	sdelay $0x2  }
0x19: {  	v19 =	vmul.f32 v19, v22;
	_ =	sdelay $0x1  }
0x1a: {  	[tilespmem:v20+s21+$0x0] =	vst.idx.add.f32.msk $0xffff, v19  }
0x1b: {  	v20 =	vld [tilespmem:$0x6820]  }
0x1c: {  	v32 =	vor.u32 $0x20, v3  }
0x1d: {  	v21 =	vadd.s32 v32, v23;
	_ =	sdelay $0x2  }
0x1e: {  	v20 =	vmul.f32 v20, v22;
	_ =	sdelay $0x1  }
0x1f: {  	[tilespmem:v21+s21+$0x0] =	vst.idx.add.f32.msk $0xffff, v20  }
0x20: {  	v24 =	vld [tilespmem:$0x6830]  }
0x21: {  	v33 =	vor.u32 $0x30, v3  }
0x22: {  	v34 =	vor.u32 $0x40, v3;
	v25 =	vadd.s32 v33, v23  }
0x23: {  	v23 =	vadd.s32 v34, v23;
	_ =	sdelay $0x1  }
0x24: {  	v24 =	vmul.f32 v24, v22  }
0x25: {  	v22 =	vmul.f32 v4, v22  }
0x26: {  	[tilespmem:v25+s21+$0x0] =	vst.idx.add.f32.msk $0xffff, v24  }
0x27: {  	[tilespmem:v23+s21+$0x0] =	vst.idx.add.f32.msk $0xffff, v22  }
0x28: {  	v22 =	vld.idx.msk [tilespmem:v5+s20+$0x0], $0xffff;
	_ =	sdelay $0x3  }
0x29: {  	v23 =	vld.idx.msk [tilespmem:v5+s19+$0x0], $0xffff  }
0x2a: {  	v24 =	vld [tilespmem:$0x6840];
	v22 =	vmul.u32 $0x50, v22;
	_ =	sdelay $0x1  }
0x2b: {  	v35 =	vor.u32 v3, v22;
	_ =	sdelay $0x2  }
0x2c: {  	v24 =	vmul.f32 v24, v23;
	_ =	sdelay $0x1  }
0x2d: {  	[tilespmem:v35+s21+$0x0] =	vst.idx.add.f32.msk $0xffff, v24  }
0x2e: {  	v24 =	vld [tilespmem:$0x6850];
	_ =	sdelay $0x1  }
0x2f: {  	v36 =	vadd.s32 v31, v22;
	_ =	sdelay $0x2  }
0x30: {  	v24 =	vmul.f32 v24, v23;
	_ =	sdelay $0x1  }
0x31: {  	[tilespmem:v36+s21+$0x0] =	vst.idx.add.f32.msk $0xffff, v24  }
0x32: {  	v24 =	vld [tilespmem:$0x6860];
	_ =	sdelay $0x1  }
0x33: {  	v37 =	vadd.s32 v32, v22;
	_ =	sdelay $0x2  }
0x34: {  	v24 =	vmul.f32 v24, v23;
	_ =	sdelay $0x1  }
0x35: {  	[tilespmem:v37+s21+$0x0] =	vst.idx.add.f32.msk $0xffff, v24  }
0x36: {  	v24 =	vld [tilespmem:$0x6870];
	_ =	sdelay $0x1  }
0x37: {  	v38 =	vadd.s32 v33, v22  }
0x38: {  	v22 =	vadd.s32 v34, v22;
	_ =	sdelay $0x1  }
0x39: {  	v24 =	vmul.f32 v24, v23  }
0x3a: {  	v23 =	vmul.f32 v4, v23  }
0x3b: {  	[tilespmem:v38+s21+$0x0] =	vst.idx.add.f32.msk $0xffff, v24  }
0x3c: {  	[tilespmem:v22+s21+$0x0] =	vst.idx.add.f32.msk $0xffff, v23  }
0x3d: {  	v22 =	vld.idx.msk [tilespmem:v6+s20+$0x0], $0xffff;
	_ =	sdelay $0x3  }
0x3e: {  	v23 =	vld.idx.msk [tilespmem:v6+s19+$0x0], $0xffff  }
0x3f: {  	v24 =	vld [tilespmem:$0x6880];
	v22 =	vmul.u32 $0x50, v22;
	_ =	sdelay $0x1  }
0x40: {  	v39 =	vor.u32 v3, v22;
	_ =	sdelay $0x2  }
0x41: {  	v24 =	vmul.f32 v24, v23;
	_ =	sdelay $0x1  }
0x42: {  	[tilespmem:v39+s21+$0x0] =	vst.idx.add.f32.msk $0xffff, v24  }
0x43: {  	v24 =	vld [tilespmem:$0x6890];
	_ =	sdelay $0x1  }
0x44: {  	v40 =	vadd.s32 v31, v22;
	_ =	sdelay $0x2  }
0x45: {  	v24 =	vmul.f32 v24, v23;
	_ =	sdelay $0x1  }
0x46: {  	[tilespmem:v40+s21+$0x0] =	vst.idx.add.f32.msk $0xffff, v24  }
0x47: {  	v24 =	vld [tilespmem:$0x68A0];
	_ =	sdelay $0x1  }
0x48: {  	v41 =	vadd.s32 v32, v22;
	_ =	sdelay $0x2  }
0x49: {  	v24 =	vmul.f32 v24, v23;
	_ =	sdelay $0x1  }
0x4a: {  	[tilespmem:v41+s21+$0x0] =	vst.idx.add.f32.msk $0xffff, v24  }
0x4b: {  	v24 =	vld [tilespmem:$0x68B0];
	_ =	sdelay $0x1  }
0x4c: {  	v42 =	vadd.s32 v33, v22  }
0x4d: {  	v22 =	vadd.s32 v34, v22;
	_ =	sdelay $0x1  }
0x4e: {  	v24 =	vmul.f32 v24, v23  }
0x4f: {  	v23 =	vmul.f32 v4, v23  }
0x50: {  	[tilespmem:v42+s21+$0x0] =	vst.idx.add.f32.msk $0xffff, v24  }
0x51: {  	[tilespmem:v22+s21+$0x0] =	vst.idx.add.f32.msk $0xffff, v23  }
0x52: {  	v22 =	vld.idx.msk [tilespmem:v7+s20+$0x0], $0xffff;
	_ =	sdelay $0x3  }
0x53: {  	v23 =	vld.idx.msk [tilespmem:v7+s19+$0x0], $0xffff  }
0x54: {  	v24 =	vld [tilespmem:$0x68C0];
	v22 =	vmul.u32 $0x50, v22;
	_ =	sdelay $0x1  }
0x55: {  	v43 =	vor.u32 v3, v22;
	_ =	sdelay $0x2  }
0x56: {  	v24 =	vmul.f32 v24, v23;
	_ =	sdelay $0x1  }
0x57: {  	[tilespmem:v43+s21+$0x0] =	vst.idx.add.f32.msk $0xffff, v24  }
0x58: {  	v24 =	vld [tilespmem:$0x68D0];
	_ =	sdelay $0x1  }
0x59: {  	v44 =	vadd.s32 v31, v22;
	_ =	sdelay $0x2  }
0x5a: {  	v24 =	vmul.f32 v24, v23;
	_ =	sdelay $0x1  }
0x5b: {  	[tilespmem:v44+s21+$0x0] =	vst.idx.add.f32.msk $0xffff, v24  }
0x5c: {  	v24 =	vld [tilespmem:$0x68E0];
	_ =	sdelay $0x1  }
0x5d: {  	v45 =	vadd.s32 v32, v22;
	_ =	sdelay $0x2  }
0x5e: {  	v24 =	vmul.f32 v24, v23;
	_ =	sdelay $0x1  }
0x5f: {  	[tilespmem:v45+s21+$0x0] =	vst.idx.add.f32.msk $0xffff, v24  }
0x60: {  	v24 =	vld [tilespmem:$0x68F0];
	_ =	sdelay $0x1  }
0x61: {  	v46 =	vadd.s32 v33, v22  }
0x62: {  	v22 =	vadd.s32 v34, v22;
	_ =	sdelay $0x1  }
0x63: {  	v24 =	vmul.f32 v24, v23  }
0x64: {  	v23 =	vmul.f32 v4, v23  }
0x65: {  	[tilespmem:v46+s21+$0x0] =	vst.idx.add.f32.msk $0xffff, v24  }
0x66: {  	[tilespmem:v22+s21+$0x0] =	vst.idx.add.f32.msk $0xffff, v23  }
0x67: {  	v22 =	vld.idx.msk [tilespmem:v8+s20+$0x0], $0xffff;
	_ =	sdelay $0x3  }
0x68: {  	v23 =	vld.idx.msk [tilespmem:v8+s19+$0x0], $0xffff  }
0x69: {  	v24 =	vld [tilespmem:$0x6900];
	v22 =	vmul.u32 $0x50, v22;
	_ =	sdelay $0x1  }
0x6a: {  	v47 =	vor.u32 v3, v22;
	_ =	sdelay $0x2  }
0x6b: {  	v24 =	vmul.f32 v24, v23;
	_ =	sdelay $0x1  }
0x6c: {  	[tilespmem:v47+s21+$0x0] =	vst.idx.add.f32.msk $0xffff, v24  }
0x6d: {  	v24 =	vld [tilespmem:$0x6910];
	_ =	sdelay $0x1  }
0x6e: {  	v48 =	vadd.s32 v31, v22;
	_ =	sdelay $0x2  }
0x6f: {  	v24 =	vmul.f32 v24, v23;
	_ =	sdelay $0x1  }
0x70: {  	[tilespmem:v48+s21+$0x0] =	vst.idx.add.f32.msk $0xffff, v24  }
0x71: {  	v24 =	vld [tilespmem:$0x6920];
	_ =	sdelay $0x1  }
0x72: {  	v49 =	vadd.s32 v32, v22;
	_ =	sdelay $0x2  }
0x73: {  	v24 =	vmul.f32 v24, v23;
	_ =	sdelay $0x1  }
0x74: {  	[tilespmem:v49+s21+$0x0] =	vst.idx.add.f32.msk $0xffff, v24  }
0x75: {  	v24 =	vld [tilespmem:$0x6930];
	_ =	sdelay $0x1  }
0x76: {  	v50 =	vadd.s32 v33, v22  }
0x77: {  	v22 =	vadd.s32 v34, v22;
	_ =	sdelay $0x1  }
0x78: {  	v24 =	vmul.f32 v24, v23  }
0x79: {  	v23 =	vmul.f32 v4, v23  }
0x7a: {  	[tilespmem:v50+s21+$0x0] =	vst.idx.add.f32.msk $0xffff, v24  }
0x7b: {  	[tilespmem:v22+s21+$0x0] =	vst.idx.add.f32.msk $0xffff, v23  }
0x7c: {  	v22 =	vld.idx.msk [tilespmem:v9+s20+$0x0], $0xffff;
	_ =	sdelay $0x3  }
0x7d: {  	v23 =	vld.idx.msk [tilespmem:v9+s19+$0x0], $0xffff  }
0x7e: {  	v24 =	vld [tilespmem:$0x6940];
	v22 =	vmul.u32 $0x50, v22;
	_ =	sdelay $0x1  }
0x7f: {  	v51 =	vor.u32 v3, v22;
	_ =	sdelay $0x2  }
0x80: {  	v24 =	vmul.f32 v24, v23;
	_ =	sdelay $0x1  }
0x81: {  	[tilespmem:v51+s21+$0x0] =	vst.idx.add.f32.msk $0xffff, v24  }
0x82: {  	v24 =	vld [tilespmem:$0x6950];
	_ =	sdelay $0x1  }
0x83: {  	v52 =	vadd.s32 v31, v22;
	_ =	sdelay $0x2  }
0x84: {  	v24 =	vmul.f32 v24, v23;
	_ =	sdelay $0x1  }
0x85: {  	[tilespmem:v52+s21+$0x0] =	vst.idx.add.f32.msk $0xffff, v24  }
0x86: {  	v24 =	vld [tilespmem:$0x6960];
	_ =	sdelay $0x1  }
0x87: {  	v53 =	vadd.s32 v32, v22;
	_ =	sdelay $0x2  }
0x88: {  	v24 =	vmul.f32 v24, v23;
	_ =	sdelay $0x1  }
0x89: {  	[tilespmem:v53+s21+$0x0] =	vst.idx.add.f32.msk $0xffff, v24  }
0x8a: {  	v24 =	vld [tilespmem:$0x6970];
	_ =	sdelay $0x1  }
0x8b: {  	v54 =	vadd.s32 v33, v22  }
0x8c: {  	v22 =	vadd.s32 v34, v22;
	_ =	sdelay $0x1  }
0x8d: {  	v24 =	vmul.f32 v24, v23  }
0x8e: {  	v23 =	vmul.f32 v4, v23  }
0x8f: {  	[tilespmem:v54+s21+$0x0] =	vst.idx.add.f32.msk $0xffff, v24  }
0x90: {  	[tilespmem:v22+s21+$0x0] =	vst.idx.add.f32.msk $0xffff, v23  }
0x91: {  	v22 =	vld.idx.msk [tilespmem:v10+s20+$0x0], $0xffff;
	_ =	sdelay $0x3  }
0x92: {  	v23 =	vld.idx.msk [tilespmem:v10+s19+$0x0], $0xffff  }
0x93: {  	v24 =	vld [tilespmem:$0x6980];
	v22 =	vmul.u32 $0x50, v22;
	_ =	sdelay $0x1  }
0x94: {  	v55 =	vor.u32 v3, v22;
	_ =	sdelay $0x2  }
0x95: {  	v24 =	vmul.f32 v24, v23;
	_ =	sdelay $0x1  }
0x96: {  	[tilespmem:v55+s21+$0x0] =	vst.idx.add.f32.msk $0xffff, v24  }
0x97: {  	v24 =	vld [tilespmem:$0x6990];
	_ =	sdelay $0x1  }
0x98: {  	v56 =	vadd.s32 v31, v22;
	_ =	sdelay $0x2  }
0x99: {  	v24 =	vmul.f32 v24, v23;
	_ =	sdelay $0x1  }
0x9a: {  	[tilespmem:v56+s21+$0x0] =	vst.idx.add.f32.msk $0xffff, v24  }
0x9b: {  	v24 =	vld [tilespmem:$0x69A0];
	_ =	sdelay $0x1  }
0x9c: {  	v57 =	vadd.s32 v32, v22;
	_ =	sdelay $0x2  }
0x9d: {  	v24 =	vmul.f32 v24, v23;
	_ =	sdelay $0x1  }
0x9e: {  	[tilespmem:v57+s21+$0x0] =	vst.idx.add.f32.msk $0xffff, v24  }
0x9f: {  	v24 =	vld [tilespmem:$0x69B0];
	_ =	sdelay $0x1  }
0xa0: {  	v58 =	vadd.s32 v33, v22  }
0xa1: {  	v22 =	vadd.s32 v34, v22;
	_ =	sdelay $0x1  }
0xa2: {  	v24 =	vmul.f32 v24, v23  }
0xa3: {  	v23 =	vmul.f32 v4, v23  }
0xa4: {  	[tilespmem:v58+s21+$0x0] =	vst.idx.add.f32.msk $0xffff, v24  }
0xa5: {  	[tilespmem:v22+s21+$0x0] =	vst.idx.add.f32.msk $0xffff, v23  }
0xa6: {  	v22 =	vld.idx.msk [tilespmem:v11+s20+$0x0], $0xffff;
	_ =	sdelay $0x3  }
0xa7: {  	v23 =	vld.idx.msk [tilespmem:v11+s19+$0x0], $0xffff  }
0xa8: {  	v24 =	vld [tilespmem:$0x69C0];
	v22 =	vmul.u32 $0x50, v22;
	_ =	sdelay $0x1  }
0xa9: {  	v59 =	vor.u32 v3, v22;
	_ =	sdelay $0x2  }
0xaa: {  	v24 =	vmul.f32 v24, v23;
	_ =	sdelay $0x1  }
0xab: {  	[tilespmem:v59+s21+$0x0] =	vst.idx.add.f32.msk $0xffff, v24  }
0xac: {  	v24 =	vld [tilespmem:$0x69D0];
	_ =	sdelay $0x1  }
0xad: {  	v60 =	vadd.s32 v31, v22;
	_ =	sdelay $0x2  }
0xae: {  	v24 =	vmul.f32 v24, v23;
	_ =	sdelay $0x1  }
0xaf: {  	[tilespmem:v60+s21+$0x0] =	vst.idx.add.f32.msk $0xffff, v24  }
0xb0: {  	v24 =	vld [tilespmem:$0x69E0];
	_ =	sdelay $0x1  }
0xb1: {  	v61 =	vadd.s32 v32, v22;
	_ =	sdelay $0x2  }
0xb2: {  	v24 =	vmul.f32 v24, v23;
	_ =	sdelay $0x1  }
0xb3: {  	[tilespmem:v61+s21+$0x0] =	vst.idx.add.f32.msk $0xffff, v24  }
0xb4: {  	v24 =	vld [tilespmem:$0x69F0];
	_ =	sdelay $0x1  }
0xb5: {  	v13 =	vmul.u32 $0x50, v13;
	v62 =	vadd.s32 v33, v22  }
0xb6: {  	v22 =	vadd.s32 v34, v22  }
0xb7: {  	v26 =	vor.u32 v3, v13  }
0xb8: {  	v18 =	vadd.s32 v31, v13;
	v24 =	vmul.f32 v24, v23  }
0xb9: {  	v19 =	vadd.s32 v32, v13;
	v23 =	vmul.f32 v4, v23  }
0xba: {  	v20 =	vadd.s32 v33, v13;
	[tilespmem:v62+s21+$0x0] =	vst.idx.add.f32.msk $0xffff, v24  }
0xbb: {  	v13 =	vadd.s32 v34, v13;
	[tilespmem:v22+s21+$0x0] =	vst.idx.add.f32.msk $0xffff, v23  }
0xbc: {  	[tilespmem:v26+s21+$0x0] =	vst.idx.add.f32.msk $0xffff, v12  }
0xbd: {  	[tilespmem:v18+s21+$0x0] =	vst.idx.add.f32.msk $0xffff, v17  }
0xbe: {  	v63 =	vmul.f32 v4, v14;
	s22 =	sadd.s32 $0x1, s22;
	[tilespmem:v19+s21+$0x0] =	vst.idx.add.f32.msk $0xffff, v16  }
0xbf: {  	p0 =	sne.s32 s22, s12;
	[tilespmem:v20+s21+$0x0] =	vst.idx.add.f32.msk $0xffff, v15  }
.Ltmp1:
0xc0: {  	[tilespmem:v13+s21+$0x0] =	vst.idx.add.f32.msk $0xffff, v63;
	(pc) =	sbr.rel @!p0 .LBB2_16-.Ltmp1, $4  }
0xc1: {  	[hbm4b:s11+s3] =	stream.linear.scatter [tilespmem:s21], [sflag:$0x4], $0x14000, $0x38;
	[tilespmem:$0x1C610] =	vst v63  }
0xc2: {  	_ =	swait.ge [sflag:s14], $0x14000  }
0xc3: {  	[sflag:s14] =	ssyncset.done $0x0  }
0xc4: {  	[sflag:s14] =	ssyncadd.s32 $0xFFFEC000  }
.LBB2_1:
0xc5: {  	[tilespmem:s13], [sflag:$0x4] =	stream.linear.gather [hbm4b:s2+s3], $0x10, $0x38;
	[tilespmem:$0x1C610] =	vst v63  }
0xc6: {  	_ =	swait.ge [sflag:s14], $0x10  }
0xc7: {  	[sflag:s14] =	ssyncset.done $0x0  }
0xc8: {  	s24 =	simm.s32 $0x140;
	s23 =	simm.s32 $0x0;
	v14 =	vimm.f32 $0.0e+00;
	[sflag:s14] =	ssyncadd.s32 $0xFFFFFFF0  }
.LBB2_2:
0xc9: {  	p0 =	sne.s32 s24, $0x4FEC0;
	[tilespmem:s23+$0x8650] =	vst v14;
	s25 =	smov.u32 s24;
	s24 =	sadd.s32 $0x140, s24  }
.Ltmp2:
0xca: {  	[tilespmem:s23+$0x8630] =	vst v14;
	(pc) =	sbr.rel @p0 .LBB2_2-.Ltmp2, $4  }
0xcb: {  	[tilespmem:s23+$0x8640] =	vst v14  }
0xcc: {  	[tilespmem:s23+$0x8620] =	vst v14  }
0xcd: {  	[tilespmem:s23+$0x8610] =	vst v14  }
0xce: {  	s23 =	sshra.s32 s25, $0x2;
	v14 =	vimm.f32 $0.0e+00  }
.Ltmp3:
0xcf: {  	[tilespmem:s23+$0x8650] =	vst v14;
	(pc) =	sbr.rel .LBB2_4-.Ltmp3, $4  }
0xd0: {  	[tilespmem:s23+$0x8630] =	vst v14  }
0xd1: {  	[tilespmem:s23+$0x8640] =	vst v14  }
0xd2: {  	[tilespmem:s23+$0x8620] =	vst v14;
	v13 =	vimm.s32 $0x0;
	v15 =	vimm.f32 $0.0e+00  }
0xd3: {  	[tilespmem:s23+$0x8610] =	vst v14;
	s23 =	simm.s32 $0x0;
	v16 =	vimm.f32 $0.0e+00;
	v17 =	vimm.f32 $0.0e+00;
	v12 =	vimm.f32 $0.0e+00  }
.LBB2_9:
0xd4: {  	s23 =	sadd.s32 $0x1, s23  }
0xd5: {  	p0 =	sne.s32 s23, $0x30  }
.Ltmp4:
0xd6: {  	_ = 	snop;
	(pc) =	sbr.rel @!p0 .LBB2_10-.Ltmp4, $1  }
0xd7: {  	_ =	sdelay $0x3  }
.LBB2_4:
0xd8: {  	s24 =	sshll.u32 s23, $0x9  }
0xd9: {  	s24 =	sadd.s32 s5, s24  }
0xda: {  	s25 =	sshll.u32 s24, $0x3  }
0xdb: {  	s24 =	sshrl.u32 s24, $0x3;
	s25 =	sadd.s32 s4, s25  }
0xdc: {  	[tilespmem:s3], [sflag:$0x1] =	stream.linear.gather [hbm4b:s25+s3], $0x8000, $0x38;
	[tilespmem:$0x1C610] =	vst v63  }
0xdd: {  	s30 =	sadd.s32 s6, s24  }
0xde: {  	[tilespmem:s15], [sflag:$0x2] =	stream.linear.gather [hbm4b:s30+s3], $0x200, $0x38;
	[tilespmem:$0x1C610] =	vst v63  }
0xdf: {  	s31 =	sadd.s32 s7, s24;
	s24 =	simm.s32 $0x8200  }
0xe0: {  	[tilespmem:s24], [sflag:$0x3] =	stream.linear.gather [hbm4b:s31+s3], $0x200, $0x38;
	[tilespmem:$0x1C610] =	vst v63  }
0xe1: {  	_ =	swait.ge [sflag:s16], $0x8000  }
0xe2: {  	[sflag:s16] =	ssyncset.done $0x0  }
0xe3: {  	[sflag:s16] =	ssyncadd.s32 $0xFFFF8000  }
0xe4: {  	_ =	swait.ge [sflag:s17], $0x200  }
0xe5: {  	[sflag:s17] =	ssyncset.done $0x0  }
0xe6: {  	[sflag:s17] =	ssyncadd.s32 $0xFFFFFE00  }
0xe7: {  	_ =	swait.ge [sflag:s18], $0x200  }
0xe8: {  	[sflag:s18] =	ssyncset.done $0x0  }
0xe9: {  	[sflag:s18] =	ssyncadd.s32 $0xFFFFFE00  }
0xea: {  	v18 =	vld [tilespmem:$0x8000]  }
0xeb: {  	v19 =	vld [tilespmem:$0x8600]  }
0xec: {  	v20 =	vld [tilespmem:$0x8010]  }
0xed: {  	v21 =	vld [tilespmem:$0x8600]  }
0xee: {  	v22 =	vld [tilespmem:$0x8020]  }
0xef: {  	v23 =	vld [tilespmem:$0x8600]  }
0xf0: {  	v24 =	vld [tilespmem:$0x8030]  }
0xf1: {  	v25 =	vld [tilespmem:$0x8600]  }
0xf2: {  	v26 =	vld [tilespmem:$0x8040]  }
0xf3: {  	v27 =	vld [tilespmem:$0x8600]  }
0xf4: {  	v28 =	vld [tilespmem:$0x8050]  }
0xf5: {  	v29 =	vld [tilespmem:$0x8600]  }
0xf6: {  	v30 =	vld [tilespmem:$0x8060]  }
0xf7: {  	v31 =	vld [tilespmem:$0x8600]  }
0xf8: {  	v32 =	vld [tilespmem:$0x8070]  }
0xf9: {  	v33 =	vld [tilespmem:$0x8600]  }
0xfa: {  	v34 =	vld [tilespmem:$0x8080]  }
0xfb: {  	v35 =	vld [tilespmem:$0x8600]  }
0xfc: {  	v36 =	vld [tilespmem:$0x8090]  }
0xfd: {  	v37 =	vld [tilespmem:$0x8600]  }
0xfe: {  	v38 =	vld [tilespmem:$0x80A0]  }
0xff: {  	v39 =	vld [tilespmem:$0x8600]  }
0x100: {  	v40 =	vld [tilespmem:$0x80B0]  }
0x101: {  	v41 =	vld [tilespmem:$0x8600]  }
0x102: {  	v42 =	vld [tilespmem:$0x80C0]  }
0x103: {  	v43 =	vld [tilespmem:$0x8600]  }
0x104: {  	v44 =	vld [tilespmem:$0x80D0]  }
0x105: {  	v45 =	vld [tilespmem:$0x8600]  }
0x106: {  	v46 =	vld [tilespmem:$0x80E0]  }
0x107: {  	v47 =	vld [tilespmem:$0x8600]  }
0x108: {  	v48 =	vld [tilespmem:$0x80F0]  }
0x109: {  	v49 =	vld [tilespmem:$0x8600]  }
0x10a: {  	v50 =	vld [tilespmem:$0x8100]  }
0x10b: {  	v51 =	vld [tilespmem:$0x8600]  }
0x10c: {  	v52 =	vld [tilespmem:$0x8110]  }
0x10d: {  	v53 =	vld [tilespmem:$0x8600]  }
0x10e: {  	v54 =	vld [tilespmem:$0x8120];
	v18 =	vsub.f32 v18, v19  }
0x10f: {  	v19 =	vld [tilespmem:$0x8600];
	v20 =	vsub.f32 v20, v21  }
0x110: {  	v21 =	vld [tilespmem:$0x8130];
	v22 =	vsub.f32 v22, v23;
	v18 =	vmul.f32 $1.442695020e+00, v18  }
0x111: {  	v23 =	vld [tilespmem:$0x8600];
	v24 =	vsub.f32 v24, v25;
	v20 =	vmul.f32 $1.442695020e+00, v20  }
0x112: {  	v25 =	vld [tilespmem:$0x8140];
	v60 =	vsub.f32 v26, v27;
	(erf) = vpow2.f32 v18;
	v18 =	vmul.f32 $1.442695020e+00, v22  }
0x113: {  	v26 =	vld [tilespmem:$0x8600];
	v62 =	vsub.f32 v28, v29;
	v61 =	vmul.f32 $1.442695020e+00, v24;
	(erf) = vpow2.f32 v20  }
0x114: {  	v27 =	vld [tilespmem:$0x8150];
	v63 =	vsub.f32 v30, v31;
	(erf) = vpow2.f32 v18;
	v18 =	vmul.f32 $1.442695020e+00, v60  }
0x115: {  	v28 =	vld [tilespmem:$0x8600];
	v56 =	vsub.f32 v32, v33;
	v55 =	vmul.f32 $1.442695020e+00, v62;
	(erf) = vpow2.f32 v61  }
0x116: {  	v29 =	vld [tilespmem:$0x8160];
	v57 =	vsub.f32 v34, v35;
	(erf) = vpow2.f32 v18;
	v18 =	vmul.f32 $1.442695020e+00, v63  }
0x117: {  	v30 =	vld [tilespmem:$0x8600];
	v59 =	vsub.f32 v36, v37;
	v58 =	vmul.f32 $1.442695020e+00, v56;
	(erf) = vpow2.f32 v55  }
0x118: {  	v31 =	vld [tilespmem:$0x8170];
	v60 =	vsub.f32 v38, v39;
	(erf) = vpow2.f32 v18;
	v18 =	vmul.f32 $1.442695020e+00, v57  }
0x119: {  	v32 =	vld [tilespmem:$0x8600];
	v62 =	vsub.f32 v40, v41;
	v61 =	vmul.f32 $1.442695020e+00, v59;
	(erf) = vpow2.f32 v58  }
0x11a: {  	v33 =	vld [tilespmem:$0x8180];
	v63 =	vsub.f32 v42, v43;
	(erf) = vpow2.f32 v18;
	v18 =	vmul.f32 $1.442695020e+00, v60  }
0x11b: {  	v34 =	vld [tilespmem:$0x8600];
	v41 =	vmul.f32 $1.442695020e+00, v62;
	v42 =	vsub.f32 v44, v45;
	v40 =	vpop (erf);
	(erf) = vpow2.f32 v61  }
0x11c: {  	v36 =	vld [tilespmem:$0x8190];
	v44 =	vsub.f32 v46, v47;
	v43 =	vpop (erf);
	(erf) = vpow2.f32 v18;
	v18 =	vmul.f32 $1.442695020e+00, v63  }
0x11d: {  	v37 =	vld [tilespmem:$0x8600];
	v47 =	vsub.f32 v48, v49;
	v46 =	vmul.f32 $1.442695020e+00, v42;
	[tilespmem:$0x8400] =	vst v40;
	v45 =	vpop (erf);
	(erf) = vpow2.f32 v41  }
0x11e: {  	v35 =	vld [tilespmem:$0x81D0];
	v49 =	vsub.f32 v50, v51;
	[tilespmem:$0x8410] =	vst v43;
	v48 =	vpop (erf);
	(erf) = vpow2.f32 v18;
	v18 =	vmul.f32 $1.442695020e+00, v44  }
0x11f: {  	v53 =	vsub.f32 v52, v53;
	v22 =	vld [tilespmem:$0x8600];
	v51 =	vmul.f32 $1.442695020e+00, v47;
	[tilespmem:$0x8420] =	vst v45;
	v50 =	vpop (erf);
	(erf) = vpow2.f32 v46  }
0x120: {  	v19 =	vsub.f32 v54, v19;
	v38 =	vld [tilespmem:$0x81A0];
	[tilespmem:$0x8430] =	vst v48;
	v55 =	vpop (erf);
	(erf) = vpow2.f32 v18;
	v18 =	vmul.f32 $1.442695020e+00, v49  }
0x121: {  	v21 =	vsub.f32 v21, v23;
	v39 =	vld [tilespmem:$0x8600];
	v57 =	vmul.f32 $1.442695020e+00, v53;
	[tilespmem:$0x8440] =	vst v50;
	v56 =	vpop (erf);
	(erf) = vpow2.f32 v51  }
0x122: {  	v42 =	vld [tilespmem:$0x8600];
	[tilespmem:$0x8450] =	vst v55;
	v59 =	vpop (erf);
	(erf) = vpow2.f32 v18;
	v18 =	vmul.f32 $1.442695020e+00, v19;
	v19 =	vsub.f32 v25, v26  }
0x123: {  	v62 =	vmul.f32 $1.442695020e+00, v21;
	v58 =	vld [tilespmem:$0x81C0];
	v63 =	vsub.f32 v27, v28;
	[tilespmem:$0x8460] =	vst v56;
	v61 =	vpop (erf);
	(erf) = vpow2.f32 v57  }
0x124: {  	v40 =	vld [tilespmem:$0x81B0];
	[tilespmem:$0x8470] =	vst v59;
	v41 =	vpop (erf);
	(erf) = vpow2.f32 v18;
	v18 =	vmul.f32 $1.442695020e+00, v19;
	v19 =	vsub.f32 v29, v30  }
0x125: {  	v60 =	vld [tilespmem:$0x8600];
	v44 =	vmul.f32 $1.442695020e+00, v63;
	v45 =	vsub.f32 v31, v32;
	[tilespmem:$0x8480] =	vst v61;
	v43 =	vpop (erf);
	(erf) = vpow2.f32 v62  }
0x126: {  	v46 =	vld [tilespmem:$0x81E0];
	[tilespmem:$0x8490] =	vst v41;
	v47 =	vpop (erf);
	(erf) = vpow2.f32 v18;
	v18 =	vmul.f32 $1.442695020e+00, v19;
	v19 =	vsub.f32 v33, v34  }
0x127: {  	v48 =	vld [tilespmem:$0x8600];
	v50 =	vmul.f32 $1.442695020e+00, v45;
	v51 =	vsub.f32 v36, v37;
	[tilespmem:$0x84A0] =	vst v43;
	v49 =	vpop (erf);
	(erf) = vpow2.f32 v44  }
0x128: {  	v52 =	vld [tilespmem:$0x81F0];
	[tilespmem:$0x84B0] =	vst v47;
	v53 =	vpop (erf);
	(erf) = vpow2.f32 v18;
	v18 =	vmul.f32 $1.442695020e+00, v19;
	v19 =	vsub.f32 v38, v39  }
0x129: {  	v54 =	vld [tilespmem:$0x8600];
	v56 =	vsub.f32 v40, v22;
	v21 =	vmul.f32 $1.442695020e+00, v51;
	[tilespmem:$0x84C0] =	vst v49;
	v55 =	vpop (erf);
	(erf) = vpow2.f32 v50  }
0x12a: {  	[tilespmem:$0x84D0] =	vst v53;
	v57 =	vpop (erf);
	(erf) = vpow2.f32 v18;
	v18 =	vsub.f32 v58, v60;
	v19 =	vmul.f32 $1.442695020e+00, v19  }
0x12b: {  	v59 =	vsub.f32 v35, v42;
	v20 =	vmul.f32 $1.442695020e+00, v56;
	[tilespmem:$0x84E0] =	vst v55;
	v58 =	vpop (erf);
	(erf) = vpow2.f32 v21  }
0x12c: {  	[tilespmem:$0x84F0] =	vst v57;
	v60 =	vpop (erf);
	(erf) = vpow2.f32 v19;
	v19 =	vsub.f32 v46, v48;
	v18 =	vmul.f32 $1.442695020e+00, v18  }
0x12d: {  	v21 =	vmul.f32 $1.442695020e+00, v59;
	[tilespmem:$0x8500] =	vst v58;
	v61 =	vpop (erf);
	(erf) = vpow2.f32 v20  }
0x12e: {  	v62 =	vsub.f32 v52, v54;
	[tilespmem:$0x8510] =	vst v60;
	v63 =	vpop (erf);
	(erf) = vpow2.f32 v18;
	v18 =	vmul.f32 $1.442695020e+00, v19  }
0x12f: {  	[tilespmem:$0x8520] =	vst v61  }
0x130: {  	v20 =	vmul.f32 $1.442695020e+00, v62;
	[tilespmem:$0x8530] =	vst v63;
	v19 =	vpop (erf);
	(erf) = vpow2.f32 v21  }
0x131: {  	[tilespmem:$0x8540] =	vst v19;
	v19 =	vpop (erf);
	(erf) = vpow2.f32 v18  }
0x132: {  	[tilespmem:$0x8550] =	vst v19;
	v18 =	vpop (erf);
	(erf) = vpow2.f32 v20  }
0x133: {  	v19 =	vpop (erf);
	[tilespmem:$0x8560] =	vst v18  }
0x134: {  	v18 =	vpop (erf);
	[tilespmem:$0x8570] =	vst v19  }
0x135: {  	v19 =	vpop (erf);
	[tilespmem:$0x8580] =	vst v18  }
0x136: {  	v18 =	vpop (erf);
	[tilespmem:$0x8590] =	vst v19  }
0x137: {  	v19 =	vpop (erf);
	[tilespmem:$0x85A0] =	vst v18  }
.Ltmp5:
0x138: {  	v18 =	vpop (erf);
	[tilespmem:$0x85B0] =	vst v19;
	(pc) =	sbr.rel .LBB2_5-.Ltmp5, $4  }
0x139: {  	v19 =	vpop (erf);
	[tilespmem:$0x85C0] =	vst v18  }
0x13a: {  	v18 =	vpop (erf);
	[tilespmem:$0x85D0] =	vst v19  }
0x13b: {  	[tilespmem:$0x85E0] =	vst v18;
	v18 =	vpop (erf)  }
0x13c: {  	s26 =	simm.s32 $0x200;
	s25 =	simm.s32 $0xF;
	[tilespmem:$0x85F0] =	vst v18  }
.LBB2_7:
0x13d: {  	_ =	sdelay $0x3  }
0x13e: {  	v22 =	vmul.u32 $0x50, v13;
	_ =	sdelay $0x1  }
0x13f: {  	v20 =	vor.u32 $0x10, v3;
	v23 =	vor.u32 v3, v22  }
0x140: {  	v19 =	vor.u32 $0x20, v3;
	v24 =	vadd.s32 v20, v22  }
0x141: {  	v13 =	vor.u32 $0x30, v3;
	v25 =	vadd.s32 v19, v22  }
0x142: {  	v18 =	vor.u32 $0x40, v3;
	v21 =	vshll.u32 v21, v1;
	v26 =	vadd.s32 v13, v22  }
0x143: {  	v21 =	vbroadcast v21, $0x0;
	v22 =	vadd.s32 v18, v22  }
0x144: {  	[tilespmem:v23+s21+$0x0] =	vst.idx.add.f32.msk $0xffff, v12;
	v12 =	vimm.f32 $0.0e+00  }
0x145: {  	[tilespmem:v24+s21+$0x0] =	vst.idx.add.f32.msk $0xffff, v17;
	v17 =	vsel vm0, $0x3F800000, v12  }
0x146: {  	[tilespmem:v25+s21+$0x0] =	vst.idx.add.f32.msk $0xffff, v16;
	v14 =	vmul.f32 v17, v14  }
0x147: {  	[tilespmem:v26+s21+$0x0] =	vst.idx.add.f32.msk $0xffff, v15  }
0x148: {  	[tilespmem:v22+s21+$0x0] =	vst.idx.add.f32.msk $0xffff, v14  }
0x149: {  	v14 =	vld.idx.msk [tilespmem:v21+s20+$0x0], $0xffff;
	_ =	sdelay $0x3  }
0x14a: {  	v15 =	vld.idx.msk [tilespmem:v21+s19+$0x0], $0xffff  }
0x14b: {  	v16 =	vld [tilespmem:s26+$0xFFFFFE00];
	v14 =	vmul.u32 $0x50, v14;
	_ =	sdelay $0x1  }
0x14c: {  	v42 =	vor.u32 v3, v14;
	_ =	sdelay $0x2  }
0x14d: {  	v16 =	vmul.f32 v16, v15;
	_ =	sdelay $0x1  }
0x14e: {  	[tilespmem:v42+s21+$0x0] =	vst.idx.add.f32.msk $0xffff, v16  }
0x14f: {  	v16 =	vld [tilespmem:s26+$0xFFFFFE10];
	_ =	sdelay $0x1  }
0x150: {  	v43 =	vadd.s32 v20, v14;
	_ =	sdelay $0x2  }
0x151: {  	v16 =	vmul.f32 v16, v15;
	_ =	sdelay $0x1  }
0x152: {  	[tilespmem:v43+s21+$0x0] =	vst.idx.add.f32.msk $0xffff, v16  }
0x153: {  	v16 =	vld [tilespmem:s26+$0xFFFFFE20];
	_ =	sdelay $0x1  }
0x154: {  	v44 =	vadd.s32 v19, v14;
	_ =	sdelay $0x2  }
0x155: {  	v16 =	vmul.f32 v16, v15  }
0x156: {  	s28 =	sadd.s32 $0xFFFFFFF2, s25  }
0x157: {  	[tilespmem:v44+s21+$0x0] =	vst.idx.add.f32.msk $0xffff, v16;
	v16 =	vmov s28  }
0x158: {  	v21 =	vld [tilespmem:s26+$0xFFFFFE30];
	v16 =	vshrl.u32 v16, $0x3  }
0x159: {  	v16 =	vshll.u32 v16, v1  }
0x15a: {  	v45 =	vadd.s32 v13, v14;
	v16 =	vadd.s32 $0x1, v16  }
0x15b: {  	v14 =	vadd.s32 v18, v14;
	v16 =	vbroadcast v16, $0x0;
	_ =	sdelay $0x1  }
0x15c: {  	v21 =	vmul.f32 v21, v15  }
0x15d: {  	v15 =	vmul.f32 v17, v15  }
0x15e: {  	[tilespmem:v45+s21+$0x0] =	vst.idx.add.f32.msk $0xffff, v21  }
0x15f: {  	[tilespmem:v14+s21+$0x0] =	vst.idx.add.f32.msk $0xffff, v15  }
0x160: {  	v14 =	vld.idx.msk [tilespmem:v16+s20+$0x0], $0xffff;
	_ =	sdelay $0x3  }
0x161: {  	v15 =	vld.idx.msk [tilespmem:v16+s19+$0x0], $0xffff  }
0x162: {  	v16 =	vld [tilespmem:s26+$0xFFFFFE40];
	v14 =	vmul.u32 $0x50, v14;
	_ =	sdelay $0x1  }
0x163: {  	v46 =	vor.u32 v3, v14;
	_ =	sdelay $0x2  }
0x164: {  	v16 =	vmul.f32 v16, v15;
	_ =	sdelay $0x1  }
0x165: {  	[tilespmem:v46+s21+$0x0] =	vst.idx.add.f32.msk $0xffff, v16  }
0x166: {  	v16 =	vld [tilespmem:s26+$0xFFFFFE50];
	_ =	sdelay $0x1  }
0x167: {  	v47 =	vadd.s32 v20, v14;
	_ =	sdelay $0x2  }
0x168: {  	v16 =	vmul.f32 v16, v15;
	_ =	sdelay $0x1  }
0x169: {  	[tilespmem:v47+s21+$0x0] =	vst.idx.add.f32.msk $0xffff, v16  }
0x16a: {  	v16 =	vld [tilespmem:s26+$0xFFFFFE60];
	_ =	sdelay $0x1  }
0x16b: {  	v48 =	vadd.s32 v19, v14;
	_ =	sdelay $0x2  }
0x16c: {  	v16 =	vmul.f32 v16, v15  }
0x16d: {  	s31 =	sadd.s32 $0xFFFFFFF3, s25  }
0x16e: {  	[tilespmem:v48+s21+$0x0] =	vst.idx.add.f32.msk $0xffff, v16;
	v16 =	vmov s31  }
0x16f: {  	v21 =	vld [tilespmem:s26+$0xFFFFFE70];
	v16 =	vshrl.u32 v16, $0x3  }
0x170: {  	v16 =	vshll.u32 v16, v1  }
0x171: {  	v49 =	vadd.s32 v13, v14;
	v16 =	vadd.s32 $0x2, v16  }
0x172: {  	v14 =	vadd.s32 v18, v14;
	v16 =	vbroadcast v16, $0x0;
	_ =	sdelay $0x1  }
0x173: {  	v21 =	vmul.f32 v21, v15  }
0x174: {  	v15 =	vmul.f32 v17, v15  }
0x175: {  	[tilespmem:v49+s21+$0x0] =	vst.idx.add.f32.msk $0xffff, v21  }
0x176: {  	[tilespmem:v14+s21+$0x0] =	vst.idx.add.f32.msk $0xffff, v15  }
0x177: {  	v14 =	vld.idx.msk [tilespmem:v16+s20+$0x0], $0xffff;
	_ =	sdelay $0x3  }
0x178: {  	v15 =	vld.idx.msk [tilespmem:v16+s19+$0x0], $0xffff  }
0x179: {  	v16 =	vld [tilespmem:s26+$0xFFFFFE80];
	v14 =	vmul.u32 $0x50, v14;
	_ =	sdelay $0x1  }
0x17a: {  	v50 =	vor.u32 v3, v14;
	_ =	sdelay $0x2  }
0x17b: {  	v16 =	vmul.f32 v16, v15;
	_ =	sdelay $0x1  }
0x17c: {  	[tilespmem:v50+s21+$0x0] =	vst.idx.add.f32.msk $0xffff, v16  }
0x17d: {  	v16 =	vld [tilespmem:s26+$0xFFFFFE90];
	_ =	sdelay $0x1  }
0x17e: {  	v51 =	vadd.s32 v20, v14;
	_ =	sdelay $0x2  }
0x17f: {  	v16 =	vmul.f32 v16, v15;
	_ =	sdelay $0x1  }
0x180: {  	[tilespmem:v51+s21+$0x0] =	vst.idx.add.f32.msk $0xffff, v16  }
0x181: {  	v16 =	vld [tilespmem:s26+$0xFFFFFEA0];
	_ =	sdelay $0x1  }
0x182: {  	v52 =	vadd.s32 v19, v14;
	_ =	sdelay $0x2  }
0x183: {  	v16 =	vmul.f32 v16, v15  }
0x184: {  	s29 =	sadd.s32 $0xFFFFFFF4, s25  }
0x185: {  	[tilespmem:v52+s21+$0x0] =	vst.idx.add.f32.msk $0xffff, v16;
	v16 =	vmov s29  }
0x186: {  	v21 =	vld [tilespmem:s26+$0xFFFFFEB0];
	v16 =	vshrl.u32 v16, $0x3  }
0x187: {  	v16 =	vshll.u32 v16, v1  }
0x188: {  	v53 =	vadd.s32 v13, v14;
	v16 =	vadd.s32 $0x3, v16  }
0x189: {  	v14 =	vadd.s32 v18, v14;
	v16 =	vbroadcast v16, $0x0;
	_ =	sdelay $0x1  }
0x18a: {  	v21 =	vmul.f32 v21, v15  }
0x18b: {  	v15 =	vmul.f32 v17, v15  }
0x18c: {  	[tilespmem:v53+s21+$0x0] =	vst.idx.add.f32.msk $0xffff, v21  }
0x18d: {  	[tilespmem:v14+s21+$0x0] =	vst.idx.add.f32.msk $0xffff, v15  }
0x18e: {  	v14 =	vld.idx.msk [tilespmem:v16+s20+$0x0], $0xffff;
	_ =	sdelay $0x3  }
0x18f: {  	v15 =	vld.idx.msk [tilespmem:v16+s19+$0x0], $0xffff  }
0x190: {  	v16 =	vld [tilespmem:s26+$0xFFFFFEC0];
	v14 =	vmul.u32 $0x50, v14;
	_ =	sdelay $0x1  }
0x191: {  	v54 =	vor.u32 v3, v14;
	_ =	sdelay $0x2  }
0x192: {  	v16 =	vmul.f32 v16, v15;
	_ =	sdelay $0x1  }
0x193: {  	[tilespmem:v54+s21+$0x0] =	vst.idx.add.f32.msk $0xffff, v16  }
0x194: {  	v16 =	vld [tilespmem:s26+$0xFFFFFED0];
	_ =	sdelay $0x1  }
0x195: {  	v55 =	vadd.s32 v20, v14;
	_ =	sdelay $0x2  }
0x196: {  	v16 =	vmul.f32 v16, v15;
	_ =	sdelay $0x1  }
0x197: {  	[tilespmem:v55+s21+$0x0] =	vst.idx.add.f32.msk $0xffff, v16  }
0x198: {  	v16 =	vld [tilespmem:s26+$0xFFFFFEE0];
	_ =	sdelay $0x1  }
0x199: {  	v56 =	vadd.s32 v19, v14;
	_ =	sdelay $0x2  }
0x19a: {  	v16 =	vmul.f32 v16, v15  }
0x19b: {  	s30 =	sadd.s32 $0xFFFFFFF5, s25  }
0x19c: {  	[tilespmem:v56+s21+$0x0] =	vst.idx.add.f32.msk $0xffff, v16;
	v16 =	vmov s30  }
0x19d: {  	v21 =	vld [tilespmem:s26+$0xFFFFFEF0];
	v16 =	vshrl.u32 v16, $0x3  }
0x19e: {  	v16 =	vshll.u32 v16, v1  }
0x19f: {  	v57 =	vadd.s32 v13, v14;
	v16 =	vadd.s32 $0x4, v16  }
0x1a0: {  	v14 =	vadd.s32 v18, v14;
	v16 =	vbroadcast v16, $0x0;
	_ =	sdelay $0x1  }
0x1a1: {  	v21 =	vmul.f32 v21, v15  }
0x1a2: {  	v15 =	vmul.f32 v17, v15  }
0x1a3: {  	[tilespmem:v57+s21+$0x0] =	vst.idx.add.f32.msk $0xffff, v21  }
0x1a4: {  	[tilespmem:v14+s21+$0x0] =	vst.idx.add.f32.msk $0xffff, v15  }
0x1a5: {  	v14 =	vld.idx.msk [tilespmem:v16+s20+$0x0], $0xffff;
	_ =	sdelay $0x3  }
0x1a6: {  	v15 =	vld.idx.msk [tilespmem:v16+s19+$0x0], $0xffff  }
0x1a7: {  	v16 =	vld [tilespmem:s26+$0xFFFFFF00];
	v14 =	vmul.u32 $0x50, v14;
	_ =	sdelay $0x1  }
0x1a8: {  	v58 =	vor.u32 v3, v14;
	_ =	sdelay $0x2  }
0x1a9: {  	v16 =	vmul.f32 v16, v15;
	_ =	sdelay $0x1  }
0x1aa: {  	[tilespmem:v58+s21+$0x0] =	vst.idx.add.f32.msk $0xffff, v16  }
0x1ab: {  	v16 =	vld [tilespmem:s26+$0xFFFFFF10];
	_ =	sdelay $0x1  }
0x1ac: {  	v59 =	vadd.s32 v20, v14;
	_ =	sdelay $0x2  }
0x1ad: {  	v16 =	vmul.f32 v16, v15;
	_ =	sdelay $0x1  }
0x1ae: {  	[tilespmem:v59+s21+$0x0] =	vst.idx.add.f32.msk $0xffff, v16  }
0x1af: {  	v16 =	vld [tilespmem:s26+$0xFFFFFF20];
	_ =	sdelay $0x1  }
0x1b0: {  	v60 =	vadd.s32 v19, v14;
	_ =	sdelay $0x2  }
0x1b1: {  	v16 =	vmul.f32 v16, v15  }
0x1b2: {  	s31 =	sadd.s32 $0xFFFFFFF6, s25  }
0x1b3: {  	[tilespmem:v60+s21+$0x0] =	vst.idx.add.f32.msk $0xffff, v16;
	v16 =	vmov s31  }
0x1b4: {  	v21 =	vld [tilespmem:s26+$0xFFFFFF30];
	v16 =	vshrl.u32 v16, $0x3  }
0x1b5: {  	v16 =	vshll.u32 v16, v1  }
0x1b6: {  	v61 =	vadd.s32 v13, v14;
	v16 =	vadd.s32 $0x5, v16  }
0x1b7: {  	v14 =	vadd.s32 v18, v14;
	v16 =	vbroadcast v16, $0x0;
	_ =	sdelay $0x1  }
0x1b8: {  	v21 =	vmul.f32 v21, v15  }
0x1b9: {  	v15 =	vmul.f32 v17, v15  }
0x1ba: {  	[tilespmem:v61+s21+$0x0] =	vst.idx.add.f32.msk $0xffff, v21  }
0x1bb: {  	[tilespmem:v14+s21+$0x0] =	vst.idx.add.f32.msk $0xffff, v15  }
0x1bc: {  	v14 =	vld.idx.msk [tilespmem:v16+s20+$0x0], $0xffff;
	_ =	sdelay $0x3  }
0x1bd: {  	v15 =	vld.idx.msk [tilespmem:v16+s19+$0x0], $0xffff  }
0x1be: {  	v16 =	vld [tilespmem:s26+$0xFFFFFF40];
	v14 =	vmul.u32 $0x50, v14;
	_ =	sdelay $0x1  }
0x1bf: {  	v62 =	vor.u32 v3, v14;
	_ =	sdelay $0x2  }
0x1c0: {  	v16 =	vmul.f32 v16, v15;
	_ =	sdelay $0x1  }
0x1c1: {  	[tilespmem:v62+s21+$0x0] =	vst.idx.add.f32.msk $0xffff, v16  }
0x1c2: {  	v16 =	vld [tilespmem:s26+$0xFFFFFF50];
	_ =	sdelay $0x1  }
0x1c3: {  	v63 =	vadd.s32 v20, v14;
	_ =	sdelay $0x2  }
0x1c4: {  	v16 =	vmul.f32 v16, v15;
	_ =	sdelay $0x1  }
0x1c5: {  	[tilespmem:v63+s21+$0x0] =	vst.idx.add.f32.msk $0xffff, v16  }
0x1c6: {  	v16 =	vld [tilespmem:s26+$0xFFFFFF60];
	_ =	sdelay $0x1  }
0x1c7: {  	v24 =	vadd.s32 v19, v14;
	_ =	sdelay $0x2  }
0x1c8: {  	v16 =	vmul.f32 v16, v15  }
0x1c9: {  	s29 =	sadd.s32 $0xFFFFFFF7, s25  }
0x1ca: {  	[tilespmem:v24+s21+$0x0] =	vst.idx.add.f32.msk $0xffff, v16;
	v16 =	vmov s29  }
0x1cb: {  	v21 =	vld [tilespmem:s26+$0xFFFFFF70];
	v16 =	vshrl.u32 v16, $0x3  }
0x1cc: {  	v16 =	vshll.u32 v16, v1  }
0x1cd: {  	v25 =	vadd.s32 v13, v14;
	v16 =	vadd.s32 $0x6, v16  }
0x1ce: {  	v14 =	vadd.s32 v18, v14;
	v16 =	vbroadcast v16, $0x0;
	_ =	sdelay $0x1  }
0x1cf: {  	v21 =	vmul.f32 v21, v15  }
0x1d0: {  	v15 =	vmul.f32 v17, v15  }
0x1d1: {  	[tilespmem:v25+s21+$0x0] =	vst.idx.add.f32.msk $0xffff, v21  }
0x1d2: {  	[tilespmem:v14+s21+$0x0] =	vst.idx.add.f32.msk $0xffff, v15  }
0x1d3: {  	v14 =	vld.idx.msk [tilespmem:v16+s20+$0x0], $0xffff;
	_ =	sdelay $0x3  }
0x1d4: {  	v15 =	vld.idx.msk [tilespmem:v16+s19+$0x0], $0xffff  }
0x1d5: {  	v16 =	vld [tilespmem:s26+$0xFFFFFF80];
	v14 =	vmul.u32 $0x50, v14;
	_ =	sdelay $0x1  }
0x1d6: {  	v26 =	vor.u32 v3, v14;
	_ =	sdelay $0x2  }
0x1d7: {  	v16 =	vmul.f32 v16, v15;
	_ =	sdelay $0x1  }
0x1d8: {  	[tilespmem:v26+s21+$0x0] =	vst.idx.add.f32.msk $0xffff, v16  }
0x1d9: {  	v16 =	vld [tilespmem:s26+$0xFFFFFF90];
	_ =	sdelay $0x1  }
0x1da: {  	v27 =	vadd.s32 v20, v14;
	_ =	sdelay $0x2  }
0x1db: {  	v16 =	vmul.f32 v16, v15;
	_ =	sdelay $0x1  }
0x1dc: {  	[tilespmem:v27+s21+$0x0] =	vst.idx.add.f32.msk $0xffff, v16  }
0x1dd: {  	v16 =	vld [tilespmem:s26+$0xFFFFFFA0];
	_ =	sdelay $0x1  }
0x1de: {  	v28 =	vadd.s32 v19, v14;
	_ =	sdelay $0x2  }
0x1df: {  	v16 =	vmul.f32 v16, v15  }
0x1e0: {  	s30 =	sadd.s32 $0xFFFFFFF8, s25  }
0x1e1: {  	[tilespmem:v28+s21+$0x0] =	vst.idx.add.f32.msk $0xffff, v16;
	v16 =	vmov s30  }
0x1e2: {  	v21 =	vld [tilespmem:s26+$0xFFFFFFB0];
	v16 =	vshrl.u32 v16, $0x3  }
0x1e3: {  	v16 =	vshll.u32 v16, v1  }
0x1e4: {  	v29 =	vadd.s32 v13, v14;
	v16 =	vadd.s32 $0x7, v16  }
0x1e5: {  	v14 =	vadd.s32 v18, v14;
	v16 =	vbroadcast v16, $0x0;
	_ =	sdelay $0x1  }
0x1e6: {  	v21 =	vmul.f32 v21, v15  }
0x1e7: {  	v15 =	vmul.f32 v17, v15  }
0x1e8: {  	[tilespmem:v29+s21+$0x0] =	vst.idx.add.f32.msk $0xffff, v21  }
0x1e9: {  	[tilespmem:v14+s21+$0x0] =	vst.idx.add.f32.msk $0xffff, v15  }
0x1ea: {  	v14 =	vld.idx.msk [tilespmem:v16+s20+$0x0], $0xffff;
	_ =	sdelay $0x3  }
0x1eb: {  	v15 =	vld.idx.msk [tilespmem:v16+s19+$0x0], $0xffff  }
0x1ec: {  	v16 =	vld [tilespmem:s26+$0xFFFFFFC0];
	v14 =	vmul.u32 $0x50, v14;
	_ =	sdelay $0x1  }
0x1ed: {  	v30 =	vor.u32 v3, v14;
	_ =	sdelay $0x2  }
0x1ee: {  	v16 =	vmul.f32 v16, v15;
	_ =	sdelay $0x1  }
0x1ef: {  	[tilespmem:v30+s21+$0x0] =	vst.idx.add.f32.msk $0xffff, v16  }
0x1f0: {  	v16 =	vld [tilespmem:s26+$0xFFFFFFD0];
	_ =	sdelay $0x1  }
0x1f1: {  	v31 =	vadd.s32 v20, v14;
	_ =	sdelay $0x2  }
0x1f2: {  	v16 =	vmul.f32 v16, v15;
	_ =	sdelay $0x1  }
0x1f3: {  	[tilespmem:v31+s21+$0x0] =	vst.idx.add.f32.msk $0xffff, v16  }
0x1f4: {  	v16 =	vld [tilespmem:s26+$0xFFFFFFE0];
	_ =	sdelay $0x1  }
0x1f5: {  	v32 =	vadd.s32 v19, v14;
	_ =	sdelay $0x2  }
0x1f6: {  	v16 =	vmul.f32 v16, v15;
	_ =	sdelay $0x1  }
0x1f7: {  	s31 =	sadd.s32 $0xFFFFFFF9, s25;
	[tilespmem:v32+s21+$0x0] =	vst.idx.add.f32.msk $0xffff, v16  }
0x1f8: {  	v33 =	vmov s31;
	v16 =	vld [tilespmem:s26+$0xFFFFFFF0]  }
0x1f9: {  	v21 =	vshrl.u32 v33, $0x3  }
0x1fa: {  	v21 =	vshll.u32 v21, v1;
	v34 =	vadd.s32 v13, v14  }
0x1fb: {  	v21 =	vbroadcast v21, $0x0;
	v14 =	vadd.s32 v18, v14;
	_ =	sdelay $0x1  }
0x1fc: {  	v16 =	vmul.f32 v16, v15  }
0x1fd: {  	v15 =	vmul.f32 v17, v15  }
0x1fe: {  	[tilespmem:v34+s21+$0x0] =	vst.idx.add.f32.msk $0xffff, v16  }
0x1ff: {  	[tilespmem:v14+s21+$0x0] =	vst.idx.add.f32.msk $0xffff, v15  }
0x200: {  	v14 =	vld.idx.msk [tilespmem:v21+s20+$0x0], $0xffff;
	_ =	sdelay $0x3  }
0x201: {  	v15 =	vld.idx.msk [tilespmem:v21+s19+$0x0], $0xffff  }
0x202: {  	v16 =	vld [tilespmem:s26+$0x0];
	v14 =	vmul.u32 $0x50, v14;
	_ =	sdelay $0x1  }
0x203: {  	v35 =	vor.u32 v3, v14;
	_ =	sdelay $0x2  }
0x204: {  	v16 =	vmul.f32 v16, v15;
	_ =	sdelay $0x1  }
0x205: {  	[tilespmem:v35+s21+$0x0] =	vst.idx.add.f32.msk $0xffff, v16  }
0x206: {  	v16 =	vld [tilespmem:s26+$0x10];
	_ =	sdelay $0x1  }
0x207: {  	v36 =	vadd.s32 v20, v14;
	_ =	sdelay $0x2  }
0x208: {  	v16 =	vmul.f32 v16, v15;
	_ =	sdelay $0x1  }
0x209: {  	[tilespmem:v36+s21+$0x0] =	vst.idx.add.f32.msk $0xffff, v16  }
0x20a: {  	v16 =	vld [tilespmem:s26+$0x20];
	_ =	sdelay $0x1  }
0x20b: {  	v37 =	vadd.s32 v19, v14;
	_ =	sdelay $0x2  }
0x20c: {  	v16 =	vmul.f32 v16, v15  }
0x20d: {  	s29 =	sadd.s32 $0xFFFFFFFA, s25  }
0x20e: {  	[tilespmem:v37+s21+$0x0] =	vst.idx.add.f32.msk $0xffff, v16;
	v16 =	vmov s29  }
0x20f: {  	v21 =	vld [tilespmem:s26+$0x30];
	v16 =	vshrl.u32 v16, $0x3  }
0x210: {  	v16 =	vshll.u32 v16, v1  }
0x211: {  	v38 =	vadd.s32 v13, v14;
	v16 =	vadd.s32 $0x1, v16  }
0x212: {  	v14 =	vadd.s32 v18, v14;
	v16 =	vbroadcast v16, $0x0;
	_ =	sdelay $0x1  }
0x213: {  	v21 =	vmul.f32 v21, v15  }
0x214: {  	v15 =	vmul.f32 v17, v15  }
0x215: {  	[tilespmem:v38+s21+$0x0] =	vst.idx.add.f32.msk $0xffff, v21  }
0x216: {  	[tilespmem:v14+s21+$0x0] =	vst.idx.add.f32.msk $0xffff, v15  }
0x217: {  	v14 =	vld.idx.msk [tilespmem:v16+s20+$0x0], $0xffff;
	_ =	sdelay $0x3  }
0x218: {  	v15 =	vld.idx.msk [tilespmem:v16+s19+$0x0], $0xffff  }
0x219: {  	v16 =	vld [tilespmem:s26+$0x40];
	v14 =	vmul.u32 $0x50, v14;
	_ =	sdelay $0x1  }
0x21a: {  	v39 =	vor.u32 v3, v14;
	_ =	sdelay $0x2  }
0x21b: {  	v16 =	vmul.f32 v16, v15;
	_ =	sdelay $0x1  }
0x21c: {  	[tilespmem:v39+s21+$0x0] =	vst.idx.add.f32.msk $0xffff, v16  }
0x21d: {  	v16 =	vld [tilespmem:s26+$0x50];
	_ =	sdelay $0x1  }
0x21e: {  	v40 =	vadd.s32 v20, v14;
	_ =	sdelay $0x2  }
0x21f: {  	v16 =	vmul.f32 v16, v15;
	_ =	sdelay $0x1  }
0x220: {  	[tilespmem:v40+s21+$0x0] =	vst.idx.add.f32.msk $0xffff, v16  }
0x221: {  	v16 =	vld [tilespmem:s26+$0x60];
	_ =	sdelay $0x1  }
0x222: {  	v41 =	vadd.s32 v19, v14;
	_ =	sdelay $0x2  }
0x223: {  	v16 =	vmul.f32 v16, v15  }
0x224: {  	s30 =	sadd.s32 $0xFFFFFFFB, s25  }
0x225: {  	[tilespmem:v41+s21+$0x0] =	vst.idx.add.f32.msk $0xffff, v16;
	v16 =	vmov s30  }
0x226: {  	v21 =	vld [tilespmem:s26+$0x70];
	v16 =	vshrl.u32 v16, $0x3  }
0x227: {  	v16 =	vshll.u32 v16, v1  }
0x228: {  	v42 =	vadd.s32 v13, v14;
	v16 =	vadd.s32 $0x2, v16  }
0x229: {  	v14 =	vadd.s32 v18, v14;
	v16 =	vbroadcast v16, $0x0;
	_ =	sdelay $0x1  }
0x22a: {  	v21 =	vmul.f32 v21, v15  }
0x22b: {  	v15 =	vmul.f32 v17, v15  }
0x22c: {  	[tilespmem:v42+s21+$0x0] =	vst.idx.add.f32.msk $0xffff, v21  }
0x22d: {  	[tilespmem:v14+s21+$0x0] =	vst.idx.add.f32.msk $0xffff, v15  }
0x22e: {  	v14 =	vld.idx.msk [tilespmem:v16+s20+$0x0], $0xffff;
	_ =	sdelay $0x3  }
0x22f: {  	v15 =	vld.idx.msk [tilespmem:v16+s19+$0x0], $0xffff  }
0x230: {  	v16 =	vld [tilespmem:s26+$0x80];
	v14 =	vmul.u32 $0x50, v14;
	_ =	sdelay $0x1  }
0x231: {  	v43 =	vor.u32 v3, v14;
	_ =	sdelay $0x2  }
0x232: {  	v16 =	vmul.f32 v16, v15;
	_ =	sdelay $0x1  }
0x233: {  	[tilespmem:v43+s21+$0x0] =	vst.idx.add.f32.msk $0xffff, v16  }
0x234: {  	v16 =	vld [tilespmem:s26+$0x90];
	_ =	sdelay $0x1  }
0x235: {  	v44 =	vadd.s32 v20, v14;
	_ =	sdelay $0x2  }
0x236: {  	v16 =	vmul.f32 v16, v15;
	_ =	sdelay $0x1  }
0x237: {  	[tilespmem:v44+s21+$0x0] =	vst.idx.add.f32.msk $0xffff, v16  }
0x238: {  	v16 =	vld [tilespmem:s26+$0xA0];
	_ =	sdelay $0x1  }
0x239: {  	v45 =	vadd.s32 v19, v14;
	_ =	sdelay $0x2  }
0x23a: {  	v16 =	vmul.f32 v16, v15  }
0x23b: {  	s31 =	sadd.s32 $0xFFFFFFFC, s25  }
0x23c: {  	[tilespmem:v45+s21+$0x0] =	vst.idx.add.f32.msk $0xffff, v16;
	v16 =	vmov s31  }
0x23d: {  	v21 =	vld [tilespmem:s26+$0xB0];
	v16 =	vshrl.u32 v16, $0x3  }
0x23e: {  	v16 =	vshll.u32 v16, v1  }
0x23f: {  	v46 =	vadd.s32 v13, v14;
	v16 =	vadd.s32 $0x3, v16  }
0x240: {  	v14 =	vadd.s32 v18, v14;
	v16 =	vbroadcast v16, $0x0;
	_ =	sdelay $0x1  }
0x241: {  	v21 =	vmul.f32 v21, v15  }
0x242: {  	v15 =	vmul.f32 v17, v15  }
0x243: {  	[tilespmem:v46+s21+$0x0] =	vst.idx.add.f32.msk $0xffff, v21  }
0x244: {  	[tilespmem:v14+s21+$0x0] =	vst.idx.add.f32.msk $0xffff, v15  }
0x245: {  	v14 =	vld.idx.msk [tilespmem:v16+s20+$0x0], $0xffff;
	_ =	sdelay $0x3  }
0x246: {  	v15 =	vld.idx.msk [tilespmem:v16+s19+$0x0], $0xffff  }
0x247: {  	v16 =	vld [tilespmem:s26+$0xC0];
	v14 =	vmul.u32 $0x50, v14;
	_ =	sdelay $0x1  }
0x248: {  	v47 =	vor.u32 v3, v14;
	_ =	sdelay $0x2  }
0x249: {  	v16 =	vmul.f32 v16, v15;
	_ =	sdelay $0x1  }
0x24a: {  	[tilespmem:v47+s21+$0x0] =	vst.idx.add.f32.msk $0xffff, v16  }
0x24b: {  	v16 =	vld [tilespmem:s26+$0xD0];
	_ =	sdelay $0x1  }
0x24c: {  	v48 =	vadd.s32 v20, v14;
	_ =	sdelay $0x2  }
0x24d: {  	v16 =	vmul.f32 v16, v15;
	_ =	sdelay $0x1  }
0x24e: {  	[tilespmem:v48+s21+$0x0] =	vst.idx.add.f32.msk $0xffff, v16  }
0x24f: {  	v16 =	vld [tilespmem:s26+$0xE0];
	_ =	sdelay $0x1  }
0x250: {  	v49 =	vadd.s32 v19, v14;
	_ =	sdelay $0x2  }
0x251: {  	v16 =	vmul.f32 v16, v15  }
0x252: {  	s29 =	sadd.s32 $0xFFFFFFFD, s25  }
0x253: {  	[tilespmem:v49+s21+$0x0] =	vst.idx.add.f32.msk $0xffff, v16;
	v16 =	vmov s29  }
0x254: {  	v21 =	vld [tilespmem:s26+$0xF0];
	v16 =	vshrl.u32 v16, $0x3  }
0x255: {  	v16 =	vshll.u32 v16, v1  }
0x256: {  	v50 =	vadd.s32 v13, v14;
	v16 =	vadd.s32 $0x4, v16  }
0x257: {  	v14 =	vadd.s32 v18, v14;
	v16 =	vbroadcast v16, $0x0;
	_ =	sdelay $0x1  }
0x258: {  	v21 =	vmul.f32 v21, v15  }
0x259: {  	v15 =	vmul.f32 v17, v15  }
0x25a: {  	[tilespmem:v50+s21+$0x0] =	vst.idx.add.f32.msk $0xffff, v21  }
0x25b: {  	[tilespmem:v14+s21+$0x0] =	vst.idx.add.f32.msk $0xffff, v15  }
0x25c: {  	v14 =	vld.idx.msk [tilespmem:v16+s20+$0x0], $0xffff;
	_ =	sdelay $0x3  }
0x25d: {  	v15 =	vld.idx.msk [tilespmem:v16+s19+$0x0], $0xffff  }
0x25e: {  	v16 =	vld [tilespmem:s26+$0x100];
	v14 =	vmul.u32 $0x50, v14;
	_ =	sdelay $0x1  }
0x25f: {  	v51 =	vor.u32 v3, v14;
	_ =	sdelay $0x2  }
0x260: {  	v16 =	vmul.f32 v16, v15;
	_ =	sdelay $0x1  }
0x261: {  	[tilespmem:v51+s21+$0x0] =	vst.idx.add.f32.msk $0xffff, v16  }
0x262: {  	v16 =	vld [tilespmem:s26+$0x110];
	_ =	sdelay $0x1  }
0x263: {  	v52 =	vadd.s32 v20, v14;
	_ =	sdelay $0x2  }
0x264: {  	v16 =	vmul.f32 v16, v15;
	_ =	sdelay $0x1  }
0x265: {  	[tilespmem:v52+s21+$0x0] =	vst.idx.add.f32.msk $0xffff, v16  }
0x266: {  	v16 =	vld [tilespmem:s26+$0x120];
	_ =	sdelay $0x1  }
0x267: {  	v53 =	vadd.s32 v19, v14;
	_ =	sdelay $0x2  }
0x268: {  	v16 =	vmul.f32 v16, v15  }
0x269: {  	s30 =	sadd.s32 $0xFFFFFFFE, s25  }
0x26a: {  	[tilespmem:v53+s21+$0x0] =	vst.idx.add.f32.msk $0xffff, v16;
	v16 =	vmov s30  }
0x26b: {  	v21 =	vld [tilespmem:s26+$0x130];
	v16 =	vshrl.u32 v16, $0x3  }
0x26c: {  	v16 =	vshll.u32 v16, v1  }
0x26d: {  	v54 =	vadd.s32 v13, v14;
	v16 =	vadd.s32 $0x5, v16  }
0x26e: {  	v14 =	vadd.s32 v18, v14;
	v16 =	vbroadcast v16, $0x0;
	_ =	sdelay $0x1  }
0x26f: {  	v21 =	vmul.f32 v21, v15  }
0x270: {  	v15 =	vmul.f32 v17, v15  }
0x271: {  	[tilespmem:v54+s21+$0x0] =	vst.idx.add.f32.msk $0xffff, v21  }
0x272: {  	[tilespmem:v14+s21+$0x0] =	vst.idx.add.f32.msk $0xffff, v15  }
0x273: {  	v14 =	vld.idx.msk [tilespmem:v16+s20+$0x0], $0xffff;
	_ =	sdelay $0x3  }
0x274: {  	v15 =	vld.idx.msk [tilespmem:v16+s19+$0x0], $0xffff  }
0x275: {  	v16 =	vld [tilespmem:s26+$0x140];
	v14 =	vmul.u32 $0x50, v14;
	_ =	sdelay $0x1  }
0x276: {  	v55 =	vor.u32 v3, v14;
	_ =	sdelay $0x2  }
0x277: {  	v16 =	vmul.f32 v16, v15;
	_ =	sdelay $0x1  }
0x278: {  	[tilespmem:v55+s21+$0x0] =	vst.idx.add.f32.msk $0xffff, v16  }
0x279: {  	v16 =	vld [tilespmem:s26+$0x150];
	_ =	sdelay $0x1  }
0x27a: {  	v56 =	vadd.s32 v20, v14;
	_ =	sdelay $0x2  }
0x27b: {  	v16 =	vmul.f32 v16, v15;
	_ =	sdelay $0x1  }
0x27c: {  	[tilespmem:v56+s21+$0x0] =	vst.idx.add.f32.msk $0xffff, v16  }
0x27d: {  	v16 =	vld [tilespmem:s26+$0x160];
	_ =	sdelay $0x1  }
0x27e: {  	v57 =	vadd.s32 v19, v14;
	_ =	sdelay $0x2  }
0x27f: {  	v16 =	vmul.f32 v16, v15  }
0x280: {  	s31 =	sadd.s32 $0xFFFFFFFF, s25  }
0x281: {  	[tilespmem:v57+s21+$0x0] =	vst.idx.add.f32.msk $0xffff, v16;
	v16 =	vmov s31  }
0x282: {  	v21 =	vld [tilespmem:s26+$0x170];
	v16 =	vshrl.u32 v16, $0x3  }
0x283: {  	v16 =	vshll.u32 v16, v1  }
0x284: {  	v58 =	vadd.s32 v13, v14;
	v16 =	vadd.s32 $0x6, v16  }
0x285: {  	v14 =	vadd.s32 v18, v14;
	v16 =	vbroadcast v16, $0x0;
	_ =	sdelay $0x1  }
0x286: {  	v21 =	vmul.f32 v21, v15  }
0x287: {  	v15 =	vmul.f32 v17, v15  }
0x288: {  	[tilespmem:v58+s21+$0x0] =	vst.idx.add.f32.msk $0xffff, v21  }
0x289: {  	[tilespmem:v14+s21+$0x0] =	vst.idx.add.f32.msk $0xffff, v15  }
0x28a: {  	v14 =	vld.idx.msk [tilespmem:v16+s20+$0x0], $0xffff;
	_ =	sdelay $0x3  }
0x28b: {  	v15 =	vld.idx.msk [tilespmem:v16+s19+$0x0], $0xffff  }
0x28c: {  	v16 =	vld [tilespmem:s26+$0x180];
	v14 =	vmul.u32 $0x50, v14;
	_ =	sdelay $0x1  }
0x28d: {  	v59 =	vor.u32 v3, v14;
	_ =	sdelay $0x2  }
0x28e: {  	v16 =	vmul.f32 v16, v15;
	_ =	sdelay $0x1  }
0x28f: {  	[tilespmem:v59+s21+$0x0] =	vst.idx.add.f32.msk $0xffff, v16  }
0x290: {  	v16 =	vld [tilespmem:s26+$0x190];
	_ =	sdelay $0x1  }
0x291: {  	v60 =	vadd.s32 v20, v14;
	_ =	sdelay $0x2  }
0x292: {  	v16 =	vmul.f32 v16, v15;
	_ =	sdelay $0x1  }
0x293: {  	[tilespmem:v60+s21+$0x0] =	vst.idx.add.f32.msk $0xffff, v16  }
0x294: {  	v16 =	vld [tilespmem:s26+$0x1A0];
	_ =	sdelay $0x1  }
0x295: {  	v61 =	vadd.s32 v19, v14;
	_ =	sdelay $0x2  }
0x296: {  	v16 =	vmul.f32 v16, v15;
	_ =	sdelay $0x1  }
0x297: {  	[tilespmem:v61+s21+$0x0] =	vst.idx.add.f32.msk $0xffff, v16;
	v16 =	vmov s25  }
0x298: {  	v21 =	vld [tilespmem:s26+$0x1B0];
	v16 =	vshrl.u32 v16, $0x3  }
0x299: {  	v16 =	vshll.u32 v16, v1  }
0x29a: {  	v62 =	vadd.s32 v13, v14;
	v16 =	vadd.s32 $0x7, v16  }
0x29b: {  	v14 =	vadd.s32 v18, v14;
	v16 =	vbroadcast v16, $0x0;
	_ =	sdelay $0x1  }
0x29c: {  	v21 =	vmul.f32 v21, v15  }
0x29d: {  	v15 =	vmul.f32 v17, v15  }
0x29e: {  	[tilespmem:v62+s21+$0x0] =	vst.idx.add.f32.msk $0xffff, v21  }
0x29f: {  	[tilespmem:v14+s21+$0x0] =	vst.idx.add.f32.msk $0xffff, v15  }
0x2a0: {  	v14 =	vld.idx.msk [tilespmem:v16+s20+$0x0], $0xffff;
	_ =	sdelay $0x3  }
0x2a1: {  	v15 =	vld.idx.msk [tilespmem:v16+s19+$0x0], $0xffff  }
0x2a2: {  	v21 =	vld [tilespmem:s26+$0x1C0];
	v14 =	vmul.u32 $0x50, v14;
	_ =	sdelay $0x1  }
0x2a3: {  	v63 =	vor.u32 v3, v14;
	_ =	sdelay $0x2  }
0x2a4: {  	v21 =	vmul.f32 v21, v15;
	_ =	sdelay $0x1  }
0x2a5: {  	[tilespmem:v63+s21+$0x0] =	vst.idx.add.f32.msk $0xffff, v21  }
0x2a6: {  	v21 =	vld [tilespmem:s26+$0x1D0];
	_ =	sdelay $0x1  }
0x2a7: {  	v20 =	vadd.s32 v20, v14;
	_ =	sdelay $0x2  }
0x2a8: {  	v21 =	vmul.f32 v21, v15;
	_ =	sdelay $0x1  }
0x2a9: {  	[tilespmem:v20+s21+$0x0] =	vst.idx.add.f32.msk $0xffff, v21  }
0x2aa: {  	v20 =	vld [tilespmem:s26+$0x1E0];
	_ =	sdelay $0x1  }
0x2ab: {  	v19 =	vadd.s32 v19, v14;
	_ =	sdelay $0x2  }
0x2ac: {  	v20 =	vmul.f32 v20, v15;
	_ =	sdelay $0x1  }
0x2ad: {  	[tilespmem:v19+s21+$0x0] =	vst.idx.add.f32.msk $0xffff, v20  }
0x2ae: {  	v19 =	vld [tilespmem:s26+$0x1F0];
	_ =	sdelay $0x1  }
0x2af: {  	v13 =	vadd.s32 v13, v14  }
0x2b0: {  	v14 =	vadd.s32 v18, v14;
	_ =	sdelay $0x1  }
0x2b1: {  	v18 =	vmul.f32 v19, v15  }
0x2b2: {  	v15 =	vmul.f32 v17, v15  }
0x2b3: {  	[tilespmem:v13+s21+$0x0] =	vst.idx.add.f32.msk $0xffff, v18  }
0x2b4: {  	v17 =	vimm.f32 $0.0e+00;
	[tilespmem:v14+s21+$0x0] =	vst.idx.add.f32.msk $0xffff, v15  }
0x2b5: {  	v15 =	vimm.f32 $0.0e+00;
	v14 =	vimm.f32 $0.0e+00;
	v13 =	vld.idx.msk [tilespmem:v16+s20+$0x0], $0xffff;
	v16 =	vimm.f32 $0.0e+00  }
.LBB2_8:
0x2b6: {  	s25 =	sadd.s32 $0x10, s25  }
0x2b7: {  	p0 =	sne.s32 s25, $0x20F  }
.Ltmp6:
0x2b8: {  	_ = 	snop;
	(pc) =	sbr.rel @!p0 .LBB2_9-.Ltmp6, $2  }
0x2b9: {  	_ =	sdelay $0x2  }
0x2ba: {  	s24 =	sadd.s32 $0x10, s24;
	s26 =	sadd.s32 $0x400, s26  }
.LBB2_5:
0x2bb: {  	v18 =	vld [tilespmem:s24+$0x0];
	_ =	sdelay $0x4  }
0x2bc: {  	vm1 =	veq.s32 v18, v13  }
0x2bd: {  	v18 =	vsel vm1, $0x1, v0  }
0x2be: {  	v18 =	vor.u32 $0x80000000, v18  }
0x2bf: {  	(xrf0) =	vmin.scan.msk.u32 $0xffff, v18;
	_ =	sdelay $0x5  }
0x2c0: {  	v18, _, _ =	vpop (xrf0)  }
0x2c1: {  	(v2sf) =	vpush v18, $0xF;
	_ =	sdelay $0xe  }
0x2c2: {  	s29 =	spop (v2sf)  }
0x2c3: {  	p0 =	sne.s32 s29, $0x80000001  }
.Ltmp7:
0x2c4: {  	_ = 	snop;
	(pc) =	sbr.rel @p0 .LBB2_7-.Ltmp7, $4  }
0x2c5: {  	_ = 	snop  }
0x2c6: {  	s28 =	sadd.s32 $0xFFFFFFF1, s25  }
0x2c7: {  	v18 =	vmov s28  }
0x2c8: {  	v21 =	vshrl.u32 v18, $0x3  }
0x2c9: {  	v50 =	vld [tilespmem:s26+$0xFFFFFE00]  }
0x2ca: {  	v22 =	vld [tilespmem:s26+$0xFFFFFE10]  }
0x2cb: {  	v23 =	vld [tilespmem:s26+$0xFFFFFE20]  }
0x2cc: {  	v24 =	vld [tilespmem:s26+$0xFFFFFE30]  }
0x2cd: {  	v26 =	vld [tilespmem:s26+$0xFFFFFE40]  }
0x2ce: {  	v27 =	vld [tilespmem:s26+$0xFFFFFE50]  }
0x2cf: {  	v28 =	vld [tilespmem:s26+$0xFFFFFE60]  }
0x2d0: {  	v29 =	vld [tilespmem:s26+$0xFFFFFE70]  }
0x2d1: {  	v31 =	vld [tilespmem:s26+$0xFFFFFE80]  }
0x2d2: {  	v32 =	vld [tilespmem:s26+$0xFFFFFE90]  }
0x2d3: {  	s28 =	sadd.s32 $0xFFFFFFF2, s25;
	v33 =	vld [tilespmem:s26+$0xFFFFFEA0]  }
0x2d4: {  	v34 =	vld [tilespmem:s26+$0xFFFFFEB0];
	v19 =	vmov s28  }
0x2d5: {  	v18 =	vshll.u32 v21, v1;
	v36 =	vld [tilespmem:s26+$0xFFFFFEC0];
	v19 =	vshrl.u32 v19, $0x3  }
0x2d6: {  	s31 =	sadd.s32 $0xFFFFFFF3, s25;
	v37 =	vld [tilespmem:s26+$0xFFFFFED0];
	v18 =	vbroadcast v18, $0x0;
	v19 =	vshll.u32 v19, v1  }
0x2d7: {  	s29 =	sadd.s32 $0xFFFFFFF4, s25;
	v38 =	vld [tilespmem:s26+$0xFFFFFEE0];
	v20 =	vmov s31;
	v19 =	vadd.s32 $0x1, v19  }
0x2d8: {  	s30 =	sadd.s32 $0xFFFFFFF5, s25;
	v39 =	vld [tilespmem:s26+$0xFFFFFEF0];
	v25 =	vmov s29;
	v20 =	vshrl.u32 v20, $0x3;
	v19 =	vbroadcast v19, $0x0  }
0x2d9: {  	v41 =	vld [tilespmem:s26+$0xFFFFFF00];
	v30 =	vmov s30;
	v25 =	vshrl.u32 v25, $0x3;
	v20 =	vshll.u32 v20, v1  }
0x2da: {  	v42 =	vld [tilespmem:s26+$0xFFFFFF10];
	s31 =	sadd.s32 $0xFFFFFFF6, s25;
	v30 =	vshrl.u32 v30, $0x3;
	v25 =	vshll.u32 v25, v1;
	v20 =	vadd.s32 $0x2, v20  }
0x2db: {  	v43 =	vld [tilespmem:s26+$0xFFFFFF20];
	s29 =	sadd.s32 $0xFFFFFFF7, s25;
	v35 =	vmov s31;
	v25 =	vadd.s32 $0x3, v25;
	v20 =	vbroadcast v20, $0x0  }
0x2dc: {  	v40 =	vmov s29;
	v30 =	vshll.u32 v30, v1;
	v25 =	vbroadcast v25, $0x0;
	v18 =	vld.idx.msk [tilespmem:v18+s19+$0x0], $0xffff  }
0x2dd: {  	v56 =	vld [tilespmem:s26+$0xFFFFFF50];
	v35 =	vshrl.u32 v35, $0x3;
	v40 =	vshrl.u32 v40, $0x3;
	v30 =	vadd.s32 $0x4, v30  }
0x2de: {  	s30 =	sadd.s32 $0xFFFFFFF8, s25;
	v35 =	vshll.u32 v35, v1;
	v40 =	vshll.u32 v40, v1;
	v30 =	vbroadcast v30, $0x0;
	v19 =	vld.idx.msk [tilespmem:v19+s19+$0x0], $0xffff  }
0x2df: {  	v57 =	vld [tilespmem:s26+$0xFFFFFF70];
	v52 =	vmov s30;
	v35 =	vadd.s32 $0x5, v35;
	v40 =	vadd.s32 $0x6, v40  }
0x2e0: {  	v44 =	vld [tilespmem:s26+$0xFFFFFFC0];
	s31 =	sadd.s32 $0xFFFFFFF9, s25;
	v53 =	vshrl.u32 v52, $0x3;
	v35 =	vbroadcast v35, $0x0;
	v40 =	vbroadcast v40, $0x0  }
0x2e1: {  	v58 =	vmov s31;
	v20 =	vld.idx.msk [tilespmem:v20+s19+$0x0], $0xffff;
	v21 =	vmul.f32 v50, v18;
	v22 =	vmul.f32 v22, v18  }
0x2e2: {  	v25 =	vld.idx.msk [tilespmem:v25+s19+$0x0], $0xffff;
	v23 =	vmul.f32 v23, v18;
	v51 =	vmul.f32 v24, v18;
	v14 =	vadd.f32 v18, v14  }
0x2e3: {  	v47 =	vld [tilespmem:s26+$0xFFFFFFD0];
	v12 =	vadd.f32 v21, v12;
	v21 =	vshll.u32 v53, v1;
	v54 =	vmul.f32 v26, v19  }
0x2e4: {  	s29 =	sadd.s32 $0xFFFFFFFA, s25;
	v30 =	vld.idx.msk [tilespmem:v30+s19+$0x0], $0xffff;
	v21 =	vadd.s32 $0x7, v21;
	v55 =	vmul.f32 v27, v19;
	v28 =	vmul.f32 v28, v19  }
0x2e5: {  	v61 =	vmov s29;
	v52 =	vld [tilespmem:s26+$0x0];
	v29 =	vmul.f32 v29, v19;
	v21 =	vbroadcast v21, $0x0  }
0x2e6: {  	s30 =	sadd.s32 $0xFFFFFFFB, s25;
	v24 =	vld [tilespmem:s26+$0xFFFFFF30];
	v14 =	vadd.f32 v19, v14;
	v19 =	vmul.f32 v31, v20;
	v59 =	vmul.f32 v32, v20  }
0x2e7: {  	v49 =	vmov s30;
	v18 =	vld [tilespmem:s26+$0xFFFFFF40];
	v60 =	vmul.f32 v33, v20;
	v62 =	vmul.f32 v36, v25  }
0x2e8: {  	v17 =	vadd.f32 v22, v17;
	v22 =	vld.idx.msk [tilespmem:v35+s19+$0x0], $0xffff;
	v63 =	vmul.f32 v37, v25;
	v45 =	vmul.f32 v38, v25  }
0x2e9: {  	v16 =	vadd.f32 v23, v16;
	v35 =	vld [tilespmem:s26+$0xFFFFFF60];
	v46 =	vmul.f32 v39, v25;
	v48 =	vmul.f32 v41, v30  }
0x2ea: {  	v15 =	vadd.f32 v51, v15;
	v53 =	vld [tilespmem:s26+$0x10];
	v50 =	vmul.f32 v42, v30;
	v51 =	vmul.f32 v43, v30  }
0x2eb: {  	v26 =	vld.idx.msk [tilespmem:v40+s19+$0x0], $0xffff;
	v37 =	vshrl.u32 v49, $0x3;
	v24 =	vmul.f32 v24, v30;
	v12 =	vadd.f32 v54, v12  }
0x2ec: {  	v33 =	vld [tilespmem:s26+$0xFFFFFF90];
	v37 =	vshll.u32 v37, v1;
	v17 =	vadd.f32 v55, v17;
	v16 =	vadd.f32 v28, v16  }
0x2ed: {  	v31 =	vld [tilespmem:s26+$0xFFFFFFB0];
	v15 =	vadd.f32 v29, v15;
	v29 =	vshrl.u32 v58, $0x3;
	v37 =	vadd.s32 $0x2, v37  }
0x2ee: {  	s31 =	sadd.s32 $0xFFFFFFFC, s25;
	v32 =	vld [tilespmem:s26+$0xFFFFFFF0];
	v14 =	vadd.f32 v20, v14;
	v29 =	vshll.u32 v29, v1;
	v55 =	vbroadcast v37, $0x0  }
0x2ef: {  	v42 =	vld [tilespmem:s26+$0x90];
	v18 =	vmul.f32 v18, v22;
	v27 =	vmul.f32 v56, v22;
	v56 =	vmov s31  }
0x2f0: {  	v49 =	vld [tilespmem:s26+$0xC0];
	v35 =	vmul.f32 v35, v22;
	v23 =	vmul.f32 v57, v22;
	v12 =	vadd.f32 v19, v12  }
0x2f1: {  	v40 =	vld [tilespmem:s26+$0x150];
	v19 =	vmul.f32 v34, v20;
	v17 =	vadd.f32 v59, v17;
	v16 =	vadd.f32 v60, v16  }
0x2f2: {  	s29 =	sadd.s32 $0xFFFFFFFD, s25;
	v28 =	vld [tilespmem:s26+$0xFFFFFF80];
	v29 =	vbroadcast v29, $0x0;
	v20 =	vshrl.u32 v61, $0x3;
	v14 =	vadd.f32 v25, v14  }
0x2f3: {  	v54 =	vld [tilespmem:s26+$0x20];
	v37 =	vshrl.u32 v56, $0x3;
	v61 =	vmov s29;
	v20 =	vshll.u32 v20, v1  }
0x2f4: {  	v34 =	vld [tilespmem:s26+$0xFFFFFFA0];
	v58 =	vshll.u32 v37, v1;
	v33 =	vmul.f32 v33, v26;
	v15 =	vadd.f32 v19, v15  }
0x2f5: {  	v57 =	vld [tilespmem:s26+$0x40];
	v12 =	vadd.f32 v62, v12;
	v17 =	vadd.f32 v63, v17;
	v20 =	vadd.s32 $0x1, v20  }
0x2f6: {  	v60 =	vld [tilespmem:s26+$0x70];
	v16 =	vadd.f32 v45, v16;
	v14 =	vadd.f32 v30, v14;
	v62 =	vmul.f32 v31, v26  }
0x2f7: {  	v19 =	vld.idx.msk [tilespmem:v21+s19+$0x0], $0xffff;
	v20 =	vbroadcast v20, $0x0;
	v15 =	vadd.f32 v46, v15;
	v12 =	vadd.f32 v48, v12  }
0x2f8: {  	s30 =	sadd.s32 $0xFFFFFFFE, s25;
	v21 =	vld [tilespmem:s26+$0xFFFFFFE0];
	v59 =	vmul.f32 v28, v26;
	v17 =	vadd.f32 v50, v17;
	v16 =	vadd.f32 v51, v16  }
0x2f9: {  	v63 =	vld [tilespmem:s26+$0x80];
	v14 =	vadd.f32 v22, v14;
	v48 =	vmov s30;
	v34 =	vmul.f32 v34, v26  }
0x2fa: {  	s31 =	sadd.s32 $0xFFFFFFFF, s25;
	v45 =	vld [tilespmem:s26+$0xA0];
	v50 =	vshrl.u32 v48, $0x3;
	v15 =	vadd.f32 v24, v15;
	v12 =	vadd.f32 v18, v12  }
0x2fb: {  	v30 =	vld.idx.msk [tilespmem:v55+s19+$0x0], $0xffff;
	v55 =	vmov s31;
	v17 =	vadd.f32 v27, v17;
	v16 =	vadd.f32 v35, v16  }
0x2fc: {  	v51 =	vld [tilespmem:s26+$0xD0];
	v27 =	vadd.s32 $0x3, v58;
	v35 =	vshrl.u32 v61, $0x3;
	v14 =	vadd.f32 v26, v14  }
0x2fd: {  	v48 =	vld [tilespmem:s26+$0x180];
	v26 =	vshll.u32 v50, v1;
	v56 =	vshrl.u32 v55, $0x3;
	v27 =	vbroadcast v27, $0x0  }
0x2fe: {  	v29 =	vld.idx.msk [tilespmem:v29+s19+$0x0], $0xffff;
	v61 =	vmov s25;
	v44 =	vmul.f32 v44, v19;
	v46 =	vmul.f32 v47, v19  }
0x2ff: {  	v24 =	vld [tilespmem:s26+$0x30];
	v43 =	vshll.u32 v35, v1;
	v21 =	vmul.f32 v21, v19;
	v32 =	vmul.f32 v32, v19  }
0x300: {  	v18 =	vld [tilespmem:s26+$0x50];
	v26 =	vadd.s32 $0x5, v26;
	v15 =	vadd.f32 v23, v15;
	v12 =	vadd.f32 v59, v12  }
0x301: {  	v58 =	vld [tilespmem:s26+$0x110];
	v17 =	vadd.f32 v33, v17;
	v16 =	vadd.f32 v34, v16;
	v34 =	vadd.s32 $0x4, v43  }
0x302: {  	v47 =	vld [tilespmem:s26+$0xB0];
	v14 =	vadd.f32 v19, v14;
	v26 =	vbroadcast v26, $0x0;
	v34 =	vbroadcast v34, $0x0  }
0x303: {  	v50 =	vld [tilespmem:s26+$0x190];
	v15 =	vadd.f32 v62, v15;
	v12 =	vadd.f32 v44, v12;
	v63 =	vmul.f32 v63, v30  }
0x304: {  	v20 =	vld.idx.msk [tilespmem:v20+s19+$0x0], $0xffff;
	v17 =	vadd.f32 v46, v17;
	v41 =	vmul.f32 v42, v30;
	v42 =	vmul.f32 v45, v30  }
0x305: {  	v23 =	vld [tilespmem:s26+$0x60];
	v16 =	vadd.f32 v21, v16;
	v52 =	vmul.f32 v52, v29;
	v25 =	vmul.f32 v53, v29  }
0x306: {  	v59 =	vld [tilespmem:s26+$0x120];
	v19 =	vmul.f32 v54, v29;
	v24 =	vmul.f32 v24, v29;
	v14 =	vadd.f32 v29, v14  }
0x307: {  	v43 =	vld [tilespmem:s26+$0x160];
	v15 =	vadd.f32 v32, v15;
	v44 =	vmul.f32 v47, v30;
	v12 =	vadd.f32 v52, v12  }
0x308: {  	v62 =	vld [tilespmem:s26+$0x140];
	v17 =	vadd.f32 v25, v17;
	v16 =	vadd.f32 v19, v16;
	v25 =	vshll.u32 v56, v1  }
0x309: {  	v53 =	vld [tilespmem:s26+$0xE0];
	v15 =	vadd.f32 v24, v15;
	v57 =	vmul.f32 v57, v20;
	v18 =	vmul.f32 v18, v20  }
0x30a: {  	v27 =	vld.idx.msk [tilespmem:v27+s19+$0x0], $0xffff;
	v23 =	vmul.f32 v23, v20;
	v25 =	vadd.s32 $0x6, v25;
	v28 =	vmul.f32 v60, v20  }
0x30b: {  	v54 =	vld [tilespmem:s26+$0xF0];
	v24 =	vshrl.u32 v61, $0x3;
	v14 =	vadd.f32 v20, v14;
	v25 =	vbroadcast v25, $0x0  }
0x30c: {  	v19 =	vld [tilespmem:s26+$0x100];
	v24 =	vshll.u32 v24, v1;
	v12 =	vadd.f32 v57, v12;
	v17 =	vadd.f32 v18, v17  }
0x30d: {  	v32 =	vld.idx.msk [tilespmem:v34+s19+$0x0], $0xffff;
	v16 =	vadd.f32 v23, v16;
	v15 =	vadd.f32 v28, v15;
	v24 =	vadd.s32 $0x7, v24  }
0x30e: {  	v45 =	vld [tilespmem:s26+$0x170];
	v14 =	vadd.f32 v30, v14;
	v24 =	vbroadcast v24, $0x0;
	v12 =	vadd.f32 v63, v12  }
0x30f: {  	v60 =	vld [tilespmem:s26+$0x130];
	v17 =	vadd.f32 v41, v17;
	v16 =	vadd.f32 v42, v16;
	v22 =	vmul.f32 v49, v27  }
0x310: {  	v18 =	vld.idx.msk [tilespmem:v26+s19+$0x0], $0xffff;
	v15 =	vadd.f32 v44, v15;
	v46 =	vmul.f32 v51, v27;
	v47 =	vmul.f32 v53, v27  }
0x311: {  	v56 =	vld [tilespmem:s26+$0x1C0];
	v49 =	vmul.f32 v54, v27;
	v14 =	vadd.f32 v27, v14;
	v12 =	vadd.f32 v22, v12  }
0x312: {  	v61 =	vld [tilespmem:s26+$0x1F0];
	v17 =	vadd.f32 v46, v17;
	v16 =	vadd.f32 v47, v16;
	v19 =	vmul.f32 v19, v32  }
0x313: {  	v51 =	vld [tilespmem:s26+$0x1A0];
	v15 =	vadd.f32 v49, v15;
	v52 =	vmul.f32 v58, v32;
	v53 =	vmul.f32 v59, v32  }
0x314: {  	v14 =	vadd.f32 v32, v14;
	v25 =	vld.idx.msk [tilespmem:v25+s19+$0x0], $0xffff;
	v12 =	vadd.f32 v19, v12;
	v19 =	vmul.f32 v60, v32  }
0x315: {  	v54 =	vld [tilespmem:s26+$0x1B0];
	v55 =	vmul.f32 v62, v18;
	v57 =	vmul.f32 v43, v18;
	v17 =	vadd.f32 v52, v17  }
0x316: {  	v16 =	vadd.f32 v53, v16;
	v24 =	vld.idx.msk [tilespmem:v24+s19+$0x0], $0xffff;
	v15 =	vadd.f32 v19, v15;
	v19 =	vmul.f32 v40, v18  }
0x317: {  	v58 =	vld [tilespmem:s26+$0x1D0];
	v59 =	vmul.f32 v45, v18;
	v14 =	vadd.f32 v18, v14;
	v12 =	vadd.f32 v55, v12  }
0x318: {  	v60 =	vld [tilespmem:s26+$0x1E0];
	v16 =	vadd.f32 v57, v16;
	v17 =	vadd.f32 v19, v17  }
0x319: {  	v19 =	vmul.f32 v48, v25;
	v15 =	vadd.f32 v59, v15;
	v62 =	vmul.f32 v50, v25  }
0x31a: {  	v20 =	vmul.f32 v51, v25;
	v18 =	vmul.f32 v54, v25;
	v14 =	vadd.f32 v25, v14  }
.Ltmp8:
0x31b: {  	v12 =	vadd.f32 v19, v12;
	v17 =	vadd.f32 v62, v17;
	v19 =	vmul.f32 v56, v24;
	(pc) =	sbr.rel .LBB2_8-.Ltmp8, $4  }
0x31c: {  	v16 =	vadd.f32 v20, v16;
	v15 =	vadd.f32 v18, v15;
	v18 =	vmul.f32 v58, v24  }
0x31d: {  	v63 =	vmul.f32 v60, v24;
	v12 =	vadd.f32 v19, v12;
	v19 =	vmul.f32 v61, v24  }
0x31e: {  	v14 =	vadd.f32 v24, v14;
	v17 =	vadd.f32 v18, v17  }
0x31f: {  	v16 =	vadd.f32 v63, v16;
	v15 =	vadd.f32 v19, v15  }
.LBB2_10:
0x320: {  	[tilespmem:s3], [sflag:$0x1] =	stream.linear.gather [hbm4b:s8+s3], $0x6A00, $0x38;
	[tilespmem:$0x1C610] =	vst v63  }
0x321: {  	_ = 	snop  }
0x322: {  	[tilespmem:s15], [sflag:$0x2] =	stream.linear.gather [hbm4b:s9+s3], $0x1B0, $0x38;
	[tilespmem:$0x1C610] =	vst v63  }
0x323: {  	s23 =	simm.s32 $0x8200  }
0x324: {  	[tilespmem:s23], [sflag:$0x3] =	stream.linear.gather [hbm4b:s10+s3], $0x1B0, $0x38;
	[tilespmem:$0x1C610] =	vst v63  }
0x325: {  	_ =	swait.ge [sflag:s16], $0x6A00  }
0x326: {  	[sflag:s16] =	ssyncset.done $0x0  }
0x327: {  	[sflag:s16] =	ssyncadd.s32 $0xFFFF9600  }
0x328: {  	_ =	swait.ge [sflag:s17], $0x1B0  }
0x329: {  	[sflag:s17] =	ssyncset.done $0x0  }
0x32a: {  	[sflag:s17] =	ssyncadd.s32 $0xFFFFFE50  }
0x32b: {  	_ =	swait.ge [sflag:s18], $0x1B0  }
0x32c: {  	[sflag:s18] =	ssyncset.done $0x0  }
0x32d: {  	[sflag:s18] =	ssyncadd.s32 $0xFFFFFE50  }
0x32e: {  	v18 =	vld [tilespmem:$0x8000]  }
0x32f: {  	v19 =	vld [tilespmem:$0x8600]  }
0x330: {  	v20 =	vld [tilespmem:$0x8010]  }
0x331: {  	v21 =	vld [tilespmem:$0x8600]  }
0x332: {  	v22 =	vld [tilespmem:$0x8020]  }
0x333: {  	v23 =	vld [tilespmem:$0x8600]  }
0x334: {  	v24 =	vld [tilespmem:$0x8030]  }
0x335: {  	v25 =	vld [tilespmem:$0x8600]  }
0x336: {  	v26 =	vld [tilespmem:$0x8040]  }
0x337: {  	v27 =	vld [tilespmem:$0x8600]  }
0x338: {  	v28 =	vld [tilespmem:$0x8050]  }
0x339: {  	v29 =	vld [tilespmem:$0x8600]  }
0x33a: {  	v30 =	vld [tilespmem:$0x8060]  }
0x33b: {  	v31 =	vld [tilespmem:$0x8600]  }
0x33c: {  	v32 =	vld [tilespmem:$0x8070]  }
0x33d: {  	v33 =	vld [tilespmem:$0x8600]  }
0x33e: {  	v34 =	vld [tilespmem:$0x8080]  }
0x33f: {  	v35 =	vld [tilespmem:$0x8600]  }
0x340: {  	v36 =	vld [tilespmem:$0x8090]  }
0x341: {  	v37 =	vld [tilespmem:$0x8600]  }
0x342: {  	v38 =	vld [tilespmem:$0x80A0]  }
0x343: {  	v39 =	vld [tilespmem:$0x8600]  }
0x344: {  	v40 =	vld [tilespmem:$0x80B0]  }
0x345: {  	v41 =	vld [tilespmem:$0x8600]  }
0x346: {  	v42 =	vld [tilespmem:$0x80C0]  }
0x347: {  	v43 =	vld [tilespmem:$0x8600]  }
0x348: {  	v44 =	vld [tilespmem:$0x80D0]  }
0x349: {  	v45 =	vld [tilespmem:$0x8600]  }
0x34a: {  	v46 =	vld [tilespmem:$0x80E0]  }
0x34b: {  	v47 =	vld [tilespmem:$0x8600]  }
0x34c: {  	v48 =	vld [tilespmem:$0x80F0]  }
0x34d: {  	v49 =	vld [tilespmem:$0x8600]  }
0x34e: {  	v18 =	vsub.f32 v18, v19;
	v19 =	vld [tilespmem:$0x8100]  }
0x34f: {  	v20 =	vsub.f32 v20, v21;
	v21 =	vld [tilespmem:$0x8600]  }
0x350: {  	v22 =	vsub.f32 v22, v23;
	v23 =	vld [tilespmem:$0x8110];
	v18 =	vmul.f32 $1.442695020e+00, v18  }
0x351: {  	v24 =	vsub.f32 v24, v25;
	v25 =	vld [tilespmem:$0x8600];
	v20 =	vmul.f32 $1.442695020e+00, v20  }
0x352: {  	v56 =	vsub.f32 v26, v27;
	v26 =	vld [tilespmem:$0x8120];
	(erf) = vpow2.f32 v18;
	v18 =	vmul.f32 $1.442695020e+00, v22  }
0x353: {  	v58 =	vsub.f32 v28, v29;
	v27 =	vld [tilespmem:$0x8600];
	v57 =	vmul.f32 $1.442695020e+00, v24;
	(erf) = vpow2.f32 v20  }
0x354: {  	v59 =	vsub.f32 v30, v31;
	v28 =	vld [tilespmem:$0x8130];
	(erf) = vpow2.f32 v18;
	v18 =	vmul.f32 $1.442695020e+00, v56  }
0x355: {  	v61 =	vsub.f32 v32, v33;
	v29 =	vld [tilespmem:$0x8600];
	v60 =	vmul.f32 $1.442695020e+00, v58;
	(erf) = vpow2.f32 v57  }
0x356: {  	v62 =	vsub.f32 v34, v35;
	v30 =	vld [tilespmem:$0x8140];
	(erf) = vpow2.f32 v18;
	v18 =	vmul.f32 $1.442695020e+00, v59  }
0x357: {  	v37 =	vsub.f32 v36, v37;
	v31 =	vld [tilespmem:$0x8600];
	v63 =	vmul.f32 $1.442695020e+00, v61;
	(erf) = vpow2.f32 v60  }
0x358: {  	v38 =	vsub.f32 v38, v39;
	v32 =	vld [tilespmem:$0x8150];
	(erf) = vpow2.f32 v18;
	v18 =	vmul.f32 $1.442695020e+00, v62  }
0x359: {  	v50 =	vsub.f32 v40, v41;
	v33 =	vld [tilespmem:$0x8600];
	v39 =	vmul.f32 $1.442695020e+00, v37;
	(erf) = vpow2.f32 v63  }
0x35a: {  	v51 =	vsub.f32 v42, v43;
	v34 =	vld [tilespmem:$0x8160];
	(erf) = vpow2.f32 v18;
	v18 =	vmul.f32 $1.442695020e+00, v38  }
0x35b: {  	v54 =	vsub.f32 v44, v45;
	v36 =	vld [tilespmem:$0x8600];
	v53 =	vmul.f32 $1.442695020e+00, v50;
	v52 =	vpop (erf);
	(erf) = vpow2.f32 v39  }
0x35c: {  	v41 =	vld [tilespmem:$0x8600];
	v56 =	vsub.f32 v46, v47;
	v55 =	vpop (erf);
	(erf) = vpow2.f32 v18;
	v18 =	vmul.f32 $1.442695020e+00, v51  }
0x35d: {  	v43 =	vld [tilespmem:$0x8190];
	v59 =	vmul.f32 $1.442695020e+00, v54;
	v60 =	vsub.f32 v48, v49;
	[tilespmem:$0x8400] =	vst v52;
	v58 =	vpop (erf);
	(erf) = vpow2.f32 v53  }
0x35e: {  	v61 =	vld [tilespmem:$0x8600];
	v19 =	vsub.f32 v19, v21;
	[tilespmem:$0x8410] =	vst v55;
	v62 =	vpop (erf);
	(erf) = vpow2.f32 v18;
	v18 =	vmul.f32 $1.442695020e+00, v56  }
0x35f: {  	v23 =	vsub.f32 v23, v25;
	v47 =	vld [tilespmem:$0x8600];
	v40 =	vmul.f32 $1.442695020e+00, v60;
	[tilespmem:$0x8420] =	vst v58;
	v39 =	vpop (erf);
	(erf) = vpow2.f32 v59  }
0x360: {  	v57 =	vld [tilespmem:$0x8170];
	[tilespmem:$0x8430] =	vst v62;
	v42 =	vpop (erf);
	(erf) = vpow2.f32 v18;
	v18 =	vmul.f32 $1.442695020e+00, v19;
	v19 =	vsub.f32 v26, v27  }
0x361: {  	v46 =	vsub.f32 v28, v29;
	v45 =	vmul.f32 $1.442695020e+00, v23;
	v63 =	vld [tilespmem:$0x8180];
	[tilespmem:$0x8440] =	vst v39;
	v44 =	vpop (erf);
	(erf) = vpow2.f32 v40  }
0x362: {  	v49 =	vld [tilespmem:$0x81A0];
	[tilespmem:$0x8450] =	vst v42;
	v48 =	vpop (erf);
	(erf) = vpow2.f32 v18;
	v18 =	vmul.f32 $1.442695020e+00, v19;
	v19 =	vsub.f32 v30, v31  }
0x363: {  	v51 =	vmul.f32 $1.442695020e+00, v46;
	v52 =	vsub.f32 v32, v33;
	v53 =	vld [tilespmem:$0x8600];
	[tilespmem:$0x8460] =	vst v44;
	v50 =	vpop (erf);
	(erf) = vpow2.f32 v45  }
0x364: {  	[tilespmem:$0x8470] =	vst v48;
	v54 =	vpop (erf);
	(erf) = vpow2.f32 v18;
	v18 =	vsub.f32 v34, v36;
	v19 =	vmul.f32 $1.442695020e+00, v19  }
0x365: {  	v56 =	vsub.f32 v57, v61;
	v23 =	vmul.f32 $1.442695020e+00, v52;
	[tilespmem:$0x8480] =	vst v50;
	v55 =	vpop (erf);
	(erf) = vpow2.f32 v51  }
0x366: {  	[tilespmem:$0x8490] =	vst v54;
	v57 =	vpop (erf);
	(erf) = vpow2.f32 v19;
	v19 =	vsub.f32 v63, v41;
	v18 =	vmul.f32 $1.442695020e+00, v18  }
0x367: {  	v59 =	vsub.f32 v43, v47;
	v20 =	vmul.f32 $1.442695020e+00, v56;
	[tilespmem:$0x84A0] =	vst v55;
	v58 =	vpop (erf);
	(erf) = vpow2.f32 v23  }
0x368: {  	[tilespmem:$0x84B0] =	vst v57;
	v60 =	vpop (erf);
	(erf) = vpow2.f32 v18;
	v18 =	vsub.f32 v49, v53;
	v19 =	vmul.f32 $1.442695020e+00, v19  }
0x369: {  	v62 =	vmul.f32 $1.442695020e+00, v59;
	[tilespmem:$0x84C0] =	vst v58  }
0x36a: {  	[tilespmem:$0x84D0] =	vst v60;
	v61 =	vpop (erf);
	(erf) = vpow2.f32 v20;
	v18 =	vmul.f32 $1.442695020e+00, v18  }
0x36b: {  	[tilespmem:$0x84E0] =	vst v61;
	v63 =	vpop (erf);
	(erf) = vpow2.f32 v19  }
0x36c: {  	[tilespmem:$0x84F0] =	vst v63;
	v19 =	vpop (erf);
	(erf) = vpow2.f32 v62  }
0x36d: {  	[tilespmem:$0x8500] =	vst v19;
	v19 =	vpop (erf);
	(erf) = vpow2.f32 v18  }
0x36e: {  	v18 =	vpop (erf);
	[tilespmem:$0x8510] =	vst v19  }
0x36f: {  	v19 =	vpop (erf);
	[tilespmem:$0x8520] =	vst v18  }
0x370: {  	v18 =	vpop (erf);
	[tilespmem:$0x8530] =	vst v19  }
0x371: {  	v19 =	vpop (erf);
	[tilespmem:$0x8540] =	vst v18  }
0x372: {  	v18 =	vpop (erf);
	[tilespmem:$0x8550] =	vst v19  }
.Ltmp9:
0x373: {  	v19 =	vpop (erf);
	[tilespmem:$0x8560] =	vst v18;
	(pc) =	sbr.rel .LBB2_11-.Ltmp9, $4  }
0x374: {  	v18 =	vpop (erf);
	[tilespmem:$0x8570] =	vst v19  }
0x375: {  	v19 =	vpop (erf);
	[tilespmem:$0x8580] =	vst v18  }
0x376: {  	[tilespmem:$0x8590] =	vst v19;
	v18 =	vpop (erf)  }
0x377: {  	s24 =	simm.s32 $0xF;
	s25 =	simm.s32 $0x200;
	[tilespmem:$0x85A0] =	vst v18  }
.LBB2_13:
0x378: {  	_ =	sdelay $0x3  }
0x379: {  	v22 =	vmul.u32 $0x50, v13;
	_ =	sdelay $0x1  }
0x37a: {  	v20 =	vor.u32 $0x10, v3;
	v23 =	vor.u32 v3, v22  }
0x37b: {  	v19 =	vor.u32 $0x20, v3;
	v24 =	vadd.s32 v20, v22  }
0x37c: {  	v13 =	vor.u32 $0x30, v3;
	v25 =	vadd.s32 v19, v22  }
0x37d: {  	v18 =	vor.u32 $0x40, v3;
	v21 =	vshll.u32 v21, v1;
	v26 =	vadd.s32 v13, v22  }
0x37e: {  	v21 =	vbroadcast v21, $0x0;
	v22 =	vadd.s32 v18, v22  }
0x37f: {  	[tilespmem:v23+s21+$0x0] =	vst.idx.add.f32.msk $0xffff, v12;
	v12 =	vimm.f32 $0.0e+00  }
0x380: {  	[tilespmem:v24+s21+$0x0] =	vst.idx.add.f32.msk $0xffff, v17;
	v17 =	vsel vm0, $0x3F800000, v12  }
0x381: {  	[tilespmem:v25+s21+$0x0] =	vst.idx.add.f32.msk $0xffff, v16;
	v14 =	vmul.f32 v17, v14  }
0x382: {  	[tilespmem:v26+s21+$0x0] =	vst.idx.add.f32.msk $0xffff, v15  }
0x383: {  	[tilespmem:v22+s21+$0x0] =	vst.idx.add.f32.msk $0xffff, v14  }
0x384: {  	v14 =	vld.idx.msk [tilespmem:v21+s20+$0x0], $0xffff;
	_ =	sdelay $0x3  }
0x385: {  	v15 =	vld.idx.msk [tilespmem:v21+s19+$0x0], $0xffff  }
0x386: {  	v16 =	vld [tilespmem:s25+$0xFFFFFE00];
	v14 =	vmul.u32 $0x50, v14;
	_ =	sdelay $0x1  }
0x387: {  	v42 =	vor.u32 v3, v14;
	_ =	sdelay $0x2  }
0x388: {  	v16 =	vmul.f32 v16, v15;
	_ =	sdelay $0x1  }
0x389: {  	[tilespmem:v42+s21+$0x0] =	vst.idx.add.f32.msk $0xffff, v16  }
0x38a: {  	v16 =	vld [tilespmem:s25+$0xFFFFFE10];
	_ =	sdelay $0x1  }
0x38b: {  	v43 =	vadd.s32 v20, v14;
	_ =	sdelay $0x2  }
0x38c: {  	v16 =	vmul.f32 v16, v15;
	_ =	sdelay $0x1  }
0x38d: {  	[tilespmem:v43+s21+$0x0] =	vst.idx.add.f32.msk $0xffff, v16  }
0x38e: {  	v16 =	vld [tilespmem:s25+$0xFFFFFE20];
	_ =	sdelay $0x1  }
0x38f: {  	v44 =	vadd.s32 v19, v14;
	_ =	sdelay $0x2  }
0x390: {  	v16 =	vmul.f32 v16, v15  }
0x391: {  	s26 =	sadd.s32 $0xFFFFFFF2, s24  }
0x392: {  	[tilespmem:v44+s21+$0x0] =	vst.idx.add.f32.msk $0xffff, v16;
	v16 =	vmov s26  }
0x393: {  	v21 =	vld [tilespmem:s25+$0xFFFFFE30];
	v16 =	vshrl.u32 v16, $0x3  }
0x394: {  	v16 =	vshll.u32 v16, v1  }
0x395: {  	v45 =	vadd.s32 v13, v14;
	v16 =	vadd.s32 $0x1, v16  }
0x396: {  	v14 =	vadd.s32 v18, v14;
	v16 =	vbroadcast v16, $0x0;
	_ =	sdelay $0x1  }
0x397: {  	v21 =	vmul.f32 v21, v15  }
0x398: {  	v15 =	vmul.f32 v17, v15  }
0x399: {  	[tilespmem:v45+s21+$0x0] =	vst.idx.add.f32.msk $0xffff, v21  }
0x39a: {  	[tilespmem:v14+s21+$0x0] =	vst.idx.add.f32.msk $0xffff, v15  }
0x39b: {  	v14 =	vld.idx.msk [tilespmem:v16+s20+$0x0], $0xffff;
	_ =	sdelay $0x3  }
0x39c: {  	v15 =	vld.idx.msk [tilespmem:v16+s19+$0x0], $0xffff  }
0x39d: {  	v16 =	vld [tilespmem:s25+$0xFFFFFE40];
	v14 =	vmul.u32 $0x50, v14;
	_ =	sdelay $0x1  }
0x39e: {  	v46 =	vor.u32 v3, v14;
	_ =	sdelay $0x2  }
0x39f: {  	v16 =	vmul.f32 v16, v15;
	_ =	sdelay $0x1  }
0x3a0: {  	[tilespmem:v46+s21+$0x0] =	vst.idx.add.f32.msk $0xffff, v16  }
0x3a1: {  	v16 =	vld [tilespmem:s25+$0xFFFFFE50];
	_ =	sdelay $0x1  }
0x3a2: {  	v47 =	vadd.s32 v20, v14;
	_ =	sdelay $0x2  }
0x3a3: {  	v16 =	vmul.f32 v16, v15;
	_ =	sdelay $0x1  }
0x3a4: {  	[tilespmem:v47+s21+$0x0] =	vst.idx.add.f32.msk $0xffff, v16  }
0x3a5: {  	v16 =	vld [tilespmem:s25+$0xFFFFFE60];
	_ =	sdelay $0x1  }
0x3a6: {  	v48 =	vadd.s32 v19, v14;
	_ =	sdelay $0x2  }
0x3a7: {  	v16 =	vmul.f32 v16, v15  }
0x3a8: {  	s31 =	sadd.s32 $0xFFFFFFF3, s24  }
0x3a9: {  	[tilespmem:v48+s21+$0x0] =	vst.idx.add.f32.msk $0xffff, v16;
	v16 =	vmov s31  }
0x3aa: {  	v21 =	vld [tilespmem:s25+$0xFFFFFE70];
	v16 =	vshrl.u32 v16, $0x3  }
0x3ab: {  	v16 =	vshll.u32 v16, v1  }
0x3ac: {  	v49 =	vadd.s32 v13, v14;
	v16 =	vadd.s32 $0x2, v16  }
0x3ad: {  	v14 =	vadd.s32 v18, v14;
	v16 =	vbroadcast v16, $0x0;
	_ =	sdelay $0x1  }
0x3ae: {  	v21 =	vmul.f32 v21, v15  }
0x3af: {  	v15 =	vmul.f32 v17, v15  }
0x3b0: {  	[tilespmem:v49+s21+$0x0] =	vst.idx.add.f32.msk $0xffff, v21  }
0x3b1: {  	[tilespmem:v14+s21+$0x0] =	vst.idx.add.f32.msk $0xffff, v15  }
0x3b2: {  	v14 =	vld.idx.msk [tilespmem:v16+s20+$0x0], $0xffff;
	_ =	sdelay $0x3  }
0x3b3: {  	v15 =	vld.idx.msk [tilespmem:v16+s19+$0x0], $0xffff  }
0x3b4: {  	v16 =	vld [tilespmem:s25+$0xFFFFFE80];
	v14 =	vmul.u32 $0x50, v14;
	_ =	sdelay $0x1  }
0x3b5: {  	v50 =	vor.u32 v3, v14;
	_ =	sdelay $0x2  }
0x3b6: {  	v16 =	vmul.f32 v16, v15;
	_ =	sdelay $0x1  }
0x3b7: {  	[tilespmem:v50+s21+$0x0] =	vst.idx.add.f32.msk $0xffff, v16  }
0x3b8: {  	v16 =	vld [tilespmem:s25+$0xFFFFFE90];
	_ =	sdelay $0x1  }
0x3b9: {  	v51 =	vadd.s32 v20, v14;
	_ =	sdelay $0x2  }
0x3ba: {  	v16 =	vmul.f32 v16, v15;
	_ =	sdelay $0x1  }
0x3bb: {  	[tilespmem:v51+s21+$0x0] =	vst.idx.add.f32.msk $0xffff, v16  }
0x3bc: {  	v16 =	vld [tilespmem:s25+$0xFFFFFEA0];
	_ =	sdelay $0x1  }
0x3bd: {  	v52 =	vadd.s32 v19, v14;
	_ =	sdelay $0x2  }
0x3be: {  	v16 =	vmul.f32 v16, v15  }
0x3bf: {  	s28 =	sadd.s32 $0xFFFFFFF4, s24  }
0x3c0: {  	[tilespmem:v52+s21+$0x0] =	vst.idx.add.f32.msk $0xffff, v16;
	v16 =	vmov s28  }
0x3c1: {  	v21 =	vld [tilespmem:s25+$0xFFFFFEB0];
	v16 =	vshrl.u32 v16, $0x3  }
0x3c2: {  	v16 =	vshll.u32 v16, v1  }
0x3c3: {  	v53 =	vadd.s32 v13, v14;
	v16 =	vadd.s32 $0x3, v16  }
0x3c4: {  	v14 =	vadd.s32 v18, v14;
	v16 =	vbroadcast v16, $0x0;
	_ =	sdelay $0x1  }
0x3c5: {  	v21 =	vmul.f32 v21, v15  }
0x3c6: {  	v15 =	vmul.f32 v17, v15  }
0x3c7: {  	[tilespmem:v53+s21+$0x0] =	vst.idx.add.f32.msk $0xffff, v21  }
0x3c8: {  	[tilespmem:v14+s21+$0x0] =	vst.idx.add.f32.msk $0xffff, v15  }
0x3c9: {  	v14 =	vld.idx.msk [tilespmem:v16+s20+$0x0], $0xffff;
	_ =	sdelay $0x3  }
0x3ca: {  	v15 =	vld.idx.msk [tilespmem:v16+s19+$0x0], $0xffff  }
0x3cb: {  	v16 =	vld [tilespmem:s25+$0xFFFFFEC0];
	v14 =	vmul.u32 $0x50, v14;
	_ =	sdelay $0x1  }
0x3cc: {  	v54 =	vor.u32 v3, v14;
	_ =	sdelay $0x2  }
0x3cd: {  	v16 =	vmul.f32 v16, v15;
	_ =	sdelay $0x1  }
0x3ce: {  	[tilespmem:v54+s21+$0x0] =	vst.idx.add.f32.msk $0xffff, v16  }
0x3cf: {  	v16 =	vld [tilespmem:s25+$0xFFFFFED0];
	_ =	sdelay $0x1  }
0x3d0: {  	v55 =	vadd.s32 v20, v14;
	_ =	sdelay $0x2  }
0x3d1: {  	v16 =	vmul.f32 v16, v15;
	_ =	sdelay $0x1  }
0x3d2: {  	[tilespmem:v55+s21+$0x0] =	vst.idx.add.f32.msk $0xffff, v16  }
0x3d3: {  	v16 =	vld [tilespmem:s25+$0xFFFFFEE0];
	_ =	sdelay $0x1  }
0x3d4: {  	v56 =	vadd.s32 v19, v14;
	_ =	sdelay $0x2  }
0x3d5: {  	v16 =	vmul.f32 v16, v15  }
0x3d6: {  	s29 =	sadd.s32 $0xFFFFFFF5, s24  }
0x3d7: {  	[tilespmem:v56+s21+$0x0] =	vst.idx.add.f32.msk $0xffff, v16;
	v16 =	vmov s29  }
0x3d8: {  	v21 =	vld [tilespmem:s25+$0xFFFFFEF0];
	v16 =	vshrl.u32 v16, $0x3  }
0x3d9: {  	v16 =	vshll.u32 v16, v1  }
0x3da: {  	v57 =	vadd.s32 v13, v14;
	v16 =	vadd.s32 $0x4, v16  }
0x3db: {  	v14 =	vadd.s32 v18, v14;
	v16 =	vbroadcast v16, $0x0;
	_ =	sdelay $0x1  }
0x3dc: {  	v21 =	vmul.f32 v21, v15  }
0x3dd: {  	v15 =	vmul.f32 v17, v15  }
0x3de: {  	[tilespmem:v57+s21+$0x0] =	vst.idx.add.f32.msk $0xffff, v21  }
0x3df: {  	[tilespmem:v14+s21+$0x0] =	vst.idx.add.f32.msk $0xffff, v15  }
0x3e0: {  	v14 =	vld.idx.msk [tilespmem:v16+s20+$0x0], $0xffff;
	_ =	sdelay $0x3  }
0x3e1: {  	v15 =	vld.idx.msk [tilespmem:v16+s19+$0x0], $0xffff  }
0x3e2: {  	v16 =	vld [tilespmem:s25+$0xFFFFFF00];
	v14 =	vmul.u32 $0x50, v14;
	_ =	sdelay $0x1  }
0x3e3: {  	v58 =	vor.u32 v3, v14;
	_ =	sdelay $0x2  }
0x3e4: {  	v16 =	vmul.f32 v16, v15;
	_ =	sdelay $0x1  }
0x3e5: {  	[tilespmem:v58+s21+$0x0] =	vst.idx.add.f32.msk $0xffff, v16  }
0x3e6: {  	v16 =	vld [tilespmem:s25+$0xFFFFFF10];
	_ =	sdelay $0x1  }
0x3e7: {  	v59 =	vadd.s32 v20, v14;
	_ =	sdelay $0x2  }
0x3e8: {  	v16 =	vmul.f32 v16, v15;
	_ =	sdelay $0x1  }
0x3e9: {  	[tilespmem:v59+s21+$0x0] =	vst.idx.add.f32.msk $0xffff, v16  }
0x3ea: {  	v16 =	vld [tilespmem:s25+$0xFFFFFF20];
	_ =	sdelay $0x1  }
0x3eb: {  	v60 =	vadd.s32 v19, v14;
	_ =	sdelay $0x2  }
0x3ec: {  	v16 =	vmul.f32 v16, v15  }
0x3ed: {  	s30 =	sadd.s32 $0xFFFFFFF6, s24  }
0x3ee: {  	[tilespmem:v60+s21+$0x0] =	vst.idx.add.f32.msk $0xffff, v16;
	v16 =	vmov s30  }
0x3ef: {  	v21 =	vld [tilespmem:s25+$0xFFFFFF30];
	v16 =	vshrl.u32 v16, $0x3  }
0x3f0: {  	v16 =	vshll.u32 v16, v1  }
0x3f1: {  	v61 =	vadd.s32 v13, v14;
	v16 =	vadd.s32 $0x5, v16  }
0x3f2: {  	v14 =	vadd.s32 v18, v14;
	v16 =	vbroadcast v16, $0x0;
	_ =	sdelay $0x1  }
0x3f3: {  	v21 =	vmul.f32 v21, v15  }
0x3f4: {  	v15 =	vmul.f32 v17, v15  }
0x3f5: {  	[tilespmem:v61+s21+$0x0] =	vst.idx.add.f32.msk $0xffff, v21  }
0x3f6: {  	[tilespmem:v14+s21+$0x0] =	vst.idx.add.f32.msk $0xffff, v15  }
0x3f7: {  	v14 =	vld.idx.msk [tilespmem:v16+s20+$0x0], $0xffff;
	_ =	sdelay $0x3  }
0x3f8: {  	v15 =	vld.idx.msk [tilespmem:v16+s19+$0x0], $0xffff  }
0x3f9: {  	v16 =	vld [tilespmem:s25+$0xFFFFFF40];
	v14 =	vmul.u32 $0x50, v14;
	_ =	sdelay $0x1  }
0x3fa: {  	v62 =	vor.u32 v3, v14;
	_ =	sdelay $0x2  }
0x3fb: {  	v16 =	vmul.f32 v16, v15;
	_ =	sdelay $0x1  }
0x3fc: {  	[tilespmem:v62+s21+$0x0] =	vst.idx.add.f32.msk $0xffff, v16  }
0x3fd: {  	v16 =	vld [tilespmem:s25+$0xFFFFFF50];
	_ =	sdelay $0x1  }
0x3fe: {  	v63 =	vadd.s32 v20, v14;
	_ =	sdelay $0x2  }
0x3ff: {  	v16 =	vmul.f32 v16, v15;
	_ =	sdelay $0x1  }
0x400: {  	[tilespmem:v63+s21+$0x0] =	vst.idx.add.f32.msk $0xffff, v16  }
0x401: {  	v16 =	vld [tilespmem:s25+$0xFFFFFF60];
	_ =	sdelay $0x1  }
0x402: {  	v24 =	vadd.s32 v19, v14;
	_ =	sdelay $0x2  }
0x403: {  	v16 =	vmul.f32 v16, v15  }
0x404: {  	s31 =	sadd.s32 $0xFFFFFFF7, s24  }
0x405: {  	[tilespmem:v24+s21+$0x0] =	vst.idx.add.f32.msk $0xffff, v16;
	v16 =	vmov s31  }
0x406: {  	v21 =	vld [tilespmem:s25+$0xFFFFFF70];
	v16 =	vshrl.u32 v16, $0x3  }
0x407: {  	v16 =	vshll.u32 v16, v1  }
0x408: {  	v25 =	vadd.s32 v13, v14;
	v16 =	vadd.s32 $0x6, v16  }
0x409: {  	v14 =	vadd.s32 v18, v14;
	v16 =	vbroadcast v16, $0x0;
	_ =	sdelay $0x1  }
0x40a: {  	v21 =	vmul.f32 v21, v15  }
0x40b: {  	v15 =	vmul.f32 v17, v15  }
0x40c: {  	[tilespmem:v25+s21+$0x0] =	vst.idx.add.f32.msk $0xffff, v21  }
0x40d: {  	[tilespmem:v14+s21+$0x0] =	vst.idx.add.f32.msk $0xffff, v15  }
0x40e: {  	v14 =	vld.idx.msk [tilespmem:v16+s20+$0x0], $0xffff;
	_ =	sdelay $0x3  }
0x40f: {  	v15 =	vld.idx.msk [tilespmem:v16+s19+$0x0], $0xffff  }
0x410: {  	v16 =	vld [tilespmem:s25+$0xFFFFFF80];
	v14 =	vmul.u32 $0x50, v14;
	_ =	sdelay $0x1  }
0x411: {  	v26 =	vor.u32 v3, v14;
	_ =	sdelay $0x2  }
0x412: {  	v16 =	vmul.f32 v16, v15;
	_ =	sdelay $0x1  }
0x413: {  	[tilespmem:v26+s21+$0x0] =	vst.idx.add.f32.msk $0xffff, v16  }
0x414: {  	v16 =	vld [tilespmem:s25+$0xFFFFFF90];
	_ =	sdelay $0x1  }
0x415: {  	v27 =	vadd.s32 v20, v14;
	_ =	sdelay $0x2  }
0x416: {  	v16 =	vmul.f32 v16, v15;
	_ =	sdelay $0x1  }
0x417: {  	[tilespmem:v27+s21+$0x0] =	vst.idx.add.f32.msk $0xffff, v16  }
0x418: {  	v16 =	vld [tilespmem:s25+$0xFFFFFFA0];
	_ =	sdelay $0x1  }
0x419: {  	v28 =	vadd.s32 v19, v14;
	_ =	sdelay $0x2  }
0x41a: {  	v16 =	vmul.f32 v16, v15  }
0x41b: {  	s28 =	sadd.s32 $0xFFFFFFF8, s24  }
0x41c: {  	[tilespmem:v28+s21+$0x0] =	vst.idx.add.f32.msk $0xffff, v16;
	v16 =	vmov s28  }
0x41d: {  	v21 =	vld [tilespmem:s25+$0xFFFFFFB0];
	v16 =	vshrl.u32 v16, $0x3  }
0x41e: {  	v16 =	vshll.u32 v16, v1  }
0x41f: {  	v29 =	vadd.s32 v13, v14;
	v16 =	vadd.s32 $0x7, v16  }
0x420: {  	v14 =	vadd.s32 v18, v14;
	v16 =	vbroadcast v16, $0x0;
	_ =	sdelay $0x1  }
0x421: {  	v21 =	vmul.f32 v21, v15  }
0x422: {  	v15 =	vmul.f32 v17, v15  }
0x423: {  	[tilespmem:v29+s21+$0x0] =	vst.idx.add.f32.msk $0xffff, v21  }
0x424: {  	[tilespmem:v14+s21+$0x0] =	vst.idx.add.f32.msk $0xffff, v15  }
0x425: {  	v14 =	vld.idx.msk [tilespmem:v16+s20+$0x0], $0xffff;
	_ =	sdelay $0x3  }
0x426: {  	v15 =	vld.idx.msk [tilespmem:v16+s19+$0x0], $0xffff  }
0x427: {  	v16 =	vld [tilespmem:s25+$0xFFFFFFC0];
	v14 =	vmul.u32 $0x50, v14;
	_ =	sdelay $0x1  }
0x428: {  	v30 =	vor.u32 v3, v14;
	_ =	sdelay $0x2  }
0x429: {  	v16 =	vmul.f32 v16, v15;
	_ =	sdelay $0x1  }
0x42a: {  	[tilespmem:v30+s21+$0x0] =	vst.idx.add.f32.msk $0xffff, v16  }
0x42b: {  	v16 =	vld [tilespmem:s25+$0xFFFFFFD0];
	_ =	sdelay $0x1  }
0x42c: {  	v31 =	vadd.s32 v20, v14;
	_ =	sdelay $0x2  }
0x42d: {  	v16 =	vmul.f32 v16, v15;
	_ =	sdelay $0x1  }
0x42e: {  	[tilespmem:v31+s21+$0x0] =	vst.idx.add.f32.msk $0xffff, v16  }
0x42f: {  	v16 =	vld [tilespmem:s25+$0xFFFFFFE0];
	_ =	sdelay $0x1  }
0x430: {  	v32 =	vadd.s32 v19, v14;
	_ =	sdelay $0x2  }
0x431: {  	v16 =	vmul.f32 v16, v15;
	_ =	sdelay $0x1  }
0x432: {  	s29 =	sadd.s32 $0xFFFFFFF9, s24;
	[tilespmem:v32+s21+$0x0] =	vst.idx.add.f32.msk $0xffff, v16  }
0x433: {  	v33 =	vmov s29;
	v16 =	vld [tilespmem:s25+$0xFFFFFFF0]  }
0x434: {  	v21 =	vshrl.u32 v33, $0x3  }
0x435: {  	v21 =	vshll.u32 v21, v1;
	v34 =	vadd.s32 v13, v14  }
0x436: {  	v21 =	vbroadcast v21, $0x0;
	v14 =	vadd.s32 v18, v14;
	_ =	sdelay $0x1  }
0x437: {  	v16 =	vmul.f32 v16, v15  }
0x438: {  	v15 =	vmul.f32 v17, v15  }
0x439: {  	[tilespmem:v34+s21+$0x0] =	vst.idx.add.f32.msk $0xffff, v16  }
0x43a: {  	[tilespmem:v14+s21+$0x0] =	vst.idx.add.f32.msk $0xffff, v15  }
0x43b: {  	v14 =	vld.idx.msk [tilespmem:v21+s20+$0x0], $0xffff;
	_ =	sdelay $0x3  }
0x43c: {  	v15 =	vld.idx.msk [tilespmem:v21+s19+$0x0], $0xffff  }
0x43d: {  	v16 =	vld [tilespmem:s25+$0x0];
	v14 =	vmul.u32 $0x50, v14;
	_ =	sdelay $0x1  }
0x43e: {  	v35 =	vor.u32 v3, v14;
	_ =	sdelay $0x2  }
0x43f: {  	v16 =	vmul.f32 v16, v15;
	_ =	sdelay $0x1  }
0x440: {  	[tilespmem:v35+s21+$0x0] =	vst.idx.add.f32.msk $0xffff, v16  }
0x441: {  	v16 =	vld [tilespmem:s25+$0x10];
	_ =	sdelay $0x1  }
0x442: {  	v36 =	vadd.s32 v20, v14;
	_ =	sdelay $0x2  }
0x443: {  	v16 =	vmul.f32 v16, v15;
	_ =	sdelay $0x1  }
0x444: {  	[tilespmem:v36+s21+$0x0] =	vst.idx.add.f32.msk $0xffff, v16  }
0x445: {  	v16 =	vld [tilespmem:s25+$0x20];
	_ =	sdelay $0x1  }
0x446: {  	v37 =	vadd.s32 v19, v14;
	_ =	sdelay $0x2  }
0x447: {  	v16 =	vmul.f32 v16, v15  }
0x448: {  	s30 =	sadd.s32 $0xFFFFFFFA, s24  }
0x449: {  	[tilespmem:v37+s21+$0x0] =	vst.idx.add.f32.msk $0xffff, v16;
	v16 =	vmov s30  }
0x44a: {  	v21 =	vld [tilespmem:s25+$0x30];
	v16 =	vshrl.u32 v16, $0x3  }
0x44b: {  	v16 =	vshll.u32 v16, v1  }
0x44c: {  	v38 =	vadd.s32 v13, v14;
	v16 =	vadd.s32 $0x1, v16  }
0x44d: {  	v14 =	vadd.s32 v18, v14;
	v16 =	vbroadcast v16, $0x0;
	_ =	sdelay $0x1  }
0x44e: {  	v21 =	vmul.f32 v21, v15  }
0x44f: {  	v15 =	vmul.f32 v17, v15  }
0x450: {  	[tilespmem:v38+s21+$0x0] =	vst.idx.add.f32.msk $0xffff, v21  }
0x451: {  	[tilespmem:v14+s21+$0x0] =	vst.idx.add.f32.msk $0xffff, v15  }
0x452: {  	v14 =	vld.idx.msk [tilespmem:v16+s20+$0x0], $0xffff;
	_ =	sdelay $0x3  }
0x453: {  	v15 =	vld.idx.msk [tilespmem:v16+s19+$0x0], $0xffff  }
0x454: {  	v16 =	vld [tilespmem:s25+$0x40];
	v14 =	vmul.u32 $0x50, v14;
	_ =	sdelay $0x1  }
0x455: {  	v39 =	vor.u32 v3, v14;
	_ =	sdelay $0x2  }
0x456: {  	v16 =	vmul.f32 v16, v15;
	_ =	sdelay $0x1  }
0x457: {  	[tilespmem:v39+s21+$0x0] =	vst.idx.add.f32.msk $0xffff, v16  }
0x458: {  	v16 =	vld [tilespmem:s25+$0x50];
	_ =	sdelay $0x1  }
0x459: {  	v40 =	vadd.s32 v20, v14;
	_ =	sdelay $0x2  }
0x45a: {  	v16 =	vmul.f32 v16, v15;
	_ =	sdelay $0x1  }
0x45b: {  	[tilespmem:v40+s21+$0x0] =	vst.idx.add.f32.msk $0xffff, v16  }
0x45c: {  	v16 =	vld [tilespmem:s25+$0x60];
	_ =	sdelay $0x1  }
0x45d: {  	v41 =	vadd.s32 v19, v14;
	_ =	sdelay $0x2  }
0x45e: {  	v16 =	vmul.f32 v16, v15  }
0x45f: {  	s31 =	sadd.s32 $0xFFFFFFFB, s24  }
0x460: {  	[tilespmem:v41+s21+$0x0] =	vst.idx.add.f32.msk $0xffff, v16;
	v16 =	vmov s31  }
0x461: {  	v21 =	vld [tilespmem:s25+$0x70];
	v16 =	vshrl.u32 v16, $0x3  }
0x462: {  	v16 =	vshll.u32 v16, v1  }
0x463: {  	v42 =	vadd.s32 v13, v14;
	v16 =	vadd.s32 $0x2, v16  }
0x464: {  	v14 =	vadd.s32 v18, v14;
	v16 =	vbroadcast v16, $0x0;
	_ =	sdelay $0x1  }
0x465: {  	v21 =	vmul.f32 v21, v15  }
0x466: {  	v15 =	vmul.f32 v17, v15  }
0x467: {  	[tilespmem:v42+s21+$0x0] =	vst.idx.add.f32.msk $0xffff, v21  }
0x468: {  	[tilespmem:v14+s21+$0x0] =	vst.idx.add.f32.msk $0xffff, v15  }
0x469: {  	v14 =	vld.idx.msk [tilespmem:v16+s20+$0x0], $0xffff;
	_ =	sdelay $0x3  }
0x46a: {  	v15 =	vld.idx.msk [tilespmem:v16+s19+$0x0], $0xffff  }
0x46b: {  	v16 =	vld [tilespmem:s25+$0x80];
	v14 =	vmul.u32 $0x50, v14;
	_ =	sdelay $0x1  }
0x46c: {  	v43 =	vor.u32 v3, v14;
	_ =	sdelay $0x2  }
0x46d: {  	v16 =	vmul.f32 v16, v15;
	_ =	sdelay $0x1  }
0x46e: {  	[tilespmem:v43+s21+$0x0] =	vst.idx.add.f32.msk $0xffff, v16  }
0x46f: {  	v16 =	vld [tilespmem:s25+$0x90];
	_ =	sdelay $0x1  }
0x470: {  	v44 =	vadd.s32 v20, v14;
	_ =	sdelay $0x2  }
0x471: {  	v16 =	vmul.f32 v16, v15;
	_ =	sdelay $0x1  }
0x472: {  	[tilespmem:v44+s21+$0x0] =	vst.idx.add.f32.msk $0xffff, v16  }
0x473: {  	v16 =	vld [tilespmem:s25+$0xA0];
	_ =	sdelay $0x1  }
0x474: {  	v45 =	vadd.s32 v19, v14;
	_ =	sdelay $0x2  }
0x475: {  	v16 =	vmul.f32 v16, v15  }
0x476: {  	s28 =	sadd.s32 $0xFFFFFFFC, s24  }
0x477: {  	[tilespmem:v45+s21+$0x0] =	vst.idx.add.f32.msk $0xffff, v16;
	v16 =	vmov s28  }
0x478: {  	v21 =	vld [tilespmem:s25+$0xB0];
	v16 =	vshrl.u32 v16, $0x3  }
0x479: {  	v16 =	vshll.u32 v16, v1  }
0x47a: {  	v46 =	vadd.s32 v13, v14;
	v16 =	vadd.s32 $0x3, v16  }
0x47b: {  	v14 =	vadd.s32 v18, v14;
	v16 =	vbroadcast v16, $0x0;
	_ =	sdelay $0x1  }
0x47c: {  	v21 =	vmul.f32 v21, v15  }
0x47d: {  	v15 =	vmul.f32 v17, v15  }
0x47e: {  	[tilespmem:v46+s21+$0x0] =	vst.idx.add.f32.msk $0xffff, v21  }
0x47f: {  	[tilespmem:v14+s21+$0x0] =	vst.idx.add.f32.msk $0xffff, v15  }
0x480: {  	v14 =	vld.idx.msk [tilespmem:v16+s20+$0x0], $0xffff;
	_ =	sdelay $0x3  }
0x481: {  	v15 =	vld.idx.msk [tilespmem:v16+s19+$0x0], $0xffff  }
0x482: {  	v16 =	vld [tilespmem:s25+$0xC0];
	v14 =	vmul.u32 $0x50, v14;
	_ =	sdelay $0x1  }
0x483: {  	v47 =	vor.u32 v3, v14;
	_ =	sdelay $0x2  }
0x484: {  	v16 =	vmul.f32 v16, v15;
	_ =	sdelay $0x1  }
0x485: {  	[tilespmem:v47+s21+$0x0] =	vst.idx.add.f32.msk $0xffff, v16  }
0x486: {  	v16 =	vld [tilespmem:s25+$0xD0];
	_ =	sdelay $0x1  }
0x487: {  	v48 =	vadd.s32 v20, v14;
	_ =	sdelay $0x2  }
0x488: {  	v16 =	vmul.f32 v16, v15;
	_ =	sdelay $0x1  }
0x489: {  	[tilespmem:v48+s21+$0x0] =	vst.idx.add.f32.msk $0xffff, v16  }
0x48a: {  	v16 =	vld [tilespmem:s25+$0xE0];
	_ =	sdelay $0x1  }
0x48b: {  	v49 =	vadd.s32 v19, v14;
	_ =	sdelay $0x2  }
0x48c: {  	v16 =	vmul.f32 v16, v15  }
0x48d: {  	s29 =	sadd.s32 $0xFFFFFFFD, s24  }
0x48e: {  	[tilespmem:v49+s21+$0x0] =	vst.idx.add.f32.msk $0xffff, v16;
	v16 =	vmov s29  }
0x48f: {  	v21 =	vld [tilespmem:s25+$0xF0];
	v16 =	vshrl.u32 v16, $0x3  }
0x490: {  	v16 =	vshll.u32 v16, v1  }
0x491: {  	v50 =	vadd.s32 v13, v14;
	v16 =	vadd.s32 $0x4, v16  }
0x492: {  	v14 =	vadd.s32 v18, v14;
	v16 =	vbroadcast v16, $0x0;
	_ =	sdelay $0x1  }
0x493: {  	v21 =	vmul.f32 v21, v15  }
0x494: {  	v15 =	vmul.f32 v17, v15  }
0x495: {  	[tilespmem:v50+s21+$0x0] =	vst.idx.add.f32.msk $0xffff, v21  }
0x496: {  	[tilespmem:v14+s21+$0x0] =	vst.idx.add.f32.msk $0xffff, v15  }
0x497: {  	v14 =	vld.idx.msk [tilespmem:v16+s20+$0x0], $0xffff;
	_ =	sdelay $0x3  }
0x498: {  	v15 =	vld.idx.msk [tilespmem:v16+s19+$0x0], $0xffff  }
0x499: {  	v16 =	vld [tilespmem:s25+$0x100];
	v14 =	vmul.u32 $0x50, v14;
	_ =	sdelay $0x1  }
0x49a: {  	v51 =	vor.u32 v3, v14;
	_ =	sdelay $0x2  }
0x49b: {  	v16 =	vmul.f32 v16, v15;
	_ =	sdelay $0x1  }
0x49c: {  	[tilespmem:v51+s21+$0x0] =	vst.idx.add.f32.msk $0xffff, v16  }
0x49d: {  	v16 =	vld [tilespmem:s25+$0x110];
	_ =	sdelay $0x1  }
0x49e: {  	v52 =	vadd.s32 v20, v14;
	_ =	sdelay $0x2  }
0x49f: {  	v16 =	vmul.f32 v16, v15;
	_ =	sdelay $0x1  }
0x4a0: {  	[tilespmem:v52+s21+$0x0] =	vst.idx.add.f32.msk $0xffff, v16  }
0x4a1: {  	v16 =	vld [tilespmem:s25+$0x120];
	_ =	sdelay $0x1  }
0x4a2: {  	v53 =	vadd.s32 v19, v14;
	_ =	sdelay $0x2  }
0x4a3: {  	v16 =	vmul.f32 v16, v15  }
0x4a4: {  	s30 =	sadd.s32 $0xFFFFFFFE, s24  }
0x4a5: {  	[tilespmem:v53+s21+$0x0] =	vst.idx.add.f32.msk $0xffff, v16;
	v16 =	vmov s30  }
0x4a6: {  	v21 =	vld [tilespmem:s25+$0x130];
	v16 =	vshrl.u32 v16, $0x3  }
0x4a7: {  	v16 =	vshll.u32 v16, v1  }
0x4a8: {  	v54 =	vadd.s32 v13, v14;
	v16 =	vadd.s32 $0x5, v16  }
0x4a9: {  	v14 =	vadd.s32 v18, v14;
	v16 =	vbroadcast v16, $0x0;
	_ =	sdelay $0x1  }
0x4aa: {  	v21 =	vmul.f32 v21, v15  }
0x4ab: {  	v15 =	vmul.f32 v17, v15  }
0x4ac: {  	[tilespmem:v54+s21+$0x0] =	vst.idx.add.f32.msk $0xffff, v21  }
0x4ad: {  	[tilespmem:v14+s21+$0x0] =	vst.idx.add.f32.msk $0xffff, v15  }
0x4ae: {  	v14 =	vld.idx.msk [tilespmem:v16+s20+$0x0], $0xffff;
	_ =	sdelay $0x3  }
0x4af: {  	v15 =	vld.idx.msk [tilespmem:v16+s19+$0x0], $0xffff  }
0x4b0: {  	v16 =	vld [tilespmem:s25+$0x140];
	v14 =	vmul.u32 $0x50, v14;
	_ =	sdelay $0x1  }
0x4b1: {  	v55 =	vor.u32 v3, v14;
	_ =	sdelay $0x2  }
0x4b2: {  	v16 =	vmul.f32 v16, v15;
	_ =	sdelay $0x1  }
0x4b3: {  	[tilespmem:v55+s21+$0x0] =	vst.idx.add.f32.msk $0xffff, v16  }
0x4b4: {  	v16 =	vld [tilespmem:s25+$0x150];
	_ =	sdelay $0x1  }
0x4b5: {  	v56 =	vadd.s32 v20, v14;
	_ =	sdelay $0x2  }
0x4b6: {  	v16 =	vmul.f32 v16, v15;
	_ =	sdelay $0x1  }
0x4b7: {  	[tilespmem:v56+s21+$0x0] =	vst.idx.add.f32.msk $0xffff, v16  }
0x4b8: {  	v16 =	vld [tilespmem:s25+$0x160];
	_ =	sdelay $0x1  }
0x4b9: {  	v57 =	vadd.s32 v19, v14;
	_ =	sdelay $0x2  }
0x4ba: {  	v16 =	vmul.f32 v16, v15  }
0x4bb: {  	s31 =	sadd.s32 $0xFFFFFFFF, s24  }
0x4bc: {  	[tilespmem:v57+s21+$0x0] =	vst.idx.add.f32.msk $0xffff, v16;
	v16 =	vmov s31  }
0x4bd: {  	v21 =	vld [tilespmem:s25+$0x170];
	v16 =	vshrl.u32 v16, $0x3  }
0x4be: {  	v16 =	vshll.u32 v16, v1  }
0x4bf: {  	v58 =	vadd.s32 v13, v14;
	v16 =	vadd.s32 $0x6, v16  }
0x4c0: {  	v14 =	vadd.s32 v18, v14;
	v16 =	vbroadcast v16, $0x0;
	_ =	sdelay $0x1  }
0x4c1: {  	v21 =	vmul.f32 v21, v15  }
0x4c2: {  	v15 =	vmul.f32 v17, v15  }
0x4c3: {  	[tilespmem:v58+s21+$0x0] =	vst.idx.add.f32.msk $0xffff, v21  }
0x4c4: {  	[tilespmem:v14+s21+$0x0] =	vst.idx.add.f32.msk $0xffff, v15  }
0x4c5: {  	v14 =	vld.idx.msk [tilespmem:v16+s20+$0x0], $0xffff;
	_ =	sdelay $0x3  }
0x4c6: {  	v15 =	vld.idx.msk [tilespmem:v16+s19+$0x0], $0xffff  }
0x4c7: {  	v16 =	vld [tilespmem:s25+$0x180];
	v14 =	vmul.u32 $0x50, v14;
	_ =	sdelay $0x1  }
0x4c8: {  	v59 =	vor.u32 v3, v14;
	_ =	sdelay $0x2  }
0x4c9: {  	v16 =	vmul.f32 v16, v15;
	_ =	sdelay $0x1  }
0x4ca: {  	[tilespmem:v59+s21+$0x0] =	vst.idx.add.f32.msk $0xffff, v16  }
0x4cb: {  	v16 =	vld [tilespmem:s25+$0x190];
	_ =	sdelay $0x1  }
0x4cc: {  	v60 =	vadd.s32 v20, v14;
	_ =	sdelay $0x2  }
0x4cd: {  	v16 =	vmul.f32 v16, v15;
	_ =	sdelay $0x1  }
0x4ce: {  	[tilespmem:v60+s21+$0x0] =	vst.idx.add.f32.msk $0xffff, v16  }
0x4cf: {  	v16 =	vld [tilespmem:s25+$0x1A0];
	_ =	sdelay $0x1  }
0x4d0: {  	v61 =	vadd.s32 v19, v14;
	_ =	sdelay $0x2  }
0x4d1: {  	v16 =	vmul.f32 v16, v15;
	_ =	sdelay $0x1  }
0x4d2: {  	[tilespmem:v61+s21+$0x0] =	vst.idx.add.f32.msk $0xffff, v16;
	v16 =	vmov s24  }
0x4d3: {  	v21 =	vld [tilespmem:s25+$0x1B0];
	v16 =	vshrl.u32 v16, $0x3  }
0x4d4: {  	v16 =	vshll.u32 v16, v1  }
0x4d5: {  	v62 =	vadd.s32 v13, v14;
	v16 =	vadd.s32 $0x7, v16  }
0x4d6: {  	v14 =	vadd.s32 v18, v14;
	v16 =	vbroadcast v16, $0x0;
	_ =	sdelay $0x1  }
0x4d7: {  	v21 =	vmul.f32 v21, v15  }
0x4d8: {  	v15 =	vmul.f32 v17, v15  }
0x4d9: {  	[tilespmem:v62+s21+$0x0] =	vst.idx.add.f32.msk $0xffff, v21  }
0x4da: {  	[tilespmem:v14+s21+$0x0] =	vst.idx.add.f32.msk $0xffff, v15  }
0x4db: {  	v14 =	vld.idx.msk [tilespmem:v16+s20+$0x0], $0xffff;
	_ =	sdelay $0x3  }
0x4dc: {  	v15 =	vld.idx.msk [tilespmem:v16+s19+$0x0], $0xffff  }
0x4dd: {  	v21 =	vld [tilespmem:s25+$0x1C0];
	v14 =	vmul.u32 $0x50, v14;
	_ =	sdelay $0x1  }
0x4de: {  	v63 =	vor.u32 v3, v14;
	_ =	sdelay $0x2  }
0x4df: {  	v21 =	vmul.f32 v21, v15;
	_ =	sdelay $0x1  }
0x4e0: {  	[tilespmem:v63+s21+$0x0] =	vst.idx.add.f32.msk $0xffff, v21  }
0x4e1: {  	v21 =	vld [tilespmem:s25+$0x1D0];
	_ =	sdelay $0x1  }
0x4e2: {  	v20 =	vadd.s32 v20, v14;
	_ =	sdelay $0x2  }
0x4e3: {  	v21 =	vmul.f32 v21, v15;
	_ =	sdelay $0x1  }
0x4e4: {  	[tilespmem:v20+s21+$0x0] =	vst.idx.add.f32.msk $0xffff, v21  }
0x4e5: {  	v20 =	vld [tilespmem:s25+$0x1E0];
	_ =	sdelay $0x1  }
0x4e6: {  	v19 =	vadd.s32 v19, v14;
	_ =	sdelay $0x2  }
0x4e7: {  	v20 =	vmul.f32 v20, v15;
	_ =	sdelay $0x1  }
0x4e8: {  	[tilespmem:v19+s21+$0x0] =	vst.idx.add.f32.msk $0xffff, v20  }
0x4e9: {  	v19 =	vld [tilespmem:s25+$0x1F0];
	_ =	sdelay $0x1  }
0x4ea: {  	v13 =	vadd.s32 v13, v14  }
0x4eb: {  	v14 =	vadd.s32 v18, v14;
	_ =	sdelay $0x1  }
0x4ec: {  	v18 =	vmul.f32 v19, v15  }
0x4ed: {  	v15 =	vmul.f32 v17, v15  }
0x4ee: {  	[tilespmem:v13+s21+$0x0] =	vst.idx.add.f32.msk $0xffff, v18  }
0x4ef: {  	v17 =	vimm.f32 $0.0e+00;
	[tilespmem:v14+s21+$0x0] =	vst.idx.add.f32.msk $0xffff, v15  }
0x4f0: {  	v15 =	vimm.f32 $0.0e+00;
	v14 =	vimm.f32 $0.0e+00;
	v13 =	vld.idx.msk [tilespmem:v16+s20+$0x0], $0xffff;
	v16 =	vimm.f32 $0.0e+00  }
.LBB2_14:
0x4f1: {  	s24 =	sadd.s32 $0x10, s24  }
0x4f2: {  	p0 =	sne.s32 s24, $0x1AF  }
.Ltmp10:
0x4f3: {  	_ = 	snop;
	(pc) =	sbr.rel @!p0 .LBB2_15-.Ltmp10, $2  }
0x4f4: {  	_ =	sdelay $0x2  }
0x4f5: {  	s23 =	sadd.s32 $0x10, s23;
	s25 =	sadd.s32 $0x400, s25  }
.LBB2_11:
0x4f6: {  	v18 =	vld [tilespmem:s23+$0x0];
	_ =	sdelay $0x4  }
0x4f7: {  	vm1 =	veq.s32 v18, v13  }
0x4f8: {  	v18 =	vsel vm1, $0x1, v0  }
0x4f9: {  	v18 =	vor.u32 $0x80000000, v18  }
0x4fa: {  	(xrf0) =	vmin.scan.msk.u32 $0xffff, v18;
	_ =	sdelay $0x5  }
0x4fb: {  	v18, _, _ =	vpop (xrf0)  }
0x4fc: {  	(v2sf) =	vpush v18, $0xF;
	_ =	sdelay $0xe  }
0x4fd: {  	s28 =	spop (v2sf)  }
0x4fe: {  	p0 =	sne.s32 s28, $0x80000001  }
.Ltmp11:
0x4ff: {  	_ = 	snop;
	(pc) =	sbr.rel @p0 .LBB2_13-.Ltmp11, $4  }
0x500: {  	_ = 	snop  }
0x501: {  	s26 =	sadd.s32 $0xFFFFFFF1, s24  }
0x502: {  	v18 =	vmov s26  }
0x503: {  	v21 =	vshrl.u32 v18, $0x3  }
0x504: {  	v50 =	vld [tilespmem:s25+$0xFFFFFE00]  }
0x505: {  	v22 =	vld [tilespmem:s25+$0xFFFFFE10]  }
0x506: {  	v23 =	vld [tilespmem:s25+$0xFFFFFE20]  }
0x507: {  	v24 =	vld [tilespmem:s25+$0xFFFFFE30]  }
0x508: {  	v26 =	vld [tilespmem:s25+$0xFFFFFE40]  }
0x509: {  	v27 =	vld [tilespmem:s25+$0xFFFFFE50]  }
0x50a: {  	v28 =	vld [tilespmem:s25+$0xFFFFFE60]  }
0x50b: {  	v29 =	vld [tilespmem:s25+$0xFFFFFE70]  }
0x50c: {  	v31 =	vld [tilespmem:s25+$0xFFFFFE80]  }
0x50d: {  	v32 =	vld [tilespmem:s25+$0xFFFFFE90]  }
0x50e: {  	s26 =	sadd.s32 $0xFFFFFFF2, s24;
	v33 =	vld [tilespmem:s25+$0xFFFFFEA0]  }
0x50f: {  	v34 =	vld [tilespmem:s25+$0xFFFFFEB0];
	v19 =	vmov s26  }
0x510: {  	v18 =	vshll.u32 v21, v1;
	v36 =	vld [tilespmem:s25+$0xFFFFFEC0];
	v19 =	vshrl.u32 v19, $0x3  }
0x511: {  	s31 =	sadd.s32 $0xFFFFFFF3, s24;
	v37 =	vld [tilespmem:s25+$0xFFFFFED0];
	v18 =	vbroadcast v18, $0x0;
	v19 =	vshll.u32 v19, v1  }
0x512: {  	s28 =	sadd.s32 $0xFFFFFFF4, s24;
	v38 =	vld [tilespmem:s25+$0xFFFFFEE0];
	v20 =	vmov s31;
	v19 =	vadd.s32 $0x1, v19  }
0x513: {  	s29 =	sadd.s32 $0xFFFFFFF5, s24;
	v39 =	vld [tilespmem:s25+$0xFFFFFEF0];
	v25 =	vmov s28;
	v20 =	vshrl.u32 v20, $0x3;
	v19 =	vbroadcast v19, $0x0  }
0x514: {  	s30 =	sadd.s32 $0xFFFFFFF6, s24;
	v41 =	vld [tilespmem:s25+$0xFFFFFF00];
	v30 =	vmov s29;
	v25 =	vshrl.u32 v25, $0x3;
	v20 =	vshll.u32 v20, v1  }
0x515: {  	v42 =	vld [tilespmem:s25+$0xFFFFFF10];
	v35 =	vmov s30;
	v25 =	vshll.u32 v25, v1;
	v20 =	vadd.s32 $0x2, v20  }
0x516: {  	v43 =	vld [tilespmem:s25+$0xFFFFFF20];
	s31 =	sadd.s32 $0xFFFFFFF7, s24;
	v30 =	vshrl.u32 v30, $0x3;
	v25 =	vadd.s32 $0x3, v25;
	v20 =	vbroadcast v20, $0x0  }
0x517: {  	v40 =	vmov s31;
	v30 =	vshll.u32 v30, v1;
	v25 =	vbroadcast v25, $0x0;
	v18 =	vld.idx.msk [tilespmem:v18+s19+$0x0], $0xffff  }
0x518: {  	v56 =	vld [tilespmem:s25+$0xFFFFFF50];
	v35 =	vshrl.u32 v35, $0x3;
	v40 =	vshrl.u32 v40, $0x3;
	v30 =	vadd.s32 $0x4, v30  }
0x519: {  	s28 =	sadd.s32 $0xFFFFFFF8, s24;
	v35 =	vshll.u32 v35, v1;
	v40 =	vshll.u32 v40, v1;
	v30 =	vbroadcast v30, $0x0;
	v19 =	vld.idx.msk [tilespmem:v19+s19+$0x0], $0xffff  }
0x51a: {  	v57 =	vld [tilespmem:s25+$0xFFFFFF70];
	s29 =	sadd.s32 $0xFFFFFFF9, s24;
	v52 =	vmov s28;
	v35 =	vadd.s32 $0x5, v35;
	v40 =	vadd.s32 $0x6, v40  }
0x51b: {  	v44 =	vld [tilespmem:s25+$0xFFFFFFC0];
	v58 =	vmov s29;
	v35 =	vbroadcast v35, $0x0;
	v40 =	vbroadcast v40, $0x0  }
0x51c: {  	v53 =	vshrl.u32 v52, $0x3;
	v20 =	vld.idx.msk [tilespmem:v20+s19+$0x0], $0xffff;
	v21 =	vmul.f32 v50, v18;
	v22 =	vmul.f32 v22, v18  }
0x51d: {  	v25 =	vld.idx.msk [tilespmem:v25+s19+$0x0], $0xffff;
	v23 =	vmul.f32 v23, v18;
	v51 =	vmul.f32 v24, v18;
	v14 =	vadd.f32 v18, v14  }
0x51e: {  	v47 =	vld [tilespmem:s25+$0xFFFFFFD0];
	v12 =	vadd.f32 v21, v12;
	v21 =	vshll.u32 v53, v1;
	v54 =	vmul.f32 v26, v19  }
0x51f: {  	s30 =	sadd.s32 $0xFFFFFFFA, s24;
	v30 =	vld.idx.msk [tilespmem:v30+s19+$0x0], $0xffff;
	v21 =	vadd.s32 $0x7, v21;
	v55 =	vmul.f32 v27, v19;
	v28 =	vmul.f32 v28, v19  }
0x520: {  	v61 =	vmov s30;
	v52 =	vld [tilespmem:s25+$0x0];
	v29 =	vmul.f32 v29, v19;
	v21 =	vbroadcast v21, $0x0  }
0x521: {  	s31 =	sadd.s32 $0xFFFFFFFB, s24;
	v24 =	vld [tilespmem:s25+$0xFFFFFF30];
	v14 =	vadd.f32 v19, v14;
	v19 =	vmul.f32 v31, v20;
	v59 =	vmul.f32 v32, v20  }
0x522: {  	v49 =	vmov s31;
	v18 =	vld [tilespmem:s25+$0xFFFFFF40];
	v60 =	vmul.f32 v33, v20;
	v62 =	vmul.f32 v36, v25  }
0x523: {  	v17 =	vadd.f32 v22, v17;
	v22 =	vld.idx.msk [tilespmem:v35+s19+$0x0], $0xffff;
	v63 =	vmul.f32 v37, v25;
	v45 =	vmul.f32 v38, v25  }
0x524: {  	v16 =	vadd.f32 v23, v16;
	v35 =	vld [tilespmem:s25+$0xFFFFFF60];
	v46 =	vmul.f32 v39, v25;
	v48 =	vmul.f32 v41, v30  }
0x525: {  	v15 =	vadd.f32 v51, v15;
	v53 =	vld [tilespmem:s25+$0x10];
	v50 =	vmul.f32 v42, v30;
	v51 =	vmul.f32 v43, v30  }
0x526: {  	v26 =	vld.idx.msk [tilespmem:v40+s19+$0x0], $0xffff;
	v37 =	vshrl.u32 v49, $0x3;
	v24 =	vmul.f32 v24, v30;
	v12 =	vadd.f32 v54, v12  }
0x527: {  	v33 =	vld [tilespmem:s25+$0xFFFFFF90];
	v37 =	vshll.u32 v37, v1;
	v17 =	vadd.f32 v55, v17;
	v16 =	vadd.f32 v28, v16  }
0x528: {  	v31 =	vld [tilespmem:s25+$0xFFFFFFB0];
	v15 =	vadd.f32 v29, v15;
	v29 =	vshrl.u32 v58, $0x3;
	v37 =	vadd.s32 $0x2, v37  }
0x529: {  	s28 =	sadd.s32 $0xFFFFFFFC, s24;
	v32 =	vld [tilespmem:s25+$0xFFFFFFF0];
	v14 =	vadd.f32 v20, v14;
	v29 =	vshll.u32 v29, v1;
	v55 =	vbroadcast v37, $0x0  }
0x52a: {  	v42 =	vld [tilespmem:s25+$0x90];
	v18 =	vmul.f32 v18, v22;
	v27 =	vmul.f32 v56, v22;
	v56 =	vmov s28  }
0x52b: {  	v49 =	vld [tilespmem:s25+$0xC0];
	v35 =	vmul.f32 v35, v22;
	v23 =	vmul.f32 v57, v22;
	v12 =	vadd.f32 v19, v12  }
0x52c: {  	v40 =	vld [tilespmem:s25+$0x150];
	v19 =	vmul.f32 v34, v20;
	v17 =	vadd.f32 v59, v17;
	v16 =	vadd.f32 v60, v16  }
0x52d: {  	s29 =	sadd.s32 $0xFFFFFFFD, s24;
	v28 =	vld [tilespmem:s25+$0xFFFFFF80];
	v29 =	vbroadcast v29, $0x0;
	v20 =	vshrl.u32 v61, $0x3;
	v14 =	vadd.f32 v25, v14  }
0x52e: {  	v54 =	vld [tilespmem:s25+$0x20];
	v37 =	vshrl.u32 v56, $0x3;
	v61 =	vmov s29;
	v20 =	vshll.u32 v20, v1  }
0x52f: {  	v34 =	vld [tilespmem:s25+$0xFFFFFFA0];
	v58 =	vshll.u32 v37, v1;
	v33 =	vmul.f32 v33, v26;
	v15 =	vadd.f32 v19, v15  }
0x530: {  	v57 =	vld [tilespmem:s25+$0x40];
	v12 =	vadd.f32 v62, v12;
	v17 =	vadd.f32 v63, v17;
	v20 =	vadd.s32 $0x1, v20  }
0x531: {  	v60 =	vld [tilespmem:s25+$0x70];
	v16 =	vadd.f32 v45, v16;
	v14 =	vadd.f32 v30, v14;
	v62 =	vmul.f32 v31, v26  }
0x532: {  	v19 =	vld.idx.msk [tilespmem:v21+s19+$0x0], $0xffff;
	v20 =	vbroadcast v20, $0x0;
	v15 =	vadd.f32 v46, v15;
	v12 =	vadd.f32 v48, v12  }
0x533: {  	s30 =	sadd.s32 $0xFFFFFFFE, s24;
	v21 =	vld [tilespmem:s25+$0xFFFFFFE0];
	v59 =	vmul.f32 v28, v26;
	v17 =	vadd.f32 v50, v17;
	v16 =	vadd.f32 v51, v16  }
0x534: {  	v63 =	vld [tilespmem:s25+$0x80];
	v14 =	vadd.f32 v22, v14;
	v48 =	vmov s30;
	v34 =	vmul.f32 v34, v26  }
0x535: {  	s31 =	sadd.s32 $0xFFFFFFFF, s24;
	v45 =	vld [tilespmem:s25+$0xA0];
	v50 =	vshrl.u32 v48, $0x3;
	v15 =	vadd.f32 v24, v15;
	v12 =	vadd.f32 v18, v12  }
0x536: {  	v30 =	vld.idx.msk [tilespmem:v55+s19+$0x0], $0xffff;
	v55 =	vmov s31;
	v17 =	vadd.f32 v27, v17;
	v16 =	vadd.f32 v35, v16  }
0x537: {  	v51 =	vld [tilespmem:s25+$0xD0];
	v27 =	vadd.s32 $0x3, v58;
	v35 =	vshrl.u32 v61, $0x3;
	v14 =	vadd.f32 v26, v14  }
0x538: {  	v48 =	vld [tilespmem:s25+$0x180];
	v26 =	vshll.u32 v50, v1;
	v56 =	vshrl.u32 v55, $0x3;
	v27 =	vbroadcast v27, $0x0  }
0x539: {  	v29 =	vld.idx.msk [tilespmem:v29+s19+$0x0], $0xffff;
	v61 =	vmov s24;
	v44 =	vmul.f32 v44, v19;
	v46 =	vmul.f32 v47, v19  }
0x53a: {  	v24 =	vld [tilespmem:s25+$0x30];
	v43 =	vshll.u32 v35, v1;
	v21 =	vmul.f32 v21, v19;
	v32 =	vmul.f32 v32, v19  }
0x53b: {  	v18 =	vld [tilespmem:s25+$0x50];
	v26 =	vadd.s32 $0x5, v26;
	v15 =	vadd.f32 v23, v15;
	v12 =	vadd.f32 v59, v12  }
0x53c: {  	v58 =	vld [tilespmem:s25+$0x110];
	v17 =	vadd.f32 v33, v17;
	v16 =	vadd.f32 v34, v16;
	v34 =	vadd.s32 $0x4, v43  }
0x53d: {  	v47 =	vld [tilespmem:s25+$0xB0];
	v14 =	vadd.f32 v19, v14;
	v26 =	vbroadcast v26, $0x0;
	v34 =	vbroadcast v34, $0x0  }
0x53e: {  	v50 =	vld [tilespmem:s25+$0x190];
	v15 =	vadd.f32 v62, v15;
	v12 =	vadd.f32 v44, v12;
	v63 =	vmul.f32 v63, v30  }
0x53f: {  	v20 =	vld.idx.msk [tilespmem:v20+s19+$0x0], $0xffff;
	v17 =	vadd.f32 v46, v17;
	v41 =	vmul.f32 v42, v30;
	v42 =	vmul.f32 v45, v30  }
0x540: {  	v23 =	vld [tilespmem:s25+$0x60];
	v16 =	vadd.f32 v21, v16;
	v52 =	vmul.f32 v52, v29;
	v25 =	vmul.f32 v53, v29  }
0x541: {  	v59 =	vld [tilespmem:s25+$0x120];
	v19 =	vmul.f32 v54, v29;
	v24 =	vmul.f32 v24, v29;
	v14 =	vadd.f32 v29, v14  }
0x542: {  	v43 =	vld [tilespmem:s25+$0x160];
	v15 =	vadd.f32 v32, v15;
	v44 =	vmul.f32 v47, v30;
	v12 =	vadd.f32 v52, v12  }
0x543: {  	v62 =	vld [tilespmem:s25+$0x140];
	v17 =	vadd.f32 v25, v17;
	v16 =	vadd.f32 v19, v16;
	v25 =	vshll.u32 v56, v1  }
0x544: {  	v53 =	vld [tilespmem:s25+$0xE0];
	v15 =	vadd.f32 v24, v15;
	v57 =	vmul.f32 v57, v20;
	v18 =	vmul.f32 v18, v20  }
0x545: {  	v27 =	vld.idx.msk [tilespmem:v27+s19+$0x0], $0xffff;
	v23 =	vmul.f32 v23, v20;
	v25 =	vadd.s32 $0x6, v25;
	v28 =	vmul.f32 v60, v20  }
0x546: {  	v54 =	vld [tilespmem:s25+$0xF0];
	v24 =	vshrl.u32 v61, $0x3;
	v14 =	vadd.f32 v20, v14;
	v25 =	vbroadcast v25, $0x0  }
0x547: {  	v19 =	vld [tilespmem:s25+$0x100];
	v24 =	vshll.u32 v24, v1;
	v12 =	vadd.f32 v57, v12;
	v17 =	vadd.f32 v18, v17  }
0x548: {  	v32 =	vld.idx.msk [tilespmem:v34+s19+$0x0], $0xffff;
	v16 =	vadd.f32 v23, v16;
	v15 =	vadd.f32 v28, v15;
	v24 =	vadd.s32 $0x7, v24  }
0x549: {  	v45 =	vld [tilespmem:s25+$0x170];
	v14 =	vadd.f32 v30, v14;
	v24 =	vbroadcast v24, $0x0;
	v12 =	vadd.f32 v63, v12  }
0x54a: {  	v60 =	vld [tilespmem:s25+$0x130];
	v17 =	vadd.f32 v41, v17;
	v16 =	vadd.f32 v42, v16;
	v22 =	vmul.f32 v49, v27  }
0x54b: {  	v18 =	vld.idx.msk [tilespmem:v26+s19+$0x0], $0xffff;
	v15 =	vadd.f32 v44, v15;
	v46 =	vmul.f32 v51, v27;
	v47 =	vmul.f32 v53, v27  }
0x54c: {  	v56 =	vld [tilespmem:s25+$0x1C0];
	v49 =	vmul.f32 v54, v27;
	v14 =	vadd.f32 v27, v14;
	v12 =	vadd.f32 v22, v12  }
0x54d: {  	v61 =	vld [tilespmem:s25+$0x1F0];
	v17 =	vadd.f32 v46, v17;
	v16 =	vadd.f32 v47, v16;
	v19 =	vmul.f32 v19, v32  }
0x54e: {  	v51 =	vld [tilespmem:s25+$0x1A0];
	v15 =	vadd.f32 v49, v15;
	v52 =	vmul.f32 v58, v32;
	v53 =	vmul.f32 v59, v32  }
0x54f: {  	v14 =	vadd.f32 v32, v14;
	v25 =	vld.idx.msk [tilespmem:v25+s19+$0x0], $0xffff;
	v12 =	vadd.f32 v19, v12;
	v19 =	vmul.f32 v60, v32  }
0x550: {  	v54 =	vld [tilespmem:s25+$0x1B0];
	v55 =	vmul.f32 v62, v18;
	v57 =	vmul.f32 v43, v18;
	v17 =	vadd.f32 v52, v17  }
0x551: {  	v16 =	vadd.f32 v53, v16;
	v24 =	vld.idx.msk [tilespmem:v24+s19+$0x0], $0xffff;
	v15 =	vadd.f32 v19, v15;
	v19 =	vmul.f32 v40, v18  }
0x552: {  	v58 =	vld [tilespmem:s25+$0x1D0];
	v59 =	vmul.f32 v45, v18;
	v14 =	vadd.f32 v18, v14;
	v12 =	vadd.f32 v55, v12  }
0x553: {  	v60 =	vld [tilespmem:s25+$0x1E0];
	v16 =	vadd.f32 v57, v16;
	v17 =	vadd.f32 v19, v17  }
0x554: {  	v19 =	vmul.f32 v48, v25;
	v15 =	vadd.f32 v59, v15;
	v62 =	vmul.f32 v50, v25  }
0x555: {  	v20 =	vmul.f32 v51, v25;
	v18 =	vmul.f32 v54, v25;
	v14 =	vadd.f32 v25, v14  }
.Ltmp12:
0x556: {  	v12 =	vadd.f32 v19, v12;
	v17 =	vadd.f32 v62, v17;
	v19 =	vmul.f32 v56, v24;
	(pc) =	sbr.rel .LBB2_14-.Ltmp12, $4  }
0x557: {  	v16 =	vadd.f32 v20, v16;
	v15 =	vadd.f32 v18, v15;
	v18 =	vmul.f32 v58, v24  }
0x558: {  	v63 =	vmul.f32 v60, v24;
	v12 =	vadd.f32 v19, v12;
	v19 =	vmul.f32 v61, v24  }
0x559: {  	v14 =	vadd.f32 v24, v14;
	v17 =	vadd.f32 v18, v17  }
0x55a: {  	v16 =	vadd.f32 v63, v16;
	v15 =	vadd.f32 v19, v15  }
.LBB2_16:
0x55b: {  	_ =	sfence.sel $0x180000  }
0x55c: {  	[bflag:$0x0] =	sbarrier.arrive $0xFFFF  }
0x55d: {  	p0 =	sne.s32 s1, $0x0;
	_ =	strace $0x90000047  }
0x55e: {  	s0 =	sadd.s32 @!p0 $0x100000, s0;
	[bflag:$0x2] =	sbarrier.arrive $0xFFFF  }
0x55f: {  	[sflag:s0] =	ssyncadd.tile.s32 @!p0 $0x1;
	_ =	shalt  }
.Lfunc_end2:
_tile_overlayer_lowered:
.L_overlay_start_2:
0x560: {  	(tag) =	ssettag $0x2  }
0x561: {  	s0 =	rddreg [dreg:$0x0];
	s2 =	stileid.u32  }
0x562: {  	s1 =	rddreg [dreg:$0x1];
	p0 =	sne.s32 s2, $0x0  }
0x563: {  	s3 =	rddreg [dreg:$0x2];
	[bflag:$0x3] =	sbarrier.arrive $0xFFFF;
	s2 =	simm.s32 @!p0 $0x1C04  }
0x564: {  	[timem:s3], [sflag:s2] =	dma.local @!p0 [hbm:s0], s1  }
0x565: {  	s0 =	simm.s32 @!p0 $0x4  }
0x566: {  	_ =	swait.ge @!p0 [sflag:s0], s1  }
0x567: {  	s1 =	ssub.s32 @!p0 $0x0, s1;
	[sflag:s0] =	ssyncset.done @!p0 $0x0  }
0x568: {  	[sflag:s0] =	ssyncadd.s32 @!p0 s1  }
0x569: {  	[bflag:$0x3] =	sbarrier.arrive $0xFFFF  }
0x56a: {  	_ =	shalt  }

</sc_bundles>
